<compile_context>
chip_gen: v7x
topology: tpu7x:2x2x1
jax: 0.10.2.dev20260603
libtpu: 0.0.44.dev20260713+nightly
codegen_flags: <defaults>
</compile_context>

<pallas_src>
import functools

import jax
import jax.numpy as jnp
from jax import lax
from jax.experimental import pallas as pl
from jax.experimental.pallas import tpu as pltpu
from jax.experimental.pallas import tpu_sc as plsc

B = 8
N = 2048
D = 64
NPOINT = 512
NSAMPLE = 32
BANDWIDTH = 0.1
EPS = 1e-5
P = B * NPOINT * NSAMPLE
GROUPS = B * NPOINT
TILE = 4096
GT = TILE // NSAMPLE


def _geom_body(x2_ref, xt_ref, newxyz_ref, gidx_ref, gnorm_ref, ds0_ref,
               invd_ref):
    b = pl.program_id(0)
    x2 = x2_ref[0]
    xt = xt_ref[0]
    n2 = jnp.sum(x2 * x2, axis=1)

    CH = 512
    for c in range(N // CH):
        rows = x2[c * CH:(c + 1) * CH]
        sq = -2.0 * jnp.dot(rows, xt, preferred_element_type=jnp.float32)
        sq = sq + n2[c * CH:(c + 1) * CH][:, None]
        sq = sq + n2[None, :]
        g = jnp.exp(-sq / (2.0 * BANDWIDTH * BANDWIDTH)) / (2.5 * BANDWIDTH)
        invd_ref[pl.ds(c * CH, CH), :] = (1.0 / jnp.mean(g, axis=1))[:, None]

    def fps_body(i, carry):
        dist_run, far, cvec = carry
        cvec = jnp.where(
            lax.broadcasted_iota(jnp.int32, (NPOINT,), 0) == i, far, cvec)
        cen = x2_ref[0, pl.ds(far, 1), :]
        d = jnp.sum((x2 - cen) ** 2, axis=1)
        dist_run = jnp.minimum(dist_run, d)
        mx = jnp.max(dist_run)
        far2 = jnp.min(jnp.where(
            dist_run == mx,
            lax.broadcasted_iota(jnp.int32, (N,), 0),
            jnp.int32(N))).astype(jnp.int32)
        return dist_run, far2, cvec

    dist0 = jnp.full((N,), 1e10, dtype=jnp.float32)
    _, _, cvec = lax.fori_loop(
        0, NPOINT, fps_body,
        (dist0, jnp.int32(0), jnp.zeros((NPOINT,), jnp.int32)))

    ohc = (cvec[:, None] ==
           lax.broadcasted_iota(jnp.int32, (NPOINT, N), 1)).astype(jnp.float32)
    newx = jnp.dot(ohc, x2, preferred_element_type=jnp.float32,
               precision=lax.Precision.HIGHEST)
    newxyz_ref[0] = newx

    nq = jnp.sum(newx * newx, axis=1)
    sqk = -2.0 * jnp.dot(newx, xt, preferred_element_type=jnp.float32)
    sqk = sqk + nq[:, None]
    sqk = sqk + n2[None, :]

    col = lax.broadcasted_iota(jnp.int32, (NPOINT, N), 1)
    invd = invd_ref[...]

    def knn_body(k, d):
        mn = jnp.min(d, axis=1, keepdims=True)
        m = jnp.min(jnp.where(d == mn, col, jnp.int32(N)),
                    axis=1).astype(jnp.int32)
        oh = col == m[:, None]
        gidx_ref[0, pl.ds(k, 1), :] = (m + b * N)[None, :]
        ohf = oh.astype(jnp.float32)
        g3 = jnp.dot(ohf, x2, preferred_element_type=jnp.float32,
               precision=lax.Precision.HIGHEST)
        g1 = jnp.dot(ohf, invd, preferred_element_type=jnp.float32,
               precision=lax.Precision.HIGHEST)
        for c in range(3):
            gnorm_ref[0, c, pl.ds(k, 1), :] = (g3[:, c] - newx[:, c])[None]
        ds0_ref[0, pl.ds(k, 1), :] = g1[:, 0][None]
        return jnp.where(oh, jnp.float32(jnp.inf), d)

    lax.fori_loop(0, NSAMPLE, knn_body, sqk)

    gd = ds0_ref[0]
    ds0_ref[0] = gd / jnp.max(gd, axis=0, keepdims=True)


_geom = pl.pallas_call(
    _geom_body,
    grid=(B,),
    in_specs=[pl.BlockSpec((1, N, 3), lambda b: (b, 0, 0)),
              pl.BlockSpec((1, 3, N), lambda b: (b, 0, 0))],
    out_specs=[pl.BlockSpec((1, NPOINT, 3), lambda b: (b, 0, 0)),
               pl.BlockSpec((1, NSAMPLE, NPOINT), lambda b: (b, 0, 0)),
               pl.BlockSpec((1, 3, NSAMPLE, NPOINT), lambda b: (b, 0, 0, 0)),
               pl.BlockSpec((1, NSAMPLE, NPOINT), lambda b: (b, 0, 0))],
    out_shape=[jax.ShapeDtypeStruct((B, NPOINT, 3), jnp.float32),
               jax.ShapeDtypeStruct((B, NSAMPLE, NPOINT), jnp.int32),
               jax.ShapeDtypeStruct((B, 3, NSAMPLE, NPOINT), jnp.float32),
               jax.ShapeDtypeStruct((B, NSAMPLE, NPOINT), jnp.float32)],
    scratch_shapes=[pltpu.VMEM((N, 1), jnp.float32)],
)


_NC = 2
_NS = 16
_NW = _NC * _NS
_CHUNK = 128
_ROWS_W = P // _NW
_CH_W = _ROWS_W // _CHUNK


def _sc_gather_body(tbl_ref, idx_ref, out_ref, idx_v, rows_v, sem):
    wid = lax.axis_index("s") * _NC + lax.axis_index("c")
    rbase = wid * _CH_W
    pltpu.sync_copy(idx_ref.at[pl.ds(rbase, _CH_W)], idx_v)

    def chunk(j, carry):
        pltpu.async_copy(tbl_ref.at[idx_v.at[j]], rows_v, sem).wait()
        pltpu.sync_copy(rows_v,
                        out_ref.at[pl.ds((rbase + j) * _CHUNK, _CHUNK)])
        return carry

    lax.fori_loop(0, _CH_W, chunk, 0)


@functools.cache
def _sc_gather_kernel():
    return pl.kernel(
        _sc_gather_body,
        mesh=plsc.VectorSubcoreMesh(core_axis_name="c",
                                    subcore_axis_name="s"),
        compiler_params=pltpu.CompilerParams(use_tc_tiling_on_sc=False),
        out_type=jax.ShapeDtypeStruct((P, D), jnp.float32),
        scratch_types=[pltpu.VMEM((_CH_W, _CHUNK), jnp.int32),
                       pltpu.VMEM((_CHUNK, D), jnp.float32),
                       pltpu.SemaphoreType.DMA],
    )


def _gather_feats(table, idx2d):
    return _sc_gather_kernel()(table, idx2d)


def _stats_update(o, s_ref, ss_ref):
    @pl.when(pl.program_id(0) == 0)
    def _():
        s_ref[...] = jnp.zeros_like(s_ref)
        ss_ref[...] = jnp.zeros_like(ss_ref)
    s_ref[...] += jnp.sum(o, axis=0, keepdims=True)
    ss_ref[...] += jnp.sum(o * o, axis=0, keepdims=True)


def _layer0_body(gn_ref, ft_ref, wa_ref, wb_ref, b_ref, out_ref, s_ref,
                 ss_ref):
    o = (jnp.dot(gn_ref[...], wa_ref[...], preferred_element_type=jnp.float32)
         + jnp.dot(ft_ref[...], wb_ref[...],
                   preferred_element_type=jnp.float32)
         + b_ref[...])
    out_ref[...] = o
    _stats_update(o, s_ref, ss_ref)


def _layer_body(act, pre_ref, a_ref, c_ref, w_ref, b_ref, out_ref, s_ref,
                ss_ref):
    x = act(pre_ref[...] * a_ref[...] + c_ref[...])
    o = (jnp.dot(x, w_ref[...], preferred_element_type=jnp.float32)
         + b_ref[...])
    out_ref[...] = o
    _stats_update(o, s_ref, ss_ref)


def _layer_call(body, ins, cins, cout, rows):
    nt = rows // TILE
    data_specs = []
    for a in ins:
        shp = a.shape
        if shp[0] == rows:
            data_specs.append(pl.BlockSpec((TILE, shp[1]),
                                           lambda i: (i, 0)))
        else:
            nd = len(shp)
            data_specs.append(pl.BlockSpec(shp,
                                           lambda i, _n=nd: (0,) * _n))
    return pl.pallas_call(
        body,
        grid=(nt,),
        in_specs=data_specs,
        out_specs=[pl.BlockSpec((TILE, cout), lambda i: (i, 0)),
                   pl.BlockSpec((1, cout), lambda i: (0, 0)),
                   pl.BlockSpec((1, cout), lambda i: (0, 0))],
        out_shape=[jax.ShapeDtypeStruct((rows, cout), jnp.float32),
                   jax.ShapeDtypeStruct((1, cout), jnp.float32),
                   jax.ShapeDtypeStruct((1, cout), jnp.float32)],
    )(*ins)


def _ac(s, ss, n, g, be):
    m = s[0] / n
    v = jnp.maximum(ss[0] / n - m * m, 0.0)
    a = g / jnp.sqrt(v + EPS)
    return a[None], (be - m * a)[None]


def _plane_chain_body(dims, last_sigmoid, x_ref, *refs):
    nl = len(dims) - 1
    prms = refs[:4 * nl]
    out_ref = refs[4 * nl]
    def b16(t):
        return t.astype(jnp.bfloat16).astype(jnp.float32)

    planes = [x_ref[c] for c in range(dims[0])]
    for li in range(nl):
        wt, bv, gv, bev = prms[4 * li:4 * li + 4]
        rounded = [b16(pp) for pp in planes]
        outs = []
        for o in range(dims[li + 1]):
            acc = rounded[0] * b16(wt[0, o])
            for ci in range(1, dims[li]):
                acc = acc + rounded[ci] * b16(wt[ci, o])
            acc = acc + bv[0, o]
            m = jnp.sum(acc) / float(P)
            v = jnp.sum((acc - m) ** 2) / float(P)
            xh = (acc - m) / jnp.sqrt(v + EPS) * gv[0, o] + bev[0, o]
            if last_sigmoid and li == nl - 1:
                outs.append(jax.nn.sigmoid(xh))
            else:
                outs.append(jnp.maximum(xh, 0.0))
        planes = outs
    for o in range(len(planes)):
        out_ref[o] = planes[o]


def _plane_chain(x, prms, dims, last_sigmoid):
    nl = len(dims) - 1
    smem = pl.BlockSpec(memory_space=pltpu.SMEM)
    return pl.pallas_call(
        functools.partial(_plane_chain_body, dims, last_sigmoid),
        in_specs=[pl.BlockSpec(memory_space=pltpu.VMEM)]
        + [smem] * (4 * nl),
        out_specs=pl.BlockSpec(memory_space=pltpu.VMEM),
        out_shape=jax.ShapeDtypeStruct((dims[-1], P // 128, 128),
                                       jnp.float32),
    )(x, *prms)


def _p2_body(pre2_ref, a2_ref, c2_ref, ds_ref, wn_ref, lwr_ref, lb_ref,
             out_ref, s_ref, ss_ref):
    h2 = jnp.maximum(pre2_ref[...] * a2_ref[...] + c2_ref[...], 0.0)
    h2 = h2 * ds_ref[...]
    h2 = h2.astype(jnp.bfloat16).astype(jnp.float32)
    wn = wn_ref[...].astype(jnp.bfloat16).astype(jnp.float32)
    acc = jnp.zeros((GT, 128), jnp.float32)
    for k in range(16):
        t = h2 * wn[:, k:k + 1]
        tg = jnp.sum(t.reshape(GT, NSAMPLE, 128), axis=1)
        acc = acc + jnp.dot(tg, lwr_ref[k],
                            preferred_element_type=jnp.float32)
    o = acc + lb_ref[...]
    out_ref[...] = o
    _stats_update(o, s_ref, ss_ref)


def _p3_body(pre_ref, a_ref, c_ref, out_ref):
    out_ref[...] = jnp.maximum(pre_ref[...] * a_ref[...] + c_ref[...], 0.0)


def kernel(x, y, params):
    p = params
    x2 = jnp.transpose(x, (0, 2, 1))
    newxyz, gidx, gnorm, ds0 = _geom(x2, x)

    gnr = jnp.transpose(gnorm, (0, 3, 2, 1)).reshape(P, 3)
    gnp = jnp.transpose(gnorm, (1, 0, 3, 2)).reshape(3, P // 128, 128)
    d0p = jnp.transpose(ds0, (0, 2, 1)).reshape(1, P // 128, 128)
    idx2d = jnp.transpose(gidx, (0, 2, 1)).reshape(P // 128, 128)
    table = jnp.transpose(y, (0, 2, 1)).reshape(B * N, D)

    feats = _gather_feats(table, idx2d)

    wprms = []
    for i in range(3):
        wprms += [p['ww%d' % i].T, p['wb%d' % i][None],
                  p['wg%d' % i][None], p['wbe%d' % i][None]]
    dprms = []
    for i in range(3):
        dprms += [p['dw%d' % i].T, p['db%d' % i][None],
                  p['dg%d' % i][None], p['dbe%d' % i][None]]
    wn_pl = _plane_chain(gnp, wprms, (3, 8, 8, 16), False)
    ds_pl = _plane_chain(d0p, dprms, (1, 16, 8, 1), True)
    wn = jnp.transpose(wn_pl.reshape(16, P), (1, 0))
    dsf = jnp.transpose(ds_pl.reshape(1, P), (1, 0))

    wa = p['mw0'][:, :3].T
    wb = p['mw0'][:, 3:].T
    pre1, s1, ss1 = _layer_call(
        _layer0_body, [gnr, feats, wa, wb, p['mb0'][None]], 67, 64, P)
    a1, c1 = _ac(s1, ss1, P, p['mg0'], p['mbe0'])

    pre2, s2, ss2 = _layer_call(
        functools.partial(_layer_body, lambda t: jnp.maximum(t, 0.0)),
        [pre1, a1, c1, p['mw1'].T, p['mb1'][None]], 64, 128, P)
    a2, c2 = _ac(s2, ss2, P, p['mg1'], p['mbe1'])

    lwr = jnp.transpose(p['lw'].reshape(128, 128, 16), (2, 1, 0))
    nt = GROUPS // GT
    preF, sF, ssF = pl.pallas_call(
        _p2_body,
        grid=(nt,),
        in_specs=[pl.BlockSpec((TILE, 128), lambda i: (i, 0)),
                  pl.BlockSpec((1, 128), lambda i: (0, 0)),
                  pl.BlockSpec((1, 128), lambda i: (0, 0)),
                  pl.BlockSpec((TILE, 1), lambda i: (i, 0)),
                  pl.BlockSpec((TILE, 16), lambda i: (i, 0)),
                  pl.BlockSpec((16, 128, 128), lambda i: (0, 0, 0)),
                  pl.BlockSpec((1, 128), lambda i: (0, 0))],
        out_specs=[pl.BlockSpec((GT, 128), lambda i: (i, 0)),
                   pl.BlockSpec((1, 128), lambda i: (0, 0)),
                   pl.BlockSpec((1, 128), lambda i: (0, 0))],
        out_shape=[jax.ShapeDtypeStruct((GROUPS, 128), jnp.float32),
                   jax.ShapeDtypeStruct((1, 128), jnp.float32),
                   jax.ShapeDtypeStruct((1, 128), jnp.float32)],
    )(pre2, a2, c2, dsf, wn, lwr, p['lb'][None])
    aF, cF = _ac(sF, ssF, GROUPS, p['lg'], p['lbe'])

    outF = pl.pallas_call(
        _p3_body,
        out_shape=jax.ShapeDtypeStruct((GROUPS, 128), jnp.float32),
    )(preF, aF, cF)

    out1 = jnp.transpose(newxyz, (0, 2, 1))
    out2 = jnp.transpose(outF.reshape(B, NPOINT, 128), (0, 2, 1))
    return out1, out2

# --- scband reference (transcript-rebuilt; emitter-appended) ---
"""Pipeline reference for scband-point-conv-27230092656654 (READ-ONLY COPY).

The authoritative reference and input builder live on the scoring server;
editing this copy changes nothing except your own understanding.
"""

import jax, jax.numpy as jnp
import numpy as np

B, N, D = 8, 2048, 64
NPOINT, NSAMPLE = 512, 32
BANDWIDTH = 0.1
MLP = [64, 128]
IN_CH = D + 3

def square_distance(src, dst):
    dist = -2.0 * jnp.matmul(src, jnp.swapaxes(dst, 1, 2))
    dist = dist + jnp.sum(src ** 2, -1)[:, :, None]
    dist = dist + jnp.sum(dst ** 2, -1)[:, None, :]
    return dist

def index_points(points, idx):
    return jax.vmap(lambda p, i: p[i])(points, idx)

def farthest_point_sample(xyz, npoint):
    b, n, c = xyz.shape
    def body(i, state):
        centroids, distance, farthest = state
        centroids = centroids.at[:, i].set(farthest)
        centroid = jax.vmap(lambda p, f: p[f])(xyz, farthest)
        dist = jnp.sum((xyz - centroid[:, None, :]) ** 2, -1)
        distance = jnp.minimum(distance, dist)
        farthest = jnp.argmax(distance, axis=-1).astype(jnp.int32)
        return (centroids, distance, farthest)
    init = (jnp.zeros((b, npoint), dtype=jnp.int32), jnp.full((b, n), 1e10, dtype=xyz.dtype), jnp.zeros((b,), dtype=jnp.int32))
    centroids, _, _ = jax.lax.fori_loop(0, npoint, body, init)
    return centroids

def knn_point(nsample, xyz, new_xyz):
    sqrdists = square_distance(new_xyz, xyz)
    _, idx = jax.lax.top_k(-sqrdists, nsample)
    return idx

def compute_density(xyz, bandwidth):
    sqrdists = square_distance(xyz, xyz)
    g = jnp.exp(-sqrdists / (2.0 * bandwidth * bandwidth)) / (2.5 * bandwidth)
    return jnp.mean(g, axis=-1)

def conv1x1(x, w, b):
    return jnp.einsum('bihw,oi->bohw', x, w) + b.reshape(1, -1, 1, 1)

def bn2d(x, g, b):
    m = jnp.mean(x, axis=(0, 2, 3), keepdims=True)
    v = jnp.var(x, axis=(0, 2, 3), keepdims=True)
    return (x - m) / jnp.sqrt(v + 1e-5) * g.reshape(1, -1, 1, 1) + b.reshape(1, -1, 1, 1)

def bn1d(x, g, b):
    m = jnp.mean(x, axis=(0, 2), keepdims=True)
    v = jnp.var(x, axis=(0, 2), keepdims=True)
    return (x - m) / jnp.sqrt(v + 1e-5) * g.reshape(1, -1, 1) + b.reshape(1, -1, 1)

def _make_params(key):
    def dense(k, o, i):
        return jax.random.normal(k, (o, i), dtype=jnp.float32) * 0.05
    ks = jax.random.split(key, 10)
    p = {}
    mlp_dims = [IN_CH] + MLP
    for i in range(len(MLP)):
        p['mw%d' % i] = dense(ks[i], mlp_dims[i + 1], mlp_dims[i])
        p['mb%d' % i] = jnp.zeros((mlp_dims[i + 1],), jnp.float32)
        p['mg%d' % i] = jnp.ones((mlp_dims[i + 1],), jnp.float32)
        p['mbe%d' % i] = jnp.zeros((mlp_dims[i + 1],), jnp.float32)
    wdims = [3, 8, 8, 16]
    for i in range(3):
        p['ww%d' % i] = dense(ks[3 + i], wdims[i + 1], wdims[i])
        p['wb%d' % i] = jnp.zeros((wdims[i + 1],), jnp.float32)
        p['wg%d' % i] = jnp.ones((wdims[i + 1],), jnp.float32)
        p['wbe%d' % i] = jnp.zeros((wdims[i + 1],), jnp.float32)
    ddims = [1, 16, 8, 1]
    for i in range(3):
        p['dw%d' % i] = dense(ks[6 + i], ddims[i + 1], ddims[i])
        p['db%d' % i] = jnp.zeros((ddims[i + 1],), jnp.float32)
        p['dg%d' % i] = jnp.ones((ddims[i + 1],), jnp.float32)
        p['dbe%d' % i] = jnp.zeros((ddims[i + 1],), jnp.float32)
    p['lw'] = dense(ks[9], MLP[-1], 16 * MLP[-1])
    p['lb'] = jnp.zeros((MLP[-1],), jnp.float32)
    p['lg'] = jnp.ones((MLP[-1],), jnp.float32)
    p['lbe'] = jnp.zeros((MLP[-1],), jnp.float32)
    return p

def pointconv_forward(x, y, p):
    b = x.shape[0]
    xyz = jnp.transpose(x, (0, 2, 1))
    points = jnp.transpose(y, (0, 2, 1))
    density = compute_density(xyz, BANDWIDTH)
    inv_density = (1.0 / density)[:, :, None]
    fps_idx = farthest_point_sample(jax.lax.stop_gradient(xyz), NPOINT)
    new_xyz = index_points(xyz, fps_idx)
    idx = knn_point(NSAMPLE, jax.lax.stop_gradient(xyz), jax.lax.stop_gradient(new_xyz))
    grouped_xyz = index_points(xyz, idx)
    grouped_xyz_norm = grouped_xyz - new_xyz[:, :, None, :]
    grouped_points = index_points(points, idx)
    new_points = jnp.concatenate([grouped_xyz_norm, grouped_points], axis=-1)
    grouped_density = index_points(inv_density, idx)
    new_points = jnp.transpose(new_points, (0, 3, 2, 1))
    for i in range(len(MLP)):
        new_points = jax.nn.relu(bn2d(conv1x1(new_points, p['mw%d' % i], p['mb%d' % i]), p['mg%d' % i], p['mbe%d' % i]))
    inv_max = jnp.max(grouped_density, axis=2, keepdims=True)
    ds = jnp.transpose(grouped_density / inv_max, (0, 3, 2, 1))
    for i in range(3):
        ds = bn2d(conv1x1(ds, p['dw%d' % i], p['db%d' % i]), p['dg%d' % i], p['dbe%d' % i])
        ds = jax.nn.sigmoid(ds) if i == 2 else jax.nn.relu(ds)
    new_points = new_points * ds
    w = jnp.transpose(grouped_xyz_norm, (0, 3, 2, 1))
    for i in range(3):
        w = jax.nn.relu(bn2d(conv1x1(w, p['ww%d' % i], p['wb%d' % i]), p['wg%d' % i], p['wbe%d' % i]))
    out = jnp.matmul(jnp.transpose(new_points, (0, 3, 1, 2)), jnp.transpose(w, (0, 3, 2, 1))).reshape(b, NPOINT, -1)
    out = jnp.matmul(out, p['lw'].T) + p['lb']
    out = jax.nn.relu(bn1d(jnp.transpose(out, (0, 2, 1)), p['lg'], p['lbe']))
    return jnp.transpose(new_xyz, (0, 2, 1)), out

def setup_inputs(seed: int = 0):
    key = jax.random.key(seed)
    k1, k2, kp = jax.random.split(key, 3)
    x = jax.random.uniform(k1, (B, 3, N), dtype=jnp.float32)
    y = jax.random.normal(k2, (B, D, N), dtype=jnp.float32)
    return {'x': x, 'y': y, 'params': _make_params(kp)}

def reference(x, y, params):
    return pointconv_forward(x, y, params)

if __name__ == "__main__":
    import jax
    _d = setup_inputs()
    print(jax.jit(kernel)(*tuple(_d.values())))

</pallas_src>

<mosaic_0001>
#map = affine_map<(d0, d1) -> (0, 0)>
module attributes {stable_mosaic.version = 14 : i64} {
  func.func @_sc_gather_body(%arg0: i32, %arg1: i32, %arg2: memref<16384x64xf32, #tpu.memory_space<hbm>>, %arg3: memref<1024x128xi32, #tpu.memory_space<hbm>>, %arg4: memref<131072x64xf32, #tpu.memory_space<hbm>>, %arg5: memref<32x128xi32, #tpu.memory_space<vmem>>, %arg6: memref<128x64xf32, #tpu.memory_space<vmem>>, %arg7: memref<!tpu.dma_semaphore, #tpu.memory_space<semaphore_mem>>) attributes {dimension_semantics = [#tpu.dimension_semantics<core_parallel>, #tpu.dimension_semantics<subcore_parallel>], iteration_bounds = array<i64: 2, 16>, scalar_prefetch = 0 : i64, scratch_operands = 3 : i64, tpu.core_type = #tpu.core_type<sc_vector_subcore>, window_params = [{transform_indices = #map}, {transform_indices = #map}, {transform_indices = #map}]} {
    %mul3A = arith.constant 2 : i32
    %mul3A_0 = arith.muli %arg1, %mul3A : i32
    %add3A = arith.addi %mul3A_0, %arg0 : i32
    %mul3A_1 = arith.constant 32 : i32
    %mul3A_2 = arith.muli %add3A, %mul3A_1 : i32
    "tpu.region"() ({
      %run_scoped3A = tpu.sem_alloc : memref<!tpu.dma_semaphore, #tpu.memory_space<semaphore_mem>>
      %dma_start3A = arith.constant 0 : i32
      %dma_start3A_8 = tpu.memref_slice %arg3[%mul3A_2, %dma_start3A] : memref<1024x128xi32, #tpu.memory_space<hbm>> -> memref<32x128xi32, #tpu.memory_space<hbm>>
      %dma_start3A_9 = arith.constant 0 : i32
      %dma_start3A_10 = tpu.memref_slice %arg3[%mul3A_2, %dma_start3A_9] : memref<1024x128xi32, #tpu.memory_space<hbm>> -> memref<32x128xi32, #tpu.memory_space<hbm>>
      tpu.enqueue_dma source(%dma_start3A_10 : memref<32x128xi32, #tpu.memory_space<hbm>>) target(%arg5 : memref<32x128xi32, #tpu.memory_space<vmem>>) target_semaphore(%run_scoped3A : memref<!tpu.dma_semaphore, #tpu.memory_space<semaphore_mem>>)
      %dma_wait3A = arith.constant 0 : i32
      %dma_wait3A_11 = tpu.memref_slice %arg3[%mul3A_2, %dma_wait3A] : memref<1024x128xi32, #tpu.memory_space<hbm>> -> memref<32x128xi32, #tpu.memory_space<hbm>>
      %dma_wait3A_12 = arith.constant 0 : i32
      %dma_wait3A_13 = tpu.memref_slice %arg3[%mul3A_2, %dma_wait3A_12] : memref<1024x128xi32, #tpu.memory_space<hbm>> -> memref<32x128xi32, #tpu.memory_space<hbm>>
      tpu.wait_dma2 semaphore(%run_scoped3A : memref<!tpu.dma_semaphore, #tpu.memory_space<semaphore_mem>>) src(%dma_wait3A_13 : memref<32x128xi32, #tpu.memory_space<hbm>>) dst(%arg5 : memref<32x128xi32, #tpu.memory_space<vmem>>)
      tpu.yield
    }) : () -> ()
    %scan3A = arith.constant 0 : i32
    %scan3A_3 = arith.constant 0 : i32
    %scan3A_4 = arith.constant 32 : i32
    %scan3A_5 = arith.addi %scan3A_3, %scan3A_4 : i32
    %scan3A_6 = arith.constant 1 : i32
    scf.for %scan3A_8 = %scan3A_3 to %scan3A_5 step %scan3A_6  : i32 {
      %dma_start3A = arith.constant 0 : i32
      %dma_start3A_9 = tpu.memref_slice %arg5[%scan3A_8, %dma_start3A] : memref<32x128xi32, #tpu.memory_space<vmem>> -> memref<1x128xi32, #tpu.memory_space<vmem>>
      %dma_start3A_10 = tpu.memref_squeeze %dma_start3A_9 : memref<1x128xi32, #tpu.memory_space<vmem>> -> memref<128xi32, #tpu.memory_space<vmem>>
      %dma_start3A_11 = arith.constant 0 : i32
      %dma_start3A_12 = arith.constant 0 : i32
      %dma_start3A_13 = tpu.memref_slice %arg2[%dma_start3A_11, %dma_start3A_12] : memref<16384x64xf32, #tpu.memory_space<hbm>> -> memref<16384x64xf32, #tpu.memory_space<hbm>>
      tpu.enqueue_indirect_dma source(%dma_start3A_13 : memref<16384x64xf32, #tpu.memory_space<hbm>>) target(%arg6 : memref<128x64xf32, #tpu.memory_space<vmem>>) offsets(%dma_start3A_10 : memref<128xi32, #tpu.memory_space<vmem>>) semaphore(%arg7 : memref<!tpu.dma_semaphore, #tpu.memory_space<semaphore_mem>>)
      %dma_wait3A = arith.constant 0 : i32
      %dma_wait3A_14 = tpu.memref_slice %arg5[%scan3A_8, %dma_wait3A] : memref<32x128xi32, #tpu.memory_space<vmem>> -> memref<1x128xi32, #tpu.memory_space<vmem>>
      %dma_wait3A_15 = tpu.memref_squeeze %dma_wait3A_14 : memref<1x128xi32, #tpu.memory_space<vmem>> -> memref<128xi32, #tpu.memory_space<vmem>>
      %dma_wait3A_16 = arith.constant 0 : i32
      %dma_wait3A_17 = arith.constant 0 : i32
      %dma_wait3A_18 = tpu.memref_slice %arg2[%dma_wait3A_16, %dma_wait3A_17] : memref<16384x64xf32, #tpu.memory_space<hbm>> -> memref<16384x64xf32, #tpu.memory_space<hbm>>
      tpu.wait_indirect_dma semaphore(%arg7 : memref<!tpu.dma_semaphore, #tpu.memory_space<semaphore_mem>>) src(%dma_wait3A_18 : memref<16384x64xf32, #tpu.memory_space<hbm>>) dst(%arg6 : memref<128x64xf32, #tpu.memory_space<vmem>>)
      %add3A_19 = arith.addi %mul3A_2, %scan3A_8 : i32
      %mul3A_20 = arith.constant 128 : i32
      %mul3A_21 = arith.muli %add3A_19, %mul3A_20 : i32
      "tpu.region"() ({
        %run_scoped3A = tpu.sem_alloc : memref<!tpu.dma_semaphore, #tpu.memory_space<semaphore_mem>>
        %dma_start3A_22 = arith.constant 0 : i32
        %dma_start3A_23 = tpu.memref_slice %arg4[%mul3A_21, %dma_start3A_22] : memref<131072x64xf32, #tpu.memory_space<hbm>> -> memref<128x64xf32, #tpu.memory_space<hbm>>
        %dma_start3A_24 = arith.constant 0 : i32
        %dma_start3A_25 = tpu.memref_slice %arg4[%mul3A_21, %dma_start3A_24] : memref<131072x64xf32, #tpu.memory_space<hbm>> -> memref<128x64xf32, #tpu.memory_space<hbm>>
        tpu.enqueue_dma source(%arg6 : memref<128x64xf32, #tpu.memory_space<vmem>>) target(%dma_start3A_25 : memref<128x64xf32, #tpu.memory_space<hbm>>) target_semaphore(%run_scoped3A : memref<!tpu.dma_semaphore, #tpu.memory_space<semaphore_mem>>)
        %dma_wait3A_26 = arith.constant 0 : i32
        %dma_wait3A_27 = tpu.memref_slice %arg4[%mul3A_21, %dma_wait3A_26] : memref<131072x64xf32, #tpu.memory_space<hbm>> -> memref<128x64xf32, #tpu.memory_space<hbm>>
        %dma_wait3A_28 = arith.constant 0 : i32
        %dma_wait3A_29 = tpu.memref_slice %arg4[%mul3A_21, %dma_wait3A_28] : memref<131072x64xf32, #tpu.memory_space<hbm>> -> memref<128x64xf32, #tpu.memory_space<hbm>>
        tpu.wait_dma2 semaphore(%run_scoped3A : memref<!tpu.dma_semaphore, #tpu.memory_space<semaphore_mem>>) src(%arg6 : memref<128x64xf32, #tpu.memory_space<vmem>>) dst(%dma_wait3A_29 : memref<128x64xf32, #tpu.memory_space<hbm>>)
        tpu.yield
      }) : () -> ()
    }
    %scan3A_7 = arith.constant 32 : i32
    return
  }
}

module attributes {stable_mosaic.version = 14 : i64} {
  func.func @_geom_body(%arg0: i32, %arg1: memref<1x2048x3xf32, #tpu.memory_space<vmem>>, %arg2: memref<1x3x2048xf32, #tpu.memory_space<vmem>>, %arg3: memref<1x512x3xf32, #tpu.memory_space<vmem>>, %arg4: memref<1x32x512xi32, #tpu.memory_space<vmem>>, %arg5: memref<1x3x32x512xf32, #tpu.memory_space<vmem>>, %arg6: memref<1x32x512xf32, #tpu.memory_space<vmem>>, %arg7: memref<2048x1xf32, #tpu.memory_space<vmem>>) attributes {dimension_semantics = [#tpu.dimension_semantics<arbitrary>], iteration_bounds = array<i64: 8>, scalar_prefetch = 0 : i64, scratch_operands = 1 : i64, tpu.core_type = #tpu.core_type<tc>, window_params = [{transform_indices = @transform_0, window_bounds = array<i64: 1, 2048, 3>}, {transform_indices = @transform_1, window_bounds = array<i64: 1, 3, 2048>}, {transform_indices = @transform_2, window_bounds = array<i64: 1, 512, 3>}, {transform_indices = @transform_3, window_bounds = array<i64: 1, 32, 512>}, {transform_indices = @transform_4, window_bounds = array<i64: 1, 3, 32, 512>}, {transform_indices = @transform_5, window_bounds = array<i64: 1, 32, 512>}]} {
    %get3A = arith.constant 0 : index
    %get3A_0 = arith.constant 0 : index
    %get3A_1 = arith.constant 0 : index
    %get3A_2 = vector.load %arg1[%get3A, %get3A_0, %get3A_1] : memref<1x2048x3xf32, #tpu.memory_space<vmem>>, vector<1x2048x3xf32>
    %get3A_3 = vector.shape_cast %get3A_2 : vector<1x2048x3xf32> to vector<2048x3xf32>
    %get3A_4 = arith.constant 0 : index
    %get3A_5 = arith.constant 0 : index
    %get3A_6 = arith.constant 0 : index
    %get3A_7 = vector.load %arg2[%get3A_4, %get3A_5, %get3A_6] : memref<1x3x2048xf32, #tpu.memory_space<vmem>>, vector<1x3x2048xf32>
    %get3A_8 = vector.shape_cast %get3A_7 : vector<1x3x2048xf32> to vector<3x2048xf32>
    %mul3A = arith.mulf %get3A_3, %get3A_3 : vector<2048x3xf32>
    %reduce_sum3A = arith.constant dense<0.000000e+00> : vector<2048xf32>
    %reduce_sum3A_9 = vector.multi_reduction <add>, %mul3A, %reduce_sum3A [1] : vector<2048x3xf32> to vector<2048xf32>
    %slice3A = vector.extract_strided_slice %get3A_3 {offsets = [0, 0], sizes = [512, 3], strides = [1, 1]} : vector<2048x3xf32> to vector<512x3xf32>
    %dot_general3A = arith.constant dense<0.000000e+00> : vector<512x2048xf32>
    %dot_general3A_10 = tpu.matmul %slice3A, %get3A_8, %dot_general3A {dimension_numbers = #tpu.dot_dimension_numbers<[1], [0], [0], [1], [0, 0, 1, 1], [], []>, transpose_lhs_hint = false} : vector<512x3xf32>, vector<3x2048xf32>, vector<512x2048xf32> -> vector<512x2048xf32>
    %mul3A_11 = arith.constant -2.000000e+00 : f32
    %mul3A_12 = vector.broadcast %mul3A_11 : f32 to vector<512x2048xf32>
    %mul3A_13 = arith.mulf %mul3A_12, %dot_general3A_10 : vector<512x2048xf32>
    %slice3A_14 = vector.extract_strided_slice %reduce_sum3A_9 {offsets = [0], sizes = [512], strides = [1]} : vector<2048xf32> to vector<512xf32>
    %broadcast_in_dim3A = vector.shape_cast %slice3A_14 : vector<512xf32> to vector<512x1xf32>
    %add3A = vector.broadcast %broadcast_in_dim3A : vector<512x1xf32> to vector<512x2048xf32>
    %add3A_15 = arith.addf %mul3A_13, %add3A : vector<512x2048xf32>
    %broadcast_in_dim3A_16 = vector.shape_cast %reduce_sum3A_9 : vector<2048xf32> to vector<1x2048xf32>
    %add3A_17 = vector.broadcast %broadcast_in_dim3A_16 : vector<1x2048xf32> to vector<512x2048xf32>
    %add3A_18 = arith.addf %add3A_15, %add3A_17 : vector<512x2048xf32>
    %neg3A = arith.constant 0.000000e+00 : f32
    %neg3A_19 = vector.broadcast %neg3A : f32 to vector<512x2048xf32>
    %neg3A_20 = arith.subf %neg3A_19, %add3A_18 : vector<512x2048xf32>
    %div3A = arith.constant 2.000000e-02 : f32
    %div3A_21 = vector.broadcast %div3A : f32 to vector<512x2048xf32>
    %div3A_22 = arith.divf %neg3A_20, %div3A_21 : vector<512x2048xf32>
    %exp3A = math.exp %div3A_22 : vector<512x2048xf32>
    %div3A_23 = arith.constant 2.500000e-01 : f32
    %div3A_24 = vector.broadcast %div3A_23 : f32 to vector<512x2048xf32>
    %div3A_25 = arith.divf %exp3A, %div3A_24 : vector<512x2048xf32>
    %reduce_sum3A_26 = arith.constant dense<0.000000e+00> : vector<512xf32>
    %reduce_sum3A_27 = vector.multi_reduction <add>, %div3A_25, %reduce_sum3A_26 [1] : vector<512x2048xf32> to vector<512xf32>
    %div3A_28 = arith.constant 2.048000e+03 : f32
    %div3A_29 = vector.broadcast %div3A_28 : f32 to vector<512xf32>
    %div3A_30 = arith.divf %reduce_sum3A_27, %div3A_29 : vector<512xf32>
    %div3A_31 = arith.constant 1.000000e+00 : f32
    %div3A_32 = vector.broadcast %div3A_31 : f32 to vector<512xf32>
    %div3A_33 = arith.divf %div3A_32, %div3A_30 : vector<512xf32>
    %broadcast_in_dim3A_34 = vector.shape_cast %div3A_33 : vector<512xf32> to vector<512x1xf32>
    %swap3A = arith.constant 0 : index
    %swap3A_35 = arith.constant 0 : index
    %swap3A_36 = vector.load %arg7[%swap3A, %swap3A_35] : memref<2048x1xf32, #tpu.memory_space<vmem>>, vector<512x1xf32>
    tpu.vector_store %arg7[%swap3A, %swap3A_35], %broadcast_in_dim3A_34 {strides = array<i32>} : memref<2048x1xf32, #tpu.memory_space<vmem>>, vector<512x1xf32>,
    %slice3A_37 = vector.extract_strided_slice %get3A_3 {offsets = [512, 0], sizes = [512, 3], strides = [1, 1]} : vector<2048x3xf32> to vector<512x3xf32>
    %dot_general3A_38 = arith.constant dense<0.000000e+00> : vector<512x2048xf32>
    %dot_general3A_39 = tpu.matmul %slice3A_37, %get3A_8, %dot_general3A_38 {dimension_numbers = #tpu.dot_dimension_numbers<[1], [0], [0], [1], [0, 0, 1, 1], [], []>, transpose_lhs_hint = false} : vector<512x3xf32>, vector<3x2048xf32>, vector<512x2048xf32> -> vector<512x2048xf32>
    %mul3A_40 = arith.constant -2.000000e+00 : f32
    %mul3A_41 = vector.broadcast %mul3A_40 : f32 to vector<512x2048xf32>
    %mul3A_42 = arith.mulf %mul3A_41, %dot_general3A_39 : vector<512x2048xf32>
    %slice3A_43 = vector.extract_strided_slice %reduce_sum3A_9 {offsets = [512], sizes = [512], strides = [1]} : vector<2048xf32> to vector<512xf32>
    %broadcast_in_dim3A_44 = vector.shape_cast %slice3A_43 : vector<512xf32> to vector<512x1xf32>
    %add3A_45 = vector.broadcast %broadcast_in_dim3A_44 : vector<512x1xf32> to vector<512x2048xf32>
    %add3A_46 = arith.addf %mul3A_42, %add3A_45 : vector<512x2048xf32>
    %broadcast_in_dim3A_47 = vector.shape_cast %reduce_sum3A_9 : vector<2048xf32> to vector<1x2048xf32>
    %add3A_48 = vector.broadcast %broadcast_in_dim3A_47 : vector<1x2048xf32> to vector<512x2048xf32>
    %add3A_49 = arith.addf %add3A_46, %add3A_48 : vector<512x2048xf32>
    %neg3A_50 = arith.constant 0.000000e+00 : f32
    %neg3A_51 = vector.broadcast %neg3A_50 : f32 to vector<512x2048xf32>
    %neg3A_52 = arith.subf %neg3A_51, %add3A_49 : vector<512x2048xf32>
    %div3A_53 = arith.constant 2.000000e-02 : f32
    %div3A_54 = vector.broadcast %div3A_53 : f32 to vector<512x2048xf32>
    %div3A_55 = arith.divf %neg3A_52, %div3A_54 : vector<512x2048xf32>
    %exp3A_56 = math.exp %div3A_55 : vector<512x2048xf32>
    %div3A_57 = arith.constant 2.500000e-01 : f32
    %div3A_58 = vector.broadcast %div3A_57 : f32 to vector<512x2048xf32>
    %div3A_59 = arith.divf %exp3A_56, %div3A_58 : vector<512x2048xf32>
    %reduce_sum3A_60 = arith.constant dense<0.000000e+00> : vector<512xf32>
    %reduce_sum3A_61 = vector.multi_reduction <add>, %div3A_59, %reduce_sum3A_60 [1] : vector<512x2048xf32> to vector<512xf32>
    %div3A_62 = arith.constant 2.048000e+03 : f32
    %div3A_63 = vector.broadcast %div3A_62 : f32 to vector<512xf32>
    %div3A_64 = arith.divf %reduce_sum3A_61, %div3A_63 : vector<512xf32>
    %div3A_65 = arith.constant 1.000000e+00 : f32
    %div3A_66 = vector.broadcast %div3A_65 : f32 to vector<512xf32>
    %div3A_67 = arith.divf %div3A_66, %div3A_64 : vector<512xf32>
    %broadcast_in_dim3A_68 = vector.shape_cast %div3A_67 : vector<512xf32> to vector<512x1xf32>
    %swap3A_69 = arith.constant 512 : index
    %swap3A_70 = arith.constant 0 : index
    %swap3A_71 = vector.load %arg7[%swap3A_69, %swap3A_70] : memref<2048x1xf32, #tpu.memory_space<vmem>>, vector<512x1xf32>
    tpu.vector_store %arg7[%swap3A_69, %swap3A_70], %broadcast_in_dim3A_68 {strides = array<i32>} : memref<2048x1xf32, #tpu.memory_space<vmem>>, vector<512x1xf32>,
    %slice3A_72 = vector.extract_strided_slice %get3A_3 {offsets = [1024, 0], sizes = [512, 3], strides = [1, 1]} : vector<2048x3xf32> to vector<512x3xf32>
    %dot_general3A_73 = arith.constant dense<0.000000e+00> : vector<512x2048xf32>
    %dot_general3A_74 = tpu.matmul %slice3A_72, %get3A_8, %dot_general3A_73 {dimension_numbers = #tpu.dot_dimension_numbers<[1], [0], [0], [1], [0, 0, 1, 1], [], []>, transpose_lhs_hint = false} : vector<512x3xf32>, vector<3x2048xf32>, vector<512x2048xf32> -> vector<512x2048xf32>
    %mul3A_75 = arith.constant -2.000000e+00 : f32
    %mul3A_76 = vector.broadcast %mul3A_75 : f32 to vector<512x2048xf32>
    %mul3A_77 = arith.mulf %mul3A_76, %dot_general3A_74 : vector<512x2048xf32>
    %slice3A_78 = vector.extract_strided_slice %reduce_sum3A_9 {offsets = [1024], sizes = [512], strides = [1]} : vector<2048xf32> to vector<512xf32>
    %broadcast_in_dim3A_79 = vector.shape_cast %slice3A_78 : vector<512xf32> to vector<512x1xf32>
    %add3A_80 = vector.broadcast %broadcast_in_dim3A_79 : vector<512x1xf32> to vector<512x2048xf32>
    %add3A_81 = arith.addf %mul3A_77, %add3A_80 : vector<512x2048xf32>
    %broadcast_in_dim3A_82 = vector.shape_cast %reduce_sum3A_9 : vector<2048xf32> to vector<1x2048xf32>
    %add3A_83 = vector.broadcast %broadcast_in_dim3A_82 : vector<1x2048xf32> to vector<512x2048xf32>
    %add3A_84 = arith.addf %add3A_81, %add3A_83 : vector<512x2048xf32>
    %neg3A_85 = arith.constant 0.000000e+00 : f32
    %neg3A_86 = vector.broadcast %neg3A_85 : f32 to vector<512x2048xf32>
    %neg3A_87 = arith.subf %neg3A_86, %add3A_84 : vector<512x2048xf32>
    %div3A_88 = arith.constant 2.000000e-02 : f32
    %div3A_89 = vector.broadcast %div3A_88 : f32 to vector<512x2048xf32>
    %div3A_90 = arith.divf %neg3A_87, %div3A_89 : vector<512x2048xf32>
    %exp3A_91 = math.exp %div3A_90 : vector<512x2048xf32>
    %div3A_92 = arith.constant 2.500000e-01 : f32
    %div3A_93 = vector.broadcast %div3A_92 : f32 to vector<512x2048xf32>
    %div3A_94 = arith.divf %exp3A_91, %div3A_93 : vector<512x2048xf32>
    %reduce_sum3A_95 = arith.constant dense<0.000000e+00> : vector<512xf32>
    %reduce_sum3A_96 = vector.multi_reduction <add>, %div3A_94, %reduce_sum3A_95 [1] : vector<512x2048xf32> to vector<512xf32>
    %div3A_97 = arith.constant 2.048000e+03 : f32
    %div3A_98 = vector.broadcast %div3A_97 : f32 to vector<512xf32>
    %div3A_99 = arith.divf %reduce_sum3A_96, %div3A_98 : vector<512xf32>
    %div3A_100 = arith.constant 1.000000e+00 : f32
    %div3A_101 = vector.broadcast %div3A_100 : f32 to vector<512xf32>
    %div3A_102 = arith.divf %div3A_101, %div3A_99 : vector<512xf32>
    %broadcast_in_dim3A_103 = vector.shape_cast %div3A_102 : vector<512xf32> to vector<512x1xf32>
    %swap3A_104 = arith.constant 1024 : index
    %swap3A_105 = arith.constant 0 : index
    %swap3A_106 = vector.load %arg7[%swap3A_104, %swap3A_105] : memref<2048x1xf32, #tpu.memory_space<vmem>>, vector<512x1xf32>
    tpu.vector_store %arg7[%swap3A_104, %swap3A_105], %broadcast_in_dim3A_103 {strides = array<i32>} : memref<2048x1xf32, #tpu.memory_space<vmem>>, vector<512x1xf32>,
    %slice3A_107 = vector.extract_strided_slice %get3A_3 {offsets = [1536, 0], sizes = [512, 3], strides = [1, 1]} : vector<2048x3xf32> to vector<512x3xf32>
    %dot_general3A_108 = arith.constant dense<0.000000e+00> : vector<512x2048xf32>
    %dot_general3A_109 = tpu.matmul %slice3A_107, %get3A_8, %dot_general3A_108 {dimension_numbers = #tpu.dot_dimension_numbers<[1], [0], [0], [1], [0, 0, 1, 1], [], []>, transpose_lhs_hint = false} : vector<512x3xf32>, vector<3x2048xf32>, vector<512x2048xf32> -> vector<512x2048xf32>
    %mul3A_110 = arith.constant -2.000000e+00 : f32
    %mul3A_111 = vector.broadcast %mul3A_110 : f32 to vector<512x2048xf32>
    %mul3A_112 = arith.mulf %mul3A_111, %dot_general3A_109 : vector<512x2048xf32>
    %slice3A_113 = vector.extract_strided_slice %reduce_sum3A_9 {offsets = [1536], sizes = [512], strides = [1]} : vector<2048xf32> to vector<512xf32>
    %broadcast_in_dim3A_114 = vector.shape_cast %slice3A_113 : vector<512xf32> to vector<512x1xf32>
    %add3A_115 = vector.broadcast %broadcast_in_dim3A_114 : vector<512x1xf32> to vector<512x2048xf32>
    %add3A_116 = arith.addf %mul3A_112, %add3A_115 : vector<512x2048xf32>
    %broadcast_in_dim3A_117 = vector.shape_cast %reduce_sum3A_9 : vector<2048xf32> to vector<1x2048xf32>
    %add3A_118 = vector.broadcast %broadcast_in_dim3A_117 : vector<1x2048xf32> to vector<512x2048xf32>
    %add3A_119 = arith.addf %add3A_116, %add3A_118 : vector<512x2048xf32>
    %neg3A_120 = arith.constant 0.000000e+00 : f32
    %neg3A_121 = vector.broadcast %neg3A_120 : f32 to vector<512x2048xf32>
    %neg3A_122 = arith.subf %neg3A_121, %add3A_119 : vector<512x2048xf32>
    %div3A_123 = arith.constant 2.000000e-02 : f32
    %div3A_124 = vector.broadcast %div3A_123 : f32 to vector<512x2048xf32>
    %div3A_125 = arith.divf %neg3A_122, %div3A_124 : vector<512x2048xf32>
    %exp3A_126 = math.exp %div3A_125 : vector<512x2048xf32>
    %div3A_127 = arith.constant 2.500000e-01 : f32
    %div3A_128 = vector.broadcast %div3A_127 : f32 to vector<512x2048xf32>
    %div3A_129 = arith.divf %exp3A_126, %div3A_128 : vector<512x2048xf32>
    %reduce_sum3A_130 = arith.constant dense<0.000000e+00> : vector<512xf32>
    %reduce_sum3A_131 = vector.multi_reduction <add>, %div3A_129, %reduce_sum3A_130 [1] : vector<512x2048xf32> to vector<512xf32>
    %div3A_132 = arith.constant 2.048000e+03 : f32
    %div3A_133 = vector.broadcast %div3A_132 : f32 to vector<512xf32>
    %div3A_134 = arith.divf %reduce_sum3A_131, %div3A_133 : vector<512xf32>
    %div3A_135 = arith.constant 1.000000e+00 : f32
    %div3A_136 = vector.broadcast %div3A_135 : f32 to vector<512xf32>
    %div3A_137 = arith.divf %div3A_136, %div3A_134 : vector<512xf32>
    %broadcast_in_dim3A_138 = vector.shape_cast %div3A_137 : vector<512xf32> to vector<512x1xf32>
    %swap3A_139 = arith.constant 1536 : index
    %swap3A_140 = arith.constant 0 : index
    %swap3A_141 = vector.load %arg7[%swap3A_139, %swap3A_140] : memref<2048x1xf32, #tpu.memory_space<vmem>>, vector<512x1xf32>
    tpu.vector_store %arg7[%swap3A_139, %swap3A_140], %broadcast_in_dim3A_138 {strides = array<i32>} : memref<2048x1xf32, #tpu.memory_space<vmem>>, vector<512x1xf32>,
    %broadcast_in_dim3A_142 = arith.constant 1.000000e+10 : f32
    %broadcast_in_dim3A_143 = vector.broadcast %broadcast_in_dim3A_142 : f32 to vector<2048xf32>
    %broadcast_in_dim3A_144 = arith.constant 0 : i32
    %broadcast_in_dim3A_145 = vector.broadcast %broadcast_in_dim3A_144 : i32 to vector<512xi32>
    %scan3A = arith.constant 0 : i32
    %scan3A_146 = arith.constant 0 : i32
    %scan3A_147 = arith.constant 512 : i32
    %scan3A_148 = arith.addi %scan3A_146, %scan3A_147 : i32
    %scan3A_149 = arith.constant 1 : i32
    %scan3A_150:3 = scf.for %scan3A_202 = %scan3A_146 to %scan3A_148 step %scan3A_149 iter_args(%scan3A_203 = %broadcast_in_dim3A_143, %scan3A_204 = %scan3A, %scan3A_205 = %broadcast_in_dim3A_145) -> (vector<2048xf32>, i32, vector<512xi32>)  : i32 {
      %iota3A_206 = tpu.iota {dimensions = array<i32: 1>} : vector<1x512xi32>
      %iota3A_207 = vector.shape_cast %iota3A_206 : vector<1x512xi32> to vector<512xi32>
      %eq3A_208 = vector.broadcast %scan3A_202 : i32 to vector<512xi32>
      %eq3A_209 = arith.cmpi eq, %iota3A_207, %eq3A_208 : vector<512xi32>
      %broadcast_in_dim3A_210 = vector.broadcast %scan3A_204 : i32 to vector<512xi32>
      %select_n3A = arith.select %eq3A_209, %broadcast_in_dim3A_210, %scan3A_205 : vector<512xi1>, vector<512xi32>
      %get3A_211 = arith.constant 0 : index
      %get3A_212 = arith.index_cast %scan3A_204 : i32 to index
      %get3A_213 = arith.constant 0 : index
      %get3A_214 = vector.load %arg1[%get3A_211, %get3A_212, %get3A_213] : memref<1x2048x3xf32, #tpu.memory_space<vmem>>, vector<1x1x3xf32>
      %get3A_215 = vector.shape_cast %get3A_214 : vector<1x1x3xf32> to vector<1x3xf32>
      %sub3A = vector.broadcast %get3A_215 : vector<1x3xf32> to vector<2048x3xf32>
      %sub3A_216 = arith.subf %get3A_3, %sub3A : vector<2048x3xf32>
      %integer_pow3A = arith.mulf %sub3A_216, %sub3A_216 : vector<2048x3xf32>
      %reduce_sum3A_217 = arith.constant dense<0.000000e+00> : vector<2048xf32>
      %reduce_sum3A_218 = vector.multi_reduction <add>, %integer_pow3A, %reduce_sum3A_217 [1] : vector<2048x3xf32> to vector<2048xf32>
      %min3A = arith.minimumf %scan3A_203, %reduce_sum3A_218 : vector<2048xf32>
      %reduce_max3A_219 = vector.shape_cast %min3A : vector<2048xf32> to vector<1x2048xf32>
      %reduce_max3A_220 = arith.constant dense<0xFF800000> : vector<1xf32>
      %reduce_max3A_221 = vector.multi_reduction <maximumf>, %reduce_max3A_219, %reduce_max3A_220 [1] : vector<1x2048xf32> to vector<1xf32>
      %reduce_max3A_222 = vector.shape_cast %reduce_max3A_221 : vector<1xf32> to vector<1x1xf32>
      %reduce_max3A_223 = vector.extract %reduce_max3A_222[0, 0] : f32 from vector<1x1xf32>
      %eq3A_224 = vector.broadcast %reduce_max3A_223 : f32 to vector<2048xf32>
      %eq3A_225 = arith.cmpf oeq, %min3A, %eq3A_224 : vector<2048xf32>
      %iota3A_226 = tpu.iota {dimensions = array<i32: 1>} : vector<1x2048xi32>
      %iota3A_227 = vector.shape_cast %iota3A_226 : vector<1x2048xi32> to vector<2048xi32>
      %jit3A = arith.constant 2048 : i32
      %broadcast_in_dim3A_228 = vector.broadcast %jit3A : i32 to vector<2048xi32>
      %select_n3A_229 = arith.select %eq3A_225, %iota3A_227, %broadcast_in_dim3A_228 : vector<2048xi1>, vector<2048xi32>
      %reduce_min3A = vector.shape_cast %select_n3A_229 : vector<2048xi32> to vector<1x2048xi32>
      %reduce_min3A_230 = arith.constant dense<2147483647> : vector<1xi32>
      %reduce_min3A_231 = vector.multi_reduction <minsi>, %reduce_min3A, %reduce_min3A_230 [1] : vector<1x2048xi32> to vector<1xi32>
      %reduce_min3A_232 = vector.shape_cast %reduce_min3A_231 : vector<1xi32> to vector<1x1xi32>
      %reduce_min3A_233 = vector.extract %reduce_min3A_232[0, 0] : i32 from vector<1x1xi32>
      scf.yield %min3A, %reduce_min3A_233, %select_n3A : vector<2048xf32>, i32, vector<512xi32>
    }
    %scan3A_151 = arith.constant 512 : i32
    %broadcast_in_dim3A_152 = vector.shape_cast %scan3A_150#2 : vector<512xi32> to vector<512x1xi32>
    %iota3A = tpu.iota {dimensions = array<i32: 1>} : vector<512x2048xi32>
    %eq3A = vector.broadcast %broadcast_in_dim3A_152 : vector<512x1xi32> to vector<512x2048xi32>
    %eq3A_153 = arith.cmpi eq, %eq3A, %iota3A : vector<512x2048xi32>
    %convert_element_type3A = arith.extui %eq3A_153 : vector<512x2048xi1> to vector<512x2048xi32>
    %convert_element_type3A_154 = arith.sitofp %convert_element_type3A : vector<512x2048xi32> to vector<512x2048xf32>
    %dot_general3A_155 = arith.constant dense<0.000000e+00> : vector<512x3xf32>
    %dot_general3A_156 = tpu.matmul %convert_element_type3A_154, %get3A_3, %dot_general3A_155 {dimension_numbers = #tpu.dot_dimension_numbers<[1], [0], [0], [1], [0, 0, 1, 1], [], []>, precision = #tpu.contract_precision<fp32>, transpose_lhs_hint = false} : vector<512x2048xf32>, vector<2048x3xf32>, vector<512x3xf32> -> vector<512x3xf32>
    %swap3A_157 = arith.constant 0 : index
    %swap3A_158 = arith.constant 0 : index
    %swap3A_159 = arith.constant 0 : index
    %swap3A_160 = vector.load %arg3[%swap3A_157, %swap3A_158, %swap3A_159] : memref<1x512x3xf32, #tpu.memory_space<vmem>>, vector<1x512x3xf32>
    %swap3A_161 = vector.shape_cast %swap3A_160 : vector<1x512x3xf32> to vector<512x3xf32>
    %swap3A_162 = vector.shape_cast %dot_general3A_156 : vector<512x3xf32> to vector<1x512x3xf32>
    tpu.vector_store %arg3[%swap3A_157, %swap3A_158, %swap3A_159], %swap3A_162 {strides = array<i32>} : memref<1x512x3xf32, #tpu.memory_space<vmem>>, vector<1x512x3xf32>,
    %mul3A_163 = arith.mulf %dot_general3A_156, %dot_general3A_156 : vector<512x3xf32>
    %reduce_sum3A_164 = arith.constant dense<0.000000e+00> : vector<512xf32>
    %reduce_sum3A_165 = vector.multi_reduction <add>, %mul3A_163, %reduce_sum3A_164 [1] : vector<512x3xf32> to vector<512xf32>
    %dot_general3A_166 = arith.constant dense<0.000000e+00> : vector<512x2048xf32>
    %dot_general3A_167 = tpu.matmul %dot_general3A_156, %get3A_8, %dot_general3A_166 {dimension_numbers = #tpu.dot_dimension_numbers<[1], [0], [0], [1], [0, 0, 1, 1], [], []>, transpose_lhs_hint = false} : vector<512x3xf32>, vector<3x2048xf32>, vector<512x2048xf32> -> vector<512x2048xf32>
    %mul3A_168 = arith.constant -2.000000e+00 : f32
    %mul3A_169 = vector.broadcast %mul3A_168 : f32 to vector<512x2048xf32>
    %mul3A_170 = arith.mulf %mul3A_169, %dot_general3A_167 : vector<512x2048xf32>
    %broadcast_in_dim3A_171 = vector.shape_cast %reduce_sum3A_165 : vector<512xf32> to vector<512x1xf32>
    %add3A_172 = vector.broadcast %broadcast_in_dim3A_171 : vector<512x1xf32> to vector<512x2048xf32>
    %add3A_173 = arith.addf %mul3A_170, %add3A_172 : vector<512x2048xf32>
    %broadcast_in_dim3A_174 = vector.shape_cast %reduce_sum3A_9 : vector<2048xf32> to vector<1x2048xf32>
    %add3A_175 = vector.broadcast %broadcast_in_dim3A_174 : vector<1x2048xf32> to vector<512x2048xf32>
    %add3A_176 = arith.addf %add3A_173, %add3A_175 : vector<512x2048xf32>
    %iota3A_177 = tpu.iota {dimensions = array<i32: 1>} : vector<512x2048xi32>
    %get3A_178 = arith.constant 0 : index
    %get3A_179 = arith.constant 0 : index
    %get3A_180 = vector.load %arg7[%get3A_178, %get3A_179] : memref<2048x1xf32, #tpu.memory_space<vmem>>, vector<2048x1xf32>
    %scan3A_181 = arith.constant 0 : i32
    %scan3A_182 = arith.constant 32 : i32
    %scan3A_183 = arith.addi %scan3A_181, %scan3A_182 : i32
    %scan3A_184 = arith.constant 1 : i32
    %scan3A_185 = scf.for %scan3A_202 = %scan3A_181 to %scan3A_183 step %scan3A_184 iter_args(%scan3A_203 = %add3A_176) -> (vector<512x2048xf32>)  : i32 {
      %reduce_min3A = arith.constant dense<0x7F800000> : vector<512xf32>
      %reduce_min3A_204 = vector.multi_reduction <minimumf>, %scan3A_203, %reduce_min3A [1] : vector<512x2048xf32> to vector<512xf32>
      %broadcast_in_dim3A_205 = vector.shape_cast %reduce_min3A_204 : vector<512xf32> to vector<512x1xf32>
      %eq3A_206 = vector.broadcast %broadcast_in_dim3A_205 : vector<512x1xf32> to vector<512x2048xf32>
      %eq3A_207 = arith.cmpf oeq, %scan3A_203, %eq3A_206 : vector<512x2048xf32>
      %jit3A = arith.constant 2048 : i32
      %broadcast_in_dim3A_208 = vector.broadcast %jit3A : i32 to vector<512x2048xi32>
      %select_n3A = arith.select %eq3A_207, %iota3A_177, %broadcast_in_dim3A_208 : vector<512x2048xi1>, vector<512x2048xi32>
      %reduce_min3A_209 = arith.constant dense<2147483647> : vector<512xi32>
      %reduce_min3A_210 = vector.multi_reduction <minsi>, %select_n3A, %reduce_min3A_209 [1] : vector<512x2048xi32> to vector<512xi32>
      %broadcast_in_dim3A_211 = vector.shape_cast %reduce_min3A_210 : vector<512xi32> to vector<512x1xi32>
      %eq3A_212 = vector.broadcast %broadcast_in_dim3A_211 : vector<512x1xi32> to vector<512x2048xi32>
      %eq3A_213 = arith.cmpi eq, %iota3A_177, %eq3A_212 : vector<512x2048xi32>
      %mul3A_214 = arith.constant 2048 : i32
      %mul3A_215 = arith.muli %arg0, %mul3A_214 : i32
      %add3A_216 = vector.broadcast %mul3A_215 : i32 to vector<512xi32>
      %add3A_217 = arith.addi %reduce_min3A_210, %add3A_216 : vector<512xi32>
      %broadcast_in_dim3A_218 = vector.shape_cast %add3A_217 : vector<512xi32> to vector<1x512xi32>
      %swap3A_219 = arith.constant 0 : index
      %swap3A_220 = arith.index_cast %scan3A_202 : i32 to index
      %swap3A_221 = arith.constant 0 : index
      %swap3A_222 = vector.load %arg4[%swap3A_219, %swap3A_220, %swap3A_221] : memref<1x32x512xi32, #tpu.memory_space<vmem>>, vector<1x1x512xi32>
      %swap3A_223 = vector.shape_cast %swap3A_222 : vector<1x1x512xi32> to vector<1x512xi32>
      %swap3A_224 = vector.shape_cast %broadcast_in_dim3A_218 : vector<1x512xi32> to vector<1x1x512xi32>
      tpu.vector_store %arg4[%swap3A_219, %swap3A_220, %swap3A_221], %swap3A_224 {strides = array<i32>} : memref<1x32x512xi32, #tpu.memory_space<vmem>>, vector<1x1x512xi32>,
      %convert_element_type3A_225 = arith.extui %eq3A_213 : vector<512x2048xi1> to vector<512x2048xi32>
      %convert_element_type3A_226 = arith.sitofp %convert_element_type3A_225 : vector<512x2048xi32> to vector<512x2048xf32>
      %dot_general3A_227 = arith.constant dense<0.000000e+00> : vector<512x3xf32>
      %dot_general3A_228 = tpu.matmul %convert_element_type3A_226, %get3A_3, %dot_general3A_227 {dimension_numbers = #tpu.dot_dimension_numbers<[1], [0], [0], [1], [0, 0, 1, 1], [], []>, precision = #tpu.contract_precision<fp32>, transpose_lhs_hint = false} : vector<512x2048xf32>, vector<2048x3xf32>, vector<512x3xf32> -> vector<512x3xf32>
      %dot_general3A_229 = arith.constant dense<0.000000e+00> : vector<512x1xf32>
      %dot_general3A_230 = tpu.matmul %convert_element_type3A_226, %get3A_180, %dot_general3A_229 {dimension_numbers = #tpu.dot_dimension_numbers<[1], [0], [0], [1], [0, 0, 1, 1], [], []>, precision = #tpu.contract_precision<fp32>, transpose_lhs_hint = false} : vector<512x2048xf32>, vector<2048x1xf32>, vector<512x1xf32> -> vector<512x1xf32>
      %slice3A_231 = vector.extract_strided_slice %dot_general3A_228 {offsets = [0, 0], sizes = [512, 1], strides = [1, 1]} : vector<512x3xf32> to vector<512x1xf32>
      %squeeze3A = vector.shape_cast %slice3A_231 : vector<512x1xf32> to vector<512xf32>
      %slice3A_232 = vector.extract_strided_slice %dot_general3A_156 {offsets = [0, 0], sizes = [512, 1], strides = [1, 1]} : vector<512x3xf32> to vector<512x1xf32>
      %squeeze3A_233 = vector.shape_cast %slice3A_232 : vector<512x1xf32> to vector<512xf32>
      %sub3A = arith.subf %squeeze3A, %squeeze3A_233 : vector<512xf32>
      %broadcast_in_dim3A_234 = vector.shape_cast %sub3A : vector<512xf32> to vector<1x512xf32>
      %swap3A_235 = arith.constant 0 : index
      %swap3A_236 = arith.constant 0 : index
      %swap3A_237 = arith.index_cast %scan3A_202 : i32 to index
      %swap3A_238 = arith.constant 0 : index
      %swap3A_239 = vector.load %arg5[%swap3A_235, %swap3A_236, %swap3A_237, %swap3A_238] : memref<1x3x32x512xf32, #tpu.memory_space<vmem>>, vector<1x1x1x512xf32>
      %swap3A_240 = vector.shape_cast %swap3A_239 : vector<1x1x1x512xf32> to vector<1x512xf32>
      %swap3A_241 = vector.shape_cast %broadcast_in_dim3A_234 : vector<1x512xf32> to vector<1x1x1x512xf32>
      tpu.vector_store %arg5[%swap3A_235, %swap3A_236, %swap3A_237, %swap3A_238], %swap3A_241 {strides = array<i32>} : memref<1x3x32x512xf32, #tpu.memory_space<vmem>>, vector<1x1x1x512xf32>,
      %slice3A_242 = vector.extract_strided_slice %dot_general3A_228 {offsets = [0, 1], sizes = [512, 1], strides = [1, 1]} : vector<512x3xf32> to vector<512x1xf32>
      %squeeze3A_243 = vector.shape_cast %slice3A_242 : vector<512x1xf32> to vector<512xf32>
      %slice3A_244 = vector.extract_strided_slice %dot_general3A_156 {offsets = [0, 1], sizes = [512, 1], strides = [1, 1]} : vector<512x3xf32> to vector<512x1xf32>
      %squeeze3A_245 = vector.shape_cast %slice3A_244 : vector<512x1xf32> to vector<512xf32>
      %sub3A_246 = arith.subf %squeeze3A_243, %squeeze3A_245 : vector<512xf32>
      %broadcast_in_dim3A_247 = vector.shape_cast %sub3A_246 : vector<512xf32> to vector<1x512xf32>
      %swap3A_248 = arith.constant 0 : index
      %swap3A_249 = arith.constant 1 : index
      %swap3A_250 = arith.index_cast %scan3A_202 : i32 to index
      %swap3A_251 = arith.constant 0 : index
      %swap3A_252 = vector.load %arg5[%swap3A_248, %swap3A_249, %swap3A_250, %swap3A_251] : memref<1x3x32x512xf32, #tpu.memory_space<vmem>>, vector<1x1x1x512xf32>
      %swap3A_253 = vector.shape_cast %swap3A_252 : vector<1x1x1x512xf32> to vector<1x512xf32>
      %swap3A_254 = vector.shape_cast %broadcast_in_dim3A_247 : vector<1x512xf32> to vector<1x1x1x512xf32>
      tpu.vector_store %arg5[%swap3A_248, %swap3A_249, %swap3A_250, %swap3A_251], %swap3A_254 {strides = array<i32>} : memref<1x3x32x512xf32, #tpu.memory_space<vmem>>, vector<1x1x1x512xf32>,
      %slice3A_255 = vector.extract_strided_slice %dot_general3A_228 {offsets = [0, 2], sizes = [512, 1], strides = [1, 1]} : vector<512x3xf32> to vector<512x1xf32>
      %squeeze3A_256 = vector.shape_cast %slice3A_255 : vector<512x1xf32> to vector<512xf32>
      %slice3A_257 = vector.extract_strided_slice %dot_general3A_156 {offsets = [0, 2], sizes = [512, 1], strides = [1, 1]} : vector<512x3xf32> to vector<512x1xf32>
      %squeeze3A_258 = vector.shape_cast %slice3A_257 : vector<512x1xf32> to vector<512xf32>
      %sub3A_259 = arith.subf %squeeze3A_256, %squeeze3A_258 : vector<512xf32>
      %broadcast_in_dim3A_260 = vector.shape_cast %sub3A_259 : vector<512xf32> to vector<1x512xf32>
      %swap3A_261 = arith.constant 0 : index
      %swap3A_262 = arith.constant 2 : index
      %swap3A_263 = arith.index_cast %scan3A_202 : i32 to index
      %swap3A_264 = arith.constant 0 : index
      %swap3A_265 = vector.load %arg5[%swap3A_261, %swap3A_262, %swap3A_263, %swap3A_264] : memref<1x3x32x512xf32, #tpu.memory_space<vmem>>, vector<1x1x1x512xf32>
      %swap3A_266 = vector.shape_cast %swap3A_265 : vector<1x1x1x512xf32> to vector<1x512xf32>
      %swap3A_267 = vector.shape_cast %broadcast_in_dim3A_260 : vector<1x512xf32> to vector<1x1x1x512xf32>
      tpu.vector_store %arg5[%swap3A_261, %swap3A_262, %swap3A_263, %swap3A_264], %swap3A_267 {strides = array<i32>} : memref<1x3x32x512xf32, #tpu.memory_space<vmem>>, vector<1x1x1x512xf32>,
      %squeeze3A_268 = vector.shape_cast %dot_general3A_230 : vector<512x1xf32> to vector<512xf32>
      %broadcast_in_dim3A_269 = vector.shape_cast %squeeze3A_268 : vector<512xf32> to vector<1x512xf32>
      %swap3A_270 = arith.constant 0 : index
      %swap3A_271 = arith.index_cast %scan3A_202 : i32 to index
      %swap3A_272 = arith.constant 0 : index
      %swap3A_273 = vector.load %arg6[%swap3A_270, %swap3A_271, %swap3A_272] : memref<1x32x512xf32, #tpu.memory_space<vmem>>, vector<1x1x512xf32>
      %swap3A_274 = vector.shape_cast %swap3A_273 : vector<1x1x512xf32> to vector<1x512xf32>
      %swap3A_275 = vector.shape_cast %broadcast_in_dim3A_269 : vector<1x512xf32> to vector<1x1x512xf32>
      tpu.vector_store %arg6[%swap3A_270, %swap3A_271, %swap3A_272], %swap3A_275 {strides = array<i32>} : memref<1x32x512xf32, #tpu.memory_space<vmem>>, vector<1x1x512xf32>,
      %jit3A_276 = arith.constant 0x7F800000 : f32
      %broadcast_in_dim3A_277 = vector.broadcast %jit3A_276 : f32 to vector<512x2048xf32>
      %select_n3A_278 = arith.select %eq3A_213, %broadcast_in_dim3A_277, %scan3A_203 : vector<512x2048xi1>, vector<512x2048xf32>
      scf.yield %select_n3A_278 : vector<512x2048xf32>
    }
    %scan3A_186 = arith.constant 32 : i32
    %get3A_187 = arith.constant 0 : index
    %get3A_188 = arith.constant 0 : index
    %get3A_189 = arith.constant 0 : index
    %get3A_190 = vector.load %arg6[%get3A_187, %get3A_188, %get3A_189] : memref<1x32x512xf32, #tpu.memory_space<vmem>>, vector<1x32x512xf32>
    %get3A_191 = vector.shape_cast %get3A_190 : vector<1x32x512xf32> to vector<32x512xf32>
    %reduce_max3A = arith.constant dense<0xFF800000> : vector<512xf32>
    %reduce_max3A_192 = vector.multi_reduction <maximumf>, %get3A_191, %reduce_max3A [0] : vector<32x512xf32> to vector<512xf32>
    %broadcast_in_dim3A_193 = vector.shape_cast %reduce_max3A_192 : vector<512xf32> to vector<1x512xf32>
    %div3A_194 = vector.broadcast %broadcast_in_dim3A_193 : vector<1x512xf32> to vector<32x512xf32>
    %div3A_195 = arith.divf %get3A_191, %div3A_194 : vector<32x512xf32>
    %swap3A_196 = arith.constant 0 : index
    %swap3A_197 = arith.constant 0 : index
    %swap3A_198 = arith.constant 0 : index
    %swap3A_199 = vector.load %arg6[%swap3A_196, %swap3A_197, %swap3A_198] : memref<1x32x512xf32, #tpu.memory_space<vmem>>, vector<1x32x512xf32>
    %swap3A_200 = vector.shape_cast %swap3A_199 : vector<1x32x512xf32> to vector<32x512xf32>
    %swap3A_201 = vector.shape_cast %div3A_195 : vector<32x512xf32> to vector<1x32x512xf32>
    tpu.vector_store %arg6[%swap3A_196, %swap3A_197, %swap3A_198], %swap3A_201 {strides = array<i32>} : memref<1x32x512xf32, #tpu.memory_space<vmem>>, vector<1x32x512xf32>,
    return
  }
  func.func @transform_0(%arg0: i32) -> (i32, i32, i32) {
    %c0_i32 = arith.constant 0 : i32
    %c0_i32_0 = arith.constant 0 : i32
    %c0_i32_1 = arith.constant 0 : i32
    return %arg0, %c0_i32, %c0_i32_0 : i32, i32, i32
  }
  func.func @transform_1(%arg0: i32) -> (i32, i32, i32) {
    %c0_i32 = arith.constant 0 : i32
    %c0_i32_0 = arith.constant 0 : i32
    %c0_i32_1 = arith.constant 0 : i32
    return %arg0, %c0_i32, %c0_i32_0 : i32, i32, i32
  }
  func.func @transform_2(%arg0: i32) -> (i32, i32, i32) {
    %c0_i32 = arith.constant 0 : i32
    %c0_i32_0 = arith.constant 0 : i32
    %c0_i32_1 = arith.constant 0 : i32
    return %arg0, %c0_i32, %c0_i32_0 : i32, i32, i32
  }
  func.func @transform_3(%arg0: i32) -> (i32, i32, i32) {
    %c0_i32 = arith.constant 0 : i32
    %c0_i32_0 = arith.constant 0 : i32
    %c0_i32_1 = arith.constant 0 : i32
    return %arg0, %c0_i32, %c0_i32_0 : i32, i32, i32
  }
  func.func @transform_4(%arg0: i32) -> (i32, i32, i32, i32) {
    %c0_i32 = arith.constant 0 : i32
    %c0_i32_0 = arith.constant 0 : i32
    %c0_i32_1 = arith.constant 0 : i32
    %c0_i32_2 = arith.constant 0 : i32
    return %arg0, %c0_i32, %c0_i32_0, %c0_i32_1 : i32, i32, i32, i32
  }
  func.func @transform_5(%arg0: i32) -> (i32, i32, i32) {
    %c0_i32 = arith.constant 0 : i32
    %c0_i32_0 = arith.constant 0 : i32
    %c0_i32_1 = arith.constant 0 : i32
    return %arg0, %c0_i32, %c0_i32_0 : i32, i32, i32
  }
}

module attributes {stable_mosaic.version = 14 : i64} {
  func.func @_plane_chain_body(%arg0: memref<3x1024x128xf32, #tpu.memory_space<vmem>>, %arg1: memref<3x8xf32, #tpu.memory_space<smem>>, %arg2: memref<1x8xf32, #tpu.memory_space<smem>>, %arg3: memref<1x8xf32, #tpu.memory_space<smem>>, %arg4: memref<1x8xf32, #tpu.memory_space<smem>>, %arg5: memref<8x8xf32, #tpu.memory_space<smem>>, %arg6: memref<1x8xf32, #tpu.memory_space<smem>>, %arg7: memref<1x8xf32, #tpu.memory_space<smem>>, %arg8: memref<1x8xf32, #tpu.memory_space<smem>>, %arg9: memref<8x16xf32, #tpu.memory_space<smem>>, %arg10: memref<1x16xf32, #tpu.memory_space<smem>>, %arg11: memref<1x16xf32, #tpu.memory_space<smem>>, %arg12: memref<1x16xf32, #tpu.memory_space<smem>>, %arg13: memref<16x1024x128xf32, #tpu.memory_space<vmem>>) attributes {dimension_semantics = [], scalar_prefetch = 0 : i64, scratch_operands = 0 : i64, tpu.core_type = #tpu.core_type<tc>} {
    %get3A = arith.constant 0 : index
    %get3A_0 = arith.constant 0 : index
    %get3A_1 = arith.constant 0 : index
    %get3A_2 = vector.load %arg0[%get3A, %get3A_0, %get3A_1] : memref<3x1024x128xf32, #tpu.memory_space<vmem>>, vector<1x1024x128xf32>
    %get3A_3 = vector.shape_cast %get3A_2 : vector<1x1024x128xf32> to vector<1024x128xf32>
    %get3A_4 = arith.constant 1 : index
    %get3A_5 = arith.constant 0 : index
    %get3A_6 = arith.constant 0 : index
    %get3A_7 = vector.load %arg0[%get3A_4, %get3A_5, %get3A_6] : memref<3x1024x128xf32, #tpu.memory_space<vmem>>, vector<1x1024x128xf32>
    %get3A_8 = vector.shape_cast %get3A_7 : vector<1x1024x128xf32> to vector<1024x128xf32>
    %get3A_9 = arith.constant 2 : index
    %get3A_10 = arith.constant 0 : index
    %get3A_11 = arith.constant 0 : index
    %get3A_12 = vector.load %arg0[%get3A_9, %get3A_10, %get3A_11] : memref<3x1024x128xf32, #tpu.memory_space<vmem>>, vector<1x1024x128xf32>
    %get3A_13 = vector.shape_cast %get3A_12 : vector<1x1024x128xf32> to vector<1024x128xf32>
    %convert_element_type3A = arith.truncf %get3A_3 : vector<1024x128xf32> to vector<1024x128xbf16>
    %convert_element_type3A_14 = arith.extf %convert_element_type3A : vector<1024x128xbf16> to vector<1024x128xf32>
    %convert_element_type3A_15 = arith.truncf %get3A_8 : vector<1024x128xf32> to vector<1024x128xbf16>
    %convert_element_type3A_16 = arith.extf %convert_element_type3A_15 : vector<1024x128xbf16> to vector<1024x128xf32>
    %convert_element_type3A_17 = arith.truncf %get3A_13 : vector<1024x128xf32> to vector<1024x128xbf16>
    %convert_element_type3A_18 = arith.extf %convert_element_type3A_17 : vector<1024x128xbf16> to vector<1024x128xf32>
    %get3A_19 = arith.constant 0 : index
    %get3A_20 = arith.constant 0 : index
    %get3A_21 = memref.load %arg1[%get3A_19, %get3A_20] : memref<3x8xf32, #tpu.memory_space<smem>>
    %convert_element_type3A_22 = arith.truncf %get3A_21 : f32 to bf16
    %convert_element_type3A_23 = arith.extf %convert_element_type3A_22 : bf16 to f32
    %mul3A = vector.broadcast %convert_element_type3A_23 : f32 to vector<1024x128xf32>
    %mul3A_24 = arith.mulf %convert_element_type3A_14, %mul3A : vector<1024x128xf32>
    %get3A_25 = arith.constant 1 : index
    %get3A_26 = arith.constant 0 : index
    %get3A_27 = memref.load %arg1[%get3A_25, %get3A_26] : memref<3x8xf32, #tpu.memory_space<smem>>
    %convert_element_type3A_28 = arith.truncf %get3A_27 : f32 to bf16
    %convert_element_type3A_29 = arith.extf %convert_element_type3A_28 : bf16 to f32
    %mul3A_30 = vector.broadcast %convert_element_type3A_29 : f32 to vector<1024x128xf32>
    %mul3A_31 = arith.mulf %convert_element_type3A_16, %mul3A_30 : vector<1024x128xf32>
    %add3A = arith.addf %mul3A_24, %mul3A_31 : vector<1024x128xf32>
    %get3A_32 = arith.constant 2 : index
    %get3A_33 = arith.constant 0 : index
    %get3A_34 = memref.load %arg1[%get3A_32, %get3A_33] : memref<3x8xf32, #tpu.memory_space<smem>>
    %convert_element_type3A_35 = arith.truncf %get3A_34 : f32 to bf16
    %convert_element_type3A_36 = arith.extf %convert_element_type3A_35 : bf16 to f32
    %mul3A_37 = vector.broadcast %convert_element_type3A_36 : f32 to vector<1024x128xf32>
    %mul3A_38 = arith.mulf %convert_element_type3A_18, %mul3A_37 : vector<1024x128xf32>
    %add3A_39 = arith.addf %add3A, %mul3A_38 : vector<1024x128xf32>
    %get3A_40 = arith.constant 0 : index
    %get3A_41 = arith.constant 0 : index
    %get3A_42 = memref.load %arg2[%get3A_40, %get3A_41] : memref<1x8xf32, #tpu.memory_space<smem>>
    %add3A_43 = vector.broadcast %get3A_42 : f32 to vector<1024x128xf32>
    %add3A_44 = arith.addf %add3A_39, %add3A_43 : vector<1024x128xf32>
    %reduce_sum3A = vector.shape_cast %add3A_44 : vector<1024x128xf32> to vector<1x1024x128xf32>
    %reduce_sum3A_45 = arith.constant dense<0.000000e+00> : vector<1xf32>
    %reduce_sum3A_46 = vector.multi_reduction <add>, %reduce_sum3A, %reduce_sum3A_45 [1, 2] : vector<1x1024x128xf32> to vector<1xf32>
    %reduce_sum3A_47 = vector.shape_cast %reduce_sum3A_46 : vector<1xf32> to vector<1x1x1xf32>
    %reduce_sum3A_48 = vector.extract %reduce_sum3A_47[0, 0, 0] : f32 from vector<1x1x1xf32>
    %div3A = arith.constant 1.310720e+05 : f32
    %div3A_49 = arith.divf %reduce_sum3A_48, %div3A : f32
    %sub3A = vector.broadcast %div3A_49 : f32 to vector<1024x128xf32>
    %sub3A_50 = arith.subf %add3A_44, %sub3A : vector<1024x128xf32>
    %integer_pow3A = arith.mulf %sub3A_50, %sub3A_50 : vector<1024x128xf32>
    %reduce_sum3A_51 = vector.shape_cast %integer_pow3A : vector<1024x128xf32> to vector<1x1024x128xf32>
    %reduce_sum3A_52 = arith.constant dense<0.000000e+00> : vector<1xf32>
    %reduce_sum3A_53 = vector.multi_reduction <add>, %reduce_sum3A_51, %reduce_sum3A_52 [1, 2] : vector<1x1024x128xf32> to vector<1xf32>
    %reduce_sum3A_54 = vector.shape_cast %reduce_sum3A_53 : vector<1xf32> to vector<1x1x1xf32>
    %reduce_sum3A_55 = vector.extract %reduce_sum3A_54[0, 0, 0] : f32 from vector<1x1x1xf32>
    %div3A_56 = arith.constant 1.310720e+05 : f32
    %div3A_57 = arith.divf %reduce_sum3A_55, %div3A_56 : f32
    %sub3A_58 = vector.broadcast %div3A_49 : f32 to vector<1024x128xf32>
    %sub3A_59 = arith.subf %add3A_44, %sub3A_58 : vector<1024x128xf32>
    %add3A_60 = arith.constant 9.99999974E-6 : f32
    %add3A_61 = arith.addf %div3A_57, %add3A_60 : f32
    %sqrt3A = math.sqrt %add3A_61 : f32
    %div3A_62 = vector.broadcast %sqrt3A : f32 to vector<1024x128xf32>
    %div3A_63 = arith.divf %sub3A_59, %div3A_62 : vector<1024x128xf32>
    %get3A_64 = arith.constant 0 : index
    %get3A_65 = arith.constant 0 : index
    %get3A_66 = memref.load %arg3[%get3A_64, %get3A_65] : memref<1x8xf32, #tpu.memory_space<smem>>
    %mul3A_67 = vector.broadcast %get3A_66 : f32 to vector<1024x128xf32>
    %mul3A_68 = arith.mulf %div3A_63, %mul3A_67 : vector<1024x128xf32>
    %get3A_69 = arith.constant 0 : index
    %get3A_70 = arith.constant 0 : index
    %get3A_71 = memref.load %arg4[%get3A_69, %get3A_70] : memref<1x8xf32, #tpu.memory_space<smem>>
    %add3A_72 = vector.broadcast %get3A_71 : f32 to vector<1024x128xf32>
    %add3A_73 = arith.addf %mul3A_68, %add3A_72 : vector<1024x128xf32>
    %max3A = arith.constant 0.000000e+00 : f32
    %max3A_74 = vector.broadcast %max3A : f32 to vector<1024x128xf32>
    %max3A_75 = arith.maximumf %add3A_73, %max3A_74 : vector<1024x128xf32>
    %get3A_76 = arith.constant 0 : index
    %get3A_77 = arith.constant 1 : index
    %get3A_78 = memref.load %arg1[%get3A_76, %get3A_77] : memref<3x8xf32, #tpu.memory_space<smem>>
    %convert_element_type3A_79 = arith.truncf %get3A_78 : f32 to bf16
    %convert_element_type3A_80 = arith.extf %convert_element_type3A_79 : bf16 to f32
    %mul3A_81 = vector.broadcast %convert_element_type3A_80 : f32 to vector<1024x128xf32>
    %mul3A_82 = arith.mulf %convert_element_type3A_14, %mul3A_81 : vector<1024x128xf32>
    %get3A_83 = arith.constant 1 : index
    %get3A_84 = arith.constant 1 : index
    %get3A_85 = memref.load %arg1[%get3A_83, %get3A_84] : memref<3x8xf32, #tpu.memory_space<smem>>
    %convert_element_type3A_86 = arith.truncf %get3A_85 : f32 to bf16
    %convert_element_type3A_87 = arith.extf %convert_element_type3A_86 : bf16 to f32
    %mul3A_88 = vector.broadcast %convert_element_type3A_87 : f32 to vector<1024x128xf32>
    %mul3A_89 = arith.mulf %convert_element_type3A_16, %mul3A_88 : vector<1024x128xf32>
    %add3A_90 = arith.addf %mul3A_82, %mul3A_89 : vector<1024x128xf32>
    %get3A_91 = arith.constant 2 : index
    %get3A_92 = arith.constant 1 : index
    %get3A_93 = memref.load %arg1[%get3A_91, %get3A_92] : memref<3x8xf32, #tpu.memory_space<smem>>
    %convert_element_type3A_94 = arith.truncf %get3A_93 : f32 to bf16
    %convert_element_type3A_95 = arith.extf %convert_element_type3A_94 : bf16 to f32
    %mul3A_96 = vector.broadcast %convert_element_type3A_95 : f32 to vector<1024x128xf32>
    %mul3A_97 = arith.mulf %convert_element_type3A_18, %mul3A_96 : vector<1024x128xf32>
    %add3A_98 = arith.addf %add3A_90, %mul3A_97 : vector<1024x128xf32>
    %get3A_99 = arith.constant 0 : index
    %get3A_100 = arith.constant 1 : index
    %get3A_101 = memref.load %arg2[%get3A_99, %get3A_100] : memref<1x8xf32, #tpu.memory_space<smem>>
    %add3A_102 = vector.broadcast %get3A_101 : f32 to vector<1024x128xf32>
    %add3A_103 = arith.addf %add3A_98, %add3A_102 : vector<1024x128xf32>
    %reduce_sum3A_104 = vector.shape_cast %add3A_103 : vector<1024x128xf32> to vector<1x1024x128xf32>
    %reduce_sum3A_105 = arith.constant dense<0.000000e+00> : vector<1xf32>
    %reduce_sum3A_106 = vector.multi_reduction <add>, %reduce_sum3A_104, %reduce_sum3A_105 [1, 2] : vector<1x1024x128xf32> to vector<1xf32>
    %reduce_sum3A_107 = vector.shape_cast %reduce_sum3A_106 : vector<1xf32> to vector<1x1x1xf32>
    %reduce_sum3A_108 = vector.extract %reduce_sum3A_107[0, 0, 0] : f32 from vector<1x1x1xf32>
    %div3A_109 = arith.constant 1.310720e+05 : f32
    %div3A_110 = arith.divf %reduce_sum3A_108, %div3A_109 : f32
    %sub3A_111 = vector.broadcast %div3A_110 : f32 to vector<1024x128xf32>
    %sub3A_112 = arith.subf %add3A_103, %sub3A_111 : vector<1024x128xf32>
    %integer_pow3A_113 = arith.mulf %sub3A_112, %sub3A_112 : vector<1024x128xf32>
    %reduce_sum3A_114 = vector.shape_cast %integer_pow3A_113 : vector<1024x128xf32> to vector<1x1024x128xf32>
    %reduce_sum3A_115 = arith.constant dense<0.000000e+00> : vector<1xf32>
    %reduce_sum3A_116 = vector.multi_reduction <add>, %reduce_sum3A_114, %reduce_sum3A_115 [1, 2] : vector<1x1024x128xf32> to vector<1xf32>
    %reduce_sum3A_117 = vector.shape_cast %reduce_sum3A_116 : vector<1xf32> to vector<1x1x1xf32>
    %reduce_sum3A_118 = vector.extract %reduce_sum3A_117[0, 0, 0] : f32 from vector<1x1x1xf32>
    %div3A_119 = arith.constant 1.310720e+05 : f32
    %div3A_120 = arith.divf %reduce_sum3A_118, %div3A_119 : f32
    %sub3A_121 = vector.broadcast %div3A_110 : f32 to vector<1024x128xf32>
    %sub3A_122 = arith.subf %add3A_103, %sub3A_121 : vector<1024x128xf32>
    %add3A_123 = arith.constant 9.99999974E-6 : f32
    %add3A_124 = arith.addf %div3A_120, %add3A_123 : f32
    %sqrt3A_125 = math.sqrt %add3A_124 : f32
    %div3A_126 = vector.broadcast %sqrt3A_125 : f32 to vector<1024x128xf32>
    %div3A_127 = arith.divf %sub3A_122, %div3A_126 : vector<1024x128xf32>
    %get3A_128 = arith.constant 0 : index
    %get3A_129 = arith.constant 1 : index
    %get3A_130 = memref.load %arg3[%get3A_128, %get3A_129] : memref<1x8xf32, #tpu.memory_space<smem>>
    %mul3A_131 = vector.broadcast %get3A_130 : f32 to vector<1024x128xf32>
    %mul3A_132 = arith.mulf %div3A_127, %mul3A_131 : vector<1024x128xf32>
    %get3A_133 = arith.constant 0 : index
    %get3A_134 = arith.constant 1 : index
    %get3A_135 = memref.load %arg4[%get3A_133, %get3A_134] : memref<1x8xf32, #tpu.memory_space<smem>>
    %add3A_136 = vector.broadcast %get3A_135 : f32 to vector<1024x128xf32>
    %add3A_137 = arith.addf %mul3A_132, %add3A_136 : vector<1024x128xf32>
    %max3A_138 = arith.constant 0.000000e+00 : f32
    %max3A_139 = vector.broadcast %max3A_138 : f32 to vector<1024x128xf32>
    %max3A_140 = arith.maximumf %add3A_137, %max3A_139 : vector<1024x128xf32>
    %get3A_141 = arith.constant 0 : index
    %get3A_142 = arith.constant 2 : index
    %get3A_143 = memref.load %arg1[%get3A_141, %get3A_142] : memref<3x8xf32, #tpu.memory_space<smem>>
    %convert_element_type3A_144 = arith.truncf %get3A_143 : f32 to bf16
    %convert_element_type3A_145 = arith.extf %convert_element_type3A_144 : bf16 to f32
    %mul3A_146 = vector.broadcast %convert_element_type3A_145 : f32 to vector<1024x128xf32>
    %mul3A_147 = arith.mulf %convert_element_type3A_14, %mul3A_146 : vector<1024x128xf32>
    %get3A_148 = arith.constant 1 : index
    %get3A_149 = arith.constant 2 : index
    %get3A_150 = memref.load %arg1[%get3A_148, %get3A_149] : memref<3x8xf32, #tpu.memory_space<smem>>
    %convert_element_type3A_151 = arith.truncf %get3A_150 : f32 to bf16
    %convert_element_type3A_152 = arith.extf %convert_element_type3A_151 : bf16 to f32
    %mul3A_153 = vector.broadcast %convert_element_type3A_152 : f32 to vector<1024x128xf32>
    %mul3A_154 = arith.mulf %convert_element_type3A_16, %mul3A_153 : vector<1024x128xf32>
    %add3A_155 = arith.addf %mul3A_147, %mul3A_154 : vector<1024x128xf32>
    %get3A_156 = arith.constant 2 : index
    %get3A_157 = arith.constant 2 : index
    %get3A_158 = memref.load %arg1[%get3A_156, %get3A_157] : memref<3x8xf32, #tpu.memory_space<smem>>
    %convert_element_type3A_159 = arith.truncf %get3A_158 : f32 to bf16
    %convert_element_type3A_160 = arith.extf %convert_element_type3A_159 : bf16 to f32
    %mul3A_161 = vector.broadcast %convert_element_type3A_160 : f32 to vector<1024x128xf32>
    %mul3A_162 = arith.mulf %convert_element_type3A_18, %mul3A_161 : vector<1024x128xf32>
    %add3A_163 = arith.addf %add3A_155, %mul3A_162 : vector<1024x128xf32>
    %get3A_164 = arith.constant 0 : index
    %get3A_165 = arith.constant 2 : index
    %get3A_166 = memref.load %arg2[%get3A_164, %get3A_165] : memref<1x8xf32, #tpu.memory_space<smem>>
    %add3A_167 = vector.broadcast %get3A_166 : f32 to vector<1024x128xf32>
    %add3A_168 = arith.addf %add3A_163, %add3A_167 : vector<1024x128xf32>
    %reduce_sum3A_169 = vector.shape_cast %add3A_168 : vector<1024x128xf32> to vector<1x1024x128xf32>
    %reduce_sum3A_170 = arith.constant dense<0.000000e+00> : vector<1xf32>
    %reduce_sum3A_171 = vector.multi_reduction <add>, %reduce_sum3A_169, %reduce_sum3A_170 [1, 2] : vector<1x1024x128xf32> to vector<1xf32>
    %reduce_sum3A_172 = vector.shape_cast %reduce_sum3A_171 : vector<1xf32> to vector<1x1x1xf32>
    %reduce_sum3A_173 = vector.extract %reduce_sum3A_172[0, 0, 0] : f32 from vector<1x1x1xf32>
    %div3A_174 = arith.constant 1.310720e+05 : f32
    %div3A_175 = arith.divf %reduce_sum3A_173, %div3A_174 : f32
    %sub3A_176 = vector.broadcast %div3A_175 : f32 to vector<1024x128xf32>
    %sub3A_177 = arith.subf %add3A_168, %sub3A_176 : vector<1024x128xf32>
    %integer_pow3A_178 = arith.mulf %sub3A_177, %sub3A_177 : vector<1024x128xf32>
    %reduce_sum3A_179 = vector.shape_cast %integer_pow3A_178 : vector<1024x128xf32> to vector<1x1024x128xf32>
    %reduce_sum3A_180 = arith.constant dense<0.000000e+00> : vector<1xf32>
    %reduce_sum3A_181 = vector.multi_reduction <add>, %reduce_sum3A_179, %reduce_sum3A_180 [1, 2] : vector<1x1024x128xf32> to vector<1xf32>
    %reduce_sum3A_182 = vector.shape_cast %reduce_sum3A_181 : vector<1xf32> to vector<1x1x1xf32>
    %reduce_sum3A_183 = vector.extract %reduce_sum3A_182[0, 0, 0] : f32 from vector<1x1x1xf32>
    %div3A_184 = arith.constant 1.310720e+05 : f32
    %div3A_185 = arith.divf %reduce_sum3A_183, %div3A_184 : f32
    %sub3A_186 = vector.broadcast %div3A_175 : f32 to vector<1024x128xf32>
    %sub3A_187 = arith.subf %add3A_168, %sub3A_186 : vector<1024x128xf32>
    %add3A_188 = arith.constant 9.99999974E-6 : f32
    %add3A_189 = arith.addf %div3A_185, %add3A_188 : f32
    %sqrt3A_190 = math.sqrt %add3A_189 : f32
    %div3A_191 = vector.broadcast %sqrt3A_190 : f32 to vector<1024x128xf32>
    %div3A_192 = arith.divf %sub3A_187, %div3A_191 : vector<1024x128xf32>
    %get3A_193 = arith.constant 0 : index
    %get3A_194 = arith.constant 2 : index
    %get3A_195 = memref.load %arg3[%get3A_193, %get3A_194] : memref<1x8xf32, #tpu.memory_space<smem>>
    %mul3A_196 = vector.broadcast %get3A_195 : f32 to vector<1024x128xf32>
    %mul3A_197 = arith.mulf %div3A_192, %mul3A_196 : vector<1024x128xf32>
    %get3A_198 = arith.constant 0 : index
    %get3A_199 = arith.constant 2 : index
    %get3A_200 = memref.load %arg4[%get3A_198, %get3A_199] : memref<1x8xf32, #tpu.memory_space<smem>>
    %add3A_201 = vector.broadcast %get3A_200 : f32 to vector<1024x128xf32>
    %add3A_202 = arith.addf %mul3A_197, %add3A_201 : vector<1024x128xf32>
    %max3A_203 = arith.constant 0.000000e+00 : f32
    %max3A_204 = vector.broadcast %max3A_203 : f32 to vector<1024x128xf32>
    %max3A_205 = arith.maximumf %add3A_202, %max3A_204 : vector<1024x128xf32>
    %get3A_206 = arith.constant 0 : index
    %get3A_207 = arith.constant 3 : index
    %get3A_208 = memref.load %arg1[%get3A_206, %get3A_207] : memref<3x8xf32, #tpu.memory_space<smem>>
    %convert_element_type3A_209 = arith.truncf %get3A_208 : f32 to bf16
    %convert_element_type3A_210 = arith.extf %convert_element_type3A_209 : bf16 to f32
    %mul3A_211 = vector.broadcast %convert_element_type3A_210 : f32 to vector<1024x128xf32>
    %mul3A_212 = arith.mulf %convert_element_type3A_14, %mul3A_211 : vector<1024x128xf32>
    %get3A_213 = arith.constant 1 : index
    %get3A_214 = arith.constant 3 : index
    %get3A_215 = memref.load %arg1[%get3A_213, %get3A_214] : memref<3x8xf32, #tpu.memory_space<smem>>
    %convert_element_type3A_216 = arith.truncf %get3A_215 : f32 to bf16
    %convert_element_type3A_217 = arith.extf %convert_element_type3A_216 : bf16 to f32
    %mul3A_218 = vector.broadcast %convert_element_type3A_217 : f32 to vector<1024x128xf32>
    %mul3A_219 = arith.mulf %convert_element_type3A_16, %mul3A_218 : vector<1024x128xf32>
    %add3A_220 = arith.addf %mul3A_212, %mul3A_219 : vector<1024x128xf32>
    %get3A_221 = arith.constant 2 : index
    %get3A_222 = arith.constant 3 : index
    %get3A_223 = memref.load %arg1[%get3A_221, %get3A_222] : memref<3x8xf32, #tpu.memory_space<smem>>
    %convert_element_type3A_224 = arith.truncf %get3A_223 : f32 to bf16
    %convert_element_type3A_225 = arith.extf %convert_element_type3A_224 : bf16 to f32
    %mul3A_226 = vector.broadcast %convert_element_type3A_225 : f32 to vector<1024x128xf32>
    %mul3A_227 = arith.mulf %convert_element_type3A_18, %mul3A_226 : vector<1024x128xf32>
    %add3A_228 = arith.addf %add3A_220, %mul3A_227 : vector<1024x128xf32>
    %get3A_229 = arith.constant 0 : index
    %get3A_230 = arith.constant 3 : index
    %get3A_231 = memref.load %arg2[%get3A_229, %get3A_230] : memref<1x8xf32, #tpu.memory_space<smem>>
    %add3A_232 = vector.broadcast %get3A_231 : f32 to vector<1024x128xf32>
    %add3A_233 = arith.addf %add3A_228, %add3A_232 : vector<1024x128xf32>
    %reduce_sum3A_234 = vector.shape_cast %add3A_233 : vector<1024x128xf32> to vector<1x1024x128xf32>
    %reduce_sum3A_235 = arith.constant dense<0.000000e+00> : vector<1xf32>
    %reduce_sum3A_236 = vector.multi_reduction <add>, %reduce_sum3A_234, %reduce_sum3A_235 [1, 2] : vector<1x1024x128xf32> to vector<1xf32>
    %reduce_sum3A_237 = vector.shape_cast %reduce_sum3A_236 : vector<1xf32> to vector<1x1x1xf32>
    %reduce_sum3A_238 = vector.extract %reduce_sum3A_237[0, 0, 0] : f32 from vector<1x1x1xf32>
    %div3A_239 = arith.constant 1.310720e+05 : f32
    %div3A_240 = arith.divf %reduce_sum3A_238, %div3A_239 : f32
    %sub3A_241 = vector.broadcast %div3A_240 : f32 to vector<1024x128xf32>
    %sub3A_242 = arith.subf %add3A_233, %sub3A_241 : vector<1024x128xf32>
    %integer_pow3A_243 = arith.mulf %sub3A_242, %sub3A_242 : vector<1024x128xf32>
    %reduce_sum3A_244 = vector.shape_cast %integer_pow3A_243 : vector<1024x128xf32> to vector<1x1024x128xf32>
    %reduce_sum3A_245 = arith.constant dense<0.000000e+00> : vector<1xf32>
    %reduce_sum3A_246 = vector.multi_reduction <add>, %reduce_sum3A_244, %reduce_sum3A_245 [1, 2] : vector<1x1024x128xf32> to vector<1xf32>
    %reduce_sum3A_247 = vector.shape_cast %reduce_sum3A_246 : vector<1xf32> to vector<1x1x1xf32>
    %reduce_sum3A_248 = vector.extract %reduce_sum3A_247[0, 0, 0] : f32 from vector<1x1x1xf32>
    %div3A_249 = arith.constant 1.310720e+05 : f32
    %div3A_250 = arith.divf %reduce_sum3A_248, %div3A_249 : f32
    %sub3A_251 = vector.broadcast %div3A_240 : f32 to vector<1024x128xf32>
    %sub3A_252 = arith.subf %add3A_233, %sub3A_251 : vector<1024x128xf32>
    %add3A_253 = arith.constant 9.99999974E-6 : f32
    %add3A_254 = arith.addf %div3A_250, %add3A_253 : f32
    %sqrt3A_255 = math.sqrt %add3A_254 : f32
    %div3A_256 = vector.broadcast %sqrt3A_255 : f32 to vector<1024x128xf32>
    %div3A_257 = arith.divf %sub3A_252, %div3A_256 : vector<1024x128xf32>
    %get3A_258 = arith.constant 0 : index
    %get3A_259 = arith.constant 3 : index
    %get3A_260 = memref.load %arg3[%get3A_258, %get3A_259] : memref<1x8xf32, #tpu.memory_space<smem>>
    %mul3A_261 = vector.broadcast %get3A_260 : f32 to vector<1024x128xf32>
    %mul3A_262 = arith.mulf %div3A_257, %mul3A_261 : vector<1024x128xf32>
    %get3A_263 = arith.constant 0 : index
    %get3A_264 = arith.constant 3 : index
    %get3A_265 = memref.load %arg4[%get3A_263, %get3A_264] : memref<1x8xf32, #tpu.memory_space<smem>>
    %add3A_266 = vector.broadcast %get3A_265 : f32 to vector<1024x128xf32>
    %add3A_267 = arith.addf %mul3A_262, %add3A_266 : vector<1024x128xf32>
    %max3A_268 = arith.constant 0.000000e+00 : f32
    %max3A_269 = vector.broadcast %max3A_268 : f32 to vector<1024x128xf32>
    %max3A_270 = arith.maximumf %add3A_267, %max3A_269 : vector<1024x128xf32>
    %get3A_271 = arith.constant 0 : index
    %get3A_272 = arith.constant 4 : index
    %get3A_273 = memref.load %arg1[%get3A_271, %get3A_272] : memref<3x8xf32, #tpu.memory_space<smem>>
    %convert_element_type3A_274 = arith.truncf %get3A_273 : f32 to bf16
    %convert_element_type3A_275 = arith.extf %convert_element_type3A_274 : bf16 to f32
    %mul3A_276 = vector.broadcast %convert_element_type3A_275 : f32 to vector<1024x128xf32>
    %mul3A_277 = arith.mulf %convert_element_type3A_14, %mul3A_276 : vector<1024x128xf32>
    %get3A_278 = arith.constant 1 : index
    %get3A_279 = arith.constant 4 : index
    %get3A_280 = memref.load %arg1[%get3A_278, %get3A_279] : memref<3x8xf32, #tpu.memory_space<smem>>
    %convert_element_type3A_281 = arith.truncf %get3A_280 : f32 to bf16
    %convert_element_type3A_282 = arith.extf %convert_element_type3A_281 : bf16 to f32
    %mul3A_283 = vector.broadcast %convert_element_type3A_282 : f32 to vector<1024x128xf32>
    %mul3A_284 = arith.mulf %convert_element_type3A_16, %mul3A_283 : vector<1024x128xf32>
    %add3A_285 = arith.addf %mul3A_277, %mul3A_284 : vector<1024x128xf32>
    %get3A_286 = arith.constant 2 : index
    %get3A_287 = arith.constant 4 : index
    %get3A_288 = memref.load %arg1[%get3A_286, %get3A_287] : memref<3x8xf32, #tpu.memory_space<smem>>
    %convert_element_type3A_289 = arith.truncf %get3A_288 : f32 to bf16
    %convert_element_type3A_290 = arith.extf %convert_element_type3A_289 : bf16 to f32
    %mul3A_291 = vector.broadcast %convert_element_type3A_290 : f32 to vector<1024x128xf32>
    %mul3A_292 = arith.mulf %convert_element_type3A_18, %mul3A_291 : vector<1024x128xf32>
    %add3A_293 = arith.addf %add3A_285, %mul3A_292 : vector<1024x128xf32>
    %get3A_294 = arith.constant 0 : index
    %get3A_295 = arith.constant 4 : index
    %get3A_296 = memref.load %arg2[%get3A_294, %get3A_295] : memref<1x8xf32, #tpu.memory_space<smem>>
    %add3A_297 = vector.broadcast %get3A_296 : f32 to vector<1024x128xf32>
    %add3A_298 = arith.addf %add3A_293, %add3A_297 : vector<1024x128xf32>
    %reduce_sum3A_299 = vector.shape_cast %add3A_298 : vector<1024x128xf32> to vector<1x1024x128xf32>
    %reduce_sum3A_300 = arith.constant dense<0.000000e+00> : vector<1xf32>
    %reduce_sum3A_301 = vector.multi_reduction <add>, %reduce_sum3A_299, %reduce_sum3A_300 [1, 2] : vector<1x1024x128xf32> to vector<1xf32>
    %reduce_sum3A_302 = vector.shape_cast %reduce_sum3A_301 : vector<1xf32> to vector<1x1x1xf32>
    %reduce_sum3A_303 = vector.extract %reduce_sum3A_302[0, 0, 0] : f32 from vector<1x1x1xf32>
    %div3A_304 = arith.constant 1.310720e+05 : f32
    %div3A_305 = arith.divf %reduce_sum3A_303, %div3A_304 : f32
    %sub3A_306 = vector.broadcast %div3A_305 : f32 to vector<1024x128xf32>
    %sub3A_307 = arith.subf %add3A_298, %sub3A_306 : vector<1024x128xf32>
    %integer_pow3A_308 = arith.mulf %sub3A_307, %sub3A_307 : vector<1024x128xf32>
    %reduce_sum3A_309 = vector.shape_cast %integer_pow3A_308 : vector<1024x128xf32> to vector<1x1024x128xf32>
    %reduce_sum3A_310 = arith.constant dense<0.000000e+00> : vector<1xf32>
    %reduce_sum3A_311 = vector.multi_reduction <add>, %reduce_sum3A_309, %reduce_sum3A_310 [1, 2] : vector<1x1024x128xf32> to vector<1xf32>
    %reduce_sum3A_312 = vector.shape_cast %reduce_sum3A_311 : vector<1xf32> to vector<1x1x1xf32>
    %reduce_sum3A_313 = vector.extract %reduce_sum3A_312[0, 0, 0] : f32 from vector<1x1x1xf32>
    %div3A_314 = arith.constant 1.310720e+05 : f32
    %div3A_315 = arith.divf %reduce_sum3A_313, %div3A_314 : f32
    %sub3A_316 = vector.broadcast %div3A_305 : f32 to vector<1024x128xf32>
    %sub3A_317 = arith.subf %add3A_298, %sub3A_316 : vector<1024x128xf32>
    %add3A_318 = arith.constant 9.99999974E-6 : f32
    %add3A_319 = arith.addf %div3A_315, %add3A_318 : f32
    %sqrt3A_320 = math.sqrt %add3A_319 : f32
    %div3A_321 = vector.broadcast %sqrt3A_320 : f32 to vector<1024x128xf32>
    %div3A_322 = arith.divf %sub3A_317, %div3A_321 : vector<1024x128xf32>
    %get3A_323 = arith.constant 0 : index
    %get3A_324 = arith.constant 4 : index
    %get3A_325 = memref.load %arg3[%get3A_323, %get3A_324] : memref<1x8xf32, #tpu.memory_space<smem>>
    %mul3A_326 = vector.broadcast %get3A_325 : f32 to vector<1024x128xf32>
    %mul3A_327 = arith.mulf %div3A_322, %mul3A_326 : vector<1024x128xf32>
    %get3A_328 = arith.constant 0 : index
    %get3A_329 = arith.constant 4 : index
    %get3A_330 = memref.load %arg4[%get3A_328, %get3A_329] : memref<1x8xf32, #tpu.memory_space<smem>>
    %add3A_331 = vector.broadcast %get3A_330 : f32 to vector<1024x128xf32>
    %add3A_332 = arith.addf %mul3A_327, %add3A_331 : vector<1024x128xf32>
    %max3A_333 = arith.constant 0.000000e+00 : f32
    %max3A_334 = vector.broadcast %max3A_333 : f32 to vector<1024x128xf32>
    %max3A_335 = arith.maximumf %add3A_332, %max3A_334 : vector<1024x128xf32>
    %get3A_336 = arith.constant 0 : index
    %get3A_337 = arith.constant 5 : index
    %get3A_338 = memref.load %arg1[%get3A_336, %get3A_337] : memref<3x8xf32, #tpu.memory_space<smem>>
    %convert_element_type3A_339 = arith.truncf %get3A_338 : f32 to bf16
    %convert_element_type3A_340 = arith.extf %convert_element_type3A_339 : bf16 to f32
    %mul3A_341 = vector.broadcast %convert_element_type3A_340 : f32 to vector<1024x128xf32>
    %mul3A_342 = arith.mulf %convert_element_type3A_14, %mul3A_341 : vector<1024x128xf32>
    %get3A_343 = arith.constant 1 : index
    %get3A_344 = arith.constant 5 : index
    %get3A_345 = memref.load %arg1[%get3A_343, %get3A_344] : memref<3x8xf32, #tpu.memory_space<smem>>
    %convert_element_type3A_346 = arith.truncf %get3A_345 : f32 to bf16
    %convert_element_type3A_347 = arith.extf %convert_element_type3A_346 : bf16 to f32
    %mul3A_348 = vector.broadcast %convert_element_type3A_347 : f32 to vector<1024x128xf32>
    %mul3A_349 = arith.mulf %convert_element_type3A_16, %mul3A_348 : vector<1024x128xf32>
    %add3A_350 = arith.addf %mul3A_342, %mul3A_349 : vector<1024x128xf32>
    %get3A_351 = arith.constant 2 : index
    %get3A_352 = arith.constant 5 : index
    %get3A_353 = memref.load %arg1[%get3A_351, %get3A_352] : memref<3x8xf32, #tpu.memory_space<smem>>
    %convert_element_type3A_354 = arith.truncf %get3A_353 : f32 to bf16
    %convert_element_type3A_355 = arith.extf %convert_element_type3A_354 : bf16 to f32
    %mul3A_356 = vector.broadcast %convert_element_type3A_355 : f32 to vector<1024x128xf32>
    %mul3A_357 = arith.mulf %convert_element_type3A_18, %mul3A_356 : vector<1024x128xf32>
    %add3A_358 = arith.addf %add3A_350, %mul3A_357 : vector<1024x128xf32>
    %get3A_359 = arith.constant 0 : index
    %get3A_360 = arith.constant 5 : index
    %get3A_361 = memref.load %arg2[%get3A_359, %get3A_360] : memref<1x8xf32, #tpu.memory_space<smem>>
    %add3A_362 = vector.broadcast %get3A_361 : f32 to vector<1024x128xf32>
    %add3A_363 = arith.addf %add3A_358, %add3A_362 : vector<1024x128xf32>
    %reduce_sum3A_364 = vector.shape_cast %add3A_363 : vector<1024x128xf32> to vector<1x1024x128xf32>
    %reduce_sum3A_365 = arith.constant dense<0.000000e+00> : vector<1xf32>
    %reduce_sum3A_366 = vector.multi_reduction <add>, %reduce_sum3A_364, %reduce_sum3A_365 [1, 2] : vector<1x1024x128xf32> to vector<1xf32>
    %reduce_sum3A_367 = vector.shape_cast %reduce_sum3A_366 : vector<1xf32> to vector<1x1x1xf32>
    %reduce_sum3A_368 = vector.extract %reduce_sum3A_367[0, 0, 0] : f32 from vector<1x1x1xf32>
    %div3A_369 = arith.constant 1.310720e+05 : f32
    %div3A_370 = arith.divf %reduce_sum3A_368, %div3A_369 : f32
    %sub3A_371 = vector.broadcast %div3A_370 : f32 to vector<1024x128xf32>
    %sub3A_372 = arith.subf %add3A_363, %sub3A_371 : vector<1024x128xf32>
    %integer_pow3A_373 = arith.mulf %sub3A_372, %sub3A_372 : vector<1024x128xf32>
    %reduce_sum3A_374 = vector.shape_cast %integer_pow3A_373 : vector<1024x128xf32> to vector<1x1024x128xf32>
    %reduce_sum3A_375 = arith.constant dense<0.000000e+00> : vector<1xf32>
    %reduce_sum3A_376 = vector.multi_reduction <add>, %reduce_sum3A_374, %reduce_sum3A_375 [1, 2] : vector<1x1024x128xf32> to vector<1xf32>
    %reduce_sum3A_377 = vector.shape_cast %reduce_sum3A_376 : vector<1xf32> to vector<1x1x1xf32>
    %reduce_sum3A_378 = vector.extract %reduce_sum3A_377[0, 0, 0] : f32 from vector<1x1x1xf32>
    %div3A_379 = arith.constant 1.310720e+05 : f32
    %div3A_380 = arith.divf %reduce_sum3A_378, %div3A_379 : f32
    %sub3A_381 = vector.broadcast %div3A_370 : f32 to vector<1024x128xf32>
    %sub3A_382 = arith.subf %add3A_363, %sub3A_381 : vector<1024x128xf32>
    %add3A_383 = arith.constant 9.99999974E-6 : f32
    %add3A_384 = arith.addf %div3A_380, %add3A_383 : f32
    %sqrt3A_385 = math.sqrt %add3A_384 : f32
    %div3A_386 = vector.broadcast %sqrt3A_385 : f32 to vector<1024x128xf32>
    %div3A_387 = arith.divf %sub3A_382, %div3A_386 : vector<1024x128xf32>
    %get3A_388 = arith.constant 0 : index
    %get3A_389 = arith.constant 5 : index
    %get3A_390 = memref.load %arg3[%get3A_388, %get3A_389] : memref<1x8xf32, #tpu.memory_space<smem>>
    %mul3A_391 = vector.broadcast %get3A_390 : f32 to vector<1024x128xf32>
    %mul3A_392 = arith.mulf %div3A_387, %mul3A_391 : vector<1024x128xf32>
    %get3A_393 = arith.constant 0 : index
    %get3A_394 = arith.constant 5 : index
    %get3A_395 = memref.load %arg4[%get3A_393, %get3A_394] : memref<1x8xf32, #tpu.memory_space<smem>>
    %add3A_396 = vector.broadcast %get3A_395 : f32 to vector<1024x128xf32>
    %add3A_397 = arith.addf %mul3A_392, %add3A_396 : vector<1024x128xf32>
    %max3A_398 = arith.constant 0.000000e+00 : f32
    %max3A_399 = vector.broadcast %max3A_398 : f32 to vector<1024x128xf32>
    %max3A_400 = arith.maximumf %add3A_397, %max3A_399 : vector<1024x128xf32>
    %get3A_401 = arith.constant 0 : index
    %get3A_402 = arith.constant 6 : index
    %get3A_403 = memref.load %arg1[%get3A_401, %get3A_402] : memref<3x8xf32, #tpu.memory_space<smem>>
    %convert_element_type3A_404 = arith.truncf %get3A_403 : f32 to bf16
    %convert_element_type3A_405 = arith.extf %convert_element_type3A_404 : bf16 to f32
    %mul3A_406 = vector.broadcast %convert_element_type3A_405 : f32 to vector<1024x128xf32>
    %mul3A_407 = arith.mulf %convert_element_type3A_14, %mul3A_406 : vector<1024x128xf32>
    %get3A_408 = arith.constant 1 : index
    %get3A_409 = arith.constant 6 : index
    %get3A_410 = memref.load %arg1[%get3A_408, %get3A_409] : memref<3x8xf32, #tpu.memory_space<smem>>
    %convert_element_type3A_411 = arith.truncf %get3A_410 : f32 to bf16
    %convert_element_type3A_412 = arith.extf %convert_element_type3A_411 : bf16 to f32
    %mul3A_413 = vector.broadcast %convert_element_type3A_412 : f32 to vector<1024x128xf32>
    %mul3A_414 = arith.mulf %convert_element_type3A_16, %mul3A_413 : vector<1024x128xf32>
    %add3A_415 = arith.addf %mul3A_407, %mul3A_414 : vector<1024x128xf32>
    %get3A_416 = arith.constant 2 : index
    %get3A_417 = arith.constant 6 : index
    %get3A_418 = memref.load %arg1[%get3A_416, %get3A_417] : memref<3x8xf32, #tpu.memory_space<smem>>
    %convert_element_type3A_419 = arith.truncf %get3A_418 : f32 to bf16
    %convert_element_type3A_420 = arith.extf %convert_element_type3A_419 : bf16 to f32
    %mul3A_421 = vector.broadcast %convert_element_type3A_420 : f32 to vector<1024x128xf32>
    %mul3A_422 = arith.mulf %convert_element_type3A_18, %mul3A_421 : vector<1024x128xf32>
    %add3A_423 = arith.addf %add3A_415, %mul3A_422 : vector<1024x128xf32>
    %get3A_424 = arith.constant 0 : index
    %get3A_425 = arith.constant 6 : index
    %get3A_426 = memref.load %arg2[%get3A_424, %get3A_425] : memref<1x8xf32, #tpu.memory_space<smem>>
    %add3A_427 = vector.broadcast %get3A_426 : f32 to vector<1024x128xf32>
    %add3A_428 = arith.addf %add3A_423, %add3A_427 : vector<1024x128xf32>
    %reduce_sum3A_429 = vector.shape_cast %add3A_428 : vector<1024x128xf32> to vector<1x1024x128xf32>
    %reduce_sum3A_430 = arith.constant dense<0.000000e+00> : vector<1xf32>
    %reduce_sum3A_431 = vector.multi_reduction <add>, %reduce_sum3A_429, %reduce_sum3A_430 [1, 2] : vector<1x1024x128xf32> to vector<1xf32>
    %reduce_sum3A_432 = vector.shape_cast %reduce_sum3A_431 : vector<1xf32> to vector<1x1x1xf32>
    %reduce_sum3A_433 = vector.extract %reduce_sum3A_432[0, 0, 0] : f32 from vector<1x1x1xf32>
    %div3A_434 = arith.constant 1.310720e+05 : f32
    %div3A_435 = arith.divf %reduce_sum3A_433, %div3A_434 : f32
    %sub3A_436 = vector.broadcast %div3A_435 : f32 to vector<1024x128xf32>
    %sub3A_437 = arith.subf %add3A_428, %sub3A_436 : vector<1024x128xf32>
    %integer_pow3A_438 = arith.mulf %sub3A_437, %sub3A_437 : vector<1024x128xf32>
    %reduce_sum3A_439 = vector.shape_cast %integer_pow3A_438 : vector<1024x128xf32> to vector<1x1024x128xf32>
    %reduce_sum3A_440 = arith.constant dense<0.000000e+00> : vector<1xf32>
    %reduce_sum3A_441 = vector.multi_reduction <add>, %reduce_sum3A_439, %reduce_sum3A_440 [1, 2] : vector<1x1024x128xf32> to vector<1xf32>
    %reduce_sum3A_442 = vector.shape_cast %reduce_sum3A_441 : vector<1xf32> to vector<1x1x1xf32>
    %reduce_sum3A_443 = vector.extract %reduce_sum3A_442[0, 0, 0] : f32 from vector<1x1x1xf32>
    %div3A_444 = arith.constant 1.310720e+05 : f32
    %div3A_445 = arith.divf %reduce_sum3A_443, %div3A_444 : f32
    %sub3A_446 = vector.broadcast %div3A_435 : f32 to vector<1024x128xf32>
    %sub3A_447 = arith.subf %add3A_428, %sub3A_446 : vector<1024x128xf32>
    %add3A_448 = arith.constant 9.99999974E-6 : f32
    %add3A_449 = arith.addf %div3A_445, %add3A_448 : f32
    %sqrt3A_450 = math.sqrt %add3A_449 : f32
    %div3A_451 = vector.broadcast %sqrt3A_450 : f32 to vector<1024x128xf32>
    %div3A_452 = arith.divf %sub3A_447, %div3A_451 : vector<1024x128xf32>
    %get3A_453 = arith.constant 0 : index
    %get3A_454 = arith.constant 6 : index
    %get3A_455 = memref.load %arg3[%get3A_453, %get3A_454] : memref<1x8xf32, #tpu.memory_space<smem>>
    %mul3A_456 = vector.broadcast %get3A_455 : f32 to vector<1024x128xf32>
    %mul3A_457 = arith.mulf %div3A_452, %mul3A_456 : vector<1024x128xf32>
    %get3A_458 = arith.constant 0 : index
    %get3A_459 = arith.constant 6 : index
    %get3A_460 = memref.load %arg4[%get3A_458, %get3A_459] : memref<1x8xf32, #tpu.memory_space<smem>>
    %add3A_461 = vector.broadcast %get3A_460 : f32 to vector<1024x128xf32>
    %add3A_462 = arith.addf %mul3A_457, %add3A_461 : vector<1024x128xf32>
    %max3A_463 = arith.constant 0.000000e+00 : f32
    %max3A_464 = vector.broadcast %max3A_463 : f32 to vector<1024x128xf32>
    %max3A_465 = arith.maximumf %add3A_462, %max3A_464 : vector<1024x128xf32>
    %get3A_466 = arith.constant 0 : index
    %get3A_467 = arith.constant 7 : index
    %get3A_468 = memref.load %arg1[%get3A_466, %get3A_467] : memref<3x8xf32, #tpu.memory_space<smem>>
    %convert_element_type3A_469 = arith.truncf %get3A_468 : f32 to bf16
    %convert_element_type3A_470 = arith.extf %convert_element_type3A_469 : bf16 to f32
    %mul3A_471 = vector.broadcast %convert_element_type3A_470 : f32 to vector<1024x128xf32>
    %mul3A_472 = arith.mulf %convert_element_type3A_14, %mul3A_471 : vector<1024x128xf32>
    %get3A_473 = arith.constant 1 : index
    %get3A_474 = arith.constant 7 : index
    %get3A_475 = memref.load %arg1[%get3A_473, %get3A_474] : memref<3x8xf32, #tpu.memory_space<smem>>
    %convert_element_type3A_476 = arith.truncf %get3A_475 : f32 to bf16
    %convert_element_type3A_477 = arith.extf %convert_element_type3A_476 : bf16 to f32
    %mul3A_478 = vector.broadcast %convert_element_type3A_477 : f32 to vector<1024x128xf32>
    %mul3A_479 = arith.mulf %convert_element_type3A_16, %mul3A_478 : vector<1024x128xf32>
    %add3A_480 = arith.addf %mul3A_472, %mul3A_479 : vector<1024x128xf32>
    %get3A_481 = arith.constant 2 : index
    %get3A_482 = arith.constant 7 : index
    %get3A_483 = memref.load %arg1[%get3A_481, %get3A_482] : memref<3x8xf32, #tpu.memory_space<smem>>
    %convert_element_type3A_484 = arith.truncf %get3A_483 : f32 to bf16
    %convert_element_type3A_485 = arith.extf %convert_element_type3A_484 : bf16 to f32
    %mul3A_486 = vector.broadcast %convert_element_type3A_485 : f32 to vector<1024x128xf32>
    %mul3A_487 = arith.mulf %convert_element_type3A_18, %mul3A_486 : vector<1024x128xf32>
    %add3A_488 = arith.addf %add3A_480, %mul3A_487 : vector<1024x128xf32>
    %get3A_489 = arith.constant 0 : index
    %get3A_490 = arith.constant 7 : index
    %get3A_491 = memref.load %arg2[%get3A_489, %get3A_490] : memref<1x8xf32, #tpu.memory_space<smem>>
    %add3A_492 = vector.broadcast %get3A_491 : f32 to vector<1024x128xf32>
    %add3A_493 = arith.addf %add3A_488, %add3A_492 : vector<1024x128xf32>
    %reduce_sum3A_494 = vector.shape_cast %add3A_493 : vector<1024x128xf32> to vector<1x1024x128xf32>
    %reduce_sum3A_495 = arith.constant dense<0.000000e+00> : vector<1xf32>
    %reduce_sum3A_496 = vector.multi_reduction <add>, %reduce_sum3A_494, %reduce_sum3A_495 [1, 2] : vector<1x1024x128xf32> to vector<1xf32>
    %reduce_sum3A_497 = vector.shape_cast %reduce_sum3A_496 : vector<1xf32> to vector<1x1x1xf32>
    %reduce_sum3A_498 = vector.extract %reduce_sum3A_497[0, 0, 0] : f32 from vector<1x1x1xf32>
    %div3A_499 = arith.constant 1.310720e+05 : f32
    %div3A_500 = arith.divf %reduce_sum3A_498, %div3A_499 : f32
    %sub3A_501 = vector.broadcast %div3A_500 : f32 to vector<1024x128xf32>
    %sub3A_502 = arith.subf %add3A_493, %sub3A_501 : vector<1024x128xf32>
    %integer_pow3A_503 = arith.mulf %sub3A_502, %sub3A_502 : vector<1024x128xf32>
    %reduce_sum3A_504 = vector.shape_cast %integer_pow3A_503 : vector<1024x128xf32> to vector<1x1024x128xf32>
    %reduce_sum3A_505 = arith.constant dense<0.000000e+00> : vector<1xf32>
    %reduce_sum3A_506 = vector.multi_reduction <add>, %reduce_sum3A_504, %reduce_sum3A_505 [1, 2] : vector<1x1024x128xf32> to vector<1xf32>
    %reduce_sum3A_507 = vector.shape_cast %reduce_sum3A_506 : vector<1xf32> to vector<1x1x1xf32>
    %reduce_sum3A_508 = vector.extract %reduce_sum3A_507[0, 0, 0] : f32 from vector<1x1x1xf32>
    %div3A_509 = arith.constant 1.310720e+05 : f32
    %div3A_510 = arith.divf %reduce_sum3A_508, %div3A_509 : f32
    %sub3A_511 = vector.broadcast %div3A_500 : f32 to vector<1024x128xf32>
    %sub3A_512 = arith.subf %add3A_493, %sub3A_511 : vector<1024x128xf32>
    %add3A_513 = arith.constant 9.99999974E-6 : f32
    %add3A_514 = arith.addf %div3A_510, %add3A_513 : f32
    %sqrt3A_515 = math.sqrt %add3A_514 : f32
    %div3A_516 = vector.broadcast %sqrt3A_515 : f32 to vector<1024x128xf32>
    %div3A_517 = arith.divf %sub3A_512, %div3A_516 : vector<1024x128xf32>
    %get3A_518 = arith.constant 0 : index
    %get3A_519 = arith.constant 7 : index
    %get3A_520 = memref.load %arg3[%get3A_518, %get3A_519] : memref<1x8xf32, #tpu.memory_space<smem>>
    %mul3A_521 = vector.broadcast %get3A_520 : f32 to vector<1024x128xf32>
    %mul3A_522 = arith.mulf %div3A_517, %mul3A_521 : vector<1024x128xf32>
    %get3A_523 = arith.constant 0 : index
    %get3A_524 = arith.constant 7 : index
    %get3A_525 = memref.load %arg4[%get3A_523, %get3A_524] : memref<1x8xf32, #tpu.memory_space<smem>>
    %add3A_526 = vector.broadcast %get3A_525 : f32 to vector<1024x128xf32>
    %add3A_527 = arith.addf %mul3A_522, %add3A_526 : vector<1024x128xf32>
    %max3A_528 = arith.constant 0.000000e+00 : f32
    %max3A_529 = vector.broadcast %max3A_528 : f32 to vector<1024x128xf32>
    %max3A_530 = arith.maximumf %add3A_527, %max3A_529 : vector<1024x128xf32>
    %convert_element_type3A_531 = arith.truncf %max3A_75 : vector<1024x128xf32> to vector<1024x128xbf16>
    %convert_element_type3A_532 = arith.extf %convert_element_type3A_531 : vector<1024x128xbf16> to vector<1024x128xf32>
    %convert_element_type3A_533 = arith.truncf %max3A_140 : vector<1024x128xf32> to vector<1024x128xbf16>
    %convert_element_type3A_534 = arith.extf %convert_element_type3A_533 : vector<1024x128xbf16> to vector<1024x128xf32>
    %convert_element_type3A_535 = arith.truncf %max3A_205 : vector<1024x128xf32> to vector<1024x128xbf16>
    %convert_element_type3A_536 = arith.extf %convert_element_type3A_535 : vector<1024x128xbf16> to vector<1024x128xf32>
    %convert_element_type3A_537 = arith.truncf %max3A_270 : vector<1024x128xf32> to vector<1024x128xbf16>
    %convert_element_type3A_538 = arith.extf %convert_element_type3A_537 : vector<1024x128xbf16> to vector<1024x128xf32>
    %convert_element_type3A_539 = arith.truncf %max3A_335 : vector<1024x128xf32> to vector<1024x128xbf16>
    %convert_element_type3A_540 = arith.extf %convert_element_type3A_539 : vector<1024x128xbf16> to vector<1024x128xf32>
    %convert_element_type3A_541 = arith.truncf %max3A_400 : vector<1024x128xf32> to vector<1024x128xbf16>
    %convert_element_type3A_542 = arith.extf %convert_element_type3A_541 : vector<1024x128xbf16> to vector<1024x128xf32>
    %convert_element_type3A_543 = arith.truncf %max3A_465 : vector<1024x128xf32> to vector<1024x128xbf16>
    %convert_element_type3A_544 = arith.extf %convert_element_type3A_543 : vector<1024x128xbf16> to vector<1024x128xf32>
    %convert_element_type3A_545 = arith.truncf %max3A_530 : vector<1024x128xf32> to vector<1024x128xbf16>
    %convert_element_type3A_546 = arith.extf %convert_element_type3A_545 : vector<1024x128xbf16> to vector<1024x128xf32>
    %get3A_547 = arith.constant 0 : index
    %get3A_548 = arith.constant 0 : index
    %get3A_549 = memref.load %arg5[%get3A_547, %get3A_548] : memref<8x8xf32, #tpu.memory_space<smem>>
    %convert_element_type3A_550 = arith.truncf %get3A_549 : f32 to bf16
    %convert_element_type3A_551 = arith.extf %convert_element_type3A_550 : bf16 to f32
    %mul3A_552 = vector.broadcast %convert_element_type3A_551 : f32 to vector<1024x128xf32>
    %mul3A_553 = arith.mulf %convert_element_type3A_532, %mul3A_552 : vector<1024x128xf32>
    %get3A_554 = arith.constant 1 : index
    %get3A_555 = arith.constant 0 : index
    %get3A_556 = memref.load %arg5[%get3A_554, %get3A_555] : memref<8x8xf32, #tpu.memory_space<smem>>
    %convert_element_type3A_557 = arith.truncf %get3A_556 : f32 to bf16
    %convert_element_type3A_558 = arith.extf %convert_element_type3A_557 : bf16 to f32
    %mul3A_559 = vector.broadcast %convert_element_type3A_558 : f32 to vector<1024x128xf32>
    %mul3A_560 = arith.mulf %convert_element_type3A_534, %mul3A_559 : vector<1024x128xf32>
    %add3A_561 = arith.addf %mul3A_553, %mul3A_560 : vector<1024x128xf32>
    %get3A_562 = arith.constant 2 : index
    %get3A_563 = arith.constant 0 : index
    %get3A_564 = memref.load %arg5[%get3A_562, %get3A_563] : memref<8x8xf32, #tpu.memory_space<smem>>
    %convert_element_type3A_565 = arith.truncf %get3A_564 : f32 to bf16
    %convert_element_type3A_566 = arith.extf %convert_element_type3A_565 : bf16 to f32
    %mul3A_567 = vector.broadcast %convert_element_type3A_566 : f32 to vector<1024x128xf32>
    %mul3A_568 = arith.mulf %convert_element_type3A_536, %mul3A_567 : vector<1024x128xf32>
    %add3A_569 = arith.addf %add3A_561, %mul3A_568 : vector<1024x128xf32>
    %get3A_570 = arith.constant 3 : index
    %get3A_571 = arith.constant 0 : index
    %get3A_572 = memref.load %arg5[%get3A_570, %get3A_571] : memref<8x8xf32, #tpu.memory_space<smem>>
    %convert_element_type3A_573 = arith.truncf %get3A_572 : f32 to bf16
    %convert_element_type3A_574 = arith.extf %convert_element_type3A_573 : bf16 to f32
    %mul3A_575 = vector.broadcast %convert_element_type3A_574 : f32 to vector<1024x128xf32>
    %mul3A_576 = arith.mulf %convert_element_type3A_538, %mul3A_575 : vector<1024x128xf32>
    %add3A_577 = arith.addf %add3A_569, %mul3A_576 : vector<1024x128xf32>
    %get3A_578 = arith.constant 4 : index
    %get3A_579 = arith.constant 0 : index
    %get3A_580 = memref.load %arg5[%get3A_578, %get3A_579] : memref<8x8xf32, #tpu.memory_space<smem>>
    %convert_element_type3A_581 = arith.truncf %get3A_580 : f32 to bf16
    %convert_element_type3A_582 = arith.extf %convert_element_type3A_581 : bf16 to f32
    %mul3A_583 = vector.broadcast %convert_element_type3A_582 : f32 to vector<1024x128xf32>
    %mul3A_584 = arith.mulf %convert_element_type3A_540, %mul3A_583 : vector<1024x128xf32>
    %add3A_585 = arith.addf %add3A_577, %mul3A_584 : vector<1024x128xf32>
    %get3A_586 = arith.constant 5 : index
    %get3A_587 = arith.constant 0 : index
    %get3A_588 = memref.load %arg5[%get3A_586, %get3A_587] : memref<8x8xf32, #tpu.memory_space<smem>>
    %convert_element_type3A_589 = arith.truncf %get3A_588 : f32 to bf16
    %convert_element_type3A_590 = arith.extf %convert_element_type3A_589 : bf16 to f32
    %mul3A_591 = vector.broadcast %convert_element_type3A_590 : f32 to vector<1024x128xf32>
    %mul3A_592 = arith.mulf %convert_element_type3A_542, %mul3A_591 : vector<1024x128xf32>
    %add3A_593 = arith.addf %add3A_585, %mul3A_592 : vector<1024x128xf32>
    %get3A_594 = arith.constant 6 : index
    %get3A_595 = arith.constant 0 : index
    %get3A_596 = memref.load %arg5[%get3A_594, %get3A_595] : memref<8x8xf32, #tpu.memory_space<smem>>
    %convert_element_type3A_597 = arith.truncf %get3A_596 : f32 to bf16
    %convert_element_type3A_598 = arith.extf %convert_element_type3A_597 : bf16 to f32
    %mul3A_599 = vector.broadcast %convert_element_type3A_598 : f32 to vector<1024x128xf32>
    %mul3A_600 = arith.mulf %convert_element_type3A_544, %mul3A_599 : vector<1024x128xf32>
    %add3A_601 = arith.addf %add3A_593, %mul3A_600 : vector<1024x128xf32>
    %get3A_602 = arith.constant 7 : index
    %get3A_603 = arith.constant 0 : index
    %get3A_604 = memref.load %arg5[%get3A_602, %get3A_603] : memref<8x8xf32, #tpu.memory_space<smem>>
    %convert_element_type3A_605 = arith.truncf %get3A_604 : f32 to bf16
    %convert_element_type3A_606 = arith.extf %convert_element_type3A_605 : bf16 to f32
    %mul3A_607 = vector.broadcast %convert_element_type3A_606 : f32 to vector<1024x128xf32>
    %mul3A_608 = arith.mulf %convert_element_type3A_546, %mul3A_607 : vector<1024x128xf32>
    %add3A_609 = arith.addf %add3A_601, %mul3A_608 : vector<1024x128xf32>
    %get3A_610 = arith.constant 0 : index
    %get3A_611 = arith.constant 0 : index
    %get3A_612 = memref.load %arg6[%get3A_610, %get3A_611] : memref<1x8xf32, #tpu.memory_space<smem>>
    %add3A_613 = vector.broadcast %get3A_612 : f32 to vector<1024x128xf32>
    %add3A_614 = arith.addf %add3A_609, %add3A_613 : vector<1024x128xf32>
    %reduce_sum3A_615 = vector.shape_cast %add3A_614 : vector<1024x128xf32> to vector<1x1024x128xf32>
    %reduce_sum3A_616 = arith.constant dense<0.000000e+00> : vector<1xf32>
    %reduce_sum3A_617 = vector.multi_reduction <add>, %reduce_sum3A_615, %reduce_sum3A_616 [1, 2] : vector<1x1024x128xf32> to vector<1xf32>
    %reduce_sum3A_618 = vector.shape_cast %reduce_sum3A_617 : vector<1xf32> to vector<1x1x1xf32>
    %reduce_sum3A_619 = vector.extract %reduce_sum3A_618[0, 0, 0] : f32 from vector<1x1x1xf32>
    %div3A_620 = arith.constant 1.310720e+05 : f32
    %div3A_621 = arith.divf %reduce_sum3A_619, %div3A_620 : f32
    %sub3A_622 = vector.broadcast %div3A_621 : f32 to vector<1024x128xf32>
    %sub3A_623 = arith.subf %add3A_614, %sub3A_622 : vector<1024x128xf32>
    %integer_pow3A_624 = arith.mulf %sub3A_623, %sub3A_623 : vector<1024x128xf32>
    %reduce_sum3A_625 = vector.shape_cast %integer_pow3A_624 : vector<1024x128xf32> to vector<1x1024x128xf32>
    %reduce_sum3A_626 = arith.constant dense<0.000000e+00> : vector<1xf32>
    %reduce_sum3A_627 = vector.multi_reduction <add>, %reduce_sum3A_625, %reduce_sum3A_626 [1, 2] : vector<1x1024x128xf32> to vector<1xf32>
    %reduce_sum3A_628 = vector.shape_cast %reduce_sum3A_627 : vector<1xf32> to vector<1x1x1xf32>
    %reduce_sum3A_629 = vector.extract %reduce_sum3A_628[0, 0, 0] : f32 from vector<1x1x1xf32>
    %div3A_630 = arith.constant 1.310720e+05 : f32
    %div3A_631 = arith.divf %reduce_sum3A_629, %div3A_630 : f32
    %sub3A_632 = vector.broadcast %div3A_621 : f32 to vector<1024x128xf32>
    %sub3A_633 = arith.subf %add3A_614, %sub3A_632 : vector<1024x128xf32>
    %add3A_634 = arith.constant 9.99999974E-6 : f32
    %add3A_635 = arith.addf %div3A_631, %add3A_634 : f32
    %sqrt3A_636 = math.sqrt %add3A_635 : f32
    %div3A_637 = vector.broadcast %sqrt3A_636 : f32 to vector<1024x128xf32>
    %div3A_638 = arith.divf %sub3A_633, %div3A_637 : vector<1024x128xf32>
    %get3A_639 = arith.constant 0 : index
    %get3A_640 = arith.constant 0 : index
    %get3A_641 = memref.load %arg7[%get3A_639, %get3A_640] : memref<1x8xf32, #tpu.memory_space<smem>>
    %mul3A_642 = vector.broadcast %get3A_641 : f32 to vector<1024x128xf32>
    %mul3A_643 = arith.mulf %div3A_638, %mul3A_642 : vector<1024x128xf32>
    %get3A_644 = arith.constant 0 : index
    %get3A_645 = arith.constant 0 : index
    %get3A_646 = memref.load %arg8[%get3A_644, %get3A_645] : memref<1x8xf32, #tpu.memory_space<smem>>
    %add3A_647 = vector.broadcast %get3A_646 : f32 to vector<1024x128xf32>
    %add3A_648 = arith.addf %mul3A_643, %add3A_647 : vector<1024x128xf32>
    %max3A_649 = arith.constant 0.000000e+00 : f32
    %max3A_650 = vector.broadcast %max3A_649 : f32 to vector<1024x128xf32>
    %max3A_651 = arith.maximumf %add3A_648, %max3A_650 : vector<1024x128xf32>
    %get3A_652 = arith.constant 0 : index
    %get3A_653 = arith.constant 1 : index
    %get3A_654 = memref.load %arg5[%get3A_652, %get3A_653] : memref<8x8xf32, #tpu.memory_space<smem>>
    %convert_element_type3A_655 = arith.truncf %get3A_654 : f32 to bf16
    %convert_element_type3A_656 = arith.extf %convert_element_type3A_655 : bf16 to f32
    %mul3A_657 = vector.broadcast %convert_element_type3A_656 : f32 to vector<1024x128xf32>
    %mul3A_658 = arith.mulf %convert_element_type3A_532, %mul3A_657 : vector<1024x128xf32>
    %get3A_659 = arith.constant 1 : index
    %get3A_660 = arith.constant 1 : index
    %get3A_661 = memref.load %arg5[%get3A_659, %get3A_660] : memref<8x8xf32, #tpu.memory_space<smem>>
    %convert_element_type3A_662 = arith.truncf %get3A_661 : f32 to bf16
    %convert_element_type3A_663 = arith.extf %convert_element_type3A_662 : bf16 to f32
    %mul3A_664 = vector.broadcast %convert_element_type3A_663 : f32 to vector<1024x128xf32>
    %mul3A_665 = arith.mulf %convert_element_type3A_534, %mul3A_664 : vector<1024x128xf32>
    %add3A_666 = arith.addf %mul3A_658, %mul3A_665 : vector<1024x128xf32>
    %get3A_667 = arith.constant 2 : index
    %get3A_668 = arith.constant 1 : index
    %get3A_669 = memref.load %arg5[%get3A_667, %get3A_668] : memref<8x8xf32, #tpu.memory_space<smem>>
    %convert_element_type3A_670 = arith.truncf %get3A_669 : f32 to bf16
    %convert_element_type3A_671 = arith.extf %convert_element_type3A_670 : bf16 to f32
    %mul3A_672 = vector.broadcast %convert_element_type3A_671 : f32 to vector<1024x128xf32>
    %mul3A_673 = arith.mulf %convert_element_type3A_536, %mul3A_672 : vector<1024x128xf32>
    %add3A_674 = arith.addf %add3A_666, %mul3A_673 : vector<1024x128xf32>
    %get3A_675 = arith.constant 3 : index
    %get3A_676 = arith.constant 1 : index
    %get3A_677 = memref.load %arg5[%get3A_675, %get3A_676] : memref<8x8xf32, #tpu.memory_space<smem>>
    %convert_element_type3A_678 = arith.truncf %get3A_677 : f32 to bf16
    %convert_element_type3A_679 = arith.extf %convert_element_type3A_678 : bf16 to f32
    %mul3A_680 = vector.broadcast %convert_element_type3A_679 : f32 to vector<1024x128xf32>
    %mul3A_681 = arith.mulf %convert_element_type3A_538, %mul3A_680 : vector<1024x128xf32>
    %add3A_682 = arith.addf %add3A_674, %mul3A_681 : vector<1024x128xf32>
    %get3A_683 = arith.constant 4 : index
    %get3A_684 = arith.constant 1 : index
    %get3A_685 = memref.load %arg5[%get3A_683, %get3A_684] : memref<8x8xf32, #tpu.memory_space<smem>>
    %convert_element_type3A_686 = arith.truncf %get3A_685 : f32 to bf16
    %convert_element_type3A_687 = arith.extf %convert_element_type3A_686 : bf16 to f32
    %mul3A_688 = vector.broadcast %convert_element_type3A_687 : f32 to vector<1024x128xf32>
    %mul3A_689 = arith.mulf %convert_element_type3A_540, %mul3A_688 : vector<1024x128xf32>
    %add3A_690 = arith.addf %add3A_682, %mul3A_689 : vector<1024x128xf32>
    %get3A_691 = arith.constant 5 : index
    %get3A_692 = arith.constant 1 : index
    %get3A_693 = memref.load %arg5[%get3A_691, %get3A_692] : memref<8x8xf32, #tpu.memory_space<smem>>
    %convert_element_type3A_694 = arith.truncf %get3A_693 : f32 to bf16
    %convert_element_type3A_695 = arith.extf %convert_element_type3A_694 : bf16 to f32
    %mul3A_696 = vector.broadcast %convert_element_type3A_695 : f32 to vector<1024x128xf32>
    %mul3A_697 = arith.mulf %convert_element_type3A_542, %mul3A_696 : vector<1024x128xf32>
    %add3A_698 = arith.addf %add3A_690, %mul3A_697 : vector<1024x128xf32>
    %get3A_699 = arith.constant 6 : index
    %get3A_700 = arith.constant 1 : index
    %get3A_701 = memref.load %arg5[%get3A_699, %get3A_700] : memref<8x8xf32, #tpu.memory_space<smem>>
    %convert_element_type3A_702 = arith.truncf %get3A_701 : f32 to bf16
    %convert_element_type3A_703 = arith.extf %convert_element_type3A_702 : bf16 to f32
    %mul3A_704 = vector.broadcast %convert_element_type3A_703 : f32 to vector<1024x128xf32>
    %mul3A_705 = arith.mulf %convert_element_type3A_544, %mul3A_704 : vector<1024x128xf32>
    %add3A_706 = arith.addf %add3A_698, %mul3A_705 : vector<1024x128xf32>
    %get3A_707 = arith.constant 7 : index
    %get3A_708 = arith.constant 1 : index
    %get3A_709 = memref.load %arg5[%get3A_707, %get3A_708] : memref<8x8xf32, #tpu.memory_space<smem>>
    %convert_element_type3A_710 = arith.truncf %get3A_709 : f32 to bf16
    %convert_element_type3A_711 = arith.extf %convert_element_type3A_710 : bf16 to f32
    %mul3A_712 = vector.broadcast %convert_element_type3A_711 : f32 to vector<1024x128xf32>
    %mul3A_713 = arith.mulf %convert_element_type3A_546, %mul3A_712 : vector<1024x128xf32>
    %add3A_714 = arith.addf %add3A_706, %mul3A_713 : vector<1024x128xf32>
    %get3A_715 = arith.constant 0 : index
    %get3A_716 = arith.constant 1 : index
    %get3A_717 = memref.load %arg6[%get3A_715, %get3A_716] : memref<1x8xf32, #tpu.memory_space<smem>>
    %add3A_718 = vector.broadcast %get3A_717 : f32 to vector<1024x128xf32>
    %add3A_719 = arith.addf %add3A_714, %add3A_718 : vector<1024x128xf32>
    %reduce_sum3A_720 = vector.shape_cast %add3A_719 : vector<1024x128xf32> to vector<1x1024x128xf32>
    %reduce_sum3A_721 = arith.constant dense<0.000000e+00> : vector<1xf32>
    %reduce_sum3A_722 = vector.multi_reduction <add>, %reduce_sum3A_720, %reduce_sum3A_721 [1, 2] : vector<1x1024x128xf32> to vector<1xf32>
    %reduce_sum3A_723 = vector.shape_cast %reduce_sum3A_722 : vector<1xf32> to vector<1x1x1xf32>
    %reduce_sum3A_724 = vector.extract %reduce_sum3A_723[0, 0, 0] : f32 from vector<1x1x1xf32>
    %div3A_725 = arith.constant 1.310720e+05 : f32
    %div3A_726 = arith.divf %reduce_sum3A_724, %div3A_725 : f32
    %sub3A_727 = vector.broadcast %div3A_726 : f32 to vector<1024x128xf32>
    %sub3A_728 = arith.subf %add3A_719, %sub3A_727 : vector<1024x128xf32>
    %integer_pow3A_729 = arith.mulf %sub3A_728, %sub3A_728 : vector<1024x128xf32>
    %reduce_sum3A_730 = vector.shape_cast %integer_pow3A_729 : vector<1024x128xf32> to vector<1x1024x128xf32>
    %reduce_sum3A_731 = arith.constant dense<0.000000e+00> : vector<1xf32>
    %reduce_sum3A_732 = vector.multi_reduction <add>, %reduce_sum3A_730, %reduce_sum3A_731 [1, 2] : vector<1x1024x128xf32> to vector<1xf32>
    %reduce_sum3A_733 = vector.shape_cast %reduce_sum3A_732 : vector<1xf32> to vector<1x1x1xf32>
    %reduce_sum3A_734 = vector.extract %reduce_sum3A_733[0, 0, 0] : f32 from vector<1x1x1xf32>
    %div3A_735 = arith.constant 1.310720e+05 : f32
    %div3A_736 = arith.divf %reduce_sum3A_734, %div3A_735 : f32
    %sub3A_737 = vector.broadcast %div3A_726 : f32 to vector<1024x128xf32>
    %sub3A_738 = arith.subf %add3A_719, %sub3A_737 : vector<1024x128xf32>
    %add3A_739 = arith.constant 9.99999974E-6 : f32
    %add3A_740 = arith.addf %div3A_736, %add3A_739 : f32
    %sqrt3A_741 = math.sqrt %add3A_740 : f32
    %div3A_742 = vector.broadcast %sqrt3A_741 : f32 to vector<1024x128xf32>
    %div3A_743 = arith.divf %sub3A_738, %div3A_742 : vector<1024x128xf32>
    %get3A_744 = arith.constant 0 : index
    %get3A_745 = arith.constant 1 : index
    %get3A_746 = memref.load %arg7[%get3A_744, %get3A_745] : memref<1x8xf32, #tpu.memory_space<smem>>
    %mul3A_747 = vector.broadcast %get3A_746 : f32 to vector<1024x128xf32>
    %mul3A_748 = arith.mulf %div3A_743, %mul3A_747 : vector<1024x128xf32>
    %get3A_749 = arith.constant 0 : index
    %get3A_750 = arith.constant 1 : index
    %get3A_751 = memref.load %arg8[%get3A_749, %get3A_750] : memref<1x8xf32, #tpu.memory_space<smem>>
    %add3A_752 = vector.broadcast %get3A_751 : f32 to vector<1024x128xf32>
    %add3A_753 = arith.addf %mul3A_748, %add3A_752 : vector<1024x128xf32>
    %max3A_754 = arith.constant 0.000000e+00 : f32
    %max3A_755 = vector.broadcast %max3A_754 : f32 to vector<1024x128xf32>
    %max3A_756 = arith.maximumf %add3A_753, %max3A_755 : vector<1024x128xf32>
    %get3A_757 = arith.constant 0 : index
    %get3A_758 = arith.constant 2 : index
    %get3A_759 = memref.load %arg5[%get3A_757, %get3A_758] : memref<8x8xf32, #tpu.memory_space<smem>>
    %convert_element_type3A_760 = arith.truncf %get3A_759 : f32 to bf16
    %convert_element_type3A_761 = arith.extf %convert_element_type3A_760 : bf16 to f32
    %mul3A_762 = vector.broadcast %convert_element_type3A_761 : f32 to vector<1024x128xf32>
    %mul3A_763 = arith.mulf %convert_element_type3A_532, %mul3A_762 : vector<1024x128xf32>
    %get3A_764 = arith.constant 1 : index
    %get3A_765 = arith.constant 2 : index
    %get3A_766 = memref.load %arg5[%get3A_764, %get3A_765] : memref<8x8xf32, #tpu.memory_space<smem>>
    %convert_element_type3A_767 = arith.truncf %get3A_766 : f32 to bf16
    %convert_element_type3A_768 = arith.extf %convert_element_type3A_767 : bf16 to f32
    %mul3A_769 = vector.broadcast %convert_element_type3A_768 : f32 to vector<1024x128xf32>
    %mul3A_770 = arith.mulf %convert_element_type3A_534, %mul3A_769 : vector<1024x128xf32>
    %add3A_771 = arith.addf %mul3A_763, %mul3A_770 : vector<1024x128xf32>
    %get3A_772 = arith.constant 2 : index
    %get3A_773 = arith.constant 2 : index
    %get3A_774 = memref.load %arg5[%get3A_772, %get3A_773] : memref<8x8xf32, #tpu.memory_space<smem>>
    %convert_element_type3A_775 = arith.truncf %get3A_774 : f32 to bf16
    %convert_element_type3A_776 = arith.extf %convert_element_type3A_775 : bf16 to f32
    %mul3A_777 = vector.broadcast %convert_element_type3A_776 : f32 to vector<1024x128xf32>
    %mul3A_778 = arith.mulf %convert_element_type3A_536, %mul3A_777 : vector<1024x128xf32>
    %add3A_779 = arith.addf %add3A_771, %mul3A_778 : vector<1024x128xf32>
    %get3A_780 = arith.constant 3 : index
    %get3A_781 = arith.constant 2 : index
    %get3A_782 = memref.load %arg5[%get3A_780, %get3A_781] : memref<8x8xf32, #tpu.memory_space<smem>>
    %convert_element_type3A_783 = arith.truncf %get3A_782 : f32 to bf16
    %convert_element_type3A_784 = arith.extf %convert_element_type3A_783 : bf16 to f32
    %mul3A_785 = vector.broadcast %convert_element_type3A_784 : f32 to vector<1024x128xf32>
    %mul3A_786 = arith.mulf %convert_element_type3A_538, %mul3A_785 : vector<1024x128xf32>
    %add3A_787 = arith.addf %add3A_779, %mul3A_786 : vector<1024x128xf32>
    %get3A_788 = arith.constant 4 : index
    %get3A_789 = arith.constant 2 : index
    %get3A_790 = memref.load %arg5[%get3A_788, %get3A_789] : memref<8x8xf32, #tpu.memory_space<smem>>
    %convert_element_type3A_791 = arith.truncf %get3A_790 : f32 to bf16
    %convert_element_type3A_792 = arith.extf %convert_element_type3A_791 : bf16 to f32
    %mul3A_793 = vector.broadcast %convert_element_type3A_792 : f32 to vector<1024x128xf32>
    %mul3A_794 = arith.mulf %convert_element_type3A_540, %mul3A_793 : vector<1024x128xf32>
    %add3A_795 = arith.addf %add3A_787, %mul3A_794 : vector<1024x128xf32>
    %get3A_796 = arith.constant 5 : index
    %get3A_797 = arith.constant 2 : index
    %get3A_798 = memref.load %arg5[%get3A_796, %get3A_797] : memref<8x8xf32, #tpu.memory_space<smem>>
    %convert_element_type3A_799 = arith.truncf %get3A_798 : f32 to bf16
    %convert_element_type3A_800 = arith.extf %convert_element_type3A_799 : bf16 to f32
    %mul3A_801 = vector.broadcast %convert_element_type3A_800 : f32 to vector<1024x128xf32>
    %mul3A_802 = arith.mulf %convert_element_type3A_542, %mul3A_801 : vector<1024x128xf32>
    %add3A_803 = arith.addf %add3A_795, %mul3A_802 : vector<1024x128xf32>
    %get3A_804 = arith.constant 6 : index
    %get3A_805 = arith.constant 2 : index
    %get3A_806 = memref.load %arg5[%get3A_804, %get3A_805] : memref<8x8xf32, #tpu.memory_space<smem>>
    %convert_element_type3A_807 = arith.truncf %get3A_806 : f32 to bf16
    %convert_element_type3A_808 = arith.extf %convert_element_type3A_807 : bf16 to f32
    %mul3A_809 = vector.broadcast %convert_element_type3A_808 : f32 to vector<1024x128xf32>
    %mul3A_810 = arith.mulf %convert_element_type3A_544, %mul3A_809 : vector<1024x128xf32>
    %add3A_811 = arith.addf %add3A_803, %mul3A_810 : vector<1024x128xf32>
    %get3A_812 = arith.constant 7 : index
    %get3A_813 = arith.constant 2 : index
    %get3A_814 = memref.load %arg5[%get3A_812, %get3A_813] : memref<8x8xf32, #tpu.memory_space<smem>>
    %convert_element_type3A_815 = arith.truncf %get3A_814 : f32 to bf16
    %convert_element_type3A_816 = arith.extf %convert_element_type3A_815 : bf16 to f32
    %mul3A_817 = vector.broadcast %convert_element_type3A_816 : f32 to vector<1024x128xf32>
    %mul3A_818 = arith.mulf %convert_element_type3A_546, %mul3A_817 : vector<1024x128xf32>
    %add3A_819 = arith.addf %add3A_811, %mul3A_818 : vector<1024x128xf32>
    %get3A_820 = arith.constant 0 : index
    %get3A_821 = arith.constant 2 : index
    %get3A_822 = memref.load %arg6[%get3A_820, %get3A_821] : memref<1x8xf32, #tpu.memory_space<smem>>
    %add3A_823 = vector.broadcast %get3A_822 : f32 to vector<1024x128xf32>
    %add3A_824 = arith.addf %add3A_819, %add3A_823 : vector<1024x128xf32>
    %reduce_sum3A_825 = vector.shape_cast %add3A_824 : vector<1024x128xf32> to vector<1x1024x128xf32>
    %reduce_sum3A_826 = arith.constant dense<0.000000e+00> : vector<1xf32>
    %reduce_sum3A_827 = vector.multi_reduction <add>, %reduce_sum3A_825, %reduce_sum3A_826 [1, 2] : vector<1x1024x128xf32> to vector<1xf32>
    %reduce_sum3A_828 = vector.shape_cast %reduce_sum3A_827 : vector<1xf32> to vector<1x1x1xf32>
    %reduce_sum3A_829 = vector.extract %reduce_sum3A_828[0, 0, 0] : f32 from vector<1x1x1xf32>
    %div3A_830 = arith.constant 1.310720e+05 : f32
    %div3A_831 = arith.divf %reduce_sum3A_829, %div3A_830 : f32
    %sub3A_832 = vector.broadcast %div3A_831 : f32 to vector<1024x128xf32>
    %sub3A_833 = arith.subf %add3A_824, %sub3A_832 : vector<1024x128xf32>
    %integer_pow3A_834 = arith.mulf %sub3A_833, %sub3A_833 : vector<1024x128xf32>
    %reduce_sum3A_835 = vector.shape_cast %integer_pow3A_834 : vector<1024x128xf32> to vector<1x1024x128xf32>
    %reduce_sum3A_836 = arith.constant dense<0.000000e+00> : vector<1xf32>
    %reduce_sum3A_837 = vector.multi_reduction <add>, %reduce_sum3A_835, %reduce_sum3A_836 [1, 2] : vector<1x1024x128xf32> to vector<1xf32>
    %reduce_sum3A_838 = vector.shape_cast %reduce_sum3A_837 : vector<1xf32> to vector<1x1x1xf32>
    %reduce_sum3A_839 = vector.extract %reduce_sum3A_838[0, 0, 0] : f32 from vector<1x1x1xf32>
    %div3A_840 = arith.constant 1.310720e+05 : f32
    %div3A_841 = arith.divf %reduce_sum3A_839, %div3A_840 : f32
    %sub3A_842 = vector.broadcast %div3A_831 : f32 to vector<1024x128xf32>
    %sub3A_843 = arith.subf %add3A_824, %sub3A_842 : vector<1024x128xf32>
    %add3A_844 = arith.constant 9.99999974E-6 : f32
    %add3A_845 = arith.addf %div3A_841, %add3A_844 : f32
    %sqrt3A_846 = math.sqrt %add3A_845 : f32
    %div3A_847 = vector.broadcast %sqrt3A_846 : f32 to vector<1024x128xf32>
    %div3A_848 = arith.divf %sub3A_843, %div3A_847 : vector<1024x128xf32>
    %get3A_849 = arith.constant 0 : index
    %get3A_850 = arith.constant 2 : index
    %get3A_851 = memref.load %arg7[%get3A_849, %get3A_850] : memref<1x8xf32, #tpu.memory_space<smem>>
    %mul3A_852 = vector.broadcast %get3A_851 : f32 to vector<1024x128xf32>
    %mul3A_853 = arith.mulf %div3A_848, %mul3A_852 : vector<1024x128xf32>
    %get3A_854 = arith.constant 0 : index
    %get3A_855 = arith.constant 2 : index
    %get3A_856 = memref.load %arg8[%get3A_854, %get3A_855] : memref<1x8xf32, #tpu.memory_space<smem>>
    %add3A_857 = vector.broadcast %get3A_856 : f32 to vector<1024x128xf32>
    %add3A_858 = arith.addf %mul3A_853, %add3A_857 : vector<1024x128xf32>
    %max3A_859 = arith.constant 0.000000e+00 : f32
    %max3A_860 = vector.broadcast %max3A_859 : f32 to vector<1024x128xf32>
    %max3A_861 = arith.maximumf %add3A_858, %max3A_860 : vector<1024x128xf32>
    %get3A_862 = arith.constant 0 : index
    %get3A_863 = arith.constant 3 : index
    %get3A_864 = memref.load %arg5[%get3A_862, %get3A_863] : memref<8x8xf32, #tpu.memory_space<smem>>
    %convert_element_type3A_865 = arith.truncf %get3A_864 : f32 to bf16
    %convert_element_type3A_866 = arith.extf %convert_element_type3A_865 : bf16 to f32
    %mul3A_867 = vector.broadcast %convert_element_type3A_866 : f32 to vector<1024x128xf32>
    %mul3A_868 = arith.mulf %convert_element_type3A_532, %mul3A_867 : vector<1024x128xf32>
    %get3A_869 = arith.constant 1 : index
    %get3A_870 = arith.constant 3 : index
    %get3A_871 = memref.load %arg5[%get3A_869, %get3A_870] : memref<8x8xf32, #tpu.memory_space<smem>>
    %convert_element_type3A_872 = arith.truncf %get3A_871 : f32 to bf16
    %convert_element_type3A_873 = arith.extf %convert_element_type3A_872 : bf16 to f32
    %mul3A_874 = vector.broadcast %convert_element_type3A_873 : f32 to vector<1024x128xf32>
    %mul3A_875 = arith.mulf %convert_element_type3A_534, %mul3A_874 : vector<1024x128xf32>
    %add3A_876 = arith.addf %mul3A_868, %mul3A_875 : vector<1024x128xf32>
    %get3A_877 = arith.constant 2 : index
    %get3A_878 = arith.constant 3 : index
    %get3A_879 = memref.load %arg5[%get3A_877, %get3A_878] : memref<8x8xf32, #tpu.memory_space<smem>>
    %convert_element_type3A_880 = arith.truncf %get3A_879 : f32 to bf16
    %convert_element_type3A_881 = arith.extf %convert_element_type3A_880 : bf16 to f32
    %mul3A_882 = vector.broadcast %convert_element_type3A_881 : f32 to vector<1024x128xf32>
    %mul3A_883 = arith.mulf %convert_element_type3A_536, %mul3A_882 : vector<1024x128xf32>
    %add3A_884 = arith.addf %add3A_876, %mul3A_883 : vector<1024x128xf32>
    %get3A_885 = arith.constant 3 : index
    %get3A_886 = arith.constant 3 : index
    %get3A_887 = memref.load %arg5[%get3A_885, %get3A_886] : memref<8x8xf32, #tpu.memory_space<smem>>
    %convert_element_type3A_888 = arith.truncf %get3A_887 : f32 to bf16
    %convert_element_type3A_889 = arith.extf %convert_element_type3A_888 : bf16 to f32
    %mul3A_890 = vector.broadcast %convert_element_type3A_889 : f32 to vector<1024x128xf32>
    %mul3A_891 = arith.mulf %convert_element_type3A_538, %mul3A_890 : vector<1024x128xf32>
    %add3A_892 = arith.addf %add3A_884, %mul3A_891 : vector<1024x128xf32>
    %get3A_893 = arith.constant 4 : index
    %get3A_894 = arith.constant 3 : index
    %get3A_895 = memref.load %arg5[%get3A_893, %get3A_894] : memref<8x8xf32, #tpu.memory_space<smem>>
    %convert_element_type3A_896 = arith.truncf %get3A_895 : f32 to bf16
    %convert_element_type3A_897 = arith.extf %convert_element_type3A_896 : bf16 to f32
    %mul3A_898 = vector.broadcast %convert_element_type3A_897 : f32 to vector<1024x128xf32>
    %mul3A_899 = arith.mulf %convert_element_type3A_540, %mul3A_898 : vector<1024x128xf32>
    %add3A_900 = arith.addf %add3A_892, %mul3A_899 : vector<1024x128xf32>
    %get3A_901 = arith.constant 5 : index
    %get3A_902 = arith.constant 3 : index
    %get3A_903 = memref.load %arg5[%get3A_901, %get3A_902] : memref<8x8xf32, #tpu.memory_space<smem>>
    %convert_element_type3A_904 = arith.truncf %get3A_903 : f32 to bf16
    %convert_element_type3A_905 = arith.extf %convert_element_type3A_904 : bf16 to f32
    %mul3A_906 = vector.broadcast %convert_element_type3A_905 : f32 to vector<1024x128xf32>
    %mul3A_907 = arith.mulf %convert_element_type3A_542, %mul3A_906 : vector<1024x128xf32>
    %add3A_908 = arith.addf %add3A_900, %mul3A_907 : vector<1024x128xf32>
    %get3A_909 = arith.constant 6 : index
    %get3A_910 = arith.constant 3 : index
    %get3A_911 = memref.load %arg5[%get3A_909, %get3A_910] : memref<8x8xf32, #tpu.memory_space<smem>>
    %convert_element_type3A_912 = arith.truncf %get3A_911 : f32 to bf16
    %convert_element_type3A_913 = arith.extf %convert_element_type3A_912 : bf16 to f32
    %mul3A_914 = vector.broadcast %convert_element_type3A_913 : f32 to vector<1024x128xf32>
    %mul3A_915 = arith.mulf %convert_element_type3A_544, %mul3A_914 : vector<1024x128xf32>
    %add3A_916 = arith.addf %add3A_908, %mul3A_915 : vector<1024x128xf32>
    %get3A_917 = arith.constant 7 : index
    %get3A_918 = arith.constant 3 : index
    %get3A_919 = memref.load %arg5[%get3A_917, %get3A_918] : memref<8x8xf32, #tpu.memory_space<smem>>
    %convert_element_type3A_920 = arith.truncf %get3A_919 : f32 to bf16
    %convert_element_type3A_921 = arith.extf %convert_element_type3A_920 : bf16 to f32
    %mul3A_922 = vector.broadcast %convert_element_type3A_921 : f32 to vector<1024x128xf32>
    %mul3A_923 = arith.mulf %convert_element_type3A_546, %mul3A_922 : vector<1024x128xf32>
    %add3A_924 = arith.addf %add3A_916, %mul3A_923 : vector<1024x128xf32>
    %get3A_925 = arith.constant 0 : index
    %get3A_926 = arith.constant 3 : index
    %get3A_927 = memref.load %arg6[%get3A_925, %get3A_926] : memref<1x8xf32, #tpu.memory_space<smem>>
    %add3A_928 = vector.broadcast %get3A_927 : f32 to vector<1024x128xf32>
    %add3A_929 = arith.addf %add3A_924, %add3A_928 : vector<1024x128xf32>
    %reduce_sum3A_930 = vector.shape_cast %add3A_929 : vector<1024x128xf32> to vector<1x1024x128xf32>
    %reduce_sum3A_931 = arith.constant dense<0.000000e+00> : vector<1xf32>
    %reduce_sum3A_932 = vector.multi_reduction <add>, %reduce_sum3A_930, %reduce_sum3A_931 [1, 2] : vector<1x1024x128xf32> to vector<1xf32>
    %reduce_sum3A_933 = vector.shape_cast %reduce_sum3A_932 : vector<1xf32> to vector<1x1x1xf32>
    %reduce_sum3A_934 = vector.extract %reduce_sum3A_933[0, 0, 0] : f32 from vector<1x1x1xf32>
    %div3A_935 = arith.constant 1.310720e+05 : f32
    %div3A_936 = arith.divf %reduce_sum3A_934, %div3A_935 : f32
    %sub3A_937 = vector.broadcast %div3A_936 : f32 to vector<1024x128xf32>
    %sub3A_938 = arith.subf %add3A_929, %sub3A_937 : vector<1024x128xf32>
    %integer_pow3A_939 = arith.mulf %sub3A_938, %sub3A_938 : vector<1024x128xf32>
    %reduce_sum3A_940 = vector.shape_cast %integer_pow3A_939 : vector<1024x128xf32> to vector<1x1024x128xf32>
    %reduce_sum3A_941 = arith.constant dense<0.000000e+00> : vector<1xf32>
    %reduce_sum3A_942 = vector.multi_reduction <add>, %reduce_sum3A_940, %reduce_sum3A_941 [1, 2] : vector<1x1024x128xf32> to vector<1xf32>
    %reduce_sum3A_943 = vector.shape_cast %reduce_sum3A_942 : vector<1xf32> to vector<1x1x1xf32>
    %reduce_sum3A_944 = vector.extract %reduce_sum3A_943[0, 0, 0] : f32 from vector<1x1x1xf32>
    %div3A_945 = arith.constant 1.310720e+05 : f32
    %div3A_946 = arith.divf %reduce_sum3A_944, %div3A_945 : f32
    %sub3A_947 = vector.broadcast %div3A_936 : f32 to vector<1024x128xf32>
    %sub3A_948 = arith.subf %add3A_929, %sub3A_947 : vector<1024x128xf32>
    %add3A_949 = arith.constant 9.99999974E-6 : f32
    %add3A_950 = arith.addf %div3A_946, %add3A_949 : f32
    %sqrt3A_951 = math.sqrt %add3A_950 : f32
    %div3A_952 = vector.broadcast %sqrt3A_951 : f32 to vector<1024x128xf32>
    %div3A_953 = arith.divf %sub3A_948, %div3A_952 : vector<1024x128xf32>
    %get3A_954 = arith.constant 0 : index
    %get3A_955 = arith.constant 3 : index
    %get3A_956 = memref.load %arg7[%get3A_954, %get3A_955] : memref<1x8xf32, #tpu.memory_space<smem>>
    %mul3A_957 = vector.broadcast %get3A_956 : f32 to vector<1024x128xf32>
    %mul3A_958 = arith.mulf %div3A_953, %mul3A_957 : vector<1024x128xf32>
    %get3A_959 = arith.constant 0 : index
    %get3A_960 = arith.constant 3 : index
    %get3A_961 = memref.load %arg8[%get3A_959, %get3A_960] : memref<1x8xf32, #tpu.memory_space<smem>>
    %add3A_962 = vector.broadcast %get3A_961 : f32 to vector<1024x128xf32>
    %add3A_963 = arith.addf %mul3A_958, %add3A_962 : vector<1024x128xf32>
    %max3A_964 = arith.constant 0.000000e+00 : f32
    %max3A_965 = vector.broadcast %max3A_964 : f32 to vector<1024x128xf32>
    %max3A_966 = arith.maximumf %add3A_963, %max3A_965 : vector<1024x128xf32>
    %get3A_967 = arith.constant 0 : index
    %get3A_968 = arith.constant 4 : index
    %get3A_969 = memref.load %arg5[%get3A_967, %get3A_968] : memref<8x8xf32, #tpu.memory_space<smem>>
    %convert_element_type3A_970 = arith.truncf %get3A_969 : f32 to bf16
    %convert_element_type3A_971 = arith.extf %convert_element_type3A_970 : bf16 to f32
    %mul3A_972 = vector.broadcast %convert_element_type3A_971 : f32 to vector<1024x128xf32>
    %mul3A_973 = arith.mulf %convert_element_type3A_532, %mul3A_972 : vector<1024x128xf32>
    %get3A_974 = arith.constant 1 : index
    %get3A_975 = arith.constant 4 : index
    %get3A_976 = memref.load %arg5[%get3A_974, %get3A_975] : memref<8x8xf32, #tpu.memory_space<smem>>
    %convert_element_type3A_977 = arith.truncf %get3A_976 : f32 to bf16
    %convert_element_type3A_978 = arith.extf %convert_element_type3A_977 : bf16 to f32
    %mul3A_979 = vector.broadcast %convert_element_type3A_978 : f32 to vector<1024x128xf32>
    %mul3A_980 = arith.mulf %convert_element_type3A_534, %mul3A_979 : vector<1024x128xf32>
    %add3A_981 = arith.addf %mul3A_973, %mul3A_980 : vector<1024x128xf32>
    %get3A_982 = arith.constant 2 : index
    %get3A_983 = arith.constant 4 : index
    %get3A_984 = memref.load %arg5[%get3A_982, %get3A_983] : memref<8x8xf32, #tpu.memory_space<smem>>
    %convert_element_type3A_985 = arith.truncf %get3A_984 : f32 to bf16
    %convert_element_type3A_986 = arith.extf %convert_element_type3A_985 : bf16 to f32
    %mul3A_987 = vector.broadcast %convert_element_type3A_986 : f32 to vector<1024x128xf32>
    %mul3A_988 = arith.mulf %convert_element_type3A_536, %mul3A_987 : vector<1024x128xf32>
    %add3A_989 = arith.addf %add3A_981, %mul3A_988 : vector<1024x128xf32>
    %get3A_990 = arith.constant 3 : index
    %get3A_991 = arith.constant 4 : index
    %get3A_992 = memref.load %arg5[%get3A_990, %get3A_991] : memref<8x8xf32, #tpu.memory_space<smem>>
    %convert_element_type3A_993 = arith.truncf %get3A_992 : f32 to bf16
    %convert_element_type3A_994 = arith.extf %convert_element_type3A_993 : bf16 to f32
    %mul3A_995 = vector.broadcast %convert_element_type3A_994 : f32 to vector<1024x128xf32>
    %mul3A_996 = arith.mulf %convert_element_type3A_538, %mul3A_995 : vector<1024x128xf32>
    %add3A_997 = arith.addf %add3A_989, %mul3A_996 : vector<1024x128xf32>
    %get3A_998 = arith.constant 4 : index
    %get3A_999 = arith.constant 4 : index
    %get3A_1000 = memref.load %arg5[%get3A_998, %get3A_999] : memref<8x8xf32, #tpu.memory_space<smem>>
    %convert_element_type3A_1001 = arith.truncf %get3A_1000 : f32 to bf16
    %convert_element_type3A_1002 = arith.extf %convert_element_type3A_1001 : bf16 to f32
    %mul3A_1003 = vector.broadcast %convert_element_type3A_1002 : f32 to vector<1024x128xf32>
    %mul3A_1004 = arith.mulf %convert_element_type3A_540, %mul3A_1003 : vector<1024x128xf32>
    %add3A_1005 = arith.addf %add3A_997, %mul3A_1004 : vector<1024x128xf32>
    %get3A_1006 = arith.constant 5 : index
    %get3A_1007 = arith.constant 4 : index
    %get3A_1008 = memref.load %arg5[%get3A_1006, %get3A_1007] : memref<8x8xf32, #tpu.memory_space<smem>>
    %convert_element_type3A_1009 = arith.truncf %get3A_1008 : f32 to bf16
    %convert_element_type3A_1010 = arith.extf %convert_element_type3A_1009 : bf16 to f32
    %mul3A_1011 = vector.broadcast %convert_element_type3A_1010 : f32 to vector<1024x128xf32>
    %mul3A_1012 = arith.mulf %convert_element_type3A_542, %mul3A_1011 : vector<1024x128xf32>
    %add3A_1013 = arith.addf %add3A_1005, %mul3A_1012 : vector<1024x128xf32>
    %get3A_1014 = arith.constant 6 : index
    %get3A_1015 = arith.constant 4 : index
    %get3A_1016 = memref.load %arg5[%get3A_1014, %get3A_1015] : memref<8x8xf32, #tpu.memory_space<smem>>
    %convert_element_type3A_1017 = arith.truncf %get3A_1016 : f32 to bf16
    %convert_element_type3A_1018 = arith.extf %convert_element_type3A_1017 : bf16 to f32
    %mul3A_1019 = vector.broadcast %convert_element_type3A_1018 : f32 to vector<1024x128xf32>
    %mul3A_1020 = arith.mulf %convert_element_type3A_544, %mul3A_1019 : vector<1024x128xf32>
    %add3A_1021 = arith.addf %add3A_1013, %mul3A_1020 : vector<1024x128xf32>
    %get3A_1022 = arith.constant 7 : index
    %get3A_1023 = arith.constant 4 : index
    %get3A_1024 = memref.load %arg5[%get3A_1022, %get3A_1023] : memref<8x8xf32, #tpu.memory_space<smem>>
    %convert_element_type3A_1025 = arith.truncf %get3A_1024 : f32 to bf16
    %convert_element_type3A_1026 = arith.extf %convert_element_type3A_1025 : bf16 to f32
    %mul3A_1027 = vector.broadcast %convert_element_type3A_1026 : f32 to vector<1024x128xf32>
    %mul3A_1028 = arith.mulf %convert_element_type3A_546, %mul3A_1027 : vector<1024x128xf32>
    %add3A_1029 = arith.addf %add3A_1021, %mul3A_1028 : vector<1024x128xf32>
    %get3A_1030 = arith.constant 0 : index
    %get3A_1031 = arith.constant 4 : index
    %get3A_1032 = memref.load %arg6[%get3A_1030, %get3A_1031] : memref<1x8xf32, #tpu.memory_space<smem>>
    %add3A_1033 = vector.broadcast %get3A_1032 : f32 to vector<1024x128xf32>
    %add3A_1034 = arith.addf %add3A_1029, %add3A_1033 : vector<1024x128xf32>
    %reduce_sum3A_1035 = vector.shape_cast %add3A_1034 : vector<1024x128xf32> to vector<1x1024x128xf32>
    %reduce_sum3A_1036 = arith.constant dense<0.000000e+00> : vector<1xf32>
    %reduce_sum3A_1037 = vector.multi_reduction <add>, %reduce_sum3A_1035, %reduce_sum3A_1036 [1, 2] : vector<1x1024x128xf32> to vector<1xf32>
    %reduce_sum3A_1038 = vector.shape_cast %reduce_sum3A_1037 : vector<1xf32> to vector<1x1x1xf32>
    %reduce_sum3A_1039 = vector.extract %reduce_sum3A_1038[0, 0, 0] : f32 from vector<1x1x1xf32>
    %div3A_1040 = arith.constant 1.310720e+05 : f32
    %div3A_1041 = arith.divf %reduce_sum3A_1039, %div3A_1040 : f32
    %sub3A_1042 = vector.broadcast %div3A_1041 : f32 to vector<1024x128xf32>
    %sub3A_1043 = arith.subf %add3A_1034, %sub3A_1042 : vector<1024x128xf32>
    %integer_pow3A_1044 = arith.mulf %sub3A_1043, %sub3A_1043 : vector<1024x128xf32>
    %reduce_sum3A_1045 = vector.shape_cast %integer_pow3A_1044 : vector<1024x128xf32> to vector<1x1024x128xf32>
    %reduce_sum3A_1046 = arith.constant dense<0.000000e+00> : vector<1xf32>
    %reduce_sum3A_1047 = vector.multi_reduction <add>, %reduce_sum3A_1045, %reduce_sum3A_1046 [1, 2] : vector<1x1024x128xf32> to vector<1xf32>
    %reduce_sum3A_1048 = vector.shape_cast %reduce_sum3A_1047 : vector<1xf32> to vector<1x1x1xf32>
    %reduce_sum3A_1049 = vector.extract %reduce_sum3A_1048[0, 0, 0] : f32 from vector<1x1x1xf32>
    %div3A_1050 = arith.constant 1.310720e+05 : f32
    %div3A_1051 = arith.divf %reduce_sum3A_1049, %div3A_1050 : f32
    %sub3A_1052 = vector.broadcast %div3A_1041 : f32 to vector<1024x128xf32>
    %sub3A_1053 = arith.subf %add3A_1034, %sub3A_1052 : vector<1024x128xf32>
    %add3A_1054 = arith.constant 9.99999974E-6 : f32
    %add3A_1055 = arith.addf %div3A_1051, %add3A_1054 : f32
    %sqrt3A_1056 = math.sqrt %add3A_1055 : f32
    %div3A_1057 = vector.broadcast %sqrt3A_1056 : f32 to vector<1024x128xf32>
    %div3A_1058 = arith.divf %sub3A_1053, %div3A_1057 : vector<1024x128xf32>
    %get3A_1059 = arith.constant 0 : index
    %get3A_1060 = arith.constant 4 : index
    %get3A_1061 = memref.load %arg7[%get3A_1059, %get3A_1060] : memref<1x8xf32, #tpu.memory_space<smem>>
    %mul3A_1062 = vector.broadcast %get3A_1061 : f32 to vector<1024x128xf32>
    %mul3A_1063 = arith.mulf %div3A_1058, %mul3A_1062 : vector<1024x128xf32>
    %get3A_1064 = arith.constant 0 : index
    %get3A_1065 = arith.constant 4 : index
    %get3A_1066 = memref.load %arg8[%get3A_1064, %get3A_1065] : memref<1x8xf32, #tpu.memory_space<smem>>
    %add3A_1067 = vector.broadcast %get3A_1066 : f32 to vector<1024x128xf32>
    %add3A_1068 = arith.addf %mul3A_1063, %add3A_1067 : vector<1024x128xf32>
    %max3A_1069 = arith.constant 0.000000e+00 : f32
    %max3A_1070 = vector.broadcast %max3A_1069 : f32 to vector<1024x128xf32>
    %max3A_1071 = arith.maximumf %add3A_1068, %max3A_1070 : vector<1024x128xf32>
    %get3A_1072 = arith.constant 0 : index
    %get3A_1073 = arith.constant 5 : index
    %get3A_1074 = memref.load %arg5[%get3A_1072, %get3A_1073] : memref<8x8xf32, #tpu.memory_space<smem>>
    %convert_element_type3A_1075 = arith.truncf %get3A_1074 : f32 to bf16
    %convert_element_type3A_1076 = arith.extf %convert_element_type3A_1075 : bf16 to f32
    %mul3A_1077 = vector.broadcast %convert_element_type3A_1076 : f32 to vector<1024x128xf32>
    %mul3A_1078 = arith.mulf %convert_element_type3A_532, %mul3A_1077 : vector<1024x128xf32>
    %get3A_1079 = arith.constant 1 : index
    %get3A_1080 = arith.constant 5 : index
    %get3A_1081 = memref.load %arg5[%get3A_1079, %get3A_1080] : memref<8x8xf32, #tpu.memory_space<smem>>
    %convert_element_type3A_1082 = arith.truncf %get3A_1081 : f32 to bf16
    %convert_element_type3A_1083 = arith.extf %convert_element_type3A_1082 : bf16 to f32
    %mul3A_1084 = vector.broadcast %convert_element_type3A_1083 : f32 to vector<1024x128xf32>
    %mul3A_1085 = arith.mulf %convert_element_type3A_534, %mul3A_1084 : vector<1024x128xf32>
    %add3A_1086 = arith.addf %mul3A_1078, %mul3A_1085 : vector<1024x128xf32>
    %get3A_1087 = arith.constant 2 : index
    %get3A_1088 = arith.constant 5 : index
    %get3A_1089 = memref.load %arg5[%get3A_1087, %get3A_1088] : memref<8x8xf32, #tpu.memory_space<smem>>
    %convert_element_type3A_1090 = arith.truncf %get3A_1089 : f32 to bf16
    %convert_element_type3A_1091 = arith.extf %convert_element_type3A_1090 : bf16 to f32
    %mul3A_1092 = vector.broadcast %convert_element_type3A_1091 : f32 to vector<1024x128xf32>
    %mul3A_1093 = arith.mulf %convert_element_type3A_536, %mul3A_1092 : vector<1024x128xf32>
    %add3A_1094 = arith.addf %add3A_1086, %mul3A_1093 : vector<1024x128xf32>
    %get3A_1095 = arith.constant 3 : index
    %get3A_1096 = arith.constant 5 : index
    %get3A_1097 = memref.load %arg5[%get3A_1095, %get3A_1096] : memref<8x8xf32, #tpu.memory_space<smem>>
    %convert_element_type3A_1098 = arith.truncf %get3A_1097 : f32 to bf16
    %convert_element_type3A_1099 = arith.extf %convert_element_type3A_1098 : bf16 to f32
    %mul3A_1100 = vector.broadcast %convert_element_type3A_1099 : f32 to vector<1024x128xf32>
    %mul3A_1101 = arith.mulf %convert_element_type3A_538, %mul3A_1100 : vector<1024x128xf32>
    %add3A_1102 = arith.addf %add3A_1094, %mul3A_1101 : vector<1024x128xf32>
    %get3A_1103 = arith.constant 4 : index
    %get3A_1104 = arith.constant 5 : index
    %get3A_1105 = memref.load %arg5[%get3A_1103, %get3A_1104] : memref<8x8xf32, #tpu.memory_space<smem>>
    %convert_element_type3A_1106 = arith.truncf %get3A_1105 : f32 to bf16
    %convert_element_type3A_1107 = arith.extf %convert_element_type3A_1106 : bf16 to f32
    %mul3A_1108 = vector.broadcast %convert_element_type3A_1107 : f32 to vector<1024x128xf32>
    %mul3A_1109 = arith.mulf %convert_element_type3A_540, %mul3A_1108 : vector<1024x128xf32>
    %add3A_1110 = arith.addf %add3A_1102, %mul3A_1109 : vector<1024x128xf32>
    %get3A_1111 = arith.constant 5 : index
    %get3A_1112 = arith.constant 5 : index
    %get3A_1113 = memref.load %arg5[%get3A_1111, %get3A_1112] : memref<8x8xf32, #tpu.memory_space<smem>>
    %convert_element_type3A_1114 = arith.truncf %get3A_1113 : f32 to bf16
    %convert_element_type3A_1115 = arith.extf %convert_element_type3A_1114 : bf16 to f32
    %mul3A_1116 = vector.broadcast %convert_element_type3A_1115 : f32 to vector<1024x128xf32>
    %mul3A_1117 = arith.mulf %convert_element_type3A_542, %mul3A_1116 : vector<1024x128xf32>
    %add3A_1118 = arith.addf %add3A_1110, %mul3A_1117 : vector<1024x128xf32>
    %get3A_1119 = arith.constant 6 : index
    %get3A_1120 = arith.constant 5 : index
    %get3A_1121 = memref.load %arg5[%get3A_1119, %get3A_1120] : memref<8x8xf32, #tpu.memory_space<smem>>
    %convert_element_type3A_1122 = arith.truncf %get3A_1121 : f32 to bf16
    %convert_element_type3A_1123 = arith.extf %convert_element_type3A_1122 : bf16 to f32
    %mul3A_1124 = vector.broadcast %convert_element_type3A_1123 : f32 to vector<1024x128xf32>
    %mul3A_1125 = arith.mulf %convert_element_type3A_544, %mul3A_1124 : vector<1024x128xf32>
    %add3A_1126 = arith.addf %add3A_1118, %mul3A_1125 : vector<1024x128xf32>
    %get3A_1127 = arith.constant 7 : index
    %get3A_1128 = arith.constant 5 : index
    %get3A_1129 = memref.load %arg5[%get3A_1127, %get3A_1128] : memref<8x8xf32, #tpu.memory_space<smem>>
    %convert_element_type3A_1130 = arith.truncf %get3A_1129 : f32 to bf16
    %convert_element_type3A_1131 = arith.extf %convert_element_type3A_1130 : bf16 to f32
    %mul3A_1132 = vector.broadcast %convert_element_type3A_1131 : f32 to vector<1024x128xf32>
    %mul3A_1133 = arith.mulf %convert_element_type3A_546, %mul3A_1132 : vector<1024x128xf32>
    %add3A_1134 = arith.addf %add3A_1126, %mul3A_1133 : vector<1024x128xf32>
    %get3A_1135 = arith.constant 0 : index
    %get3A_1136 = arith.constant 5 : index
    %get3A_1137 = memref.load %arg6[%get3A_1135, %get3A_1136] : memref<1x8xf32, #tpu.memory_space<smem>>
    %add3A_1138 = vector.broadcast %get3A_1137 : f32 to vector<1024x128xf32>
    %add3A_1139 = arith.addf %add3A_1134, %add3A_1138 : vector<1024x128xf32>
    %reduce_sum3A_1140 = vector.shape_cast %add3A_1139 : vector<1024x128xf32> to vector<1x1024x128xf32>
    %reduce_sum3A_1141 = arith.constant dense<0.000000e+00> : vector<1xf32>
    %reduce_sum3A_1142 = vector.multi_reduction <add>, %reduce_sum3A_1140, %reduce_sum3A_1141 [1, 2] : vector<1x1024x128xf32> to vector<1xf32>
    %reduce_sum3A_1143 = vector.shape_cast %reduce_sum3A_1142 : vector<1xf32> to vector<1x1x1xf32>
    %reduce_sum3A_1144 = vector.extract %reduce_sum3A_1143[0, 0, 0] : f32 from vector<1x1x1xf32>
    %div3A_1145 = arith.constant 1.310720e+05 : f32
    %div3A_1146 = arith.divf %reduce_sum3A_1144, %div3A_1145 : f32
    %sub3A_1147 = vector.broadcast %div3A_1146 : f32 to vector<1024x128xf32>
    %sub3A_1148 = arith.subf %add3A_1139, %sub3A_1147 : vector<1024x128xf32>
    %integer_pow3A_1149 = arith.mulf %sub3A_1148, %sub3A_1148 : vector<1024x128xf32>
    %reduce_sum3A_1150 = vector.shape_cast %integer_pow3A_1149 : vector<1024x128xf32> to vector<1x1024x128xf32>
    %reduce_sum3A_1151 = arith.constant dense<0.000000e+00> : vector<1xf32>
    %reduce_sum3A_1152 = vector.multi_reduction <add>, %reduce_sum3A_1150, %reduce_sum3A_1151 [1, 2] : vector<1x1024x128xf32> to vector<1xf32>
    %reduce_sum3A_1153 = vector.shape_cast %reduce_sum3A_1152 : vector<1xf32> to vector<1x1x1xf32>
    %reduce_sum3A_1154 = vector.extract %reduce_sum3A_1153[0, 0, 0] : f32 from vector<1x1x1xf32>
    %div3A_1155 = arith.constant 1.310720e+05 : f32
    %div3A_1156 = arith.divf %reduce_sum3A_1154, %div3A_1155 : f32
    %sub3A_1157 = vector.broadcast %div3A_1146 : f32 to vector<1024x128xf32>
    %sub3A_1158 = arith.subf %add3A_1139, %sub3A_1157 : vector<1024x128xf32>
    %add3A_1159 = arith.constant 9.99999974E-6 : f32
    %add3A_1160 = arith.addf %div3A_1156, %add3A_1159 : f32
    %sqrt3A_1161 = math.sqrt %add3A_1160 : f32
    %div3A_1162 = vector.broadcast %sqrt3A_1161 : f32 to vector<1024x128xf32>
    %div3A_1163 = arith.divf %sub3A_1158, %div3A_1162 : vector<1024x128xf32>
    %get3A_1164 = arith.constant 0 : index
    %get3A_1165 = arith.constant 5 : index
    %get3A_1166 = memref.load %arg7[%get3A_1164, %get3A_1165] : memref<1x8xf32, #tpu.memory_space<smem>>
    %mul3A_1167 = vector.broadcast %get3A_1166 : f32 to vector<1024x128xf32>
    %mul3A_1168 = arith.mulf %div3A_1163, %mul3A_1167 : vector<1024x128xf32>
    %get3A_1169 = arith.constant 0 : index
    %get3A_1170 = arith.constant 5 : index
    %get3A_1171 = memref.load %arg8[%get3A_1169, %get3A_1170] : memref<1x8xf32, #tpu.memory_space<smem>>
    %add3A_1172 = vector.broadcast %get3A_1171 : f32 to vector<1024x128xf32>
    %add3A_1173 = arith.addf %mul3A_1168, %add3A_1172 : vector<1024x128xf32>
    %max3A_1174 = arith.constant 0.000000e+00 : f32
    %max3A_1175 = vector.broadcast %max3A_1174 : f32 to vector<1024x128xf32>
    %max3A_1176 = arith.maximumf %add3A_1173, %max3A_1175 : vector<1024x128xf32>
    %get3A_1177 = arith.constant 0 : index
    %get3A_1178 = arith.constant 6 : index
    %get3A_1179 = memref.load %arg5[%get3A_1177, %get3A_1178] : memref<8x8xf32, #tpu.memory_space<smem>>
    %convert_element_type3A_1180 = arith.truncf %get3A_1179 : f32 to bf16
    %convert_element_type3A_1181 = arith.extf %convert_element_type3A_1180 : bf16 to f32
    %mul3A_1182 = vector.broadcast %convert_element_type3A_1181 : f32 to vector<1024x128xf32>
    %mul3A_1183 = arith.mulf %convert_element_type3A_532, %mul3A_1182 : vector<1024x128xf32>
    %get3A_1184 = arith.constant 1 : index
    %get3A_1185 = arith.constant 6 : index
    %get3A_1186 = memref.load %arg5[%get3A_1184, %get3A_1185] : memref<8x8xf32, #tpu.memory_space<smem>>
    %convert_element_type3A_1187 = arith.truncf %get3A_1186 : f32 to bf16
    %convert_element_type3A_1188 = arith.extf %convert_element_type3A_1187 : bf16 to f32
    %mul3A_1189 = vector.broadcast %convert_element_type3A_1188 : f32 to vector<1024x128xf32>
    %mul3A_1190 = arith.mulf %convert_element_type3A_534, %mul3A_1189 : vector<1024x128xf32>
    %add3A_1191 = arith.addf %mul3A_1183, %mul3A_1190 : vector<1024x128xf32>
    %get3A_1192 = arith.constant 2 : index
    %get3A_1193 = arith.constant 6 : index
    %get3A_1194 = memref.load %arg5[%get3A_1192, %get3A_1193] : memref<8x8xf32, #tpu.memory_space<smem>>
    %convert_element_type3A_1195 = arith.truncf %get3A_1194 : f32 to bf16
    %convert_element_type3A_1196 = arith.extf %convert_element_type3A_1195 : bf16 to f32
    %mul3A_1197 = vector.broadcast %convert_element_type3A_1196 : f32 to vector<1024x128xf32>
    %mul3A_1198 = arith.mulf %convert_element_type3A_536, %mul3A_1197 : vector<1024x128xf32>
    %add3A_1199 = arith.addf %add3A_1191, %mul3A_1198 : vector<1024x128xf32>
    %get3A_1200 = arith.constant 3 : index
    %get3A_1201 = arith.constant 6 : index
    %get3A_1202 = memref.load %arg5[%get3A_1200, %get3A_1201] : memref<8x8xf32, #tpu.memory_space<smem>>
    %convert_element_type3A_1203 = arith.truncf %get3A_1202 : f32 to bf16
    %convert_element_type3A_1204 = arith.extf %convert_element_type3A_1203 : bf16 to f32
    %mul3A_1205 = vector.broadcast %convert_element_type3A_1204 : f32 to vector<1024x128xf32>
    %mul3A_1206 = arith.mulf %convert_element_type3A_538, %mul3A_1205 : vector<1024x128xf32>
    %add3A_1207 = arith.addf %add3A_1199, %mul3A_1206 : vector<1024x128xf32>
    %get3A_1208 = arith.constant 4 : index
    %get3A_1209 = arith.constant 6 : index
    %get3A_1210 = memref.load %arg5[%get3A_1208, %get3A_1209] : memref<8x8xf32, #tpu.memory_space<smem>>
    %convert_element_type3A_1211 = arith.truncf %get3A_1210 : f32 to bf16
    %convert_element_type3A_1212 = arith.extf %convert_element_type3A_1211 : bf16 to f32
    %mul3A_1213 = vector.broadcast %convert_element_type3A_1212 : f32 to vector<1024x128xf32>
    %mul3A_1214 = arith.mulf %convert_element_type3A_540, %mul3A_1213 : vector<1024x128xf32>
    %add3A_1215 = arith.addf %add3A_1207, %mul3A_1214 : vector<1024x128xf32>
    %get3A_1216 = arith.constant 5 : index
    %get3A_1217 = arith.constant 6 : index
    %get3A_1218 = memref.load %arg5[%get3A_1216, %get3A_1217] : memref<8x8xf32, #tpu.memory_space<smem>>
    %convert_element_type3A_1219 = arith.truncf %get3A_1218 : f32 to bf16
    %convert_element_type3A_1220 = arith.extf %convert_element_type3A_1219 : bf16 to f32
    %mul3A_1221 = vector.broadcast %convert_element_type3A_1220 : f32 to vector<1024x128xf32>
    %mul3A_1222 = arith.mulf %convert_element_type3A_542, %mul3A_1221 : vector<1024x128xf32>
    %add3A_1223 = arith.addf %add3A_1215, %mul3A_1222 : vector<1024x128xf32>
    %get3A_1224 = arith.constant 6 : index
    %get3A_1225 = arith.constant 6 : index
    %get3A_1226 = memref.load %arg5[%get3A_1224, %get3A_1225] : memref<8x8xf32, #tpu.memory_space<smem>>
    %convert_element_type3A_1227 = arith.truncf %get3A_1226 : f32 to bf16
    %convert_element_type3A_1228 = arith.extf %convert_element_type3A_1227 : bf16 to f32
    %mul3A_1229 = vector.broadcast %convert_element_type3A_1228 : f32 to vector<1024x128xf32>
    %mul3A_1230 = arith.mulf %convert_element_type3A_544, %mul3A_1229 : vector<1024x128xf32>
    %add3A_1231 = arith.addf %add3A_1223, %mul3A_1230 : vector<1024x128xf32>
    %get3A_1232 = arith.constant 7 : index
    %get3A_1233 = arith.constant 6 : index
    %get3A_1234 = memref.load %arg5[%get3A_1232, %get3A_1233] : memref<8x8xf32, #tpu.memory_space<smem>>
    %convert_element_type3A_1235 = arith.truncf %get3A_1234 : f32 to bf16
    %convert_element_type3A_1236 = arith.extf %convert_element_type3A_1235 : bf16 to f32
    %mul3A_1237 = vector.broadcast %convert_element_type3A_1236 : f32 to vector<1024x128xf32>
    %mul3A_1238 = arith.mulf %convert_element_type3A_546, %mul3A_1237 : vector<1024x128xf32>
    %add3A_1239 = arith.addf %add3A_1231, %mul3A_1238 : vector<1024x128xf32>
    %get3A_1240 = arith.constant 0 : index
    %get3A_1241 = arith.constant 6 : index
    %get3A_1242 = memref.load %arg6[%get3A_1240, %get3A_1241] : memref<1x8xf32, #tpu.memory_space<smem>>
    %add3A_1243 = vector.broadcast %get3A_1242 : f32 to vector<1024x128xf32>
    %add3A_1244 = arith.addf %add3A_1239, %add3A_1243 : vector<1024x128xf32>
    %reduce_sum3A_1245 = vector.shape_cast %add3A_1244 : vector<1024x128xf32> to vector<1x1024x128xf32>
    %reduce_sum3A_1246 = arith.constant dense<0.000000e+00> : vector<1xf32>
    %reduce_sum3A_1247 = vector.multi_reduction <add>, %reduce_sum3A_1245, %reduce_sum3A_1246 [1, 2] : vector<1x1024x128xf32> to vector<1xf32>
    %reduce_sum3A_1248 = vector.shape_cast %reduce_sum3A_1247 : vector<1xf32> to vector<1x1x1xf32>
    %reduce_sum3A_1249 = vector.extract %reduce_sum3A_1248[0, 0, 0] : f32 from vector<1x1x1xf32>
    %div3A_1250 = arith.constant 1.310720e+05 : f32
    %div3A_1251 = arith.divf %reduce_sum3A_1249, %div3A_1250 : f32
    %sub3A_1252 = vector.broadcast %div3A_1251 : f32 to vector<1024x128xf32>
    %sub3A_1253 = arith.subf %add3A_1244, %sub3A_1252 : vector<1024x128xf32>
    %integer_pow3A_1254 = arith.mulf %sub3A_1253, %sub3A_1253 : vector<1024x128xf32>
    %reduce_sum3A_1255 = vector.shape_cast %integer_pow3A_1254 : vector<1024x128xf32> to vector<1x1024x128xf32>
    %reduce_sum3A_1256 = arith.constant dense<0.000000e+00> : vector<1xf32>
    %reduce_sum3A_1257 = vector.multi_reduction <add>, %reduce_sum3A_1255, %reduce_sum3A_1256 [1, 2] : vector<1x1024x128xf32> to vector<1xf32>
    %reduce_sum3A_1258 = vector.shape_cast %reduce_sum3A_1257 : vector<1xf32> to vector<1x1x1xf32>
    %reduce_sum3A_1259 = vector.extract %reduce_sum3A_1258[0, 0, 0] : f32 from vector<1x1x1xf32>
    %div3A_1260 = arith.constant 1.310720e+05 : f32
    %div3A_1261 = arith.divf %reduce_sum3A_1259, %div3A_1260 : f32
    %sub3A_1262 = vector.broadcast %div3A_1251 : f32 to vector<1024x128xf32>
    %sub3A_1263 = arith.subf %add3A_1244, %sub3A_1262 : vector<1024x128xf32>
    %add3A_1264 = arith.constant 9.99999974E-6 : f32
    %add3A_1265 = arith.addf %div3A_1261, %add3A_1264 : f32
    %sqrt3A_1266 = math.sqrt %add3A_1265 : f32
    %div3A_1267 = vector.broadcast %sqrt3A_1266 : f32 to vector<1024x128xf32>
    %div3A_1268 = arith.divf %sub3A_1263, %div3A_1267 : vector<1024x128xf32>
    %get3A_1269 = arith.constant 0 : index
    %get3A_1270 = arith.constant 6 : index
    %get3A_1271 = memref.load %arg7[%get3A_1269, %get3A_1270] : memref<1x8xf32, #tpu.memory_space<smem>>
    %mul3A_1272 = vector.broadcast %get3A_1271 : f32 to vector<1024x128xf32>
    %mul3A_1273 = arith.mulf %div3A_1268, %mul3A_1272 : vector<1024x128xf32>
    %get3A_1274 = arith.constant 0 : index
    %get3A_1275 = arith.constant 6 : index
    %get3A_1276 = memref.load %arg8[%get3A_1274, %get3A_1275] : memref<1x8xf32, #tpu.memory_space<smem>>
    %add3A_1277 = vector.broadcast %get3A_1276 : f32 to vector<1024x128xf32>
    %add3A_1278 = arith.addf %mul3A_1273, %add3A_1277 : vector<1024x128xf32>
    %max3A_1279 = arith.constant 0.000000e+00 : f32
    %max3A_1280 = vector.broadcast %max3A_1279 : f32 to vector<1024x128xf32>
    %max3A_1281 = arith.maximumf %add3A_1278, %max3A_1280 : vector<1024x128xf32>
    %get3A_1282 = arith.constant 0 : index
    %get3A_1283 = arith.constant 7 : index
    %get3A_1284 = memref.load %arg5[%get3A_1282, %get3A_1283] : memref<8x8xf32, #tpu.memory_space<smem>>
    %convert_element_type3A_1285 = arith.truncf %get3A_1284 : f32 to bf16
    %convert_element_type3A_1286 = arith.extf %convert_element_type3A_1285 : bf16 to f32
    %mul3A_1287 = vector.broadcast %convert_element_type3A_1286 : f32 to vector<1024x128xf32>
    %mul3A_1288 = arith.mulf %convert_element_type3A_532, %mul3A_1287 : vector<1024x128xf32>
    %get3A_1289 = arith.constant 1 : index
    %get3A_1290 = arith.constant 7 : index
    %get3A_1291 = memref.load %arg5[%get3A_1289, %get3A_1290] : memref<8x8xf32, #tpu.memory_space<smem>>
    %convert_element_type3A_1292 = arith.truncf %get3A_1291 : f32 to bf16
    %convert_element_type3A_1293 = arith.extf %convert_element_type3A_1292 : bf16 to f32
    %mul3A_1294 = vector.broadcast %convert_element_type3A_1293 : f32 to vector<1024x128xf32>
    %mul3A_1295 = arith.mulf %convert_element_type3A_534, %mul3A_1294 : vector<1024x128xf32>
    %add3A_1296 = arith.addf %mul3A_1288, %mul3A_1295 : vector<1024x128xf32>
    %get3A_1297 = arith.constant 2 : index
    %get3A_1298 = arith.constant 7 : index
    %get3A_1299 = memref.load %arg5[%get3A_1297, %get3A_1298] : memref<8x8xf32, #tpu.memory_space<smem>>
    %convert_element_type3A_1300 = arith.truncf %get3A_1299 : f32 to bf16
    %convert_element_type3A_1301 = arith.extf %convert_element_type3A_1300 : bf16 to f32
    %mul3A_1302 = vector.broadcast %convert_element_type3A_1301 : f32 to vector<1024x128xf32>
    %mul3A_1303 = arith.mulf %convert_element_type3A_536, %mul3A_1302 : vector<1024x128xf32>
    %add3A_1304 = arith.addf %add3A_1296, %mul3A_1303 : vector<1024x128xf32>
    %get3A_1305 = arith.constant 3 : index
    %get3A_1306 = arith.constant 7 : index
    %get3A_1307 = memref.load %arg5[%get3A_1305, %get3A_1306] : memref<8x8xf32, #tpu.memory_space<smem>>
    %convert_element_type3A_1308 = arith.truncf %get3A_1307 : f32 to bf16
    %convert_element_type3A_1309 = arith.extf %convert_element_type3A_1308 : bf16 to f32
    %mul3A_1310 = vector.broadcast %convert_element_type3A_1309 : f32 to vector<1024x128xf32>
    %mul3A_1311 = arith.mulf %convert_element_type3A_538, %mul3A_1310 : vector<1024x128xf32>
    %add3A_1312 = arith.addf %add3A_1304, %mul3A_1311 : vector<1024x128xf32>
    %get3A_1313 = arith.constant 4 : index
    %get3A_1314 = arith.constant 7 : index
    %get3A_1315 = memref.load %arg5[%get3A_1313, %get3A_1314] : memref<8x8xf32, #tpu.memory_space<smem>>
    %convert_element_type3A_1316 = arith.truncf %get3A_1315 : f32 to bf16
    %convert_element_type3A_1317 = arith.extf %convert_element_type3A_1316 : bf16 to f32
    %mul3A_1318 = vector.broadcast %convert_element_type3A_1317 : f32 to vector<1024x128xf32>
    %mul3A_1319 = arith.mulf %convert_element_type3A_540, %mul3A_1318 : vector<1024x128xf32>
    %add3A_1320 = arith.addf %add3A_1312, %mul3A_1319 : vector<1024x128xf32>
    %get3A_1321 = arith.constant 5 : index
    %get3A_1322 = arith.constant 7 : index
    %get3A_1323 = memref.load %arg5[%get3A_1321, %get3A_1322] : memref<8x8xf32, #tpu.memory_space<smem>>
    %convert_element_type3A_1324 = arith.truncf %get3A_1323 : f32 to bf16
    %convert_element_type3A_1325 = arith.extf %convert_element_type3A_1324 : bf16 to f32
    %mul3A_1326 = vector.broadcast %convert_element_type3A_1325 : f32 to vector<1024x128xf32>
    %mul3A_1327 = arith.mulf %convert_element_type3A_542, %mul3A_1326 : vector<1024x128xf32>
    %add3A_1328 = arith.addf %add3A_1320, %mul3A_1327 : vector<1024x128xf32>
    %get3A_1329 = arith.constant 6 : index
    %get3A_1330 = arith.constant 7 : index
    %get3A_1331 = memref.load %arg5[%get3A_1329, %get3A_1330] : memref<8x8xf32, #tpu.memory_space<smem>>
    %convert_element_type3A_1332 = arith.truncf %get3A_1331 : f32 to bf16
    %convert_element_type3A_1333 = arith.extf %convert_element_type3A_1332 : bf16 to f32
    %mul3A_1334 = vector.broadcast %convert_element_type3A_1333 : f32 to vector<1024x128xf32>
    %mul3A_1335 = arith.mulf %convert_element_type3A_544, %mul3A_1334 : vector<1024x128xf32>
    %add3A_1336 = arith.addf %add3A_1328, %mul3A_1335 : vector<1024x128xf32>
    %get3A_1337 = arith.constant 7 : index
    %get3A_1338 = arith.constant 7 : index
    %get3A_1339 = memref.load %arg5[%get3A_1337, %get3A_1338] : memref<8x8xf32, #tpu.memory_space<smem>>
    %convert_element_type3A_1340 = arith.truncf %get3A_1339 : f32 to bf16
    %convert_element_type3A_1341 = arith.extf %convert_element_type3A_1340 : bf16 to f32
    %mul3A_1342 = vector.broadcast %convert_element_type3A_1341 : f32 to vector<1024x128xf32>
    %mul3A_1343 = arith.mulf %convert_element_type3A_546, %mul3A_1342 : vector<1024x128xf32>
    %add3A_1344 = arith.addf %add3A_1336, %mul3A_1343 : vector<1024x128xf32>
    %get3A_1345 = arith.constant 0 : index
    %get3A_1346 = arith.constant 7 : index
    %get3A_1347 = memref.load %arg6[%get3A_1345, %get3A_1346] : memref<1x8xf32, #tpu.memory_space<smem>>
    %add3A_1348 = vector.broadcast %get3A_1347 : f32 to vector<1024x128xf32>
    %add3A_1349 = arith.addf %add3A_1344, %add3A_1348 : vector<1024x128xf32>
    %reduce_sum3A_1350 = vector.shape_cast %add3A_1349 : vector<1024x128xf32> to vector<1x1024x128xf32>
    %reduce_sum3A_1351 = arith.constant dense<0.000000e+00> : vector<1xf32>
    %reduce_sum3A_1352 = vector.multi_reduction <add>, %reduce_sum3A_1350, %reduce_sum3A_1351 [1, 2] : vector<1x1024x128xf32> to vector<1xf32>
    %reduce_sum3A_1353 = vector.shape_cast %reduce_sum3A_1352 : vector<1xf32> to vector<1x1x1xf32>
    %reduce_sum3A_1354 = vector.extract %reduce_sum3A_1353[0, 0, 0] : f32 from vector<1x1x1xf32>
    %div3A_1355 = arith.constant 1.310720e+05 : f32
    %div3A_1356 = arith.divf %reduce_sum3A_1354, %div3A_1355 : f32
    %sub3A_1357 = vector.broadcast %div3A_1356 : f32 to vector<1024x128xf32>
    %sub3A_1358 = arith.subf %add3A_1349, %sub3A_1357 : vector<1024x128xf32>
    %integer_pow3A_1359 = arith.mulf %sub3A_1358, %sub3A_1358 : vector<1024x128xf32>
    %reduce_sum3A_1360 = vector.shape_cast %integer_pow3A_1359 : vector<1024x128xf32> to vector<1x1024x128xf32>
    %reduce_sum3A_1361 = arith.constant dense<0.000000e+00> : vector<1xf32>
    %reduce_sum3A_1362 = vector.multi_reduction <add>, %reduce_sum3A_1360, %reduce_sum3A_1361 [1, 2] : vector<1x1024x128xf32> to vector<1xf32>
    %reduce_sum3A_1363 = vector.shape_cast %reduce_sum3A_1362 : vector<1xf32> to vector<1x1x1xf32>
    %reduce_sum3A_1364 = vector.extract %reduce_sum3A_1363[0, 0, 0] : f32 from vector<1x1x1xf32>
    %div3A_1365 = arith.constant 1.310720e+05 : f32
    %div3A_1366 = arith.divf %reduce_sum3A_1364, %div3A_1365 : f32
    %sub3A_1367 = vector.broadcast %div3A_1356 : f32 to vector<1024x128xf32>
    %sub3A_1368 = arith.subf %add3A_1349, %sub3A_1367 : vector<1024x128xf32>
    %add3A_1369 = arith.constant 9.99999974E-6 : f32
    %add3A_1370 = arith.addf %div3A_1366, %add3A_1369 : f32
    %sqrt3A_1371 = math.sqrt %add3A_1370 : f32
    %div3A_1372 = vector.broadcast %sqrt3A_1371 : f32 to vector<1024x128xf32>
    %div3A_1373 = arith.divf %sub3A_1368, %div3A_1372 : vector<1024x128xf32>
    %get3A_1374 = arith.constant 0 : index
    %get3A_1375 = arith.constant 7 : index
    %get3A_1376 = memref.load %arg7[%get3A_1374, %get3A_1375] : memref<1x8xf32, #tpu.memory_space<smem>>
    %mul3A_1377 = vector.broadcast %get3A_1376 : f32 to vector<1024x128xf32>
    %mul3A_1378 = arith.mulf %div3A_1373, %mul3A_1377 : vector<1024x128xf32>
    %get3A_1379 = arith.constant 0 : index
    %get3A_1380 = arith.constant 7 : index
    %get3A_1381 = memref.load %arg8[%get3A_1379, %get3A_1380] : memref<1x8xf32, #tpu.memory_space<smem>>
    %add3A_1382 = vector.broadcast %get3A_1381 : f32 to vector<1024x128xf32>
    %add3A_1383 = arith.addf %mul3A_1378, %add3A_1382 : vector<1024x128xf32>
    %max3A_1384 = arith.constant 0.000000e+00 : f32
    %max3A_1385 = vector.broadcast %max3A_1384 : f32 to vector<1024x128xf32>
    %max3A_1386 = arith.maximumf %add3A_1383, %max3A_1385 : vector<1024x128xf32>
    %convert_element_type3A_1387 = arith.truncf %max3A_651 : vector<1024x128xf32> to vector<1024x128xbf16>
    %convert_element_type3A_1388 = arith.extf %convert_element_type3A_1387 : vector<1024x128xbf16> to vector<1024x128xf32>
    %convert_element_type3A_1389 = arith.truncf %max3A_756 : vector<1024x128xf32> to vector<1024x128xbf16>
    %convert_element_type3A_1390 = arith.extf %convert_element_type3A_1389 : vector<1024x128xbf16> to vector<1024x128xf32>
    %convert_element_type3A_1391 = arith.truncf %max3A_861 : vector<1024x128xf32> to vector<1024x128xbf16>
    %convert_element_type3A_1392 = arith.extf %convert_element_type3A_1391 : vector<1024x128xbf16> to vector<1024x128xf32>
    %convert_element_type3A_1393 = arith.truncf %max3A_966 : vector<1024x128xf32> to vector<1024x128xbf16>
    %convert_element_type3A_1394 = arith.extf %convert_element_type3A_1393 : vector<1024x128xbf16> to vector<1024x128xf32>
    %convert_element_type3A_1395 = arith.truncf %max3A_1071 : vector<1024x128xf32> to vector<1024x128xbf16>
    %convert_element_type3A_1396 = arith.extf %convert_element_type3A_1395 : vector<1024x128xbf16> to vector<1024x128xf32>
    %convert_element_type3A_1397 = arith.truncf %max3A_1176 : vector<1024x128xf32> to vector<1024x128xbf16>
    %convert_element_type3A_1398 = arith.extf %convert_element_type3A_1397 : vector<1024x128xbf16> to vector<1024x128xf32>
    %convert_element_type3A_1399 = arith.truncf %max3A_1281 : vector<1024x128xf32> to vector<1024x128xbf16>
    %convert_element_type3A_1400 = arith.extf %convert_element_type3A_1399 : vector<1024x128xbf16> to vector<1024x128xf32>
    %convert_element_type3A_1401 = arith.truncf %max3A_1386 : vector<1024x128xf32> to vector<1024x128xbf16>
    %convert_element_type3A_1402 = arith.extf %convert_element_type3A_1401 : vector<1024x128xbf16> to vector<1024x128xf32>
    %get3A_1403 = arith.constant 0 : index
    %get3A_1404 = arith.constant 0 : index
    %get3A_1405 = memref.load %arg9[%get3A_1403, %get3A_1404] : memref<8x16xf32, #tpu.memory_space<smem>>
    %convert_element_type3A_1406 = arith.truncf %get3A_1405 : f32 to bf16
    %convert_element_type3A_1407 = arith.extf %convert_element_type3A_1406 : bf16 to f32
    %mul3A_1408 = vector.broadcast %convert_element_type3A_1407 : f32 to vector<1024x128xf32>
    %mul3A_1409 = arith.mulf %convert_element_type3A_1388, %mul3A_1408 : vector<1024x128xf32>
    %get3A_1410 = arith.constant 1 : index
    %get3A_1411 = arith.constant 0 : index
    %get3A_1412 = memref.load %arg9[%get3A_1410, %get3A_1411] : memref<8x16xf32, #tpu.memory_space<smem>>
    %convert_element_type3A_1413 = arith.truncf %get3A_1412 : f32 to bf16
    %convert_element_type3A_1414 = arith.extf %convert_element_type3A_1413 : bf16 to f32
    %mul3A_1415 = vector.broadcast %convert_element_type3A_1414 : f32 to vector<1024x128xf32>
    %mul3A_1416 = arith.mulf %convert_element_type3A_1390, %mul3A_1415 : vector<1024x128xf32>
    %add3A_1417 = arith.addf %mul3A_1409, %mul3A_1416 : vector<1024x128xf32>
    %get3A_1418 = arith.constant 2 : index
    %get3A_1419 = arith.constant 0 : index
    %get3A_1420 = memref.load %arg9[%get3A_1418, %get3A_1419] : memref<8x16xf32, #tpu.memory_space<smem>>
    %convert_element_type3A_1421 = arith.truncf %get3A_1420 : f32 to bf16
    %convert_element_type3A_1422 = arith.extf %convert_element_type3A_1421 : bf16 to f32
    %mul3A_1423 = vector.broadcast %convert_element_type3A_1422 : f32 to vector<1024x128xf32>
    %mul3A_1424 = arith.mulf %convert_element_type3A_1392, %mul3A_1423 : vector<1024x128xf32>
    %add3A_1425 = arith.addf %add3A_1417, %mul3A_1424 : vector<1024x128xf32>
    %get3A_1426 = arith.constant 3 : index
    %get3A_1427 = arith.constant 0 : index
    %get3A_1428 = memref.load %arg9[%get3A_1426, %get3A_1427] : memref<8x16xf32, #tpu.memory_space<smem>>
    %convert_element_type3A_1429 = arith.truncf %get3A_1428 : f32 to bf16
    %convert_element_type3A_1430 = arith.extf %convert_element_type3A_1429 : bf16 to f32
    %mul3A_1431 = vector.broadcast %convert_element_type3A_1430 : f32 to vector<1024x128xf32>
    %mul3A_1432 = arith.mulf %convert_element_type3A_1394, %mul3A_1431 : vector<1024x128xf32>
    %add3A_1433 = arith.addf %add3A_1425, %mul3A_1432 : vector<1024x128xf32>
    %get3A_1434 = arith.constant 4 : index
    %get3A_1435 = arith.constant 0 : index
    %get3A_1436 = memref.load %arg9[%get3A_1434, %get3A_1435] : memref<8x16xf32, #tpu.memory_space<smem>>
    %convert_element_type3A_1437 = arith.truncf %get3A_1436 : f32 to bf16
    %convert_element_type3A_1438 = arith.extf %convert_element_type3A_1437 : bf16 to f32
    %mul3A_1439 = vector.broadcast %convert_element_type3A_1438 : f32 to vector<1024x128xf32>
    %mul3A_1440 = arith.mulf %convert_element_type3A_1396, %mul3A_1439 : vector<1024x128xf32>
    %add3A_1441 = arith.addf %add3A_1433, %mul3A_1440 : vector<1024x128xf32>
    %get3A_1442 = arith.constant 5 : index
    %get3A_1443 = arith.constant 0 : index
    %get3A_1444 = memref.load %arg9[%get3A_1442, %get3A_1443] : memref<8x16xf32, #tpu.memory_space<smem>>
    %convert_element_type3A_1445 = arith.truncf %get3A_1444 : f32 to bf16
    %convert_element_type3A_1446 = arith.extf %convert_element_type3A_1445 : bf16 to f32
    %mul3A_1447 = vector.broadcast %convert_element_type3A_1446 : f32 to vector<1024x128xf32>
    %mul3A_1448 = arith.mulf %convert_element_type3A_1398, %mul3A_1447 : vector<1024x128xf32>
    %add3A_1449 = arith.addf %add3A_1441, %mul3A_1448 : vector<1024x128xf32>
    %get3A_1450 = arith.constant 6 : index
    %get3A_1451 = arith.constant 0 : index
    %get3A_1452 = memref.load %arg9[%get3A_1450, %get3A_1451] : memref<8x16xf32, #tpu.memory_space<smem>>
    %convert_element_type3A_1453 = arith.truncf %get3A_1452 : f32 to bf16
    %convert_element_type3A_1454 = arith.extf %convert_element_type3A_1453 : bf16 to f32
    %mul3A_1455 = vector.broadcast %convert_element_type3A_1454 : f32 to vector<1024x128xf32>
    %mul3A_1456 = arith.mulf %convert_element_type3A_1400, %mul3A_1455 : vector<1024x128xf32>
    %add3A_1457 = arith.addf %add3A_1449, %mul3A_1456 : vector<1024x128xf32>
    %get3A_1458 = arith.constant 7 : index
    %get3A_1459 = arith.constant 0 : index
    %get3A_1460 = memref.load %arg9[%get3A_1458, %get3A_1459] : memref<8x16xf32, #tpu.memory_space<smem>>
    %convert_element_type3A_1461 = arith.truncf %get3A_1460 : f32 to bf16
    %convert_element_type3A_1462 = arith.extf %convert_element_type3A_1461 : bf16 to f32
    %mul3A_1463 = vector.broadcast %convert_element_type3A_1462 : f32 to vector<1024x128xf32>
    %mul3A_1464 = arith.mulf %convert_element_type3A_1402, %mul3A_1463 : vector<1024x128xf32>
    %add3A_1465 = arith.addf %add3A_1457, %mul3A_1464 : vector<1024x128xf32>
    %get3A_1466 = arith.constant 0 : index
    %get3A_1467 = arith.constant 0 : index
    %get3A_1468 = memref.load %arg10[%get3A_1466, %get3A_1467] : memref<1x16xf32, #tpu.memory_space<smem>>
    %add3A_1469 = vector.broadcast %get3A_1468 : f32 to vector<1024x128xf32>
    %add3A_1470 = arith.addf %add3A_1465, %add3A_1469 : vector<1024x128xf32>
    %reduce_sum3A_1471 = vector.shape_cast %add3A_1470 : vector<1024x128xf32> to vector<1x1024x128xf32>
    %reduce_sum3A_1472 = arith.constant dense<0.000000e+00> : vector<1xf32>
    %reduce_sum3A_1473 = vector.multi_reduction <add>, %reduce_sum3A_1471, %reduce_sum3A_1472 [1, 2] : vector<1x1024x128xf32> to vector<1xf32>
    %reduce_sum3A_1474 = vector.shape_cast %reduce_sum3A_1473 : vector<1xf32> to vector<1x1x1xf32>
    %reduce_sum3A_1475 = vector.extract %reduce_sum3A_1474[0, 0, 0] : f32 from vector<1x1x1xf32>
    %div3A_1476 = arith.constant 1.310720e+05 : f32
    %div3A_1477 = arith.divf %reduce_sum3A_1475, %div3A_1476 : f32
    %sub3A_1478 = vector.broadcast %div3A_1477 : f32 to vector<1024x128xf32>
    %sub3A_1479 = arith.subf %add3A_1470, %sub3A_1478 : vector<1024x128xf32>
    %integer_pow3A_1480 = arith.mulf %sub3A_1479, %sub3A_1479 : vector<1024x128xf32>
    %reduce_sum3A_1481 = vector.shape_cast %integer_pow3A_1480 : vector<1024x128xf32> to vector<1x1024x128xf32>
    %reduce_sum3A_1482 = arith.constant dense<0.000000e+00> : vector<1xf32>
    %reduce_sum3A_1483 = vector.multi_reduction <add>, %reduce_sum3A_1481, %reduce_sum3A_1482 [1, 2] : vector<1x1024x128xf32> to vector<1xf32>
    %reduce_sum3A_1484 = vector.shape_cast %reduce_sum3A_1483 : vector<1xf32> to vector<1x1x1xf32>
    %reduce_sum3A_1485 = vector.extract %reduce_sum3A_1484[0, 0, 0] : f32 from vector<1x1x1xf32>
    %div3A_1486 = arith.constant 1.310720e+05 : f32
    %div3A_1487 = arith.divf %reduce_sum3A_1485, %div3A_1486 : f32
    %sub3A_1488 = vector.broadcast %div3A_1477 : f32 to vector<1024x128xf32>
    %sub3A_1489 = arith.subf %add3A_1470, %sub3A_1488 : vector<1024x128xf32>
    %add3A_1490 = arith.constant 9.99999974E-6 : f32
    %add3A_1491 = arith.addf %div3A_1487, %add3A_1490 : f32
    %sqrt3A_1492 = math.sqrt %add3A_1491 : f32
    %div3A_1493 = vector.broadcast %sqrt3A_1492 : f32 to vector<1024x128xf32>
    %div3A_1494 = arith.divf %sub3A_1489, %div3A_1493 : vector<1024x128xf32>
    %get3A_1495 = arith.constant 0 : index
    %get3A_1496 = arith.constant 0 : index
    %get3A_1497 = memref.load %arg11[%get3A_1495, %get3A_1496] : memref<1x16xf32, #tpu.memory_space<smem>>
    %mul3A_1498 = vector.broadcast %get3A_1497 : f32 to vector<1024x128xf32>
    %mul3A_1499 = arith.mulf %div3A_1494, %mul3A_1498 : vector<1024x128xf32>
    %get3A_1500 = arith.constant 0 : index
    %get3A_1501 = arith.constant 0 : index
    %get3A_1502 = memref.load %arg12[%get3A_1500, %get3A_1501] : memref<1x16xf32, #tpu.memory_space<smem>>
    %add3A_1503 = vector.broadcast %get3A_1502 : f32 to vector<1024x128xf32>
    %add3A_1504 = arith.addf %mul3A_1499, %add3A_1503 : vector<1024x128xf32>
    %max3A_1505 = arith.constant 0.000000e+00 : f32
    %max3A_1506 = vector.broadcast %max3A_1505 : f32 to vector<1024x128xf32>
    %max3A_1507 = arith.maximumf %add3A_1504, %max3A_1506 : vector<1024x128xf32>
    %get3A_1508 = arith.constant 0 : index
    %get3A_1509 = arith.constant 1 : index
    %get3A_1510 = memref.load %arg9[%get3A_1508, %get3A_1509] : memref<8x16xf32, #tpu.memory_space<smem>>
    %convert_element_type3A_1511 = arith.truncf %get3A_1510 : f32 to bf16
    %convert_element_type3A_1512 = arith.extf %convert_element_type3A_1511 : bf16 to f32
    %mul3A_1513 = vector.broadcast %convert_element_type3A_1512 : f32 to vector<1024x128xf32>
    %mul3A_1514 = arith.mulf %convert_element_type3A_1388, %mul3A_1513 : vector<1024x128xf32>
    %get3A_1515 = arith.constant 1 : index
    %get3A_1516 = arith.constant 1 : index
    %get3A_1517 = memref.load %arg9[%get3A_1515, %get3A_1516] : memref<8x16xf32, #tpu.memory_space<smem>>
    %convert_element_type3A_1518 = arith.truncf %get3A_1517 : f32 to bf16
    %convert_element_type3A_1519 = arith.extf %convert_element_type3A_1518 : bf16 to f32
    %mul3A_1520 = vector.broadcast %convert_element_type3A_1519 : f32 to vector<1024x128xf32>
    %mul3A_1521 = arith.mulf %convert_element_type3A_1390, %mul3A_1520 : vector<1024x128xf32>
    %add3A_1522 = arith.addf %mul3A_1514, %mul3A_1521 : vector<1024x128xf32>
    %get3A_1523 = arith.constant 2 : index
    %get3A_1524 = arith.constant 1 : index
    %get3A_1525 = memref.load %arg9[%get3A_1523, %get3A_1524] : memref<8x16xf32, #tpu.memory_space<smem>>
    %convert_element_type3A_1526 = arith.truncf %get3A_1525 : f32 to bf16
    %convert_element_type3A_1527 = arith.extf %convert_element_type3A_1526 : bf16 to f32
    %mul3A_1528 = vector.broadcast %convert_element_type3A_1527 : f32 to vector<1024x128xf32>
    %mul3A_1529 = arith.mulf %convert_element_type3A_1392, %mul3A_1528 : vector<1024x128xf32>
    %add3A_1530 = arith.addf %add3A_1522, %mul3A_1529 : vector<1024x128xf32>
    %get3A_1531 = arith.constant 3 : index
    %get3A_1532 = arith.constant 1 : index
    %get3A_1533 = memref.load %arg9[%get3A_1531, %get3A_1532] : memref<8x16xf32, #tpu.memory_space<smem>>
    %convert_element_type3A_1534 = arith.truncf %get3A_1533 : f32 to bf16
    %convert_element_type3A_1535 = arith.extf %convert_element_type3A_1534 : bf16 to f32
    %mul3A_1536 = vector.broadcast %convert_element_type3A_1535 : f32 to vector<1024x128xf32>
    %mul3A_1537 = arith.mulf %convert_element_type3A_1394, %mul3A_1536 : vector<1024x128xf32>
    %add3A_1538 = arith.addf %add3A_1530, %mul3A_1537 : vector<1024x128xf32>
    %get3A_1539 = arith.constant 4 : index
    %get3A_1540 = arith.constant 1 : index
    %get3A_1541 = memref.load %arg9[%get3A_1539, %get3A_1540] : memref<8x16xf32, #tpu.memory_space<smem>>
    %convert_element_type3A_1542 = arith.truncf %get3A_1541 : f32 to bf16
    %convert_element_type3A_1543 = arith.extf %convert_element_type3A_1542 : bf16 to f32
    %mul3A_1544 = vector.broadcast %convert_element_type3A_1543 : f32 to vector<1024x128xf32>
    %mul3A_1545 = arith.mulf %convert_element_type3A_1396, %mul3A_1544 : vector<1024x128xf32>
    %add3A_1546 = arith.addf %add3A_1538, %mul3A_1545 : vector<1024x128xf32>
    %get3A_1547 = arith.constant 5 : index
    %get3A_1548 = arith.constant 1 : index
    %get3A_1549 = memref.load %arg9[%get3A_1547, %get3A_1548] : memref<8x16xf32, #tpu.memory_space<smem>>
    %convert_element_type3A_1550 = arith.truncf %get3A_1549 : f32 to bf16
    %convert_element_type3A_1551 = arith.extf %convert_element_type3A_1550 : bf16 to f32
    %mul3A_1552 = vector.broadcast %convert_element_type3A_1551 : f32 to vector<1024x128xf32>
    %mul3A_1553 = arith.mulf %convert_element_type3A_1398, %mul3A_1552 : vector<1024x128xf32>
    %add3A_1554 = arith.addf %add3A_1546, %mul3A_1553 : vector<1024x128xf32>
    %get3A_1555 = arith.constant 6 : index
    %get3A_1556 = arith.constant 1 : index
    %get3A_1557 = memref.load %arg9[%get3A_1555, %get3A_1556] : memref<8x16xf32, #tpu.memory_space<smem>>
    %convert_element_type3A_1558 = arith.truncf %get3A_1557 : f32 to bf16
    %convert_element_type3A_1559 = arith.extf %convert_element_type3A_1558 : bf16 to f32
    %mul3A_1560 = vector.broadcast %convert_element_type3A_1559 : f32 to vector<1024x128xf32>
    %mul3A_1561 = arith.mulf %convert_element_type3A_1400, %mul3A_1560 : vector<1024x128xf32>
    %add3A_1562 = arith.addf %add3A_1554, %mul3A_1561 : vector<1024x128xf32>
    %get3A_1563 = arith.constant 7 : index
    %get3A_1564 = arith.constant 1 : index
    %get3A_1565 = memref.load %arg9[%get3A_1563, %get3A_1564] : memref<8x16xf32, #tpu.memory_space<smem>>
    %convert_element_type3A_1566 = arith.truncf %get3A_1565 : f32 to bf16
    %convert_element_type3A_1567 = arith.extf %convert_element_type3A_1566 : bf16 to f32
    %mul3A_1568 = vector.broadcast %convert_element_type3A_1567 : f32 to vector<1024x128xf32>
    %mul3A_1569 = arith.mulf %convert_element_type3A_1402, %mul3A_1568 : vector<1024x128xf32>
    %add3A_1570 = arith.addf %add3A_1562, %mul3A_1569 : vector<1024x128xf32>
    %get3A_1571 = arith.constant 0 : index
    %get3A_1572 = arith.constant 1 : index
    %get3A_1573 = memref.load %arg10[%get3A_1571, %get3A_1572] : memref<1x16xf32, #tpu.memory_space<smem>>
    %add3A_1574 = vector.broadcast %get3A_1573 : f32 to vector<1024x128xf32>
    %add3A_1575 = arith.addf %add3A_1570, %add3A_1574 : vector<1024x128xf32>
    %reduce_sum3A_1576 = vector.shape_cast %add3A_1575 : vector<1024x128xf32> to vector<1x1024x128xf32>
    %reduce_sum3A_1577 = arith.constant dense<0.000000e+00> : vector<1xf32>
    %reduce_sum3A_1578 = vector.multi_reduction <add>, %reduce_sum3A_1576, %reduce_sum3A_1577 [1, 2] : vector<1x1024x128xf32> to vector<1xf32>
    %reduce_sum3A_1579 = vector.shape_cast %reduce_sum3A_1578 : vector<1xf32> to vector<1x1x1xf32>
    %reduce_sum3A_1580 = vector.extract %reduce_sum3A_1579[0, 0, 0] : f32 from vector<1x1x1xf32>
    %div3A_1581 = arith.constant 1.310720e+05 : f32
    %div3A_1582 = arith.divf %reduce_sum3A_1580, %div3A_1581 : f32
    %sub3A_1583 = vector.broadcast %div3A_1582 : f32 to vector<1024x128xf32>
    %sub3A_1584 = arith.subf %add3A_1575, %sub3A_1583 : vector<1024x128xf32>
    %integer_pow3A_1585 = arith.mulf %sub3A_1584, %sub3A_1584 : vector<1024x128xf32>
    %reduce_sum3A_1586 = vector.shape_cast %integer_pow3A_1585 : vector<1024x128xf32> to vector<1x1024x128xf32>
    %reduce_sum3A_1587 = arith.constant dense<0.000000e+00> : vector<1xf32>
    %reduce_sum3A_1588 = vector.multi_reduction <add>, %reduce_sum3A_1586, %reduce_sum3A_1587 [1, 2] : vector<1x1024x128xf32> to vector<1xf32>
    %reduce_sum3A_1589 = vector.shape_cast %reduce_sum3A_1588 : vector<1xf32> to vector<1x1x1xf32>
    %reduce_sum3A_1590 = vector.extract %reduce_sum3A_1589[0, 0, 0] : f32 from vector<1x1x1xf32>
    %div3A_1591 = arith.constant 1.310720e+05 : f32
    %div3A_1592 = arith.divf %reduce_sum3A_1590, %div3A_1591 : f32
    %sub3A_1593 = vector.broadcast %div3A_1582 : f32 to vector<1024x128xf32>
    %sub3A_1594 = arith.subf %add3A_1575, %sub3A_1593 : vector<1024x128xf32>
    %add3A_1595 = arith.constant 9.99999974E-6 : f32
    %add3A_1596 = arith.addf %div3A_1592, %add3A_1595 : f32
    %sqrt3A_1597 = math.sqrt %add3A_1596 : f32
    %div3A_1598 = vector.broadcast %sqrt3A_1597 : f32 to vector<1024x128xf32>
    %div3A_1599 = arith.divf %sub3A_1594, %div3A_1598 : vector<1024x128xf32>
    %get3A_1600 = arith.constant 0 : index
    %get3A_1601 = arith.constant 1 : index
    %get3A_1602 = memref.load %arg11[%get3A_1600, %get3A_1601] : memref<1x16xf32, #tpu.memory_space<smem>>
    %mul3A_1603 = vector.broadcast %get3A_1602 : f32 to vector<1024x128xf32>
    %mul3A_1604 = arith.mulf %div3A_1599, %mul3A_1603 : vector<1024x128xf32>
    %get3A_1605 = arith.constant 0 : index
    %get3A_1606 = arith.constant 1 : index
    %get3A_1607 = memref.load %arg12[%get3A_1605, %get3A_1606] : memref<1x16xf32, #tpu.memory_space<smem>>
    %add3A_1608 = vector.broadcast %get3A_1607 : f32 to vector<1024x128xf32>
    %add3A_1609 = arith.addf %mul3A_1604, %add3A_1608 : vector<1024x128xf32>
    %max3A_1610 = arith.constant 0.000000e+00 : f32
    %max3A_1611 = vector.broadcast %max3A_1610 : f32 to vector<1024x128xf32>
    %max3A_1612 = arith.maximumf %add3A_1609, %max3A_1611 : vector<1024x128xf32>
    %get3A_1613 = arith.constant 0 : index
    %get3A_1614 = arith.constant 2 : index
    %get3A_1615 = memref.load %arg9[%get3A_1613, %get3A_1614] : memref<8x16xf32, #tpu.memory_space<smem>>
    %convert_element_type3A_1616 = arith.truncf %get3A_1615 : f32 to bf16
    %convert_element_type3A_1617 = arith.extf %convert_element_type3A_1616 : bf16 to f32
    %mul3A_1618 = vector.broadcast %convert_element_type3A_1617 : f32 to vector<1024x128xf32>
    %mul3A_1619 = arith.mulf %convert_element_type3A_1388, %mul3A_1618 : vector<1024x128xf32>
    %get3A_1620 = arith.constant 1 : index
    %get3A_1621 = arith.constant 2 : index
    %get3A_1622 = memref.load %arg9[%get3A_1620, %get3A_1621] : memref<8x16xf32, #tpu.memory_space<smem>>
    %convert_element_type3A_1623 = arith.truncf %get3A_1622 : f32 to bf16
    %convert_element_type3A_1624 = arith.extf %convert_element_type3A_1623 : bf16 to f32
    %mul3A_1625 = vector.broadcast %convert_element_type3A_1624 : f32 to vector<1024x128xf32>
    %mul3A_1626 = arith.mulf %convert_element_type3A_1390, %mul3A_1625 : vector<1024x128xf32>
    %add3A_1627 = arith.addf %mul3A_1619, %mul3A_1626 : vector<1024x128xf32>
    %get3A_1628 = arith.constant 2 : index
    %get3A_1629 = arith.constant 2 : index
    %get3A_1630 = memref.load %arg9[%get3A_1628, %get3A_1629] : memref<8x16xf32, #tpu.memory_space<smem>>
    %convert_element_type3A_1631 = arith.truncf %get3A_1630 : f32 to bf16
    %convert_element_type3A_1632 = arith.extf %convert_element_type3A_1631 : bf16 to f32
    %mul3A_1633 = vector.broadcast %convert_element_type3A_1632 : f32 to vector<1024x128xf32>
    %mul3A_1634 = arith.mulf %convert_element_type3A_1392, %mul3A_1633 : vector<1024x128xf32>
    %add3A_1635 = arith.addf %add3A_1627, %mul3A_1634 : vector<1024x128xf32>
    %get3A_1636 = arith.constant 3 : index
    %get3A_1637 = arith.constant 2 : index
    %get3A_1638 = memref.load %arg9[%get3A_1636, %get3A_1637] : memref<8x16xf32, #tpu.memory_space<smem>>
    %convert_element_type3A_1639 = arith.truncf %get3A_1638 : f32 to bf16
    %convert_element_type3A_1640 = arith.extf %convert_element_type3A_1639 : bf16 to f32
    %mul3A_1641 = vector.broadcast %convert_element_type3A_1640 : f32 to vector<1024x128xf32>
    %mul3A_1642 = arith.mulf %convert_element_type3A_1394, %mul3A_1641 : vector<1024x128xf32>
    %add3A_1643 = arith.addf %add3A_1635, %mul3A_1642 : vector<1024x128xf32>
    %get3A_1644 = arith.constant 4 : index
    %get3A_1645 = arith.constant 2 : index
    %get3A_1646 = memref.load %arg9[%get3A_1644, %get3A_1645] : memref<8x16xf32, #tpu.memory_space<smem>>
    %convert_element_type3A_1647 = arith.truncf %get3A_1646 : f32 to bf16
    %convert_element_type3A_1648 = arith.extf %convert_element_type3A_1647 : bf16 to f32
    %mul3A_1649 = vector.broadcast %convert_element_type3A_1648 : f32 to vector<1024x128xf32>
    %mul3A_1650 = arith.mulf %convert_element_type3A_1396, %mul3A_1649 : vector<1024x128xf32>
    %add3A_1651 = arith.addf %add3A_1643, %mul3A_1650 : vector<1024x128xf32>
    %get3A_1652 = arith.constant 5 : index
    %get3A_1653 = arith.constant 2 : index
    %get3A_1654 = memref.load %arg9[%get3A_1652, %get3A_1653] : memref<8x16xf32, #tpu.memory_space<smem>>
    %convert_element_type3A_1655 = arith.truncf %get3A_1654 : f32 to bf16
    %convert_element_type3A_1656 = arith.extf %convert_element_type3A_1655 : bf16 to f32
    %mul3A_1657 = vector.broadcast %convert_element_type3A_1656 : f32 to vector<1024x128xf32>
    %mul3A_1658 = arith.mulf %convert_element_type3A_1398, %mul3A_1657 : vector<1024x128xf32>
    %add3A_1659 = arith.addf %add3A_1651, %mul3A_1658 : vector<1024x128xf32>
    %get3A_1660 = arith.constant 6 : index
    %get3A_1661 = arith.constant 2 : index
    %get3A_1662 = memref.load %arg9[%get3A_1660, %get3A_1661] : memref<8x16xf32, #tpu.memory_space<smem>>
    %convert_element_type3A_1663 = arith.truncf %get3A_1662 : f32 to bf16
    %convert_element_type3A_1664 = arith.extf %convert_element_type3A_1663 : bf16 to f32
    %mul3A_1665 = vector.broadcast %convert_element_type3A_1664 : f32 to vector<1024x128xf32>
    %mul3A_1666 = arith.mulf %convert_element_type3A_1400, %mul3A_1665 : vector<1024x128xf32>
    %add3A_1667 = arith.addf %add3A_1659, %mul3A_1666 : vector<1024x128xf32>
    %get3A_1668 = arith.constant 7 : index
    %get3A_1669 = arith.constant 2 : index
    %get3A_1670 = memref.load %arg9[%get3A_1668, %get3A_1669] : memref<8x16xf32, #tpu.memory_space<smem>>
    %convert_element_type3A_1671 = arith.truncf %get3A_1670 : f32 to bf16
    %convert_element_type3A_1672 = arith.extf %convert_element_type3A_1671 : bf16 to f32
    %mul3A_1673 = vector.broadcast %convert_element_type3A_1672 : f32 to vector<1024x128xf32>
    %mul3A_1674 = arith.mulf %convert_element_type3A_1402, %mul3A_1673 : vector<1024x128xf32>
    %add3A_1675 = arith.addf %add3A_1667, %mul3A_1674 : vector<1024x128xf32>
    %get3A_1676 = arith.constant 0 : index
    %get3A_1677 = arith.constant 2 : index
    %get3A_1678 = memref.load %arg10[%get3A_1676, %get3A_1677] : memref<1x16xf32, #tpu.memory_space<smem>>
    %add3A_1679 = vector.broadcast %get3A_1678 : f32 to vector<1024x128xf32>
    %add3A_1680 = arith.addf %add3A_1675, %add3A_1679 : vector<1024x128xf32>
    %reduce_sum3A_1681 = vector.shape_cast %add3A_1680 : vector<1024x128xf32> to vector<1x1024x128xf32>
    %reduce_sum3A_1682 = arith.constant dense<0.000000e+00> : vector<1xf32>
    %reduce_sum3A_1683 = vector.multi_reduction <add>, %reduce_sum3A_1681, %reduce_sum3A_1682 [1, 2] : vector<1x1024x128xf32> to vector<1xf32>
    %reduce_sum3A_1684 = vector.shape_cast %reduce_sum3A_1683 : vector<1xf32> to vector<1x1x1xf32>
    %reduce_sum3A_1685 = vector.extract %reduce_sum3A_1684[0, 0, 0] : f32 from vector<1x1x1xf32>
    %div3A_1686 = arith.constant 1.310720e+05 : f32
    %div3A_1687 = arith.divf %reduce_sum3A_1685, %div3A_1686 : f32
    %sub3A_1688 = vector.broadcast %div3A_1687 : f32 to vector<1024x128xf32>
    %sub3A_1689 = arith.subf %add3A_1680, %sub3A_1688 : vector<1024x128xf32>
    %integer_pow3A_1690 = arith.mulf %sub3A_1689, %sub3A_1689 : vector<1024x128xf32>
    %reduce_sum3A_1691 = vector.shape_cast %integer_pow3A_1690 : vector<1024x128xf32> to vector<1x1024x128xf32>
    %reduce_sum3A_1692 = arith.constant dense<0.000000e+00> : vector<1xf32>
    %reduce_sum3A_1693 = vector.multi_reduction <add>, %reduce_sum3A_1691, %reduce_sum3A_1692 [1, 2] : vector<1x1024x128xf32> to vector<1xf32>
    %reduce_sum3A_1694 = vector.shape_cast %reduce_sum3A_1693 : vector<1xf32> to vector<1x1x1xf32>
    %reduce_sum3A_1695 = vector.extract %reduce_sum3A_1694[0, 0, 0] : f32 from vector<1x1x1xf32>
    %div3A_1696 = arith.constant 1.310720e+05 : f32
    %div3A_1697 = arith.divf %reduce_sum3A_1695, %div3A_1696 : f32
    %sub3A_1698 = vector.broadcast %div3A_1687 : f32 to vector<1024x128xf32>
    %sub3A_1699 = arith.subf %add3A_1680, %sub3A_1698 : vector<1024x128xf32>
    %add3A_1700 = arith.constant 9.99999974E-6 : f32
    %add3A_1701 = arith.addf %div3A_1697, %add3A_1700 : f32
    %sqrt3A_1702 = math.sqrt %add3A_1701 : f32
    %div3A_1703 = vector.broadcast %sqrt3A_1702 : f32 to vector<1024x128xf32>
    %div3A_1704 = arith.divf %sub3A_1699, %div3A_1703 : vector<1024x128xf32>
    %get3A_1705 = arith.constant 0 : index
    %get3A_1706 = arith.constant 2 : index
    %get3A_1707 = memref.load %arg11[%get3A_1705, %get3A_1706] : memref<1x16xf32, #tpu.memory_space<smem>>
    %mul3A_1708 = vector.broadcast %get3A_1707 : f32 to vector<1024x128xf32>
    %mul3A_1709 = arith.mulf %div3A_1704, %mul3A_1708 : vector<1024x128xf32>
    %get3A_1710 = arith.constant 0 : index
    %get3A_1711 = arith.constant 2 : index
    %get3A_1712 = memref.load %arg12[%get3A_1710, %get3A_1711] : memref<1x16xf32, #tpu.memory_space<smem>>
    %add3A_1713 = vector.broadcast %get3A_1712 : f32 to vector<1024x128xf32>
    %add3A_1714 = arith.addf %mul3A_1709, %add3A_1713 : vector<1024x128xf32>
    %max3A_1715 = arith.constant 0.000000e+00 : f32
    %max3A_1716 = vector.broadcast %max3A_1715 : f32 to vector<1024x128xf32>
    %max3A_1717 = arith.maximumf %add3A_1714, %max3A_1716 : vector<1024x128xf32>
    %get3A_1718 = arith.constant 0 : index
    %get3A_1719 = arith.constant 3 : index
    %get3A_1720 = memref.load %arg9[%get3A_1718, %get3A_1719] : memref<8x16xf32, #tpu.memory_space<smem>>
    %convert_element_type3A_1721 = arith.truncf %get3A_1720 : f32 to bf16
    %convert_element_type3A_1722 = arith.extf %convert_element_type3A_1721 : bf16 to f32
    %mul3A_1723 = vector.broadcast %convert_element_type3A_1722 : f32 to vector<1024x128xf32>
    %mul3A_1724 = arith.mulf %convert_element_type3A_1388, %mul3A_1723 : vector<1024x128xf32>
    %get3A_1725 = arith.constant 1 : index
    %get3A_1726 = arith.constant 3 : index
    %get3A_1727 = memref.load %arg9[%get3A_1725, %get3A_1726] : memref<8x16xf32, #tpu.memory_space<smem>>
    %convert_element_type3A_1728 = arith.truncf %get3A_1727 : f32 to bf16
    %convert_element_type3A_1729 = arith.extf %convert_element_type3A_1728 : bf16 to f32
    %mul3A_1730 = vector.broadcast %convert_element_type3A_1729 : f32 to vector<1024x128xf32>
    %mul3A_1731 = arith.mulf %convert_element_type3A_1390, %mul3A_1730 : vector<1024x128xf32>
    %add3A_1732 = arith.addf %mul3A_1724, %mul3A_1731 : vector<1024x128xf32>
    %get3A_1733 = arith.constant 2 : index
    %get3A_1734 = arith.constant 3 : index
    %get3A_1735 = memref.load %arg9[%get3A_1733, %get3A_1734] : memref<8x16xf32, #tpu.memory_space<smem>>
    %convert_element_type3A_1736 = arith.truncf %get3A_1735 : f32 to bf16
    %convert_element_type3A_1737 = arith.extf %convert_element_type3A_1736 : bf16 to f32
    %mul3A_1738 = vector.broadcast %convert_element_type3A_1737 : f32 to vector<1024x128xf32>
    %mul3A_1739 = arith.mulf %convert_element_type3A_1392, %mul3A_1738 : vector<1024x128xf32>
    %add3A_1740 = arith.addf %add3A_1732, %mul3A_1739 : vector<1024x128xf32>
    %get3A_1741 = arith.constant 3 : index
    %get3A_1742 = arith.constant 3 : index
    %get3A_1743 = memref.load %arg9[%get3A_1741, %get3A_1742] : memref<8x16xf32, #tpu.memory_space<smem>>
    %convert_element_type3A_1744 = arith.truncf %get3A_1743 : f32 to bf16
    %convert_element_type3A_1745 = arith.extf %convert_element_type3A_1744 : bf16 to f32
    %mul3A_1746 = vector.broadcast %convert_element_type3A_1745 : f32 to vector<1024x128xf32>
    %mul3A_1747 = arith.mulf %convert_element_type3A_1394, %mul3A_1746 : vector<1024x128xf32>
    %add3A_1748 = arith.addf %add3A_1740, %mul3A_1747 : vector<1024x128xf32>
    %get3A_1749 = arith.constant 4 : index
    %get3A_1750 = arith.constant 3 : index
    %get3A_1751 = memref.load %arg9[%get3A_1749, %get3A_1750] : memref<8x16xf32, #tpu.memory_space<smem>>
    %convert_element_type3A_1752 = arith.truncf %get3A_1751 : f32 to bf16
    %convert_element_type3A_1753 = arith.extf %convert_element_type3A_1752 : bf16 to f32
    %mul3A_1754 = vector.broadcast %convert_element_type3A_1753 : f32 to vector<1024x128xf32>
    %mul3A_1755 = arith.mulf %convert_element_type3A_1396, %mul3A_1754 : vector<1024x128xf32>
    %add3A_1756 = arith.addf %add3A_1748, %mul3A_1755 : vector<1024x128xf32>
    %get3A_1757 = arith.constant 5 : index
    %get3A_1758 = arith.constant 3 : index
    %get3A_1759 = memref.load %arg9[%get3A_1757, %get3A_1758] : memref<8x16xf32, #tpu.memory_space<smem>>
    %convert_element_type3A_1760 = arith.truncf %get3A_1759 : f32 to bf16
    %convert_element_type3A_1761 = arith.extf %convert_element_type3A_1760 : bf16 to f32
    %mul3A_1762 = vector.broadcast %convert_element_type3A_1761 : f32 to vector<1024x128xf32>
    %mul3A_1763 = arith.mulf %convert_element_type3A_1398, %mul3A_1762 : vector<1024x128xf32>
    %add3A_1764 = arith.addf %add3A_1756, %mul3A_1763 : vector<1024x128xf32>
    %get3A_1765 = arith.constant 6 : index
    %get3A_1766 = arith.constant 3 : index
    %get3A_1767 = memref.load %arg9[%get3A_1765, %get3A_1766] : memref<8x16xf32, #tpu.memory_space<smem>>
    %convert_element_type3A_1768 = arith.truncf %get3A_1767 : f32 to bf16
    %convert_element_type3A_1769 = arith.extf %convert_element_type3A_1768 : bf16 to f32
    %mul3A_1770 = vector.broadcast %convert_element_type3A_1769 : f32 to vector<1024x128xf32>
    %mul3A_1771 = arith.mulf %convert_element_type3A_1400, %mul3A_1770 : vector<1024x128xf32>
    %add3A_1772 = arith.addf %add3A_1764, %mul3A_1771 : vector<1024x128xf32>
    %get3A_1773 = arith.constant 7 : index
    %get3A_1774 = arith.constant 3 : index
    %get3A_1775 = memref.load %arg9[%get3A_1773, %get3A_1774] : memref<8x16xf32, #tpu.memory_space<smem>>
    %convert_element_type3A_1776 = arith.truncf %get3A_1775 : f32 to bf16
    %convert_element_type3A_1777 = arith.extf %convert_element_type3A_1776 : bf16 to f32
    %mul3A_1778 = vector.broadcast %convert_element_type3A_1777 : f32 to vector<1024x128xf32>
    %mul3A_1779 = arith.mulf %convert_element_type3A_1402, %mul3A_1778 : vector<1024x128xf32>
    %add3A_1780 = arith.addf %add3A_1772, %mul3A_1779 : vector<1024x128xf32>
    %get3A_1781 = arith.constant 0 : index
    %get3A_1782 = arith.constant 3 : index
    %get3A_1783 = memref.load %arg10[%get3A_1781, %get3A_1782] : memref<1x16xf32, #tpu.memory_space<smem>>
    %add3A_1784 = vector.broadcast %get3A_1783 : f32 to vector<1024x128xf32>
    %add3A_1785 = arith.addf %add3A_1780, %add3A_1784 : vector<1024x128xf32>
    %reduce_sum3A_1786 = vector.shape_cast %add3A_1785 : vector<1024x128xf32> to vector<1x1024x128xf32>
    %reduce_sum3A_1787 = arith.constant dense<0.000000e+00> : vector<1xf32>
    %reduce_sum3A_1788 = vector.multi_reduction <add>, %reduce_sum3A_1786, %reduce_sum3A_1787 [1, 2] : vector<1x1024x128xf32> to vector<1xf32>
    %reduce_sum3A_1789 = vector.shape_cast %reduce_sum3A_1788 : vector<1xf32> to vector<1x1x1xf32>
    %reduce_sum3A_1790 = vector.extract %reduce_sum3A_1789[0, 0, 0] : f32 from vector<1x1x1xf32>
    %div3A_1791 = arith.constant 1.310720e+05 : f32
    %div3A_1792 = arith.divf %reduce_sum3A_1790, %div3A_1791 : f32
    %sub3A_1793 = vector.broadcast %div3A_1792 : f32 to vector<1024x128xf32>
    %sub3A_1794 = arith.subf %add3A_1785, %sub3A_1793 : vector<1024x128xf32>
    %integer_pow3A_1795 = arith.mulf %sub3A_1794, %sub3A_1794 : vector<1024x128xf32>
    %reduce_sum3A_1796 = vector.shape_cast %integer_pow3A_1795 : vector<1024x128xf32> to vector<1x1024x128xf32>
    %reduce_sum3A_1797 = arith.constant dense<0.000000e+00> : vector<1xf32>
    %reduce_sum3A_1798 = vector.multi_reduction <add>, %reduce_sum3A_1796, %reduce_sum3A_1797 [1, 2] : vector<1x1024x128xf32> to vector<1xf32>
    %reduce_sum3A_1799 = vector.shape_cast %reduce_sum3A_1798 : vector<1xf32> to vector<1x1x1xf32>
    %reduce_sum3A_1800 = vector.extract %reduce_sum3A_1799[0, 0, 0] : f32 from vector<1x1x1xf32>
    %div3A_1801 = arith.constant 1.310720e+05 : f32
    %div3A_1802 = arith.divf %reduce_sum3A_1800, %div3A_1801 : f32
    %sub3A_1803 = vector.broadcast %div3A_1792 : f32 to vector<1024x128xf32>
    %sub3A_1804 = arith.subf %add3A_1785, %sub3A_1803 : vector<1024x128xf32>
    %add3A_1805 = arith.constant 9.99999974E-6 : f32
    %add3A_1806 = arith.addf %div3A_1802, %add3A_1805 : f32
    %sqrt3A_1807 = math.sqrt %add3A_1806 : f32
    %div3A_1808 = vector.broadcast %sqrt3A_1807 : f32 to vector<1024x128xf32>
    %div3A_1809 = arith.divf %sub3A_1804, %div3A_1808 : vector<1024x128xf32>
    %get3A_1810 = arith.constant 0 : index
    %get3A_1811 = arith.constant 3 : index
    %get3A_1812 = memref.load %arg11[%get3A_1810, %get3A_1811] : memref<1x16xf32, #tpu.memory_space<smem>>
    %mul3A_1813 = vector.broadcast %get3A_1812 : f32 to vector<1024x128xf32>
    %mul3A_1814 = arith.mulf %div3A_1809, %mul3A_1813 : vector<1024x128xf32>
    %get3A_1815 = arith.constant 0 : index
    %get3A_1816 = arith.constant 3 : index
    %get3A_1817 = memref.load %arg12[%get3A_1815, %get3A_1816] : memref<1x16xf32, #tpu.memory_space<smem>>
    %add3A_1818 = vector.broadcast %get3A_1817 : f32 to vector<1024x128xf32>
    %add3A_1819 = arith.addf %mul3A_1814, %add3A_1818 : vector<1024x128xf32>
    %max3A_1820 = arith.constant 0.000000e+00 : f32
    %max3A_1821 = vector.broadcast %max3A_1820 : f32 to vector<1024x128xf32>
    %max3A_1822 = arith.maximumf %add3A_1819, %max3A_1821 : vector<1024x128xf32>
    %get3A_1823 = arith.constant 0 : index
    %get3A_1824 = arith.constant 4 : index
    %get3A_1825 = memref.load %arg9[%get3A_1823, %get3A_1824] : memref<8x16xf32, #tpu.memory_space<smem>>
    %convert_element_type3A_1826 = arith.truncf %get3A_1825 : f32 to bf16
    %convert_element_type3A_1827 = arith.extf %convert_element_type3A_1826 : bf16 to f32
    %mul3A_1828 = vector.broadcast %convert_element_type3A_1827 : f32 to vector<1024x128xf32>
    %mul3A_1829 = arith.mulf %convert_element_type3A_1388, %mul3A_1828 : vector<1024x128xf32>
    %get3A_1830 = arith.constant 1 : index
    %get3A_1831 = arith.constant 4 : index
    %get3A_1832 = memref.load %arg9[%get3A_1830, %get3A_1831] : memref<8x16xf32, #tpu.memory_space<smem>>
    %convert_element_type3A_1833 = arith.truncf %get3A_1832 : f32 to bf16
    %convert_element_type3A_1834 = arith.extf %convert_element_type3A_1833 : bf16 to f32
    %mul3A_1835 = vector.broadcast %convert_element_type3A_1834 : f32 to vector<1024x128xf32>
    %mul3A_1836 = arith.mulf %convert_element_type3A_1390, %mul3A_1835 : vector<1024x128xf32>
    %add3A_1837 = arith.addf %mul3A_1829, %mul3A_1836 : vector<1024x128xf32>
    %get3A_1838 = arith.constant 2 : index
    %get3A_1839 = arith.constant 4 : index
    %get3A_1840 = memref.load %arg9[%get3A_1838, %get3A_1839] : memref<8x16xf32, #tpu.memory_space<smem>>
    %convert_element_type3A_1841 = arith.truncf %get3A_1840 : f32 to bf16
    %convert_element_type3A_1842 = arith.extf %convert_element_type3A_1841 : bf16 to f32
    %mul3A_1843 = vector.broadcast %convert_element_type3A_1842 : f32 to vector<1024x128xf32>
    %mul3A_1844 = arith.mulf %convert_element_type3A_1392, %mul3A_1843 : vector<1024x128xf32>
    %add3A_1845 = arith.addf %add3A_1837, %mul3A_1844 : vector<1024x128xf32>
    %get3A_1846 = arith.constant 3 : index
    %get3A_1847 = arith.constant 4 : index
    %get3A_1848 = memref.load %arg9[%get3A_1846, %get3A_1847] : memref<8x16xf32, #tpu.memory_space<smem>>
    %convert_element_type3A_1849 = arith.truncf %get3A_1848 : f32 to bf16
    %convert_element_type3A_1850 = arith.extf %convert_element_type3A_1849 : bf16 to f32
    %mul3A_1851 = vector.broadcast %convert_element_type3A_1850 : f32 to vector<1024x128xf32>
    %mul3A_1852 = arith.mulf %convert_element_type3A_1394, %mul3A_1851 : vector<1024x128xf32>
    %add3A_1853 = arith.addf %add3A_1845, %mul3A_1852 : vector<1024x128xf32>
    %get3A_1854 = arith.constant 4 : index
    %get3A_1855 = arith.constant 4 : index
    %get3A_1856 = memref.load %arg9[%get3A_1854, %get3A_1855] : memref<8x16xf32, #tpu.memory_space<smem>>
    %convert_element_type3A_1857 = arith.truncf %get3A_1856 : f32 to bf16
    %convert_element_type3A_1858 = arith.extf %convert_element_type3A_1857 : bf16 to f32
    %mul3A_1859 = vector.broadcast %convert_element_type3A_1858 : f32 to vector<1024x128xf32>
    %mul3A_1860 = arith.mulf %convert_element_type3A_1396, %mul3A_1859 : vector<1024x128xf32>
    %add3A_1861 = arith.addf %add3A_1853, %mul3A_1860 : vector<1024x128xf32>
    %get3A_1862 = arith.constant 5 : index
    %get3A_1863 = arith.constant 4 : index
    %get3A_1864 = memref.load %arg9[%get3A_1862, %get3A_1863] : memref<8x16xf32, #tpu.memory_space<smem>>
    %convert_element_type3A_1865 = arith.truncf %get3A_1864 : f32 to bf16
    %convert_element_type3A_1866 = arith.extf %convert_element_type3A_1865 : bf16 to f32
    %mul3A_1867 = vector.broadcast %convert_element_type3A_1866 : f32 to vector<1024x128xf32>
    %mul3A_1868 = arith.mulf %convert_element_type3A_1398, %mul3A_1867 : vector<1024x128xf32>
    %add3A_1869 = arith.addf %add3A_1861, %mul3A_1868 : vector<1024x128xf32>
    %get3A_1870 = arith.constant 6 : index
    %get3A_1871 = arith.constant 4 : index
    %get3A_1872 = memref.load %arg9[%get3A_1870, %get3A_1871] : memref<8x16xf32, #tpu.memory_space<smem>>
    %convert_element_type3A_1873 = arith.truncf %get3A_1872 : f32 to bf16
    %convert_element_type3A_1874 = arith.extf %convert_element_type3A_1873 : bf16 to f32
    %mul3A_1875 = vector.broadcast %convert_element_type3A_1874 : f32 to vector<1024x128xf32>
    %mul3A_1876 = arith.mulf %convert_element_type3A_1400, %mul3A_1875 : vector<1024x128xf32>
    %add3A_1877 = arith.addf %add3A_1869, %mul3A_1876 : vector<1024x128xf32>
    %get3A_1878 = arith.constant 7 : index
    %get3A_1879 = arith.constant 4 : index
    %get3A_1880 = memref.load %arg9[%get3A_1878, %get3A_1879] : memref<8x16xf32, #tpu.memory_space<smem>>
    %convert_element_type3A_1881 = arith.truncf %get3A_1880 : f32 to bf16
    %convert_element_type3A_1882 = arith.extf %convert_element_type3A_1881 : bf16 to f32
    %mul3A_1883 = vector.broadcast %convert_element_type3A_1882 : f32 to vector<1024x128xf32>
    %mul3A_1884 = arith.mulf %convert_element_type3A_1402, %mul3A_1883 : vector<1024x128xf32>
    %add3A_1885 = arith.addf %add3A_1877, %mul3A_1884 : vector<1024x128xf32>
    %get3A_1886 = arith.constant 0 : index
    %get3A_1887 = arith.constant 4 : index
    %get3A_1888 = memref.load %arg10[%get3A_1886, %get3A_1887] : memref<1x16xf32, #tpu.memory_space<smem>>
    %add3A_1889 = vector.broadcast %get3A_1888 : f32 to vector<1024x128xf32>
    %add3A_1890 = arith.addf %add3A_1885, %add3A_1889 : vector<1024x128xf32>
    %reduce_sum3A_1891 = vector.shape_cast %add3A_1890 : vector<1024x128xf32> to vector<1x1024x128xf32>
    %reduce_sum3A_1892 = arith.constant dense<0.000000e+00> : vector<1xf32>
    %reduce_sum3A_1893 = vector.multi_reduction <add>, %reduce_sum3A_1891, %reduce_sum3A_1892 [1, 2] : vector<1x1024x128xf32> to vector<1xf32>
    %reduce_sum3A_1894 = vector.shape_cast %reduce_sum3A_1893 : vector<1xf32> to vector<1x1x1xf32>
    %reduce_sum3A_1895 = vector.extract %reduce_sum3A_1894[0, 0, 0] : f32 from vector<1x1x1xf32>
    %div3A_1896 = arith.constant 1.310720e+05 : f32
    %div3A_1897 = arith.divf %reduce_sum3A_1895, %div3A_1896 : f32
    %sub3A_1898 = vector.broadcast %div3A_1897 : f32 to vector<1024x128xf32>
    %sub3A_1899 = arith.subf %add3A_1890, %sub3A_1898 : vector<1024x128xf32>
    %integer_pow3A_1900 = arith.mulf %sub3A_1899, %sub3A_1899 : vector<1024x128xf32>
    %reduce_sum3A_1901 = vector.shape_cast %integer_pow3A_1900 : vector<1024x128xf32> to vector<1x1024x128xf32>
    %reduce_sum3A_1902 = arith.constant dense<0.000000e+00> : vector<1xf32>
    %reduce_sum3A_1903 = vector.multi_reduction <add>, %reduce_sum3A_1901, %reduce_sum3A_1902 [1, 2] : vector<1x1024x128xf32> to vector<1xf32>
    %reduce_sum3A_1904 = vector.shape_cast %reduce_sum3A_1903 : vector<1xf32> to vector<1x1x1xf32>
    %reduce_sum3A_1905 = vector.extract %reduce_sum3A_1904[0, 0, 0] : f32 from vector<1x1x1xf32>
    %div3A_1906 = arith.constant 1.310720e+05 : f32
    %div3A_1907 = arith.divf %reduce_sum3A_1905, %div3A_1906 : f32
    %sub3A_1908 = vector.broadcast %div3A_1897 : f32 to vector<1024x128xf32>
    %sub3A_1909 = arith.subf %add3A_1890, %sub3A_1908 : vector<1024x128xf32>
    %add3A_1910 = arith.constant 9.99999974E-6 : f32
    %add3A_1911 = arith.addf %div3A_1907, %add3A_1910 : f32
    %sqrt3A_1912 = math.sqrt %add3A_1911 : f32
    %div3A_1913 = vector.broadcast %sqrt3A_1912 : f32 to vector<1024x128xf32>
    %div3A_1914 = arith.divf %sub3A_1909, %div3A_1913 : vector<1024x128xf32>
    %get3A_1915 = arith.constant 0 : index
    %get3A_1916 = arith.constant 4 : index
    %get3A_1917 = memref.load %arg11[%get3A_1915, %get3A_1916] : memref<1x16xf32, #tpu.memory_space<smem>>
    %mul3A_1918 = vector.broadcast %get3A_1917 : f32 to vector<1024x128xf32>
    %mul3A_1919 = arith.mulf %div3A_1914, %mul3A_1918 : vector<1024x128xf32>
    %get3A_1920 = arith.constant 0 : index
    %get3A_1921 = arith.constant 4 : index
    %get3A_1922 = memref.load %arg12[%get3A_1920, %get3A_1921] : memref<1x16xf32, #tpu.memory_space<smem>>
    %add3A_1923 = vector.broadcast %get3A_1922 : f32 to vector<1024x128xf32>
    %add3A_1924 = arith.addf %mul3A_1919, %add3A_1923 : vector<1024x128xf32>
    %max3A_1925 = arith.constant 0.000000e+00 : f32
    %max3A_1926 = vector.broadcast %max3A_1925 : f32 to vector<1024x128xf32>
    %max3A_1927 = arith.maximumf %add3A_1924, %max3A_1926 : vector<1024x128xf32>
    %get3A_1928 = arith.constant 0 : index
    %get3A_1929 = arith.constant 5 : index
    %get3A_1930 = memref.load %arg9[%get3A_1928, %get3A_1929] : memref<8x16xf32, #tpu.memory_space<smem>>
    %convert_element_type3A_1931 = arith.truncf %get3A_1930 : f32 to bf16
    %convert_element_type3A_1932 = arith.extf %convert_element_type3A_1931 : bf16 to f32
    %mul3A_1933 = vector.broadcast %convert_element_type3A_1932 : f32 to vector<1024x128xf32>
    %mul3A_1934 = arith.mulf %convert_element_type3A_1388, %mul3A_1933 : vector<1024x128xf32>
    %get3A_1935 = arith.constant 1 : index
    %get3A_1936 = arith.constant 5 : index
    %get3A_1937 = memref.load %arg9[%get3A_1935, %get3A_1936] : memref<8x16xf32, #tpu.memory_space<smem>>
    %convert_element_type3A_1938 = arith.truncf %get3A_1937 : f32 to bf16
    %convert_element_type3A_1939 = arith.extf %convert_element_type3A_1938 : bf16 to f32
    %mul3A_1940 = vector.broadcast %convert_element_type3A_1939 : f32 to vector<1024x128xf32>
    %mul3A_1941 = arith.mulf %convert_element_type3A_1390, %mul3A_1940 : vector<1024x128xf32>
    %add3A_1942 = arith.addf %mul3A_1934, %mul3A_1941 : vector<1024x128xf32>
    %get3A_1943 = arith.constant 2 : index
    %get3A_1944 = arith.constant 5 : index
    %get3A_1945 = memref.load %arg9[%get3A_1943, %get3A_1944] : memref<8x16xf32, #tpu.memory_space<smem>>
    %convert_element_type3A_1946 = arith.truncf %get3A_1945 : f32 to bf16
    %convert_element_type3A_1947 = arith.extf %convert_element_type3A_1946 : bf16 to f32
    %mul3A_1948 = vector.broadcast %convert_element_type3A_1947 : f32 to vector<1024x128xf32>
    %mul3A_1949 = arith.mulf %convert_element_type3A_1392, %mul3A_1948 : vector<1024x128xf32>
    %add3A_1950 = arith.addf %add3A_1942, %mul3A_1949 : vector<1024x128xf32>
    %get3A_1951 = arith.constant 3 : index
    %get3A_1952 = arith.constant 5 : index
    %get3A_1953 = memref.load %arg9[%get3A_1951, %get3A_1952] : memref<8x16xf32, #tpu.memory_space<smem>>
    %convert_element_type3A_1954 = arith.truncf %get3A_1953 : f32 to bf16
    %convert_element_type3A_1955 = arith.extf %convert_element_type3A_1954 : bf16 to f32
    %mul3A_1956 = vector.broadcast %convert_element_type3A_1955 : f32 to vector<1024x128xf32>
    %mul3A_1957 = arith.mulf %convert_element_type3A_1394, %mul3A_1956 : vector<1024x128xf32>
    %add3A_1958 = arith.addf %add3A_1950, %mul3A_1957 : vector<1024x128xf32>
    %get3A_1959 = arith.constant 4 : index
    %get3A_1960 = arith.constant 5 : index
    %get3A_1961 = memref.load %arg9[%get3A_1959, %get3A_1960] : memref<8x16xf32, #tpu.memory_space<smem>>
    %convert_element_type3A_1962 = arith.truncf %get3A_1961 : f32 to bf16
    %convert_element_type3A_1963 = arith.extf %convert_element_type3A_1962 : bf16 to f32
    %mul3A_1964 = vector.broadcast %convert_element_type3A_1963 : f32 to vector<1024x128xf32>
    %mul3A_1965 = arith.mulf %convert_element_type3A_1396, %mul3A_1964 : vector<1024x128xf32>
    %add3A_1966 = arith.addf %add3A_1958, %mul3A_1965 : vector<1024x128xf32>
    %get3A_1967 = arith.constant 5 : index
    %get3A_1968 = arith.constant 5 : index
    %get3A_1969 = memref.load %arg9[%get3A_1967, %get3A_1968] : memref<8x16xf32, #tpu.memory_space<smem>>
    %convert_element_type3A_1970 = arith.truncf %get3A_1969 : f32 to bf16
    %convert_element_type3A_1971 = arith.extf %convert_element_type3A_1970 : bf16 to f32
    %mul3A_1972 = vector.broadcast %convert_element_type3A_1971 : f32 to vector<1024x128xf32>
    %mul3A_1973 = arith.mulf %convert_element_type3A_1398, %mul3A_1972 : vector<1024x128xf32>
    %add3A_1974 = arith.addf %add3A_1966, %mul3A_1973 : vector<1024x128xf32>
    %get3A_1975 = arith.constant 6 : index
    %get3A_1976 = arith.constant 5 : index
    %get3A_1977 = memref.load %arg9[%get3A_1975, %get3A_1976] : memref<8x16xf32, #tpu.memory_space<smem>>
    %convert_element_type3A_1978 = arith.truncf %get3A_1977 : f32 to bf16
    %convert_element_type3A_1979 = arith.extf %convert_element_type3A_1978 : bf16 to f32
    %mul3A_1980 = vector.broadcast %convert_element_type3A_1979 : f32 to vector<1024x128xf32>
    %mul3A_1981 = arith.mulf %convert_element_type3A_1400, %mul3A_1980 : vector<1024x128xf32>
    %add3A_1982 = arith.addf %add3A_1974, %mul3A_1981 : vector<1024x128xf32>
    %get3A_1983 = arith.constant 7 : index
    %get3A_1984 = arith.constant 5 : index
    %get3A_1985 = memref.load %arg9[%get3A_1983, %get3A_1984] : memref<8x16xf32, #tpu.memory_space<smem>>
    %convert_element_type3A_1986 = arith.truncf %get3A_1985 : f32 to bf16
    %convert_element_type3A_1987 = arith.extf %convert_element_type3A_1986 : bf16 to f32
    %mul3A_1988 = vector.broadcast %convert_element_type3A_1987 : f32 to vector<1024x128xf32>
    %mul3A_1989 = arith.mulf %convert_element_type3A_1402, %mul3A_1988 : vector<1024x128xf32>
    %add3A_1990 = arith.addf %add3A_1982, %mul3A_1989 : vector<1024x128xf32>
    %get3A_1991 = arith.constant 0 : index
    %get3A_1992 = arith.constant 5 : index
    %get3A_1993 = memref.load %arg10[%get3A_1991, %get3A_1992] : memref<1x16xf32, #tpu.memory_space<smem>>
    %add3A_1994 = vector.broadcast %get3A_1993 : f32 to vector<1024x128xf32>
    %add3A_1995 = arith.addf %add3A_1990, %add3A_1994 : vector<1024x128xf32>
    %reduce_sum3A_1996 = vector.shape_cast %add3A_1995 : vector<1024x128xf32> to vector<1x1024x128xf32>
    %reduce_sum3A_1997 = arith.constant dense<0.000000e+00> : vector<1xf32>
    %reduce_sum3A_1998 = vector.multi_reduction <add>, %reduce_sum3A_1996, %reduce_sum3A_1997 [1, 2] : vector<1x1024x128xf32> to vector<1xf32>
    %reduce_sum3A_1999 = vector.shape_cast %reduce_sum3A_1998 : vector<1xf32> to vector<1x1x1xf32>
    %reduce_sum3A_2000 = vector.extract %reduce_sum3A_1999[0, 0, 0] : f32 from vector<1x1x1xf32>
    %div3A_2001 = arith.constant 1.310720e+05 : f32
    %div3A_2002 = arith.divf %reduce_sum3A_2000, %div3A_2001 : f32
    %sub3A_2003 = vector.broadcast %div3A_2002 : f32 to vector<1024x128xf32>
    %sub3A_2004 = arith.subf %add3A_1995, %sub3A_2003 : vector<1024x128xf32>
    %integer_pow3A_2005 = arith.mulf %sub3A_2004, %sub3A_2004 : vector<1024x128xf32>
    %reduce_sum3A_2006 = vector.shape_cast %integer_pow3A_2005 : vector<1024x128xf32> to vector<1x1024x128xf32>
    %reduce_sum3A_2007 = arith.constant dense<0.000000e+00> : vector<1xf32>
    %reduce_sum3A_2008 = vector.multi_reduction <add>, %reduce_sum3A_2006, %reduce_sum3A_2007 [1, 2] : vector<1x1024x128xf32> to vector<1xf32>
    %reduce_sum3A_2009 = vector.shape_cast %reduce_sum3A_2008 : vector<1xf32> to vector<1x1x1xf32>
    %reduce_sum3A_2010 = vector.extract %reduce_sum3A_2009[0, 0, 0] : f32 from vector<1x1x1xf32>
    %div3A_2011 = arith.constant 1.310720e+05 : f32
    %div3A_2012 = arith.divf %reduce_sum3A_2010, %div3A_2011 : f32
    %sub3A_2013 = vector.broadcast %div3A_2002 : f32 to vector<1024x128xf32>
    %sub3A_2014 = arith.subf %add3A_1995, %sub3A_2013 : vector<1024x128xf32>
    %add3A_2015 = arith.constant 9.99999974E-6 : f32
    %add3A_2016 = arith.addf %div3A_2012, %add3A_2015 : f32
    %sqrt3A_2017 = math.sqrt %add3A_2016 : f32
    %div3A_2018 = vector.broadcast %sqrt3A_2017 : f32 to vector<1024x128xf32>
    %div3A_2019 = arith.divf %sub3A_2014, %div3A_2018 : vector<1024x128xf32>
    %get3A_2020 = arith.constant 0 : index
    %get3A_2021 = arith.constant 5 : index
    %get3A_2022 = memref.load %arg11[%get3A_2020, %get3A_2021] : memref<1x16xf32, #tpu.memory_space<smem>>
    %mul3A_2023 = vector.broadcast %get3A_2022 : f32 to vector<1024x128xf32>
    %mul3A_2024 = arith.mulf %div3A_2019, %mul3A_2023 : vector<1024x128xf32>
    %get3A_2025 = arith.constant 0 : index
    %get3A_2026 = arith.constant 5 : index
    %get3A_2027 = memref.load %arg12[%get3A_2025, %get3A_2026] : memref<1x16xf32, #tpu.memory_space<smem>>
    %add3A_2028 = vector.broadcast %get3A_2027 : f32 to vector<1024x128xf32>
    %add3A_2029 = arith.addf %mul3A_2024, %add3A_2028 : vector<1024x128xf32>
    %max3A_2030 = arith.constant 0.000000e+00 : f32
    %max3A_2031 = vector.broadcast %max3A_2030 : f32 to vector<1024x128xf32>
    %max3A_2032 = arith.maximumf %add3A_2029, %max3A_2031 : vector<1024x128xf32>
    %get3A_2033 = arith.constant 0 : index
    %get3A_2034 = arith.constant 6 : index
    %get3A_2035 = memref.load %arg9[%get3A_2033, %get3A_2034] : memref<8x16xf32, #tpu.memory_space<smem>>
    %convert_element_type3A_2036 = arith.truncf %get3A_2035 : f32 to bf16
    %convert_element_type3A_2037 = arith.extf %convert_element_type3A_2036 : bf16 to f32
    %mul3A_2038 = vector.broadcast %convert_element_type3A_2037 : f32 to vector<1024x128xf32>
    %mul3A_2039 = arith.mulf %convert_element_type3A_1388, %mul3A_2038 : vector<1024x128xf32>
    %get3A_2040 = arith.constant 1 : index
    %get3A_2041 = arith.constant 6 : index
    %get3A_2042 = memref.load %arg9[%get3A_2040, %get3A_2041] : memref<8x16xf32, #tpu.memory_space<smem>>
    %convert_element_type3A_2043 = arith.truncf %get3A_2042 : f32 to bf16
    %convert_element_type3A_2044 = arith.extf %convert_element_type3A_2043 : bf16 to f32
    %mul3A_2045 = vector.broadcast %convert_element_type3A_2044 : f32 to vector<1024x128xf32>
    %mul3A_2046 = arith.mulf %convert_element_type3A_1390, %mul3A_2045 : vector<1024x128xf32>
    %add3A_2047 = arith.addf %mul3A_2039, %mul3A_2046 : vector<1024x128xf32>
    %get3A_2048 = arith.constant 2 : index
    %get3A_2049 = arith.constant 6 : index
    %get3A_2050 = memref.load %arg9[%get3A_2048, %get3A_2049] : memref<8x16xf32, #tpu.memory_space<smem>>
    %convert_element_type3A_2051 = arith.truncf %get3A_2050 : f32 to bf16
    %convert_element_type3A_2052 = arith.extf %convert_element_type3A_2051 : bf16 to f32
    %mul3A_2053 = vector.broadcast %convert_element_type3A_2052 : f32 to vector<1024x128xf32>
    %mul3A_2054 = arith.mulf %convert_element_type3A_1392, %mul3A_2053 : vector<1024x128xf32>
    %add3A_2055 = arith.addf %add3A_2047, %mul3A_2054 : vector<1024x128xf32>
    %get3A_2056 = arith.constant 3 : index
    %get3A_2057 = arith.constant 6 : index
    %get3A_2058 = memref.load %arg9[%get3A_2056, %get3A_2057] : memref<8x16xf32, #tpu.memory_space<smem>>
    %convert_element_type3A_2059 = arith.truncf %get3A_2058 : f32 to bf16
    %convert_element_type3A_2060 = arith.extf %convert_element_type3A_2059 : bf16 to f32
    %mul3A_2061 = vector.broadcast %convert_element_type3A_2060 : f32 to vector<1024x128xf32>
    %mul3A_2062 = arith.mulf %convert_element_type3A_1394, %mul3A_2061 : vector<1024x128xf32>
    %add3A_2063 = arith.addf %add3A_2055, %mul3A_2062 : vector<1024x128xf32>
    %get3A_2064 = arith.constant 4 : index
    %get3A_2065 = arith.constant 6 : index
    %get3A_2066 = memref.load %arg9[%get3A_2064, %get3A_2065] : memref<8x16xf32, #tpu.memory_space<smem>>
    %convert_element_type3A_2067 = arith.truncf %get3A_2066 : f32 to bf16
    %convert_element_type3A_2068 = arith.extf %convert_element_type3A_2067 : bf16 to f32
    %mul3A_2069 = vector.broadcast %convert_element_type3A_2068 : f32 to vector<1024x128xf32>
    %mul3A_2070 = arith.mulf %convert_element_type3A_1396, %mul3A_2069 : vector<1024x128xf32>
    %add3A_2071 = arith.addf %add3A_2063, %mul3A_2070 : vector<1024x128xf32>
    %get3A_2072 = arith.constant 5 : index
    %get3A_2073 = arith.constant 6 : index
    %get3A_2074 = memref.load %arg9[%get3A_2072, %get3A_2073] : memref<8x16xf32, #tpu.memory_space<smem>>
    %convert_element_type3A_2075 = arith.truncf %get3A_2074 : f32 to bf16
    %convert_element_type3A_2076 = arith.extf %convert_element_type3A_2075 : bf16 to f32
    %mul3A_2077 = vector.broadcast %convert_element_type3A_2076 : f32 to vector<1024x128xf32>
    %mul3A_2078 = arith.mulf %convert_element_type3A_1398, %mul3A_2077 : vector<1024x128xf32>
    %add3A_2079 = arith.addf %add3A_2071, %mul3A_2078 : vector<1024x128xf32>
    %get3A_2080 = arith.constant 6 : index
    %get3A_2081 = arith.constant 6 : index
    %get3A_2082 = memref.load %arg9[%get3A_2080, %get3A_2081] : memref<8x16xf32, #tpu.memory_space<smem>>
    %convert_element_type3A_2083 = arith.truncf %get3A_2082 : f32 to bf16
    %convert_element_type3A_2084 = arith.extf %convert_element_type3A_2083 : bf16 to f32
    %mul3A_2085 = vector.broadcast %convert_element_type3A_2084 : f32 to vector<1024x128xf32>
    %mul3A_2086 = arith.mulf %convert_element_type3A_1400, %mul3A_2085 : vector<1024x128xf32>
    %add3A_2087 = arith.addf %add3A_2079, %mul3A_2086 : vector<1024x128xf32>
    %get3A_2088 = arith.constant 7 : index
    %get3A_2089 = arith.constant 6 : index
    %get3A_2090 = memref.load %arg9[%get3A_2088, %get3A_2089] : memref<8x16xf32, #tpu.memory_space<smem>>
    %convert_element_type3A_2091 = arith.truncf %get3A_2090 : f32 to bf16
    %convert_element_type3A_2092 = arith.extf %convert_element_type3A_2091 : bf16 to f32
    %mul3A_2093 = vector.broadcast %convert_element_type3A_2092 : f32 to vector<1024x128xf32>
    %mul3A_2094 = arith.mulf %convert_element_type3A_1402, %mul3A_2093 : vector<1024x128xf32>
    %add3A_2095 = arith.addf %add3A_2087, %mul3A_2094 : vector<1024x128xf32>
    %get3A_2096 = arith.constant 0 : index
    %get3A_2097 = arith.constant 6 : index
    %get3A_2098 = memref.load %arg10[%get3A_2096, %get3A_2097] : memref<1x16xf32, #tpu.memory_space<smem>>
    %add3A_2099 = vector.broadcast %get3A_2098 : f32 to vector<1024x128xf32>
    %add3A_2100 = arith.addf %add3A_2095, %add3A_2099 : vector<1024x128xf32>
    %reduce_sum3A_2101 = vector.shape_cast %add3A_2100 : vector<1024x128xf32> to vector<1x1024x128xf32>
    %reduce_sum3A_2102 = arith.constant dense<0.000000e+00> : vector<1xf32>
    %reduce_sum3A_2103 = vector.multi_reduction <add>, %reduce_sum3A_2101, %reduce_sum3A_2102 [1, 2] : vector<1x1024x128xf32> to vector<1xf32>
    %reduce_sum3A_2104 = vector.shape_cast %reduce_sum3A_2103 : vector<1xf32> to vector<1x1x1xf32>
    %reduce_sum3A_2105 = vector.extract %reduce_sum3A_2104[0, 0, 0] : f32 from vector<1x1x1xf32>
    %div3A_2106 = arith.constant 1.310720e+05 : f32
    %div3A_2107 = arith.divf %reduce_sum3A_2105, %div3A_2106 : f32
    %sub3A_2108 = vector.broadcast %div3A_2107 : f32 to vector<1024x128xf32>
    %sub3A_2109 = arith.subf %add3A_2100, %sub3A_2108 : vector<1024x128xf32>
    %integer_pow3A_2110 = arith.mulf %sub3A_2109, %sub3A_2109 : vector<1024x128xf32>
    %reduce_sum3A_2111 = vector.shape_cast %integer_pow3A_2110 : vector<1024x128xf32> to vector<1x1024x128xf32>
    %reduce_sum3A_2112 = arith.constant dense<0.000000e+00> : vector<1xf32>
    %reduce_sum3A_2113 = vector.multi_reduction <add>, %reduce_sum3A_2111, %reduce_sum3A_2112 [1, 2] : vector<1x1024x128xf32> to vector<1xf32>
    %reduce_sum3A_2114 = vector.shape_cast %reduce_sum3A_2113 : vector<1xf32> to vector<1x1x1xf32>
    %reduce_sum3A_2115 = vector.extract %reduce_sum3A_2114[0, 0, 0] : f32 from vector<1x1x1xf32>
    %div3A_2116 = arith.constant 1.310720e+05 : f32
    %div3A_2117 = arith.divf %reduce_sum3A_2115, %div3A_2116 : f32
    %sub3A_2118 = vector.broadcast %div3A_2107 : f32 to vector<1024x128xf32>
    %sub3A_2119 = arith.subf %add3A_2100, %sub3A_2118 : vector<1024x128xf32>
    %add3A_2120 = arith.constant 9.99999974E-6 : f32
    %add3A_2121 = arith.addf %div3A_2117, %add3A_2120 : f32
    %sqrt3A_2122 = math.sqrt %add3A_2121 : f32
    %div3A_2123 = vector.broadcast %sqrt3A_2122 : f32 to vector<1024x128xf32>
    %div3A_2124 = arith.divf %sub3A_2119, %div3A_2123 : vector<1024x128xf32>
    %get3A_2125 = arith.constant 0 : index
    %get3A_2126 = arith.constant 6 : index
    %get3A_2127 = memref.load %arg11[%get3A_2125, %get3A_2126] : memref<1x16xf32, #tpu.memory_space<smem>>
    %mul3A_2128 = vector.broadcast %get3A_2127 : f32 to vector<1024x128xf32>
    %mul3A_2129 = arith.mulf %div3A_2124, %mul3A_2128 : vector<1024x128xf32>
    %get3A_2130 = arith.constant 0 : index
    %get3A_2131 = arith.constant 6 : index
    %get3A_2132 = memref.load %arg12[%get3A_2130, %get3A_2131] : memref<1x16xf32, #tpu.memory_space<smem>>
    %add3A_2133 = vector.broadcast %get3A_2132 : f32 to vector<1024x128xf32>
    %add3A_2134 = arith.addf %mul3A_2129, %add3A_2133 : vector<1024x128xf32>
    %max3A_2135 = arith.constant 0.000000e+00 : f32
    %max3A_2136 = vector.broadcast %max3A_2135 : f32 to vector<1024x128xf32>
    %max3A_2137 = arith.maximumf %add3A_2134, %max3A_2136 : vector<1024x128xf32>
    %get3A_2138 = arith.constant 0 : index
    %get3A_2139 = arith.constant 7 : index
    %get3A_2140 = memref.load %arg9[%get3A_2138, %get3A_2139] : memref<8x16xf32, #tpu.memory_space<smem>>
    %convert_element_type3A_2141 = arith.truncf %get3A_2140 : f32 to bf16
    %convert_element_type3A_2142 = arith.extf %convert_element_type3A_2141 : bf16 to f32
    %mul3A_2143 = vector.broadcast %convert_element_type3A_2142 : f32 to vector<1024x128xf32>
    %mul3A_2144 = arith.mulf %convert_element_type3A_1388, %mul3A_2143 : vector<1024x128xf32>
    %get3A_2145 = arith.constant 1 : index
    %get3A_2146 = arith.constant 7 : index
    %get3A_2147 = memref.load %arg9[%get3A_2145, %get3A_2146] : memref<8x16xf32, #tpu.memory_space<smem>>
    %convert_element_type3A_2148 = arith.truncf %get3A_2147 : f32 to bf16
    %convert_element_type3A_2149 = arith.extf %convert_element_type3A_2148 : bf16 to f32
    %mul3A_2150 = vector.broadcast %convert_element_type3A_2149 : f32 to vector<1024x128xf32>
    %mul3A_2151 = arith.mulf %convert_element_type3A_1390, %mul3A_2150 : vector<1024x128xf32>
    %add3A_2152 = arith.addf %mul3A_2144, %mul3A_2151 : vector<1024x128xf32>
    %get3A_2153 = arith.constant 2 : index
    %get3A_2154 = arith.constant 7 : index
    %get3A_2155 = memref.load %arg9[%get3A_2153, %get3A_2154] : memref<8x16xf32, #tpu.memory_space<smem>>
    %convert_element_type3A_2156 = arith.truncf %get3A_2155 : f32 to bf16
    %convert_element_type3A_2157 = arith.extf %convert_element_type3A_2156 : bf16 to f32
    %mul3A_2158 = vector.broadcast %convert_element_type3A_2157 : f32 to vector<1024x128xf32>
    %mul3A_2159 = arith.mulf %convert_element_type3A_1392, %mul3A_2158 : vector<1024x128xf32>
    %add3A_2160 = arith.addf %add3A_2152, %mul3A_2159 : vector<1024x128xf32>
    %get3A_2161 = arith.constant 3 : index
    %get3A_2162 = arith.constant 7 : index
    %get3A_2163 = memref.load %arg9[%get3A_2161, %get3A_2162] : memref<8x16xf32, #tpu.memory_space<smem>>
    %convert_element_type3A_2164 = arith.truncf %get3A_2163 : f32 to bf16
    %convert_element_type3A_2165 = arith.extf %convert_element_type3A_2164 : bf16 to f32
    %mul3A_2166 = vector.broadcast %convert_element_type3A_2165 : f32 to vector<1024x128xf32>
    %mul3A_2167 = arith.mulf %convert_element_type3A_1394, %mul3A_2166 : vector<1024x128xf32>
    %add3A_2168 = arith.addf %add3A_2160, %mul3A_2167 : vector<1024x128xf32>
    %get3A_2169 = arith.constant 4 : index
    %get3A_2170 = arith.constant 7 : index
    %get3A_2171 = memref.load %arg9[%get3A_2169, %get3A_2170] : memref<8x16xf32, #tpu.memory_space<smem>>
    %convert_element_type3A_2172 = arith.truncf %get3A_2171 : f32 to bf16
    %convert_element_type3A_2173 = arith.extf %convert_element_type3A_2172 : bf16 to f32
    %mul3A_2174 = vector.broadcast %convert_element_type3A_2173 : f32 to vector<1024x128xf32>
    %mul3A_2175 = arith.mulf %convert_element_type3A_1396, %mul3A_2174 : vector<1024x128xf32>
    %add3A_2176 = arith.addf %add3A_2168, %mul3A_2175 : vector<1024x128xf32>
    %get3A_2177 = arith.constant 5 : index
    %get3A_2178 = arith.constant 7 : index
    %get3A_2179 = memref.load %arg9[%get3A_2177, %get3A_2178] : memref<8x16xf32, #tpu.memory_space<smem>>
    %convert_element_type3A_2180 = arith.truncf %get3A_2179 : f32 to bf16
    %convert_element_type3A_2181 = arith.extf %convert_element_type3A_2180 : bf16 to f32
    %mul3A_2182 = vector.broadcast %convert_element_type3A_2181 : f32 to vector<1024x128xf32>
    %mul3A_2183 = arith.mulf %convert_element_type3A_1398, %mul3A_2182 : vector<1024x128xf32>
    %add3A_2184 = arith.addf %add3A_2176, %mul3A_2183 : vector<1024x128xf32>
    %get3A_2185 = arith.constant 6 : index
    %get3A_2186 = arith.constant 7 : index
    %get3A_2187 = memref.load %arg9[%get3A_2185, %get3A_2186] : memref<8x16xf32, #tpu.memory_space<smem>>
    %convert_element_type3A_2188 = arith.truncf %get3A_2187 : f32 to bf16
    %convert_element_type3A_2189 = arith.extf %convert_element_type3A_2188 : bf16 to f32
    %mul3A_2190 = vector.broadcast %convert_element_type3A_2189 : f32 to vector<1024x128xf32>
    %mul3A_2191 = arith.mulf %convert_element_type3A_1400, %mul3A_2190 : vector<1024x128xf32>
    %add3A_2192 = arith.addf %add3A_2184, %mul3A_2191 : vector<1024x128xf32>
    %get3A_2193 = arith.constant 7 : index
    %get3A_2194 = arith.constant 7 : index
    %get3A_2195 = memref.load %arg9[%get3A_2193, %get3A_2194] : memref<8x16xf32, #tpu.memory_space<smem>>
    %convert_element_type3A_2196 = arith.truncf %get3A_2195 : f32 to bf16
    %convert_element_type3A_2197 = arith.extf %convert_element_type3A_2196 : bf16 to f32
    %mul3A_2198 = vector.broadcast %convert_element_type3A_2197 : f32 to vector<1024x128xf32>
    %mul3A_2199 = arith.mulf %convert_element_type3A_1402, %mul3A_2198 : vector<1024x128xf32>
    %add3A_2200 = arith.addf %add3A_2192, %mul3A_2199 : vector<1024x128xf32>
    %get3A_2201 = arith.constant 0 : index
    %get3A_2202 = arith.constant 7 : index
    %get3A_2203 = memref.load %arg10[%get3A_2201, %get3A_2202] : memref<1x16xf32, #tpu.memory_space<smem>>
    %add3A_2204 = vector.broadcast %get3A_2203 : f32 to vector<1024x128xf32>
    %add3A_2205 = arith.addf %add3A_2200, %add3A_2204 : vector<1024x128xf32>
    %reduce_sum3A_2206 = vector.shape_cast %add3A_2205 : vector<1024x128xf32> to vector<1x1024x128xf32>
    %reduce_sum3A_2207 = arith.constant dense<0.000000e+00> : vector<1xf32>
    %reduce_sum3A_2208 = vector.multi_reduction <add>, %reduce_sum3A_2206, %reduce_sum3A_2207 [1, 2] : vector<1x1024x128xf32> to vector<1xf32>
    %reduce_sum3A_2209 = vector.shape_cast %reduce_sum3A_2208 : vector<1xf32> to vector<1x1x1xf32>
    %reduce_sum3A_2210 = vector.extract %reduce_sum3A_2209[0, 0, 0] : f32 from vector<1x1x1xf32>
    %div3A_2211 = arith.constant 1.310720e+05 : f32
    %div3A_2212 = arith.divf %reduce_sum3A_2210, %div3A_2211 : f32
    %sub3A_2213 = vector.broadcast %div3A_2212 : f32 to vector<1024x128xf32>
    %sub3A_2214 = arith.subf %add3A_2205, %sub3A_2213 : vector<1024x128xf32>
    %integer_pow3A_2215 = arith.mulf %sub3A_2214, %sub3A_2214 : vector<1024x128xf32>
    %reduce_sum3A_2216 = vector.shape_cast %integer_pow3A_2215 : vector<1024x128xf32> to vector<1x1024x128xf32>
    %reduce_sum3A_2217 = arith.constant dense<0.000000e+00> : vector<1xf32>
    %reduce_sum3A_2218 = vector.multi_reduction <add>, %reduce_sum3A_2216, %reduce_sum3A_2217 [1, 2] : vector<1x1024x128xf32> to vector<1xf32>
    %reduce_sum3A_2219 = vector.shape_cast %reduce_sum3A_2218 : vector<1xf32> to vector<1x1x1xf32>
    %reduce_sum3A_2220 = vector.extract %reduce_sum3A_2219[0, 0, 0] : f32 from vector<1x1x1xf32>
    %div3A_2221 = arith.constant 1.310720e+05 : f32
    %div3A_2222 = arith.divf %reduce_sum3A_2220, %div3A_2221 : f32
    %sub3A_2223 = vector.broadcast %div3A_2212 : f32 to vector<1024x128xf32>
    %sub3A_2224 = arith.subf %add3A_2205, %sub3A_2223 : vector<1024x128xf32>
    %add3A_2225 = arith.constant 9.99999974E-6 : f32
    %add3A_2226 = arith.addf %div3A_2222, %add3A_2225 : f32
    %sqrt3A_2227 = math.sqrt %add3A_2226 : f32
    %div3A_2228 = vector.broadcast %sqrt3A_2227 : f32 to vector<1024x128xf32>
    %div3A_2229 = arith.divf %sub3A_2224, %div3A_2228 : vector<1024x128xf32>
    %get3A_2230 = arith.constant 0 : index
    %get3A_2231 = arith.constant 7 : index
    %get3A_2232 = memref.load %arg11[%get3A_2230, %get3A_2231] : memref<1x16xf32, #tpu.memory_space<smem>>
    %mul3A_2233 = vector.broadcast %get3A_2232 : f32 to vector<1024x128xf32>
    %mul3A_2234 = arith.mulf %div3A_2229, %mul3A_2233 : vector<1024x128xf32>
    %get3A_2235 = arith.constant 0 : index
    %get3A_2236 = arith.constant 7 : index
    %get3A_2237 = memref.load %arg12[%get3A_2235, %get3A_2236] : memref<1x16xf32, #tpu.memory_space<smem>>
    %add3A_2238 = vector.broadcast %get3A_2237 : f32 to vector<1024x128xf32>
    %add3A_2239 = arith.addf %mul3A_2234, %add3A_2238 : vector<1024x128xf32>
    %max3A_2240 = arith.constant 0.000000e+00 : f32
    %max3A_2241 = vector.broadcast %max3A_2240 : f32 to vector<1024x128xf32>
    %max3A_2242 = arith.maximumf %add3A_2239, %max3A_2241 : vector<1024x128xf32>
    %get3A_2243 = arith.constant 0 : index
    %get3A_2244 = arith.constant 8 : index
    %get3A_2245 = memref.load %arg9[%get3A_2243, %get3A_2244] : memref<8x16xf32, #tpu.memory_space<smem>>
    %convert_element_type3A_2246 = arith.truncf %get3A_2245 : f32 to bf16
    %convert_element_type3A_2247 = arith.extf %convert_element_type3A_2246 : bf16 to f32
    %mul3A_2248 = vector.broadcast %convert_element_type3A_2247 : f32 to vector<1024x128xf32>
    %mul3A_2249 = arith.mulf %convert_element_type3A_1388, %mul3A_2248 : vector<1024x128xf32>
    %get3A_2250 = arith.constant 1 : index
    %get3A_2251 = arith.constant 8 : index
    %get3A_2252 = memref.load %arg9[%get3A_2250, %get3A_2251] : memref<8x16xf32, #tpu.memory_space<smem>>
    %convert_element_type3A_2253 = arith.truncf %get3A_2252 : f32 to bf16
    %convert_element_type3A_2254 = arith.extf %convert_element_type3A_2253 : bf16 to f32
    %mul3A_2255 = vector.broadcast %convert_element_type3A_2254 : f32 to vector<1024x128xf32>
    %mul3A_2256 = arith.mulf %convert_element_type3A_1390, %mul3A_2255 : vector<1024x128xf32>
    %add3A_2257 = arith.addf %mul3A_2249, %mul3A_2256 : vector<1024x128xf32>
    %get3A_2258 = arith.constant 2 : index
    %get3A_2259 = arith.constant 8 : index
    %get3A_2260 = memref.load %arg9[%get3A_2258, %get3A_2259] : memref<8x16xf32, #tpu.memory_space<smem>>
    %convert_element_type3A_2261 = arith.truncf %get3A_2260 : f32 to bf16
    %convert_element_type3A_2262 = arith.extf %convert_element_type3A_2261 : bf16 to f32
    %mul3A_2263 = vector.broadcast %convert_element_type3A_2262 : f32 to vector<1024x128xf32>
    %mul3A_2264 = arith.mulf %convert_element_type3A_1392, %mul3A_2263 : vector<1024x128xf32>
    %add3A_2265 = arith.addf %add3A_2257, %mul3A_2264 : vector<1024x128xf32>
    %get3A_2266 = arith.constant 3 : index
    %get3A_2267 = arith.constant 8 : index
    %get3A_2268 = memref.load %arg9[%get3A_2266, %get3A_2267] : memref<8x16xf32, #tpu.memory_space<smem>>
    %convert_element_type3A_2269 = arith.truncf %get3A_2268 : f32 to bf16
    %convert_element_type3A_2270 = arith.extf %convert_element_type3A_2269 : bf16 to f32
    %mul3A_2271 = vector.broadcast %convert_element_type3A_2270 : f32 to vector<1024x128xf32>
    %mul3A_2272 = arith.mulf %convert_element_type3A_1394, %mul3A_2271 : vector<1024x128xf32>
    %add3A_2273 = arith.addf %add3A_2265, %mul3A_2272 : vector<1024x128xf32>
    %get3A_2274 = arith.constant 4 : index
    %get3A_2275 = arith.constant 8 : index
    %get3A_2276 = memref.load %arg9[%get3A_2274, %get3A_2275] : memref<8x16xf32, #tpu.memory_space<smem>>
    %convert_element_type3A_2277 = arith.truncf %get3A_2276 : f32 to bf16
    %convert_element_type3A_2278 = arith.extf %convert_element_type3A_2277 : bf16 to f32
    %mul3A_2279 = vector.broadcast %convert_element_type3A_2278 : f32 to vector<1024x128xf32>
    %mul3A_2280 = arith.mulf %convert_element_type3A_1396, %mul3A_2279 : vector<1024x128xf32>
    %add3A_2281 = arith.addf %add3A_2273, %mul3A_2280 : vector<1024x128xf32>
    %get3A_2282 = arith.constant 5 : index
    %get3A_2283 = arith.constant 8 : index
    %get3A_2284 = memref.load %arg9[%get3A_2282, %get3A_2283] : memref<8x16xf32, #tpu.memory_space<smem>>
    %convert_element_type3A_2285 = arith.truncf %get3A_2284 : f32 to bf16
    %convert_element_type3A_2286 = arith.extf %convert_element_type3A_2285 : bf16 to f32
    %mul3A_2287 = vector.broadcast %convert_element_type3A_2286 : f32 to vector<1024x128xf32>
    %mul3A_2288 = arith.mulf %convert_element_type3A_1398, %mul3A_2287 : vector<1024x128xf32>
    %add3A_2289 = arith.addf %add3A_2281, %mul3A_2288 : vector<1024x128xf32>
    %get3A_2290 = arith.constant 6 : index
    %get3A_2291 = arith.constant 8 : index
    %get3A_2292 = memref.load %arg9[%get3A_2290, %get3A_2291] : memref<8x16xf32, #tpu.memory_space<smem>>
    %convert_element_type3A_2293 = arith.truncf %get3A_2292 : f32 to bf16
    %convert_element_type3A_2294 = arith.extf %convert_element_type3A_2293 : bf16 to f32
    %mul3A_2295 = vector.broadcast %convert_element_type3A_2294 : f32 to vector<1024x128xf32>
    %mul3A_2296 = arith.mulf %convert_element_type3A_1400, %mul3A_2295 : vector<1024x128xf32>
    %add3A_2297 = arith.addf %add3A_2289, %mul3A_2296 : vector<1024x128xf32>
    %get3A_2298 = arith.constant 7 : index
    %get3A_2299 = arith.constant 8 : index
    %get3A_2300 = memref.load %arg9[%get3A_2298, %get3A_2299] : memref<8x16xf32, #tpu.memory_space<smem>>
    %convert_element_type3A_2301 = arith.truncf %get3A_2300 : f32 to bf16
    %convert_element_type3A_2302 = arith.extf %convert_element_type3A_2301 : bf16 to f32
    %mul3A_2303 = vector.broadcast %convert_element_type3A_2302 : f32 to vector<1024x128xf32>
    %mul3A_2304 = arith.mulf %convert_element_type3A_1402, %mul3A_2303 : vector<1024x128xf32>
    %add3A_2305 = arith.addf %add3A_2297, %mul3A_2304 : vector<1024x128xf32>
    %get3A_2306 = arith.constant 0 : index
    %get3A_2307 = arith.constant 8 : index
    %get3A_2308 = memref.load %arg10[%get3A_2306, %get3A_2307] : memref<1x16xf32, #tpu.memory_space<smem>>
    %add3A_2309 = vector.broadcast %get3A_2308 : f32 to vector<1024x128xf32>
    %add3A_2310 = arith.addf %add3A_2305, %add3A_2309 : vector<1024x128xf32>
    %reduce_sum3A_2311 = vector.shape_cast %add3A_2310 : vector<1024x128xf32> to vector<1x1024x128xf32>
    %reduce_sum3A_2312 = arith.constant dense<0.000000e+00> : vector<1xf32>
    %reduce_sum3A_2313 = vector.multi_reduction <add>, %reduce_sum3A_2311, %reduce_sum3A_2312 [1, 2] : vector<1x1024x128xf32> to vector<1xf32>
    %reduce_sum3A_2314 = vector.shape_cast %reduce_sum3A_2313 : vector<1xf32> to vector<1x1x1xf32>
    %reduce_sum3A_2315 = vector.extract %reduce_sum3A_2314[0, 0, 0] : f32 from vector<1x1x1xf32>
    %div3A_2316 = arith.constant 1.310720e+05 : f32
    %div3A_2317 = arith.divf %reduce_sum3A_2315, %div3A_2316 : f32
    %sub3A_2318 = vector.broadcast %div3A_2317 : f32 to vector<1024x128xf32>
    %sub3A_2319 = arith.subf %add3A_2310, %sub3A_2318 : vector<1024x128xf32>
    %integer_pow3A_2320 = arith.mulf %sub3A_2319, %sub3A_2319 : vector<1024x128xf32>
    %reduce_sum3A_2321 = vector.shape_cast %integer_pow3A_2320 : vector<1024x128xf32> to vector<1x1024x128xf32>
    %reduce_sum3A_2322 = arith.constant dense<0.000000e+00> : vector<1xf32>
    %reduce_sum3A_2323 = vector.multi_reduction <add>, %reduce_sum3A_2321, %reduce_sum3A_2322 [1, 2] : vector<1x1024x128xf32> to vector<1xf32>
    %reduce_sum3A_2324 = vector.shape_cast %reduce_sum3A_2323 : vector<1xf32> to vector<1x1x1xf32>
    %reduce_sum3A_2325 = vector.extract %reduce_sum3A_2324[0, 0, 0] : f32 from vector<1x1x1xf32>
    %div3A_2326 = arith.constant 1.310720e+05 : f32
    %div3A_2327 = arith.divf %reduce_sum3A_2325, %div3A_2326 : f32
    %sub3A_2328 = vector.broadcast %div3A_2317 : f32 to vector<1024x128xf32>
    %sub3A_2329 = arith.subf %add3A_2310, %sub3A_2328 : vector<1024x128xf32>
    %add3A_2330 = arith.constant 9.99999974E-6 : f32
    %add3A_2331 = arith.addf %div3A_2327, %add3A_2330 : f32
    %sqrt3A_2332 = math.sqrt %add3A_2331 : f32
    %div3A_2333 = vector.broadcast %sqrt3A_2332 : f32 to vector<1024x128xf32>
    %div3A_2334 = arith.divf %sub3A_2329, %div3A_2333 : vector<1024x128xf32>
    %get3A_2335 = arith.constant 0 : index
    %get3A_2336 = arith.constant 8 : index
    %get3A_2337 = memref.load %arg11[%get3A_2335, %get3A_2336] : memref<1x16xf32, #tpu.memory_space<smem>>
    %mul3A_2338 = vector.broadcast %get3A_2337 : f32 to vector<1024x128xf32>
    %mul3A_2339 = arith.mulf %div3A_2334, %mul3A_2338 : vector<1024x128xf32>
    %get3A_2340 = arith.constant 0 : index
    %get3A_2341 = arith.constant 8 : index
    %get3A_2342 = memref.load %arg12[%get3A_2340, %get3A_2341] : memref<1x16xf32, #tpu.memory_space<smem>>
    %add3A_2343 = vector.broadcast %get3A_2342 : f32 to vector<1024x128xf32>
    %add3A_2344 = arith.addf %mul3A_2339, %add3A_2343 : vector<1024x128xf32>
    %max3A_2345 = arith.constant 0.000000e+00 : f32
    %max3A_2346 = vector.broadcast %max3A_2345 : f32 to vector<1024x128xf32>
    %max3A_2347 = arith.maximumf %add3A_2344, %max3A_2346 : vector<1024x128xf32>
    %get3A_2348 = arith.constant 0 : index
    %get3A_2349 = arith.constant 9 : index
    %get3A_2350 = memref.load %arg9[%get3A_2348, %get3A_2349] : memref<8x16xf32, #tpu.memory_space<smem>>
    %convert_element_type3A_2351 = arith.truncf %get3A_2350 : f32 to bf16
    %convert_element_type3A_2352 = arith.extf %convert_element_type3A_2351 : bf16 to f32
    %mul3A_2353 = vector.broadcast %convert_element_type3A_2352 : f32 to vector<1024x128xf32>
    %mul3A_2354 = arith.mulf %convert_element_type3A_1388, %mul3A_2353 : vector<1024x128xf32>
    %get3A_2355 = arith.constant 1 : index
    %get3A_2356 = arith.constant 9 : index
    %get3A_2357 = memref.load %arg9[%get3A_2355, %get3A_2356] : memref<8x16xf32, #tpu.memory_space<smem>>
    %convert_element_type3A_2358 = arith.truncf %get3A_2357 : f32 to bf16
    %convert_element_type3A_2359 = arith.extf %convert_element_type3A_2358 : bf16 to f32
    %mul3A_2360 = vector.broadcast %convert_element_type3A_2359 : f32 to vector<1024x128xf32>
    %mul3A_2361 = arith.mulf %convert_element_type3A_1390, %mul3A_2360 : vector<1024x128xf32>
    %add3A_2362 = arith.addf %mul3A_2354, %mul3A_2361 : vector<1024x128xf32>
    %get3A_2363 = arith.constant 2 : index
    %get3A_2364 = arith.constant 9 : index
    %get3A_2365 = memref.load %arg9[%get3A_2363, %get3A_2364] : memref<8x16xf32, #tpu.memory_space<smem>>
    %convert_element_type3A_2366 = arith.truncf %get3A_2365 : f32 to bf16
    %convert_element_type3A_2367 = arith.extf %convert_element_type3A_2366 : bf16 to f32
    %mul3A_2368 = vector.broadcast %convert_element_type3A_2367 : f32 to vector<1024x128xf32>
    %mul3A_2369 = arith.mulf %convert_element_type3A_1392, %mul3A_2368 : vector<1024x128xf32>
    %add3A_2370 = arith.addf %add3A_2362, %mul3A_2369 : vector<1024x128xf32>
    %get3A_2371 = arith.constant 3 : index
    %get3A_2372 = arith.constant 9 : index
    %get3A_2373 = memref.load %arg9[%get3A_2371, %get3A_2372] : memref<8x16xf32, #tpu.memory_space<smem>>
    %convert_element_type3A_2374 = arith.truncf %get3A_2373 : f32 to bf16
    %convert_element_type3A_2375 = arith.extf %convert_element_type3A_2374 : bf16 to f32
    %mul3A_2376 = vector.broadcast %convert_element_type3A_2375 : f32 to vector<1024x128xf32>
    %mul3A_2377 = arith.mulf %convert_element_type3A_1394, %mul3A_2376 : vector<1024x128xf32>
    %add3A_2378 = arith.addf %add3A_2370, %mul3A_2377 : vector<1024x128xf32>
    %get3A_2379 = arith.constant 4 : index
    %get3A_2380 = arith.constant 9 : index
    %get3A_2381 = memref.load %arg9[%get3A_2379, %get3A_2380] : memref<8x16xf32, #tpu.memory_space<smem>>
    %convert_element_type3A_2382 = arith.truncf %get3A_2381 : f32 to bf16
    %convert_element_type3A_2383 = arith.extf %convert_element_type3A_2382 : bf16 to f32
    %mul3A_2384 = vector.broadcast %convert_element_type3A_2383 : f32 to vector<1024x128xf32>
    %mul3A_2385 = arith.mulf %convert_element_type3A_1396, %mul3A_2384 : vector<1024x128xf32>
    %add3A_2386 = arith.addf %add3A_2378, %mul3A_2385 : vector<1024x128xf32>
    %get3A_2387 = arith.constant 5 : index
    %get3A_2388 = arith.constant 9 : index
    %get3A_2389 = memref.load %arg9[%get3A_2387, %get3A_2388] : memref<8x16xf32, #tpu.memory_space<smem>>
    %convert_element_type3A_2390 = arith.truncf %get3A_2389 : f32 to bf16
    %convert_element_type3A_2391 = arith.extf %convert_element_type3A_2390 : bf16 to f32
    %mul3A_2392 = vector.broadcast %convert_element_type3A_2391 : f32 to vector<1024x128xf32>
    %mul3A_2393 = arith.mulf %convert_element_type3A_1398, %mul3A_2392 : vector<1024x128xf32>
    %add3A_2394 = arith.addf %add3A_2386, %mul3A_2393 : vector<1024x128xf32>
    %get3A_2395 = arith.constant 6 : index
    %get3A_2396 = arith.constant 9 : index
    %get3A_2397 = memref.load %arg9[%get3A_2395, %get3A_2396] : memref<8x16xf32, #tpu.memory_space<smem>>
    %convert_element_type3A_2398 = arith.truncf %get3A_2397 : f32 to bf16
    %convert_element_type3A_2399 = arith.extf %convert_element_type3A_2398 : bf16 to f32
    %mul3A_2400 = vector.broadcast %convert_element_type3A_2399 : f32 to vector<1024x128xf32>
    %mul3A_2401 = arith.mulf %convert_element_type3A_1400, %mul3A_2400 : vector<1024x128xf32>
    %add3A_2402 = arith.addf %add3A_2394, %mul3A_2401 : vector<1024x128xf32>
    %get3A_2403 = arith.constant 7 : index
    %get3A_2404 = arith.constant 9 : index
    %get3A_2405 = memref.load %arg9[%get3A_2403, %get3A_2404] : memref<8x16xf32, #tpu.memory_space<smem>>
    %convert_element_type3A_2406 = arith.truncf %get3A_2405 : f32 to bf16
    %convert_element_type3A_2407 = arith.extf %convert_element_type3A_2406 : bf16 to f32
    %mul3A_2408 = vector.broadcast %convert_element_type3A_2407 : f32 to vector<1024x128xf32>
    %mul3A_2409 = arith.mulf %convert_element_type3A_1402, %mul3A_2408 : vector<1024x128xf32>
    %add3A_2410 = arith.addf %add3A_2402, %mul3A_2409 : vector<1024x128xf32>
    %get3A_2411 = arith.constant 0 : index
    %get3A_2412 = arith.constant 9 : index
    %get3A_2413 = memref.load %arg10[%get3A_2411, %get3A_2412] : memref<1x16xf32, #tpu.memory_space<smem>>
    %add3A_2414 = vector.broadcast %get3A_2413 : f32 to vector<1024x128xf32>
    %add3A_2415 = arith.addf %add3A_2410, %add3A_2414 : vector<1024x128xf32>
    %reduce_sum3A_2416 = vector.shape_cast %add3A_2415 : vector<1024x128xf32> to vector<1x1024x128xf32>
    %reduce_sum3A_2417 = arith.constant dense<0.000000e+00> : vector<1xf32>
    %reduce_sum3A_2418 = vector.multi_reduction <add>, %reduce_sum3A_2416, %reduce_sum3A_2417 [1, 2] : vector<1x1024x128xf32> to vector<1xf32>
    %reduce_sum3A_2419 = vector.shape_cast %reduce_sum3A_2418 : vector<1xf32> to vector<1x1x1xf32>
    %reduce_sum3A_2420 = vector.extract %reduce_sum3A_2419[0, 0, 0] : f32 from vector<1x1x1xf32>
    %div3A_2421 = arith.constant 1.310720e+05 : f32
    %div3A_2422 = arith.divf %reduce_sum3A_2420, %div3A_2421 : f32
    %sub3A_2423 = vector.broadcast %div3A_2422 : f32 to vector<1024x128xf32>
    %sub3A_2424 = arith.subf %add3A_2415, %sub3A_2423 : vector<1024x128xf32>
    %integer_pow3A_2425 = arith.mulf %sub3A_2424, %sub3A_2424 : vector<1024x128xf32>
    %reduce_sum3A_2426 = vector.shape_cast %integer_pow3A_2425 : vector<1024x128xf32> to vector<1x1024x128xf32>
    %reduce_sum3A_2427 = arith.constant dense<0.000000e+00> : vector<1xf32>
    %reduce_sum3A_2428 = vector.multi_reduction <add>, %reduce_sum3A_2426, %reduce_sum3A_2427 [1, 2] : vector<1x1024x128xf32> to vector<1xf32>
    %reduce_sum3A_2429 = vector.shape_cast %reduce_sum3A_2428 : vector<1xf32> to vector<1x1x1xf32>
    %reduce_sum3A_2430 = vector.extract %reduce_sum3A_2429[0, 0, 0] : f32 from vector<1x1x1xf32>
    %div3A_2431 = arith.constant 1.310720e+05 : f32
    %div3A_2432 = arith.divf %reduce_sum3A_2430, %div3A_2431 : f32
    %sub3A_2433 = vector.broadcast %div3A_2422 : f32 to vector<1024x128xf32>
    %sub3A_2434 = arith.subf %add3A_2415, %sub3A_2433 : vector<1024x128xf32>
    %add3A_2435 = arith.constant 9.99999974E-6 : f32
    %add3A_2436 = arith.addf %div3A_2432, %add3A_2435 : f32
    %sqrt3A_2437 = math.sqrt %add3A_2436 : f32
    %div3A_2438 = vector.broadcast %sqrt3A_2437 : f32 to vector<1024x128xf32>
    %div3A_2439 = arith.divf %sub3A_2434, %div3A_2438 : vector<1024x128xf32>
    %get3A_2440 = arith.constant 0 : index
    %get3A_2441 = arith.constant 9 : index
    %get3A_2442 = memref.load %arg11[%get3A_2440, %get3A_2441] : memref<1x16xf32, #tpu.memory_space<smem>>
    %mul3A_2443 = vector.broadcast %get3A_2442 : f32 to vector<1024x128xf32>
    %mul3A_2444 = arith.mulf %div3A_2439, %mul3A_2443 : vector<1024x128xf32>
    %get3A_2445 = arith.constant 0 : index
    %get3A_2446 = arith.constant 9 : index
    %get3A_2447 = memref.load %arg12[%get3A_2445, %get3A_2446] : memref<1x16xf32, #tpu.memory_space<smem>>
    %add3A_2448 = vector.broadcast %get3A_2447 : f32 to vector<1024x128xf32>
    %add3A_2449 = arith.addf %mul3A_2444, %add3A_2448 : vector<1024x128xf32>
    %max3A_2450 = arith.constant 0.000000e+00 : f32
    %max3A_2451 = vector.broadcast %max3A_2450 : f32 to vector<1024x128xf32>
    %max3A_2452 = arith.maximumf %add3A_2449, %max3A_2451 : vector<1024x128xf32>
    %get3A_2453 = arith.constant 0 : index
    %get3A_2454 = arith.constant 10 : index
    %get3A_2455 = memref.load %arg9[%get3A_2453, %get3A_2454] : memref<8x16xf32, #tpu.memory_space<smem>>
    %convert_element_type3A_2456 = arith.truncf %get3A_2455 : f32 to bf16
    %convert_element_type3A_2457 = arith.extf %convert_element_type3A_2456 : bf16 to f32
    %mul3A_2458 = vector.broadcast %convert_element_type3A_2457 : f32 to vector<1024x128xf32>
    %mul3A_2459 = arith.mulf %convert_element_type3A_1388, %mul3A_2458 : vector<1024x128xf32>
    %get3A_2460 = arith.constant 1 : index
    %get3A_2461 = arith.constant 10 : index
    %get3A_2462 = memref.load %arg9[%get3A_2460, %get3A_2461] : memref<8x16xf32, #tpu.memory_space<smem>>
    %convert_element_type3A_2463 = arith.truncf %get3A_2462 : f32 to bf16
    %convert_element_type3A_2464 = arith.extf %convert_element_type3A_2463 : bf16 to f32
    %mul3A_2465 = vector.broadcast %convert_element_type3A_2464 : f32 to vector<1024x128xf32>
    %mul3A_2466 = arith.mulf %convert_element_type3A_1390, %mul3A_2465 : vector<1024x128xf32>
    %add3A_2467 = arith.addf %mul3A_2459, %mul3A_2466 : vector<1024x128xf32>
    %get3A_2468 = arith.constant 2 : index
    %get3A_2469 = arith.constant 10 : index
    %get3A_2470 = memref.load %arg9[%get3A_2468, %get3A_2469] : memref<8x16xf32, #tpu.memory_space<smem>>
    %convert_element_type3A_2471 = arith.truncf %get3A_2470 : f32 to bf16
    %convert_element_type3A_2472 = arith.extf %convert_element_type3A_2471 : bf16 to f32
    %mul3A_2473 = vector.broadcast %convert_element_type3A_2472 : f32 to vector<1024x128xf32>
    %mul3A_2474 = arith.mulf %convert_element_type3A_1392, %mul3A_2473 : vector<1024x128xf32>
    %add3A_2475 = arith.addf %add3A_2467, %mul3A_2474 : vector<1024x128xf32>
    %get3A_2476 = arith.constant 3 : index
    %get3A_2477 = arith.constant 10 : index
    %get3A_2478 = memref.load %arg9[%get3A_2476, %get3A_2477] : memref<8x16xf32, #tpu.memory_space<smem>>
    %convert_element_type3A_2479 = arith.truncf %get3A_2478 : f32 to bf16
    %convert_element_type3A_2480 = arith.extf %convert_element_type3A_2479 : bf16 to f32
    %mul3A_2481 = vector.broadcast %convert_element_type3A_2480 : f32 to vector<1024x128xf32>
    %mul3A_2482 = arith.mulf %convert_element_type3A_1394, %mul3A_2481 : vector<1024x128xf32>
    %add3A_2483 = arith.addf %add3A_2475, %mul3A_2482 : vector<1024x128xf32>
    %get3A_2484 = arith.constant 4 : index
    %get3A_2485 = arith.constant 10 : index
    %get3A_2486 = memref.load %arg9[%get3A_2484, %get3A_2485] : memref<8x16xf32, #tpu.memory_space<smem>>
    %convert_element_type3A_2487 = arith.truncf %get3A_2486 : f32 to bf16
    %convert_element_type3A_2488 = arith.extf %convert_element_type3A_2487 : bf16 to f32
    %mul3A_2489 = vector.broadcast %convert_element_type3A_2488 : f32 to vector<1024x128xf32>
    %mul3A_2490 = arith.mulf %convert_element_type3A_1396, %mul3A_2489 : vector<1024x128xf32>
    %add3A_2491 = arith.addf %add3A_2483, %mul3A_2490 : vector<1024x128xf32>
    %get3A_2492 = arith.constant 5 : index
    %get3A_2493 = arith.constant 10 : index
    %get3A_2494 = memref.load %arg9[%get3A_2492, %get3A_2493] : memref<8x16xf32, #tpu.memory_space<smem>>
    %convert_element_type3A_2495 = arith.truncf %get3A_2494 : f32 to bf16
    %convert_element_type3A_2496 = arith.extf %convert_element_type3A_2495 : bf16 to f32
    %mul3A_2497 = vector.broadcast %convert_element_type3A_2496 : f32 to vector<1024x128xf32>
    %mul3A_2498 = arith.mulf %convert_element_type3A_1398, %mul3A_2497 : vector<1024x128xf32>
    %add3A_2499 = arith.addf %add3A_2491, %mul3A_2498 : vector<1024x128xf32>
    %get3A_2500 = arith.constant 6 : index
    %get3A_2501 = arith.constant 10 : index
    %get3A_2502 = memref.load %arg9[%get3A_2500, %get3A_2501] : memref<8x16xf32, #tpu.memory_space<smem>>
    %convert_element_type3A_2503 = arith.truncf %get3A_2502 : f32 to bf16
    %convert_element_type3A_2504 = arith.extf %convert_element_type3A_2503 : bf16 to f32
    %mul3A_2505 = vector.broadcast %convert_element_type3A_2504 : f32 to vector<1024x128xf32>
    %mul3A_2506 = arith.mulf %convert_element_type3A_1400, %mul3A_2505 : vector<1024x128xf32>
    %add3A_2507 = arith.addf %add3A_2499, %mul3A_2506 : vector<1024x128xf32>
    %get3A_2508 = arith.constant 7 : index
    %get3A_2509 = arith.constant 10 : index
    %get3A_2510 = memref.load %arg9[%get3A_2508, %get3A_2509] : memref<8x16xf32, #tpu.memory_space<smem>>
    %convert_element_type3A_2511 = arith.truncf %get3A_2510 : f32 to bf16
    %convert_element_type3A_2512 = arith.extf %convert_element_type3A_2511 : bf16 to f32
    %mul3A_2513 = vector.broadcast %convert_element_type3A_2512 : f32 to vector<1024x128xf32>
    %mul3A_2514 = arith.mulf %convert_element_type3A_1402, %mul3A_2513 : vector<1024x128xf32>
    %add3A_2515 = arith.addf %add3A_2507, %mul3A_2514 : vector<1024x128xf32>
    %get3A_2516 = arith.constant 0 : index
    %get3A_2517 = arith.constant 10 : index
    %get3A_2518 = memref.load %arg10[%get3A_2516, %get3A_2517] : memref<1x16xf32, #tpu.memory_space<smem>>
    %add3A_2519 = vector.broadcast %get3A_2518 : f32 to vector<1024x128xf32>
    %add3A_2520 = arith.addf %add3A_2515, %add3A_2519 : vector<1024x128xf32>
    %reduce_sum3A_2521 = vector.shape_cast %add3A_2520 : vector<1024x128xf32> to vector<1x1024x128xf32>
    %reduce_sum3A_2522 = arith.constant dense<0.000000e+00> : vector<1xf32>
    %reduce_sum3A_2523 = vector.multi_reduction <add>, %reduce_sum3A_2521, %reduce_sum3A_2522 [1, 2] : vector<1x1024x128xf32> to vector<1xf32>
    %reduce_sum3A_2524 = vector.shape_cast %reduce_sum3A_2523 : vector<1xf32> to vector<1x1x1xf32>
    %reduce_sum3A_2525 = vector.extract %reduce_sum3A_2524[0, 0, 0] : f32 from vector<1x1x1xf32>
    %div3A_2526 = arith.constant 1.310720e+05 : f32
    %div3A_2527 = arith.divf %reduce_sum3A_2525, %div3A_2526 : f32
    %sub3A_2528 = vector.broadcast %div3A_2527 : f32 to vector<1024x128xf32>
    %sub3A_2529 = arith.subf %add3A_2520, %sub3A_2528 : vector<1024x128xf32>
    %integer_pow3A_2530 = arith.mulf %sub3A_2529, %sub3A_2529 : vector<1024x128xf32>
    %reduce_sum3A_2531 = vector.shape_cast %integer_pow3A_2530 : vector<1024x128xf32> to vector<1x1024x128xf32>
    %reduce_sum3A_2532 = arith.constant dense<0.000000e+00> : vector<1xf32>
    %reduce_sum3A_2533 = vector.multi_reduction <add>, %reduce_sum3A_2531, %reduce_sum3A_2532 [1, 2] : vector<1x1024x128xf32> to vector<1xf32>
    %reduce_sum3A_2534 = vector.shape_cast %reduce_sum3A_2533 : vector<1xf32> to vector<1x1x1xf32>
    %reduce_sum3A_2535 = vector.extract %reduce_sum3A_2534[0, 0, 0] : f32 from vector<1x1x1xf32>
    %div3A_2536 = arith.constant 1.310720e+05 : f32
    %div3A_2537 = arith.divf %reduce_sum3A_2535, %div3A_2536 : f32
    %sub3A_2538 = vector.broadcast %div3A_2527 : f32 to vector<1024x128xf32>
    %sub3A_2539 = arith.subf %add3A_2520, %sub3A_2538 : vector<1024x128xf32>
    %add3A_2540 = arith.constant 9.99999974E-6 : f32
    %add3A_2541 = arith.addf %div3A_2537, %add3A_2540 : f32
    %sqrt3A_2542 = math.sqrt %add3A_2541 : f32
    %div3A_2543 = vector.broadcast %sqrt3A_2542 : f32 to vector<1024x128xf32>
    %div3A_2544 = arith.divf %sub3A_2539, %div3A_2543 : vector<1024x128xf32>
    %get3A_2545 = arith.constant 0 : index
    %get3A_2546 = arith.constant 10 : index
    %get3A_2547 = memref.load %arg11[%get3A_2545, %get3A_2546] : memref<1x16xf32, #tpu.memory_space<smem>>
    %mul3A_2548 = vector.broadcast %get3A_2547 : f32 to vector<1024x128xf32>
    %mul3A_2549 = arith.mulf %div3A_2544, %mul3A_2548 : vector<1024x128xf32>
    %get3A_2550 = arith.constant 0 : index
    %get3A_2551 = arith.constant 10 : index
    %get3A_2552 = memref.load %arg12[%get3A_2550, %get3A_2551] : memref<1x16xf32, #tpu.memory_space<smem>>
    %add3A_2553 = vector.broadcast %get3A_2552 : f32 to vector<1024x128xf32>
    %add3A_2554 = arith.addf %mul3A_2549, %add3A_2553 : vector<1024x128xf32>
    %max3A_2555 = arith.constant 0.000000e+00 : f32
    %max3A_2556 = vector.broadcast %max3A_2555 : f32 to vector<1024x128xf32>
    %max3A_2557 = arith.maximumf %add3A_2554, %max3A_2556 : vector<1024x128xf32>
    %get3A_2558 = arith.constant 0 : index
    %get3A_2559 = arith.constant 11 : index
    %get3A_2560 = memref.load %arg9[%get3A_2558, %get3A_2559] : memref<8x16xf32, #tpu.memory_space<smem>>
    %convert_element_type3A_2561 = arith.truncf %get3A_2560 : f32 to bf16
    %convert_element_type3A_2562 = arith.extf %convert_element_type3A_2561 : bf16 to f32
    %mul3A_2563 = vector.broadcast %convert_element_type3A_2562 : f32 to vector<1024x128xf32>
    %mul3A_2564 = arith.mulf %convert_element_type3A_1388, %mul3A_2563 : vector<1024x128xf32>
    %get3A_2565 = arith.constant 1 : index
    %get3A_2566 = arith.constant 11 : index
    %get3A_2567 = memref.load %arg9[%get3A_2565, %get3A_2566] : memref<8x16xf32, #tpu.memory_space<smem>>
    %convert_element_type3A_2568 = arith.truncf %get3A_2567 : f32 to bf16
    %convert_element_type3A_2569 = arith.extf %convert_element_type3A_2568 : bf16 to f32
    %mul3A_2570 = vector.broadcast %convert_element_type3A_2569 : f32 to vector<1024x128xf32>
    %mul3A_2571 = arith.mulf %convert_element_type3A_1390, %mul3A_2570 : vector<1024x128xf32>
    %add3A_2572 = arith.addf %mul3A_2564, %mul3A_2571 : vector<1024x128xf32>
    %get3A_2573 = arith.constant 2 : index
    %get3A_2574 = arith.constant 11 : index
    %get3A_2575 = memref.load %arg9[%get3A_2573, %get3A_2574] : memref<8x16xf32, #tpu.memory_space<smem>>
    %convert_element_type3A_2576 = arith.truncf %get3A_2575 : f32 to bf16
    %convert_element_type3A_2577 = arith.extf %convert_element_type3A_2576 : bf16 to f32
    %mul3A_2578 = vector.broadcast %convert_element_type3A_2577 : f32 to vector<1024x128xf32>
    %mul3A_2579 = arith.mulf %convert_element_type3A_1392, %mul3A_2578 : vector<1024x128xf32>
    %add3A_2580 = arith.addf %add3A_2572, %mul3A_2579 : vector<1024x128xf32>
    %get3A_2581 = arith.constant 3 : index
    %get3A_2582 = arith.constant 11 : index
    %get3A_2583 = memref.load %arg9[%get3A_2581, %get3A_2582] : memref<8x16xf32, #tpu.memory_space<smem>>
    %convert_element_type3A_2584 = arith.truncf %get3A_2583 : f32 to bf16
    %convert_element_type3A_2585 = arith.extf %convert_element_type3A_2584 : bf16 to f32
    %mul3A_2586 = vector.broadcast %convert_element_type3A_2585 : f32 to vector<1024x128xf32>
    %mul3A_2587 = arith.mulf %convert_element_type3A_1394, %mul3A_2586 : vector<1024x128xf32>
    %add3A_2588 = arith.addf %add3A_2580, %mul3A_2587 : vector<1024x128xf32>
    %get3A_2589 = arith.constant 4 : index
    %get3A_2590 = arith.constant 11 : index
    %get3A_2591 = memref.load %arg9[%get3A_2589, %get3A_2590] : memref<8x16xf32, #tpu.memory_space<smem>>
    %convert_element_type3A_2592 = arith.truncf %get3A_2591 : f32 to bf16
    %convert_element_type3A_2593 = arith.extf %convert_element_type3A_2592 : bf16 to f32
    %mul3A_2594 = vector.broadcast %convert_element_type3A_2593 : f32 to vector<1024x128xf32>
    %mul3A_2595 = arith.mulf %convert_element_type3A_1396, %mul3A_2594 : vector<1024x128xf32>
    %add3A_2596 = arith.addf %add3A_2588, %mul3A_2595 : vector<1024x128xf32>
    %get3A_2597 = arith.constant 5 : index
    %get3A_2598 = arith.constant 11 : index
    %get3A_2599 = memref.load %arg9[%get3A_2597, %get3A_2598] : memref<8x16xf32, #tpu.memory_space<smem>>
    %convert_element_type3A_2600 = arith.truncf %get3A_2599 : f32 to bf16
    %convert_element_type3A_2601 = arith.extf %convert_element_type3A_2600 : bf16 to f32
    %mul3A_2602 = vector.broadcast %convert_element_type3A_2601 : f32 to vector<1024x128xf32>
    %mul3A_2603 = arith.mulf %convert_element_type3A_1398, %mul3A_2602 : vector<1024x128xf32>
    %add3A_2604 = arith.addf %add3A_2596, %mul3A_2603 : vector<1024x128xf32>
    %get3A_2605 = arith.constant 6 : index
    %get3A_2606 = arith.constant 11 : index
    %get3A_2607 = memref.load %arg9[%get3A_2605, %get3A_2606] : memref<8x16xf32, #tpu.memory_space<smem>>
    %convert_element_type3A_2608 = arith.truncf %get3A_2607 : f32 to bf16
    %convert_element_type3A_2609 = arith.extf %convert_element_type3A_2608 : bf16 to f32
    %mul3A_2610 = vector.broadcast %convert_element_type3A_2609 : f32 to vector<1024x128xf32>
    %mul3A_2611 = arith.mulf %convert_element_type3A_1400, %mul3A_2610 : vector<1024x128xf32>
    %add3A_2612 = arith.addf %add3A_2604, %mul3A_2611 : vector<1024x128xf32>
    %get3A_2613 = arith.constant 7 : index
    %get3A_2614 = arith.constant 11 : index
    %get3A_2615 = memref.load %arg9[%get3A_2613, %get3A_2614] : memref<8x16xf32, #tpu.memory_space<smem>>
    %convert_element_type3A_2616 = arith.truncf %get3A_2615 : f32 to bf16
    %convert_element_type3A_2617 = arith.extf %convert_element_type3A_2616 : bf16 to f32
    %mul3A_2618 = vector.broadcast %convert_element_type3A_2617 : f32 to vector<1024x128xf32>
    %mul3A_2619 = arith.mulf %convert_element_type3A_1402, %mul3A_2618 : vector<1024x128xf32>
    %add3A_2620 = arith.addf %add3A_2612, %mul3A_2619 : vector<1024x128xf32>
    %get3A_2621 = arith.constant 0 : index
    %get3A_2622 = arith.constant 11 : index
    %get3A_2623 = memref.load %arg10[%get3A_2621, %get3A_2622] : memref<1x16xf32, #tpu.memory_space<smem>>
    %add3A_2624 = vector.broadcast %get3A_2623 : f32 to vector<1024x128xf32>
    %add3A_2625 = arith.addf %add3A_2620, %add3A_2624 : vector<1024x128xf32>
    %reduce_sum3A_2626 = vector.shape_cast %add3A_2625 : vector<1024x128xf32> to vector<1x1024x128xf32>
    %reduce_sum3A_2627 = arith.constant dense<0.000000e+00> : vector<1xf32>
    %reduce_sum3A_2628 = vector.multi_reduction <add>, %reduce_sum3A_2626, %reduce_sum3A_2627 [1, 2] : vector<1x1024x128xf32> to vector<1xf32>
    %reduce_sum3A_2629 = vector.shape_cast %reduce_sum3A_2628 : vector<1xf32> to vector<1x1x1xf32>
    %reduce_sum3A_2630 = vector.extract %reduce_sum3A_2629[0, 0, 0] : f32 from vector<1x1x1xf32>
    %div3A_2631 = arith.constant 1.310720e+05 : f32
    %div3A_2632 = arith.divf %reduce_sum3A_2630, %div3A_2631 : f32
    %sub3A_2633 = vector.broadcast %div3A_2632 : f32 to vector<1024x128xf32>
    %sub3A_2634 = arith.subf %add3A_2625, %sub3A_2633 : vector<1024x128xf32>
    %integer_pow3A_2635 = arith.mulf %sub3A_2634, %sub3A_2634 : vector<1024x128xf32>
    %reduce_sum3A_2636 = vector.shape_cast %integer_pow3A_2635 : vector<1024x128xf32> to vector<1x1024x128xf32>
    %reduce_sum3A_2637 = arith.constant dense<0.000000e+00> : vector<1xf32>
    %reduce_sum3A_2638 = vector.multi_reduction <add>, %reduce_sum3A_2636, %reduce_sum3A_2637 [1, 2] : vector<1x1024x128xf32> to vector<1xf32>
    %reduce_sum3A_2639 = vector.shape_cast %reduce_sum3A_2638 : vector<1xf32> to vector<1x1x1xf32>
    %reduce_sum3A_2640 = vector.extract %reduce_sum3A_2639[0, 0, 0] : f32 from vector<1x1x1xf32>
    %div3A_2641 = arith.constant 1.310720e+05 : f32
    %div3A_2642 = arith.divf %reduce_sum3A_2640, %div3A_2641 : f32
    %sub3A_2643 = vector.broadcast %div3A_2632 : f32 to vector<1024x128xf32>
    %sub3A_2644 = arith.subf %add3A_2625, %sub3A_2643 : vector<1024x128xf32>
    %add3A_2645 = arith.constant 9.99999974E-6 : f32
    %add3A_2646 = arith.addf %div3A_2642, %add3A_2645 : f32
    %sqrt3A_2647 = math.sqrt %add3A_2646 : f32
    %div3A_2648 = vector.broadcast %sqrt3A_2647 : f32 to vector<1024x128xf32>
    %div3A_2649 = arith.divf %sub3A_2644, %div3A_2648 : vector<1024x128xf32>
    %get3A_2650 = arith.constant 0 : index
    %get3A_2651 = arith.constant 11 : index
    %get3A_2652 = memref.load %arg11[%get3A_2650, %get3A_2651] : memref<1x16xf32, #tpu.memory_space<smem>>
    %mul3A_2653 = vector.broadcast %get3A_2652 : f32 to vector<1024x128xf32>
    %mul3A_2654 = arith.mulf %div3A_2649, %mul3A_2653 : vector<1024x128xf32>
    %get3A_2655 = arith.constant 0 : index
    %get3A_2656 = arith.constant 11 : index
    %get3A_2657 = memref.load %arg12[%get3A_2655, %get3A_2656] : memref<1x16xf32, #tpu.memory_space<smem>>
    %add3A_2658 = vector.broadcast %get3A_2657 : f32 to vector<1024x128xf32>
    %add3A_2659 = arith.addf %mul3A_2654, %add3A_2658 : vector<1024x128xf32>
    %max3A_2660 = arith.constant 0.000000e+00 : f32
    %max3A_2661 = vector.broadcast %max3A_2660 : f32 to vector<1024x128xf32>
    %max3A_2662 = arith.maximumf %add3A_2659, %max3A_2661 : vector<1024x128xf32>
    %get3A_2663 = arith.constant 0 : index
    %get3A_2664 = arith.constant 12 : index
    %get3A_2665 = memref.load %arg9[%get3A_2663, %get3A_2664] : memref<8x16xf32, #tpu.memory_space<smem>>
    %convert_element_type3A_2666 = arith.truncf %get3A_2665 : f32 to bf16
    %convert_element_type3A_2667 = arith.extf %convert_element_type3A_2666 : bf16 to f32
    %mul3A_2668 = vector.broadcast %convert_element_type3A_2667 : f32 to vector<1024x128xf32>
    %mul3A_2669 = arith.mulf %convert_element_type3A_1388, %mul3A_2668 : vector<1024x128xf32>
    %get3A_2670 = arith.constant 1 : index
    %get3A_2671 = arith.constant 12 : index
    %get3A_2672 = memref.load %arg9[%get3A_2670, %get3A_2671] : memref<8x16xf32, #tpu.memory_space<smem>>
    %convert_element_type3A_2673 = arith.truncf %get3A_2672 : f32 to bf16
    %convert_element_type3A_2674 = arith.extf %convert_element_type3A_2673 : bf16 to f32
    %mul3A_2675 = vector.broadcast %convert_element_type3A_2674 : f32 to vector<1024x128xf32>
    %mul3A_2676 = arith.mulf %convert_element_type3A_1390, %mul3A_2675 : vector<1024x128xf32>
    %add3A_2677 = arith.addf %mul3A_2669, %mul3A_2676 : vector<1024x128xf32>
    %get3A_2678 = arith.constant 2 : index
    %get3A_2679 = arith.constant 12 : index
    %get3A_2680 = memref.load %arg9[%get3A_2678, %get3A_2679] : memref<8x16xf32, #tpu.memory_space<smem>>
    %convert_element_type3A_2681 = arith.truncf %get3A_2680 : f32 to bf16
    %convert_element_type3A_2682 = arith.extf %convert_element_type3A_2681 : bf16 to f32
    %mul3A_2683 = vector.broadcast %convert_element_type3A_2682 : f32 to vector<1024x128xf32>
    %mul3A_2684 = arith.mulf %convert_element_type3A_1392, %mul3A_2683 : vector<1024x128xf32>
    %add3A_2685 = arith.addf %add3A_2677, %mul3A_2684 : vector<1024x128xf32>
    %get3A_2686 = arith.constant 3 : index
    %get3A_2687 = arith.constant 12 : index
    %get3A_2688 = memref.load %arg9[%get3A_2686, %get3A_2687] : memref<8x16xf32, #tpu.memory_space<smem>>
    %convert_element_type3A_2689 = arith.truncf %get3A_2688 : f32 to bf16
    %convert_element_type3A_2690 = arith.extf %convert_element_type3A_2689 : bf16 to f32
    %mul3A_2691 = vector.broadcast %convert_element_type3A_2690 : f32 to vector<1024x128xf32>
    %mul3A_2692 = arith.mulf %convert_element_type3A_1394, %mul3A_2691 : vector<1024x128xf32>
    %add3A_2693 = arith.addf %add3A_2685, %mul3A_2692 : vector<1024x128xf32>
    %get3A_2694 = arith.constant 4 : index
    %get3A_2695 = arith.constant 12 : index
    %get3A_2696 = memref.load %arg9[%get3A_2694, %get3A_2695] : memref<8x16xf32, #tpu.memory_space<smem>>
    %convert_element_type3A_2697 = arith.truncf %get3A_2696 : f32 to bf16
    %convert_element_type3A_2698 = arith.extf %convert_element_type3A_2697 : bf16 to f32
    %mul3A_2699 = vector.broadcast %convert_element_type3A_2698 : f32 to vector<1024x128xf32>
    %mul3A_2700 = arith.mulf %convert_element_type3A_1396, %mul3A_2699 : vector<1024x128xf32>
    %add3A_2701 = arith.addf %add3A_2693, %mul3A_2700 : vector<1024x128xf32>
    %get3A_2702 = arith.constant 5 : index
    %get3A_2703 = arith.constant 12 : index
    %get3A_2704 = memref.load %arg9[%get3A_2702, %get3A_2703] : memref<8x16xf32, #tpu.memory_space<smem>>
    %convert_element_type3A_2705 = arith.truncf %get3A_2704 : f32 to bf16
    %convert_element_type3A_2706 = arith.extf %convert_element_type3A_2705 : bf16 to f32
    %mul3A_2707 = vector.broadcast %convert_element_type3A_2706 : f32 to vector<1024x128xf32>
    %mul3A_2708 = arith.mulf %convert_element_type3A_1398, %mul3A_2707 : vector<1024x128xf32>
    %add3A_2709 = arith.addf %add3A_2701, %mul3A_2708 : vector<1024x128xf32>
    %get3A_2710 = arith.constant 6 : index
    %get3A_2711 = arith.constant 12 : index
    %get3A_2712 = memref.load %arg9[%get3A_2710, %get3A_2711] : memref<8x16xf32, #tpu.memory_space<smem>>
    %convert_element_type3A_2713 = arith.truncf %get3A_2712 : f32 to bf16
    %convert_element_type3A_2714 = arith.extf %convert_element_type3A_2713 : bf16 to f32
    %mul3A_2715 = vector.broadcast %convert_element_type3A_2714 : f32 to vector<1024x128xf32>
    %mul3A_2716 = arith.mulf %convert_element_type3A_1400, %mul3A_2715 : vector<1024x128xf32>
    %add3A_2717 = arith.addf %add3A_2709, %mul3A_2716 : vector<1024x128xf32>
    %get3A_2718 = arith.constant 7 : index
    %get3A_2719 = arith.constant 12 : index
    %get3A_2720 = memref.load %arg9[%get3A_2718, %get3A_2719] : memref<8x16xf32, #tpu.memory_space<smem>>
    %convert_element_type3A_2721 = arith.truncf %get3A_2720 : f32 to bf16
    %convert_element_type3A_2722 = arith.extf %convert_element_type3A_2721 : bf16 to f32
    %mul3A_2723 = vector.broadcast %convert_element_type3A_2722 : f32 to vector<1024x128xf32>
    %mul3A_2724 = arith.mulf %convert_element_type3A_1402, %mul3A_2723 : vector<1024x128xf32>
    %add3A_2725 = arith.addf %add3A_2717, %mul3A_2724 : vector<1024x128xf32>
    %get3A_2726 = arith.constant 0 : index
    %get3A_2727 = arith.constant 12 : index
    %get3A_2728 = memref.load %arg10[%get3A_2726, %get3A_2727] : memref<1x16xf32, #tpu.memory_space<smem>>
    %add3A_2729 = vector.broadcast %get3A_2728 : f32 to vector<1024x128xf32>
    %add3A_2730 = arith.addf %add3A_2725, %add3A_2729 : vector<1024x128xf32>
    %reduce_sum3A_2731 = vector.shape_cast %add3A_2730 : vector<1024x128xf32> to vector<1x1024x128xf32>
    %reduce_sum3A_2732 = arith.constant dense<0.000000e+00> : vector<1xf32>
    %reduce_sum3A_2733 = vector.multi_reduction <add>, %reduce_sum3A_2731, %reduce_sum3A_2732 [1, 2] : vector<1x1024x128xf32> to vector<1xf32>
    %reduce_sum3A_2734 = vector.shape_cast %reduce_sum3A_2733 : vector<1xf32> to vector<1x1x1xf32>
    %reduce_sum3A_2735 = vector.extract %reduce_sum3A_2734[0, 0, 0] : f32 from vector<1x1x1xf32>
    %div3A_2736 = arith.constant 1.310720e+05 : f32
    %div3A_2737 = arith.divf %reduce_sum3A_2735, %div3A_2736 : f32
    %sub3A_2738 = vector.broadcast %div3A_2737 : f32 to vector<1024x128xf32>
    %sub3A_2739 = arith.subf %add3A_2730, %sub3A_2738 : vector<1024x128xf32>
    %integer_pow3A_2740 = arith.mulf %sub3A_2739, %sub3A_2739 : vector<1024x128xf32>
    %reduce_sum3A_2741 = vector.shape_cast %integer_pow3A_2740 : vector<1024x128xf32> to vector<1x1024x128xf32>
    %reduce_sum3A_2742 = arith.constant dense<0.000000e+00> : vector<1xf32>
    %reduce_sum3A_2743 = vector.multi_reduction <add>, %reduce_sum3A_2741, %reduce_sum3A_2742 [1, 2] : vector<1x1024x128xf32> to vector<1xf32>
    %reduce_sum3A_2744 = vector.shape_cast %reduce_sum3A_2743 : vector<1xf32> to vector<1x1x1xf32>
    %reduce_sum3A_2745 = vector.extract %reduce_sum3A_2744[0, 0, 0] : f32 from vector<1x1x1xf32>
    %div3A_2746 = arith.constant 1.310720e+05 : f32
    %div3A_2747 = arith.divf %reduce_sum3A_2745, %div3A_2746 : f32
    %sub3A_2748 = vector.broadcast %div3A_2737 : f32 to vector<1024x128xf32>
    %sub3A_2749 = arith.subf %add3A_2730, %sub3A_2748 : vector<1024x128xf32>
    %add3A_2750 = arith.constant 9.99999974E-6 : f32
    %add3A_2751 = arith.addf %div3A_2747, %add3A_2750 : f32
    %sqrt3A_2752 = math.sqrt %add3A_2751 : f32
    %div3A_2753 = vector.broadcast %sqrt3A_2752 : f32 to vector<1024x128xf32>
    %div3A_2754 = arith.divf %sub3A_2749, %div3A_2753 : vector<1024x128xf32>
    %get3A_2755 = arith.constant 0 : index
    %get3A_2756 = arith.constant 12 : index
    %get3A_2757 = memref.load %arg11[%get3A_2755, %get3A_2756] : memref<1x16xf32, #tpu.memory_space<smem>>
    %mul3A_2758 = vector.broadcast %get3A_2757 : f32 to vector<1024x128xf32>
    %mul3A_2759 = arith.mulf %div3A_2754, %mul3A_2758 : vector<1024x128xf32>
    %get3A_2760 = arith.constant 0 : index
    %get3A_2761 = arith.constant 12 : index
    %get3A_2762 = memref.load %arg12[%get3A_2760, %get3A_2761] : memref<1x16xf32, #tpu.memory_space<smem>>
    %add3A_2763 = vector.broadcast %get3A_2762 : f32 to vector<1024x128xf32>
    %add3A_2764 = arith.addf %mul3A_2759, %add3A_2763 : vector<1024x128xf32>
    %max3A_2765 = arith.constant 0.000000e+00 : f32
    %max3A_2766 = vector.broadcast %max3A_2765 : f32 to vector<1024x128xf32>
    %max3A_2767 = arith.maximumf %add3A_2764, %max3A_2766 : vector<1024x128xf32>
    %get3A_2768 = arith.constant 0 : index
    %get3A_2769 = arith.constant 13 : index
    %get3A_2770 = memref.load %arg9[%get3A_2768, %get3A_2769] : memref<8x16xf32, #tpu.memory_space<smem>>
    %convert_element_type3A_2771 = arith.truncf %get3A_2770 : f32 to bf16
    %convert_element_type3A_2772 = arith.extf %convert_element_type3A_2771 : bf16 to f32
    %mul3A_2773 = vector.broadcast %convert_element_type3A_2772 : f32 to vector<1024x128xf32>
    %mul3A_2774 = arith.mulf %convert_element_type3A_1388, %mul3A_2773 : vector<1024x128xf32>
    %get3A_2775 = arith.constant 1 : index
    %get3A_2776 = arith.constant 13 : index
    %get3A_2777 = memref.load %arg9[%get3A_2775, %get3A_2776] : memref<8x16xf32, #tpu.memory_space<smem>>
    %convert_element_type3A_2778 = arith.truncf %get3A_2777 : f32 to bf16
    %convert_element_type3A_2779 = arith.extf %convert_element_type3A_2778 : bf16 to f32
    %mul3A_2780 = vector.broadcast %convert_element_type3A_2779 : f32 to vector<1024x128xf32>
    %mul3A_2781 = arith.mulf %convert_element_type3A_1390, %mul3A_2780 : vector<1024x128xf32>
    %add3A_2782 = arith.addf %mul3A_2774, %mul3A_2781 : vector<1024x128xf32>
    %get3A_2783 = arith.constant 2 : index
    %get3A_2784 = arith.constant 13 : index
    %get3A_2785 = memref.load %arg9[%get3A_2783, %get3A_2784] : memref<8x16xf32, #tpu.memory_space<smem>>
    %convert_element_type3A_2786 = arith.truncf %get3A_2785 : f32 to bf16
    %convert_element_type3A_2787 = arith.extf %convert_element_type3A_2786 : bf16 to f32
    %mul3A_2788 = vector.broadcast %convert_element_type3A_2787 : f32 to vector<1024x128xf32>
    %mul3A_2789 = arith.mulf %convert_element_type3A_1392, %mul3A_2788 : vector<1024x128xf32>
    %add3A_2790 = arith.addf %add3A_2782, %mul3A_2789 : vector<1024x128xf32>
    %get3A_2791 = arith.constant 3 : index
    %get3A_2792 = arith.constant 13 : index
    %get3A_2793 = memref.load %arg9[%get3A_2791, %get3A_2792] : memref<8x16xf32, #tpu.memory_space<smem>>
    %convert_element_type3A_2794 = arith.truncf %get3A_2793 : f32 to bf16
    %convert_element_type3A_2795 = arith.extf %convert_element_type3A_2794 : bf16 to f32
    %mul3A_2796 = vector.broadcast %convert_element_type3A_2795 : f32 to vector<1024x128xf32>
    %mul3A_2797 = arith.mulf %convert_element_type3A_1394, %mul3A_2796 : vector<1024x128xf32>
    %add3A_2798 = arith.addf %add3A_2790, %mul3A_2797 : vector<1024x128xf32>
    %get3A_2799 = arith.constant 4 : index
    %get3A_2800 = arith.constant 13 : index
    %get3A_2801 = memref.load %arg9[%get3A_2799, %get3A_2800] : memref<8x16xf32, #tpu.memory_space<smem>>
    %convert_element_type3A_2802 = arith.truncf %get3A_2801 : f32 to bf16
    %convert_element_type3A_2803 = arith.extf %convert_element_type3A_2802 : bf16 to f32
    %mul3A_2804 = vector.broadcast %convert_element_type3A_2803 : f32 to vector<1024x128xf32>
    %mul3A_2805 = arith.mulf %convert_element_type3A_1396, %mul3A_2804 : vector<1024x128xf32>
    %add3A_2806 = arith.addf %add3A_2798, %mul3A_2805 : vector<1024x128xf32>
    %get3A_2807 = arith.constant 5 : index
    %get3A_2808 = arith.constant 13 : index
    %get3A_2809 = memref.load %arg9[%get3A_2807, %get3A_2808] : memref<8x16xf32, #tpu.memory_space<smem>>
    %convert_element_type3A_2810 = arith.truncf %get3A_2809 : f32 to bf16
    %convert_element_type3A_2811 = arith.extf %convert_element_type3A_2810 : bf16 to f32
    %mul3A_2812 = vector.broadcast %convert_element_type3A_2811 : f32 to vector<1024x128xf32>
    %mul3A_2813 = arith.mulf %convert_element_type3A_1398, %mul3A_2812 : vector<1024x128xf32>
    %add3A_2814 = arith.addf %add3A_2806, %mul3A_2813 : vector<1024x128xf32>
    %get3A_2815 = arith.constant 6 : index
    %get3A_2816 = arith.constant 13 : index
    %get3A_2817 = memref.load %arg9[%get3A_2815, %get3A_2816] : memref<8x16xf32, #tpu.memory_space<smem>>
    %convert_element_type3A_2818 = arith.truncf %get3A_2817 : f32 to bf16
    %convert_element_type3A_2819 = arith.extf %convert_element_type3A_2818 : bf16 to f32
    %mul3A_2820 = vector.broadcast %convert_element_type3A_2819 : f32 to vector<1024x128xf32>
    %mul3A_2821 = arith.mulf %convert_element_type3A_1400, %mul3A_2820 : vector<1024x128xf32>
    %add3A_2822 = arith.addf %add3A_2814, %mul3A_2821 : vector<1024x128xf32>
    %get3A_2823 = arith.constant 7 : index
    %get3A_2824 = arith.constant 13 : index
    %get3A_2825 = memref.load %arg9[%get3A_2823, %get3A_2824] : memref<8x16xf32, #tpu.memory_space<smem>>
    %convert_element_type3A_2826 = arith.truncf %get3A_2825 : f32 to bf16
    %convert_element_type3A_2827 = arith.extf %convert_element_type3A_2826 : bf16 to f32
    %mul3A_2828 = vector.broadcast %convert_element_type3A_2827 : f32 to vector<1024x128xf32>
    %mul3A_2829 = arith.mulf %convert_element_type3A_1402, %mul3A_2828 : vector<1024x128xf32>
    %add3A_2830 = arith.addf %add3A_2822, %mul3A_2829 : vector<1024x128xf32>
    %get3A_2831 = arith.constant 0 : index
    %get3A_2832 = arith.constant 13 : index
    %get3A_2833 = memref.load %arg10[%get3A_2831, %get3A_2832] : memref<1x16xf32, #tpu.memory_space<smem>>
    %add3A_2834 = vector.broadcast %get3A_2833 : f32 to vector<1024x128xf32>
    %add3A_2835 = arith.addf %add3A_2830, %add3A_2834 : vector<1024x128xf32>
    %reduce_sum3A_2836 = vector.shape_cast %add3A_2835 : vector<1024x128xf32> to vector<1x1024x128xf32>
    %reduce_sum3A_2837 = arith.constant dense<0.000000e+00> : vector<1xf32>
    %reduce_sum3A_2838 = vector.multi_reduction <add>, %reduce_sum3A_2836, %reduce_sum3A_2837 [1, 2] : vector<1x1024x128xf32> to vector<1xf32>
    %reduce_sum3A_2839 = vector.shape_cast %reduce_sum3A_2838 : vector<1xf32> to vector<1x1x1xf32>
    %reduce_sum3A_2840 = vector.extract %reduce_sum3A_2839[0, 0, 0] : f32 from vector<1x1x1xf32>
    %div3A_2841 = arith.constant 1.310720e+05 : f32
    %div3A_2842 = arith.divf %reduce_sum3A_2840, %div3A_2841 : f32
    %sub3A_2843 = vector.broadcast %div3A_2842 : f32 to vector<1024x128xf32>
    %sub3A_2844 = arith.subf %add3A_2835, %sub3A_2843 : vector<1024x128xf32>
    %integer_pow3A_2845 = arith.mulf %sub3A_2844, %sub3A_2844 : vector<1024x128xf32>
    %reduce_sum3A_2846 = vector.shape_cast %integer_pow3A_2845 : vector<1024x128xf32> to vector<1x1024x128xf32>
    %reduce_sum3A_2847 = arith.constant dense<0.000000e+00> : vector<1xf32>
    %reduce_sum3A_2848 = vector.multi_reduction <add>, %reduce_sum3A_2846, %reduce_sum3A_2847 [1, 2] : vector<1x1024x128xf32> to vector<1xf32>
    %reduce_sum3A_2849 = vector.shape_cast %reduce_sum3A_2848 : vector<1xf32> to vector<1x1x1xf32>
    %reduce_sum3A_2850 = vector.extract %reduce_sum3A_2849[0, 0, 0] : f32 from vector<1x1x1xf32>
    %div3A_2851 = arith.constant 1.310720e+05 : f32
    %div3A_2852 = arith.divf %reduce_sum3A_2850, %div3A_2851 : f32
    %sub3A_2853 = vector.broadcast %div3A_2842 : f32 to vector<1024x128xf32>
    %sub3A_2854 = arith.subf %add3A_2835, %sub3A_2853 : vector<1024x128xf32>
    %add3A_2855 = arith.constant 9.99999974E-6 : f32
    %add3A_2856 = arith.addf %div3A_2852, %add3A_2855 : f32
    %sqrt3A_2857 = math.sqrt %add3A_2856 : f32
    %div3A_2858 = vector.broadcast %sqrt3A_2857 : f32 to vector<1024x128xf32>
    %div3A_2859 = arith.divf %sub3A_2854, %div3A_2858 : vector<1024x128xf32>
    %get3A_2860 = arith.constant 0 : index
    %get3A_2861 = arith.constant 13 : index
    %get3A_2862 = memref.load %arg11[%get3A_2860, %get3A_2861] : memref<1x16xf32, #tpu.memory_space<smem>>
    %mul3A_2863 = vector.broadcast %get3A_2862 : f32 to vector<1024x128xf32>
    %mul3A_2864 = arith.mulf %div3A_2859, %mul3A_2863 : vector<1024x128xf32>
    %get3A_2865 = arith.constant 0 : index
    %get3A_2866 = arith.constant 13 : index
    %get3A_2867 = memref.load %arg12[%get3A_2865, %get3A_2866] : memref<1x16xf32, #tpu.memory_space<smem>>
    %add3A_2868 = vector.broadcast %get3A_2867 : f32 to vector<1024x128xf32>
    %add3A_2869 = arith.addf %mul3A_2864, %add3A_2868 : vector<1024x128xf32>
    %max3A_2870 = arith.constant 0.000000e+00 : f32
    %max3A_2871 = vector.broadcast %max3A_2870 : f32 to vector<1024x128xf32>
    %max3A_2872 = arith.maximumf %add3A_2869, %max3A_2871 : vector<1024x128xf32>
    %get3A_2873 = arith.constant 0 : index
    %get3A_2874 = arith.constant 14 : index
    %get3A_2875 = memref.load %arg9[%get3A_2873, %get3A_2874] : memref<8x16xf32, #tpu.memory_space<smem>>
    %convert_element_type3A_2876 = arith.truncf %get3A_2875 : f32 to bf16
    %convert_element_type3A_2877 = arith.extf %convert_element_type3A_2876 : bf16 to f32
    %mul3A_2878 = vector.broadcast %convert_element_type3A_2877 : f32 to vector<1024x128xf32>
    %mul3A_2879 = arith.mulf %convert_element_type3A_1388, %mul3A_2878 : vector<1024x128xf32>
    %get3A_2880 = arith.constant 1 : index
    %get3A_2881 = arith.constant 14 : index
    %get3A_2882 = memref.load %arg9[%get3A_2880, %get3A_2881] : memref<8x16xf32, #tpu.memory_space<smem>>
    %convert_element_type3A_2883 = arith.truncf %get3A_2882 : f32 to bf16
    %convert_element_type3A_2884 = arith.extf %convert_element_type3A_2883 : bf16 to f32
    %mul3A_2885 = vector.broadcast %convert_element_type3A_2884 : f32 to vector<1024x128xf32>
    %mul3A_2886 = arith.mulf %convert_element_type3A_1390, %mul3A_2885 : vector<1024x128xf32>
    %add3A_2887 = arith.addf %mul3A_2879, %mul3A_2886 : vector<1024x128xf32>
    %get3A_2888 = arith.constant 2 : index
    %get3A_2889 = arith.constant 14 : index
    %get3A_2890 = memref.load %arg9[%get3A_2888, %get3A_2889] : memref<8x16xf32, #tpu.memory_space<smem>>
    %convert_element_type3A_2891 = arith.truncf %get3A_2890 : f32 to bf16
    %convert_element_type3A_2892 = arith.extf %convert_element_type3A_2891 : bf16 to f32
    %mul3A_2893 = vector.broadcast %convert_element_type3A_2892 : f32 to vector<1024x128xf32>
    %mul3A_2894 = arith.mulf %convert_element_type3A_1392, %mul3A_2893 : vector<1024x128xf32>
    %add3A_2895 = arith.addf %add3A_2887, %mul3A_2894 : vector<1024x128xf32>
    %get3A_2896 = arith.constant 3 : index
    %get3A_2897 = arith.constant 14 : index
    %get3A_2898 = memref.load %arg9[%get3A_2896, %get3A_2897] : memref<8x16xf32, #tpu.memory_space<smem>>
    %convert_element_type3A_2899 = arith.truncf %get3A_2898 : f32 to bf16
    %convert_element_type3A_2900 = arith.extf %convert_element_type3A_2899 : bf16 to f32
    %mul3A_2901 = vector.broadcast %convert_element_type3A_2900 : f32 to vector<1024x128xf32>
    %mul3A_2902 = arith.mulf %convert_element_type3A_1394, %mul3A_2901 : vector<1024x128xf32>
    %add3A_2903 = arith.addf %add3A_2895, %mul3A_2902 : vector<1024x128xf32>
    %get3A_2904 = arith.constant 4 : index
    %get3A_2905 = arith.constant 14 : index
    %get3A_2906 = memref.load %arg9[%get3A_2904, %get3A_2905] : memref<8x16xf32, #tpu.memory_space<smem>>
    %convert_element_type3A_2907 = arith.truncf %get3A_2906 : f32 to bf16
    %convert_element_type3A_2908 = arith.extf %convert_element_type3A_2907 : bf16 to f32
    %mul3A_2909 = vector.broadcast %convert_element_type3A_2908 : f32 to vector<1024x128xf32>
    %mul3A_2910 = arith.mulf %convert_element_type3A_1396, %mul3A_2909 : vector<1024x128xf32>
    %add3A_2911 = arith.addf %add3A_2903, %mul3A_2910 : vector<1024x128xf32>
    %get3A_2912 = arith.constant 5 : index
    %get3A_2913 = arith.constant 14 : index
    %get3A_2914 = memref.load %arg9[%get3A_2912, %get3A_2913] : memref<8x16xf32, #tpu.memory_space<smem>>
    %convert_element_type3A_2915 = arith.truncf %get3A_2914 : f32 to bf16
    %convert_element_type3A_2916 = arith.extf %convert_element_type3A_2915 : bf16 to f32
    %mul3A_2917 = vector.broadcast %convert_element_type3A_2916 : f32 to vector<1024x128xf32>
    %mul3A_2918 = arith.mulf %convert_element_type3A_1398, %mul3A_2917 : vector<1024x128xf32>
    %add3A_2919 = arith.addf %add3A_2911, %mul3A_2918 : vector<1024x128xf32>
    %get3A_2920 = arith.constant 6 : index
    %get3A_2921 = arith.constant 14 : index
    %get3A_2922 = memref.load %arg9[%get3A_2920, %get3A_2921] : memref<8x16xf32, #tpu.memory_space<smem>>
    %convert_element_type3A_2923 = arith.truncf %get3A_2922 : f32 to bf16
    %convert_element_type3A_2924 = arith.extf %convert_element_type3A_2923 : bf16 to f32
    %mul3A_2925 = vector.broadcast %convert_element_type3A_2924 : f32 to vector<1024x128xf32>
    %mul3A_2926 = arith.mulf %convert_element_type3A_1400, %mul3A_2925 : vector<1024x128xf32>
    %add3A_2927 = arith.addf %add3A_2919, %mul3A_2926 : vector<1024x128xf32>
    %get3A_2928 = arith.constant 7 : index
    %get3A_2929 = arith.constant 14 : index
    %get3A_2930 = memref.load %arg9[%get3A_2928, %get3A_2929] : memref<8x16xf32, #tpu.memory_space<smem>>
    %convert_element_type3A_2931 = arith.truncf %get3A_2930 : f32 to bf16
    %convert_element_type3A_2932 = arith.extf %convert_element_type3A_2931 : bf16 to f32
    %mul3A_2933 = vector.broadcast %convert_element_type3A_2932 : f32 to vector<1024x128xf32>
    %mul3A_2934 = arith.mulf %convert_element_type3A_1402, %mul3A_2933 : vector<1024x128xf32>
    %add3A_2935 = arith.addf %add3A_2927, %mul3A_2934 : vector<1024x128xf32>
    %get3A_2936 = arith.constant 0 : index
    %get3A_2937 = arith.constant 14 : index
    %get3A_2938 = memref.load %arg10[%get3A_2936, %get3A_2937] : memref<1x16xf32, #tpu.memory_space<smem>>
    %add3A_2939 = vector.broadcast %get3A_2938 : f32 to vector<1024x128xf32>
    %add3A_2940 = arith.addf %add3A_2935, %add3A_2939 : vector<1024x128xf32>
    %reduce_sum3A_2941 = vector.shape_cast %add3A_2940 : vector<1024x128xf32> to vector<1x1024x128xf32>
    %reduce_sum3A_2942 = arith.constant dense<0.000000e+00> : vector<1xf32>
    %reduce_sum3A_2943 = vector.multi_reduction <add>, %reduce_sum3A_2941, %reduce_sum3A_2942 [1, 2] : vector<1x1024x128xf32> to vector<1xf32>
    %reduce_sum3A_2944 = vector.shape_cast %reduce_sum3A_2943 : vector<1xf32> to vector<1x1x1xf32>
    %reduce_sum3A_2945 = vector.extract %reduce_sum3A_2944[0, 0, 0] : f32 from vector<1x1x1xf32>
    %div3A_2946 = arith.constant 1.310720e+05 : f32
    %div3A_2947 = arith.divf %reduce_sum3A_2945, %div3A_2946 : f32
    %sub3A_2948 = vector.broadcast %div3A_2947 : f32 to vector<1024x128xf32>
    %sub3A_2949 = arith.subf %add3A_2940, %sub3A_2948 : vector<1024x128xf32>
    %integer_pow3A_2950 = arith.mulf %sub3A_2949, %sub3A_2949 : vector<1024x128xf32>
    %reduce_sum3A_2951 = vector.shape_cast %integer_pow3A_2950 : vector<1024x128xf32> to vector<1x1024x128xf32>
    %reduce_sum3A_2952 = arith.constant dense<0.000000e+00> : vector<1xf32>
    %reduce_sum3A_2953 = vector.multi_reduction <add>, %reduce_sum3A_2951, %reduce_sum3A_2952 [1, 2] : vector<1x1024x128xf32> to vector<1xf32>
    %reduce_sum3A_2954 = vector.shape_cast %reduce_sum3A_2953 : vector<1xf32> to vector<1x1x1xf32>
    %reduce_sum3A_2955 = vector.extract %reduce_sum3A_2954[0, 0, 0] : f32 from vector<1x1x1xf32>
    %div3A_2956 = arith.constant 1.310720e+05 : f32
    %div3A_2957 = arith.divf %reduce_sum3A_2955, %div3A_2956 : f32
    %sub3A_2958 = vector.broadcast %div3A_2947 : f32 to vector<1024x128xf32>
    %sub3A_2959 = arith.subf %add3A_2940, %sub3A_2958 : vector<1024x128xf32>
    %add3A_2960 = arith.constant 9.99999974E-6 : f32
    %add3A_2961 = arith.addf %div3A_2957, %add3A_2960 : f32
    %sqrt3A_2962 = math.sqrt %add3A_2961 : f32
    %div3A_2963 = vector.broadcast %sqrt3A_2962 : f32 to vector<1024x128xf32>
    %div3A_2964 = arith.divf %sub3A_2959, %div3A_2963 : vector<1024x128xf32>
    %get3A_2965 = arith.constant 0 : index
    %get3A_2966 = arith.constant 14 : index
    %get3A_2967 = memref.load %arg11[%get3A_2965, %get3A_2966] : memref<1x16xf32, #tpu.memory_space<smem>>
    %mul3A_2968 = vector.broadcast %get3A_2967 : f32 to vector<1024x128xf32>
    %mul3A_2969 = arith.mulf %div3A_2964, %mul3A_2968 : vector<1024x128xf32>
    %get3A_2970 = arith.constant 0 : index
    %get3A_2971 = arith.constant 14 : index
    %get3A_2972 = memref.load %arg12[%get3A_2970, %get3A_2971] : memref<1x16xf32, #tpu.memory_space<smem>>
    %add3A_2973 = vector.broadcast %get3A_2972 : f32 to vector<1024x128xf32>
    %add3A_2974 = arith.addf %mul3A_2969, %add3A_2973 : vector<1024x128xf32>
    %max3A_2975 = arith.constant 0.000000e+00 : f32
    %max3A_2976 = vector.broadcast %max3A_2975 : f32 to vector<1024x128xf32>
    %max3A_2977 = arith.maximumf %add3A_2974, %max3A_2976 : vector<1024x128xf32>
    %get3A_2978 = arith.constant 0 : index
    %get3A_2979 = arith.constant 15 : index
    %get3A_2980 = memref.load %arg9[%get3A_2978, %get3A_2979] : memref<8x16xf32, #tpu.memory_space<smem>>
    %convert_element_type3A_2981 = arith.truncf %get3A_2980 : f32 to bf16
    %convert_element_type3A_2982 = arith.extf %convert_element_type3A_2981 : bf16 to f32
    %mul3A_2983 = vector.broadcast %convert_element_type3A_2982 : f32 to vector<1024x128xf32>
    %mul3A_2984 = arith.mulf %convert_element_type3A_1388, %mul3A_2983 : vector<1024x128xf32>
    %get3A_2985 = arith.constant 1 : index
    %get3A_2986 = arith.constant 15 : index
    %get3A_2987 = memref.load %arg9[%get3A_2985, %get3A_2986] : memref<8x16xf32, #tpu.memory_space<smem>>
    %convert_element_type3A_2988 = arith.truncf %get3A_2987 : f32 to bf16
    %convert_element_type3A_2989 = arith.extf %convert_element_type3A_2988 : bf16 to f32
    %mul3A_2990 = vector.broadcast %convert_element_type3A_2989 : f32 to vector<1024x128xf32>
    %mul3A_2991 = arith.mulf %convert_element_type3A_1390, %mul3A_2990 : vector<1024x128xf32>
    %add3A_2992 = arith.addf %mul3A_2984, %mul3A_2991 : vector<1024x128xf32>
    %get3A_2993 = arith.constant 2 : index
    %get3A_2994 = arith.constant 15 : index
    %get3A_2995 = memref.load %arg9[%get3A_2993, %get3A_2994] : memref<8x16xf32, #tpu.memory_space<smem>>
    %convert_element_type3A_2996 = arith.truncf %get3A_2995 : f32 to bf16
    %convert_element_type3A_2997 = arith.extf %convert_element_type3A_2996 : bf16 to f32
    %mul3A_2998 = vector.broadcast %convert_element_type3A_2997 : f32 to vector<1024x128xf32>
    %mul3A_2999 = arith.mulf %convert_element_type3A_1392, %mul3A_2998 : vector<1024x128xf32>
    %add3A_3000 = arith.addf %add3A_2992, %mul3A_2999 : vector<1024x128xf32>
    %get3A_3001 = arith.constant 3 : index
    %get3A_3002 = arith.constant 15 : index
    %get3A_3003 = memref.load %arg9[%get3A_3001, %get3A_3002] : memref<8x16xf32, #tpu.memory_space<smem>>
    %convert_element_type3A_3004 = arith.truncf %get3A_3003 : f32 to bf16
    %convert_element_type3A_3005 = arith.extf %convert_element_type3A_3004 : bf16 to f32
    %mul3A_3006 = vector.broadcast %convert_element_type3A_3005 : f32 to vector<1024x128xf32>
    %mul3A_3007 = arith.mulf %convert_element_type3A_1394, %mul3A_3006 : vector<1024x128xf32>
    %add3A_3008 = arith.addf %add3A_3000, %mul3A_3007 : vector<1024x128xf32>
    %get3A_3009 = arith.constant 4 : index
    %get3A_3010 = arith.constant 15 : index
    %get3A_3011 = memref.load %arg9[%get3A_3009, %get3A_3010] : memref<8x16xf32, #tpu.memory_space<smem>>
    %convert_element_type3A_3012 = arith.truncf %get3A_3011 : f32 to bf16
    %convert_element_type3A_3013 = arith.extf %convert_element_type3A_3012 : bf16 to f32
    %mul3A_3014 = vector.broadcast %convert_element_type3A_3013 : f32 to vector<1024x128xf32>
    %mul3A_3015 = arith.mulf %convert_element_type3A_1396, %mul3A_3014 : vector<1024x128xf32>
    %add3A_3016 = arith.addf %add3A_3008, %mul3A_3015 : vector<1024x128xf32>
    %get3A_3017 = arith.constant 5 : index
    %get3A_3018 = arith.constant 15 : index
    %get3A_3019 = memref.load %arg9[%get3A_3017, %get3A_3018] : memref<8x16xf32, #tpu.memory_space<smem>>
    %convert_element_type3A_3020 = arith.truncf %get3A_3019 : f32 to bf16
    %convert_element_type3A_3021 = arith.extf %convert_element_type3A_3020 : bf16 to f32
    %mul3A_3022 = vector.broadcast %convert_element_type3A_3021 : f32 to vector<1024x128xf32>
    %mul3A_3023 = arith.mulf %convert_element_type3A_1398, %mul3A_3022 : vector<1024x128xf32>
    %add3A_3024 = arith.addf %add3A_3016, %mul3A_3023 : vector<1024x128xf32>
    %get3A_3025 = arith.constant 6 : index
    %get3A_3026 = arith.constant 15 : index
    %get3A_3027 = memref.load %arg9[%get3A_3025, %get3A_3026] : memref<8x16xf32, #tpu.memory_space<smem>>
    %convert_element_type3A_3028 = arith.truncf %get3A_3027 : f32 to bf16
    %convert_element_type3A_3029 = arith.extf %convert_element_type3A_3028 : bf16 to f32
    %mul3A_3030 = vector.broadcast %convert_element_type3A_3029 : f32 to vector<1024x128xf32>
    %mul3A_3031 = arith.mulf %convert_element_type3A_1400, %mul3A_3030 : vector<1024x128xf32>
    %add3A_3032 = arith.addf %add3A_3024, %mul3A_3031 : vector<1024x128xf32>
    %get3A_3033 = arith.constant 7 : index
    %get3A_3034 = arith.constant 15 : index
    %get3A_3035 = memref.load %arg9[%get3A_3033, %get3A_3034] : memref<8x16xf32, #tpu.memory_space<smem>>
    %convert_element_type3A_3036 = arith.truncf %get3A_3035 : f32 to bf16
    %convert_element_type3A_3037 = arith.extf %convert_element_type3A_3036 : bf16 to f32
    %mul3A_3038 = vector.broadcast %convert_element_type3A_3037 : f32 to vector<1024x128xf32>
    %mul3A_3039 = arith.mulf %convert_element_type3A_1402, %mul3A_3038 : vector<1024x128xf32>
    %add3A_3040 = arith.addf %add3A_3032, %mul3A_3039 : vector<1024x128xf32>
    %get3A_3041 = arith.constant 0 : index
    %get3A_3042 = arith.constant 15 : index
    %get3A_3043 = memref.load %arg10[%get3A_3041, %get3A_3042] : memref<1x16xf32, #tpu.memory_space<smem>>
    %add3A_3044 = vector.broadcast %get3A_3043 : f32 to vector<1024x128xf32>
    %add3A_3045 = arith.addf %add3A_3040, %add3A_3044 : vector<1024x128xf32>
    %reduce_sum3A_3046 = vector.shape_cast %add3A_3045 : vector<1024x128xf32> to vector<1x1024x128xf32>
    %reduce_sum3A_3047 = arith.constant dense<0.000000e+00> : vector<1xf32>
    %reduce_sum3A_3048 = vector.multi_reduction <add>, %reduce_sum3A_3046, %reduce_sum3A_3047 [1, 2] : vector<1x1024x128xf32> to vector<1xf32>
    %reduce_sum3A_3049 = vector.shape_cast %reduce_sum3A_3048 : vector<1xf32> to vector<1x1x1xf32>
    %reduce_sum3A_3050 = vector.extract %reduce_sum3A_3049[0, 0, 0] : f32 from vector<1x1x1xf32>
    %div3A_3051 = arith.constant 1.310720e+05 : f32
    %div3A_3052 = arith.divf %reduce_sum3A_3050, %div3A_3051 : f32
    %sub3A_3053 = vector.broadcast %div3A_3052 : f32 to vector<1024x128xf32>
    %sub3A_3054 = arith.subf %add3A_3045, %sub3A_3053 : vector<1024x128xf32>
    %integer_pow3A_3055 = arith.mulf %sub3A_3054, %sub3A_3054 : vector<1024x128xf32>
    %reduce_sum3A_3056 = vector.shape_cast %integer_pow3A_3055 : vector<1024x128xf32> to vector<1x1024x128xf32>
    %reduce_sum3A_3057 = arith.constant dense<0.000000e+00> : vector<1xf32>
    %reduce_sum3A_3058 = vector.multi_reduction <add>, %reduce_sum3A_3056, %reduce_sum3A_3057 [1, 2] : vector<1x1024x128xf32> to vector<1xf32>
    %reduce_sum3A_3059 = vector.shape_cast %reduce_sum3A_3058 : vector<1xf32> to vector<1x1x1xf32>
    %reduce_sum3A_3060 = vector.extract %reduce_sum3A_3059[0, 0, 0] : f32 from vector<1x1x1xf32>
    %div3A_3061 = arith.constant 1.310720e+05 : f32
    %div3A_3062 = arith.divf %reduce_sum3A_3060, %div3A_3061 : f32
    %sub3A_3063 = vector.broadcast %div3A_3052 : f32 to vector<1024x128xf32>
    %sub3A_3064 = arith.subf %add3A_3045, %sub3A_3063 : vector<1024x128xf32>
    %add3A_3065 = arith.constant 9.99999974E-6 : f32
    %add3A_3066 = arith.addf %div3A_3062, %add3A_3065 : f32
    %sqrt3A_3067 = math.sqrt %add3A_3066 : f32
    %div3A_3068 = vector.broadcast %sqrt3A_3067 : f32 to vector<1024x128xf32>
    %div3A_3069 = arith.divf %sub3A_3064, %div3A_3068 : vector<1024x128xf32>
    %get3A_3070 = arith.constant 0 : index
    %get3A_3071 = arith.constant 15 : index
    %get3A_3072 = memref.load %arg11[%get3A_3070, %get3A_3071] : memref<1x16xf32, #tpu.memory_space<smem>>
    %mul3A_3073 = vector.broadcast %get3A_3072 : f32 to vector<1024x128xf32>
    %mul3A_3074 = arith.mulf %div3A_3069, %mul3A_3073 : vector<1024x128xf32>
    %get3A_3075 = arith.constant 0 : index
    %get3A_3076 = arith.constant 15 : index
    %get3A_3077 = memref.load %arg12[%get3A_3075, %get3A_3076] : memref<1x16xf32, #tpu.memory_space<smem>>
    %add3A_3078 = vector.broadcast %get3A_3077 : f32 to vector<1024x128xf32>
    %add3A_3079 = arith.addf %mul3A_3074, %add3A_3078 : vector<1024x128xf32>
    %max3A_3080 = arith.constant 0.000000e+00 : f32
    %max3A_3081 = vector.broadcast %max3A_3080 : f32 to vector<1024x128xf32>
    %max3A_3082 = arith.maximumf %add3A_3079, %max3A_3081 : vector<1024x128xf32>
    %swap3A = arith.constant 0 : index
    %swap3A_3083 = arith.constant 0 : index
    %swap3A_3084 = arith.constant 0 : index
    %swap3A_3085 = vector.load %arg13[%swap3A, %swap3A_3083, %swap3A_3084] : memref<16x1024x128xf32, #tpu.memory_space<vmem>>, vector<1x1024x128xf32>
    %swap3A_3086 = vector.shape_cast %swap3A_3085 : vector<1x1024x128xf32> to vector<1024x128xf32>
    %swap3A_3087 = vector.shape_cast %max3A_1507 : vector<1024x128xf32> to vector<1x1024x128xf32>
    tpu.vector_store %arg13[%swap3A, %swap3A_3083, %swap3A_3084], %swap3A_3087 {strides = array<i32>} : memref<16x1024x128xf32, #tpu.memory_space<vmem>>, vector<1x1024x128xf32>,
    %swap3A_3088 = arith.constant 1 : index
    %swap3A_3089 = arith.constant 0 : index
    %swap3A_3090 = arith.constant 0 : index
    %swap3A_3091 = vector.load %arg13[%swap3A_3088, %swap3A_3089, %swap3A_3090] : memref<16x1024x128xf32, #tpu.memory_space<vmem>>, vector<1x1024x128xf32>
    %swap3A_3092 = vector.shape_cast %swap3A_3091 : vector<1x1024x128xf32> to vector<1024x128xf32>
    %swap3A_3093 = vector.shape_cast %max3A_1612 : vector<1024x128xf32> to vector<1x1024x128xf32>
    tpu.vector_store %arg13[%swap3A_3088, %swap3A_3089, %swap3A_3090], %swap3A_3093 {strides = array<i32>} : memref<16x1024x128xf32, #tpu.memory_space<vmem>>, vector<1x1024x128xf32>,
    %swap3A_3094 = arith.constant 2 : index
    %swap3A_3095 = arith.constant 0 : index
    %swap3A_3096 = arith.constant 0 : index
    %swap3A_3097 = vector.load %arg13[%swap3A_3094, %swap3A_3095, %swap3A_3096] : memref<16x1024x128xf32, #tpu.memory_space<vmem>>, vector<1x1024x128xf32>
    %swap3A_3098 = vector.shape_cast %swap3A_3097 : vector<1x1024x128xf32> to vector<1024x128xf32>
    %swap3A_3099 = vector.shape_cast %max3A_1717 : vector<1024x128xf32> to vector<1x1024x128xf32>
    tpu.vector_store %arg13[%swap3A_3094, %swap3A_3095, %swap3A_3096], %swap3A_3099 {strides = array<i32>} : memref<16x1024x128xf32, #tpu.memory_space<vmem>>, vector<1x1024x128xf32>,
    %swap3A_3100 = arith.constant 3 : index
    %swap3A_3101 = arith.constant 0 : index
    %swap3A_3102 = arith.constant 0 : index
    %swap3A_3103 = vector.load %arg13[%swap3A_3100, %swap3A_3101, %swap3A_3102] : memref<16x1024x128xf32, #tpu.memory_space<vmem>>, vector<1x1024x128xf32>
    %swap3A_3104 = vector.shape_cast %swap3A_3103 : vector<1x1024x128xf32> to vector<1024x128xf32>
    %swap3A_3105 = vector.shape_cast %max3A_1822 : vector<1024x128xf32> to vector<1x1024x128xf32>
    tpu.vector_store %arg13[%swap3A_3100, %swap3A_3101, %swap3A_3102], %swap3A_3105 {strides = array<i32>} : memref<16x1024x128xf32, #tpu.memory_space<vmem>>, vector<1x1024x128xf32>,
    %swap3A_3106 = arith.constant 4 : index
    %swap3A_3107 = arith.constant 0 : index
    %swap3A_3108 = arith.constant 0 : index
    %swap3A_3109 = vector.load %arg13[%swap3A_3106, %swap3A_3107, %swap3A_3108] : memref<16x1024x128xf32, #tpu.memory_space<vmem>>, vector<1x1024x128xf32>
    %swap3A_3110 = vector.shape_cast %swap3A_3109 : vector<1x1024x128xf32> to vector<1024x128xf32>
    %swap3A_3111 = vector.shape_cast %max3A_1927 : vector<1024x128xf32> to vector<1x1024x128xf32>
    tpu.vector_store %arg13[%swap3A_3106, %swap3A_3107, %swap3A_3108], %swap3A_3111 {strides = array<i32>} : memref<16x1024x128xf32, #tpu.memory_space<vmem>>, vector<1x1024x128xf32>,
    %swap3A_3112 = arith.constant 5 : index
    %swap3A_3113 = arith.constant 0 : index
    %swap3A_3114 = arith.constant 0 : index
    %swap3A_3115 = vector.load %arg13[%swap3A_3112, %swap3A_3113, %swap3A_3114] : memref<16x1024x128xf32, #tpu.memory_space<vmem>>, vector<1x1024x128xf32>
    %swap3A_3116 = vector.shape_cast %swap3A_3115 : vector<1x1024x128xf32> to vector<1024x128xf32>
    %swap3A_3117 = vector.shape_cast %max3A_2032 : vector<1024x128xf32> to vector<1x1024x128xf32>
    tpu.vector_store %arg13[%swap3A_3112, %swap3A_3113, %swap3A_3114], %swap3A_3117 {strides = array<i32>} : memref<16x1024x128xf32, #tpu.memory_space<vmem>>, vector<1x1024x128xf32>,
    %swap3A_3118 = arith.constant 6 : index
    %swap3A_3119 = arith.constant 0 : index
    %swap3A_3120 = arith.constant 0 : index
    %swap3A_3121 = vector.load %arg13[%swap3A_3118, %swap3A_3119, %swap3A_3120] : memref<16x1024x128xf32, #tpu.memory_space<vmem>>, vector<1x1024x128xf32>
    %swap3A_3122 = vector.shape_cast %swap3A_3121 : vector<1x1024x128xf32> to vector<1024x128xf32>
    %swap3A_3123 = vector.shape_cast %max3A_2137 : vector<1024x128xf32> to vector<1x1024x128xf32>
    tpu.vector_store %arg13[%swap3A_3118, %swap3A_3119, %swap3A_3120], %swap3A_3123 {strides = array<i32>} : memref<16x1024x128xf32, #tpu.memory_space<vmem>>, vector<1x1024x128xf32>,
    %swap3A_3124 = arith.constant 7 : index
    %swap3A_3125 = arith.constant 0 : index
    %swap3A_3126 = arith.constant 0 : index
    %swap3A_3127 = vector.load %arg13[%swap3A_3124, %swap3A_3125, %swap3A_3126] : memref<16x1024x128xf32, #tpu.memory_space<vmem>>, vector<1x1024x128xf32>
    %swap3A_3128 = vector.shape_cast %swap3A_3127 : vector<1x1024x128xf32> to vector<1024x128xf32>
    %swap3A_3129 = vector.shape_cast %max3A_2242 : vector<1024x128xf32> to vector<1x1024x128xf32>
    tpu.vector_store %arg13[%swap3A_3124, %swap3A_3125, %swap3A_3126], %swap3A_3129 {strides = array<i32>} : memref<16x1024x128xf32, #tpu.memory_space<vmem>>, vector<1x1024x128xf32>,
    %swap3A_3130 = arith.constant 8 : index
    %swap3A_3131 = arith.constant 0 : index
    %swap3A_3132 = arith.constant 0 : index
    %swap3A_3133 = vector.load %arg13[%swap3A_3130, %swap3A_3131, %swap3A_3132] : memref<16x1024x128xf32, #tpu.memory_space<vmem>>, vector<1x1024x128xf32>
    %swap3A_3134 = vector.shape_cast %swap3A_3133 : vector<1x1024x128xf32> to vector<1024x128xf32>
    %swap3A_3135 = vector.shape_cast %max3A_2347 : vector<1024x128xf32> to vector<1x1024x128xf32>
    tpu.vector_store %arg13[%swap3A_3130, %swap3A_3131, %swap3A_3132], %swap3A_3135 {strides = array<i32>} : memref<16x1024x128xf32, #tpu.memory_space<vmem>>, vector<1x1024x128xf32>,
    %swap3A_3136 = arith.constant 9 : index
    %swap3A_3137 = arith.constant 0 : index
    %swap3A_3138 = arith.constant 0 : index
    %swap3A_3139 = vector.load %arg13[%swap3A_3136, %swap3A_3137, %swap3A_3138] : memref<16x1024x128xf32, #tpu.memory_space<vmem>>, vector<1x1024x128xf32>
    %swap3A_3140 = vector.shape_cast %swap3A_3139 : vector<1x1024x128xf32> to vector<1024x128xf32>
    %swap3A_3141 = vector.shape_cast %max3A_2452 : vector<1024x128xf32> to vector<1x1024x128xf32>
    tpu.vector_store %arg13[%swap3A_3136, %swap3A_3137, %swap3A_3138], %swap3A_3141 {strides = array<i32>} : memref<16x1024x128xf32, #tpu.memory_space<vmem>>, vector<1x1024x128xf32>,
    %swap3A_3142 = arith.constant 10 : index
    %swap3A_3143 = arith.constant 0 : index
    %swap3A_3144 = arith.constant 0 : index
    %swap3A_3145 = vector.load %arg13[%swap3A_3142, %swap3A_3143, %swap3A_3144] : memref<16x1024x128xf32, #tpu.memory_space<vmem>>, vector<1x1024x128xf32>
    %swap3A_3146 = vector.shape_cast %swap3A_3145 : vector<1x1024x128xf32> to vector<1024x128xf32>
    %swap3A_3147 = vector.shape_cast %max3A_2557 : vector<1024x128xf32> to vector<1x1024x128xf32>
    tpu.vector_store %arg13[%swap3A_3142, %swap3A_3143, %swap3A_3144], %swap3A_3147 {strides = array<i32>} : memref<16x1024x128xf32, #tpu.memory_space<vmem>>, vector<1x1024x128xf32>,
    %swap3A_3148 = arith.constant 11 : index
    %swap3A_3149 = arith.constant 0 : index
    %swap3A_3150 = arith.constant 0 : index
    %swap3A_3151 = vector.load %arg13[%swap3A_3148, %swap3A_3149, %swap3A_3150] : memref<16x1024x128xf32, #tpu.memory_space<vmem>>, vector<1x1024x128xf32>
    %swap3A_3152 = vector.shape_cast %swap3A_3151 : vector<1x1024x128xf32> to vector<1024x128xf32>
    %swap3A_3153 = vector.shape_cast %max3A_2662 : vector<1024x128xf32> to vector<1x1024x128xf32>
    tpu.vector_store %arg13[%swap3A_3148, %swap3A_3149, %swap3A_3150], %swap3A_3153 {strides = array<i32>} : memref<16x1024x128xf32, #tpu.memory_space<vmem>>, vector<1x1024x128xf32>,
    %swap3A_3154 = arith.constant 12 : index
    %swap3A_3155 = arith.constant 0 : index
    %swap3A_3156 = arith.constant 0 : index
    %swap3A_3157 = vector.load %arg13[%swap3A_3154, %swap3A_3155, %swap3A_3156] : memref<16x1024x128xf32, #tpu.memory_space<vmem>>, vector<1x1024x128xf32>
    %swap3A_3158 = vector.shape_cast %swap3A_3157 : vector<1x1024x128xf32> to vector<1024x128xf32>
    %swap3A_3159 = vector.shape_cast %max3A_2767 : vector<1024x128xf32> to vector<1x1024x128xf32>
    tpu.vector_store %arg13[%swap3A_3154, %swap3A_3155, %swap3A_3156], %swap3A_3159 {strides = array<i32>} : memref<16x1024x128xf32, #tpu.memory_space<vmem>>, vector<1x1024x128xf32>,
    %swap3A_3160 = arith.constant 13 : index
    %swap3A_3161 = arith.constant 0 : index
    %swap3A_3162 = arith.constant 0 : index
    %swap3A_3163 = vector.load %arg13[%swap3A_3160, %swap3A_3161, %swap3A_3162] : memref<16x1024x128xf32, #tpu.memory_space<vmem>>, vector<1x1024x128xf32>
    %swap3A_3164 = vector.shape_cast %swap3A_3163 : vector<1x1024x128xf32> to vector<1024x128xf32>
    %swap3A_3165 = vector.shape_cast %max3A_2872 : vector<1024x128xf32> to vector<1x1024x128xf32>
    tpu.vector_store %arg13[%swap3A_3160, %swap3A_3161, %swap3A_3162], %swap3A_3165 {strides = array<i32>} : memref<16x1024x128xf32, #tpu.memory_space<vmem>>, vector<1x1024x128xf32>,
    %swap3A_3166 = arith.constant 14 : index
    %swap3A_3167 = arith.constant 0 : index
    %swap3A_3168 = arith.constant 0 : index
    %swap3A_3169 = vector.load %arg13[%swap3A_3166, %swap3A_3167, %swap3A_3168] : memref<16x1024x128xf32, #tpu.memory_space<vmem>>, vector<1x1024x128xf32>
    %swap3A_3170 = vector.shape_cast %swap3A_3169 : vector<1x1024x128xf32> to vector<1024x128xf32>
    %swap3A_3171 = vector.shape_cast %max3A_2977 : vector<1024x128xf32> to vector<1x1024x128xf32>
    tpu.vector_store %arg13[%swap3A_3166, %swap3A_3167, %swap3A_3168], %swap3A_3171 {strides = array<i32>} : memref<16x1024x128xf32, #tpu.memory_space<vmem>>, vector<1x1024x128xf32>,
    %swap3A_3172 = arith.constant 15 : index
    %swap3A_3173 = arith.constant 0 : index
    %swap3A_3174 = arith.constant 0 : index
    %swap3A_3175 = vector.load %arg13[%swap3A_3172, %swap3A_3173, %swap3A_3174] : memref<16x1024x128xf32, #tpu.memory_space<vmem>>, vector<1x1024x128xf32>
    %swap3A_3176 = vector.shape_cast %swap3A_3175 : vector<1x1024x128xf32> to vector<1024x128xf32>
    %swap3A_3177 = vector.shape_cast %max3A_3082 : vector<1024x128xf32> to vector<1x1024x128xf32>
    tpu.vector_store %arg13[%swap3A_3172, %swap3A_3173, %swap3A_3174], %swap3A_3177 {strides = array<i32>} : memref<16x1024x128xf32, #tpu.memory_space<vmem>>, vector<1x1024x128xf32>,
    return
  }
}

module attributes {stable_mosaic.version = 14 : i64} {
  func.func @_plane_chain_body(%arg0: memref<1x1024x128xf32, #tpu.memory_space<vmem>>, %arg1: memref<1x16xf32, #tpu.memory_space<smem>>, %arg2: memref<1x16xf32, #tpu.memory_space<smem>>, %arg3: memref<1x16xf32, #tpu.memory_space<smem>>, %arg4: memref<1x16xf32, #tpu.memory_space<smem>>, %arg5: memref<16x8xf32, #tpu.memory_space<smem>>, %arg6: memref<1x8xf32, #tpu.memory_space<smem>>, %arg7: memref<1x8xf32, #tpu.memory_space<smem>>, %arg8: memref<1x8xf32, #tpu.memory_space<smem>>, %arg9: memref<8x1xf32, #tpu.memory_space<smem>>, %arg10: memref<1x1xf32, #tpu.memory_space<smem>>, %arg11: memref<1x1xf32, #tpu.memory_space<smem>>, %arg12: memref<1x1xf32, #tpu.memory_space<smem>>, %arg13: memref<1x1024x128xf32, #tpu.memory_space<vmem>>) attributes {dimension_semantics = [], scalar_prefetch = 0 : i64, scratch_operands = 0 : i64, tpu.core_type = #tpu.core_type<tc>} {
    %get3A = arith.constant 0 : index
    %get3A_0 = arith.constant 0 : index
    %get3A_1 = arith.constant 0 : index
    %get3A_2 = vector.load %arg0[%get3A, %get3A_0, %get3A_1] : memref<1x1024x128xf32, #tpu.memory_space<vmem>>, vector<1x1024x128xf32>
    %get3A_3 = vector.shape_cast %get3A_2 : vector<1x1024x128xf32> to vector<1024x128xf32>
    %convert_element_type3A = arith.truncf %get3A_3 : vector<1024x128xf32> to vector<1024x128xbf16>
    %convert_element_type3A_4 = arith.extf %convert_element_type3A : vector<1024x128xbf16> to vector<1024x128xf32>
    %get3A_5 = arith.constant 0 : index
    %get3A_6 = arith.constant 0 : index
    %get3A_7 = memref.load %arg1[%get3A_5, %get3A_6] : memref<1x16xf32, #tpu.memory_space<smem>>
    %convert_element_type3A_8 = arith.truncf %get3A_7 : f32 to bf16
    %convert_element_type3A_9 = arith.extf %convert_element_type3A_8 : bf16 to f32
    %mul3A = vector.broadcast %convert_element_type3A_9 : f32 to vector<1024x128xf32>
    %mul3A_10 = arith.mulf %convert_element_type3A_4, %mul3A : vector<1024x128xf32>
    %get3A_11 = arith.constant 0 : index
    %get3A_12 = arith.constant 0 : index
    %get3A_13 = memref.load %arg2[%get3A_11, %get3A_12] : memref<1x16xf32, #tpu.memory_space<smem>>
    %add3A = vector.broadcast %get3A_13 : f32 to vector<1024x128xf32>
    %add3A_14 = arith.addf %mul3A_10, %add3A : vector<1024x128xf32>
    %reduce_sum3A = vector.shape_cast %add3A_14 : vector<1024x128xf32> to vector<1x1024x128xf32>
    %reduce_sum3A_15 = arith.constant dense<0.000000e+00> : vector<1xf32>
    %reduce_sum3A_16 = vector.multi_reduction <add>, %reduce_sum3A, %reduce_sum3A_15 [1, 2] : vector<1x1024x128xf32> to vector<1xf32>
    %reduce_sum3A_17 = vector.shape_cast %reduce_sum3A_16 : vector<1xf32> to vector<1x1x1xf32>
    %reduce_sum3A_18 = vector.extract %reduce_sum3A_17[0, 0, 0] : f32 from vector<1x1x1xf32>
    %div3A = arith.constant 1.310720e+05 : f32
    %div3A_19 = arith.divf %reduce_sum3A_18, %div3A : f32
    %sub3A = vector.broadcast %div3A_19 : f32 to vector<1024x128xf32>
    %sub3A_20 = arith.subf %add3A_14, %sub3A : vector<1024x128xf32>
    %integer_pow3A = arith.mulf %sub3A_20, %sub3A_20 : vector<1024x128xf32>
    %reduce_sum3A_21 = vector.shape_cast %integer_pow3A : vector<1024x128xf32> to vector<1x1024x128xf32>
    %reduce_sum3A_22 = arith.constant dense<0.000000e+00> : vector<1xf32>
    %reduce_sum3A_23 = vector.multi_reduction <add>, %reduce_sum3A_21, %reduce_sum3A_22 [1, 2] : vector<1x1024x128xf32> to vector<1xf32>
    %reduce_sum3A_24 = vector.shape_cast %reduce_sum3A_23 : vector<1xf32> to vector<1x1x1xf32>
    %reduce_sum3A_25 = vector.extract %reduce_sum3A_24[0, 0, 0] : f32 from vector<1x1x1xf32>
    %div3A_26 = arith.constant 1.310720e+05 : f32
    %div3A_27 = arith.divf %reduce_sum3A_25, %div3A_26 : f32
    %sub3A_28 = vector.broadcast %div3A_19 : f32 to vector<1024x128xf32>
    %sub3A_29 = arith.subf %add3A_14, %sub3A_28 : vector<1024x128xf32>
    %add3A_30 = arith.constant 9.99999974E-6 : f32
    %add3A_31 = arith.addf %div3A_27, %add3A_30 : f32
    %sqrt3A = math.sqrt %add3A_31 : f32
    %div3A_32 = vector.broadcast %sqrt3A : f32 to vector<1024x128xf32>
    %div3A_33 = arith.divf %sub3A_29, %div3A_32 : vector<1024x128xf32>
    %get3A_34 = arith.constant 0 : index
    %get3A_35 = arith.constant 0 : index
    %get3A_36 = memref.load %arg3[%get3A_34, %get3A_35] : memref<1x16xf32, #tpu.memory_space<smem>>
    %mul3A_37 = vector.broadcast %get3A_36 : f32 to vector<1024x128xf32>
    %mul3A_38 = arith.mulf %div3A_33, %mul3A_37 : vector<1024x128xf32>
    %get3A_39 = arith.constant 0 : index
    %get3A_40 = arith.constant 0 : index
    %get3A_41 = memref.load %arg4[%get3A_39, %get3A_40] : memref<1x16xf32, #tpu.memory_space<smem>>
    %add3A_42 = vector.broadcast %get3A_41 : f32 to vector<1024x128xf32>
    %add3A_43 = arith.addf %mul3A_38, %add3A_42 : vector<1024x128xf32>
    %max3A = arith.constant 0.000000e+00 : f32
    %max3A_44 = vector.broadcast %max3A : f32 to vector<1024x128xf32>
    %max3A_45 = arith.maximumf %add3A_43, %max3A_44 : vector<1024x128xf32>
    %get3A_46 = arith.constant 0 : index
    %get3A_47 = arith.constant 1 : index
    %get3A_48 = memref.load %arg1[%get3A_46, %get3A_47] : memref<1x16xf32, #tpu.memory_space<smem>>
    %convert_element_type3A_49 = arith.truncf %get3A_48 : f32 to bf16
    %convert_element_type3A_50 = arith.extf %convert_element_type3A_49 : bf16 to f32
    %mul3A_51 = vector.broadcast %convert_element_type3A_50 : f32 to vector<1024x128xf32>
    %mul3A_52 = arith.mulf %convert_element_type3A_4, %mul3A_51 : vector<1024x128xf32>
    %get3A_53 = arith.constant 0 : index
    %get3A_54 = arith.constant 1 : index
    %get3A_55 = memref.load %arg2[%get3A_53, %get3A_54] : memref<1x16xf32, #tpu.memory_space<smem>>
    %add3A_56 = vector.broadcast %get3A_55 : f32 to vector<1024x128xf32>
    %add3A_57 = arith.addf %mul3A_52, %add3A_56 : vector<1024x128xf32>
    %reduce_sum3A_58 = vector.shape_cast %add3A_57 : vector<1024x128xf32> to vector<1x1024x128xf32>
    %reduce_sum3A_59 = arith.constant dense<0.000000e+00> : vector<1xf32>
    %reduce_sum3A_60 = vector.multi_reduction <add>, %reduce_sum3A_58, %reduce_sum3A_59 [1, 2] : vector<1x1024x128xf32> to vector<1xf32>
    %reduce_sum3A_61 = vector.shape_cast %reduce_sum3A_60 : vector<1xf32> to vector<1x1x1xf32>
    %reduce_sum3A_62 = vector.extract %reduce_sum3A_61[0, 0, 0] : f32 from vector<1x1x1xf32>
    %div3A_63 = arith.constant 1.310720e+05 : f32
    %div3A_64 = arith.divf %reduce_sum3A_62, %div3A_63 : f32
    %sub3A_65 = vector.broadcast %div3A_64 : f32 to vector<1024x128xf32>
    %sub3A_66 = arith.subf %add3A_57, %sub3A_65 : vector<1024x128xf32>
    %integer_pow3A_67 = arith.mulf %sub3A_66, %sub3A_66 : vector<1024x128xf32>
    %reduce_sum3A_68 = vector.shape_cast %integer_pow3A_67 : vector<1024x128xf32> to vector<1x1024x128xf32>
    %reduce_sum3A_69 = arith.constant dense<0.000000e+00> : vector<1xf32>
    %reduce_sum3A_70 = vector.multi_reduction <add>, %reduce_sum3A_68, %reduce_sum3A_69 [1, 2] : vector<1x1024x128xf32> to vector<1xf32>
    %reduce_sum3A_71 = vector.shape_cast %reduce_sum3A_70 : vector<1xf32> to vector<1x1x1xf32>
    %reduce_sum3A_72 = vector.extract %reduce_sum3A_71[0, 0, 0] : f32 from vector<1x1x1xf32>
    %div3A_73 = arith.constant 1.310720e+05 : f32
    %div3A_74 = arith.divf %reduce_sum3A_72, %div3A_73 : f32
    %sub3A_75 = vector.broadcast %div3A_64 : f32 to vector<1024x128xf32>
    %sub3A_76 = arith.subf %add3A_57, %sub3A_75 : vector<1024x128xf32>
    %add3A_77 = arith.constant 9.99999974E-6 : f32
    %add3A_78 = arith.addf %div3A_74, %add3A_77 : f32
    %sqrt3A_79 = math.sqrt %add3A_78 : f32
    %div3A_80 = vector.broadcast %sqrt3A_79 : f32 to vector<1024x128xf32>
    %div3A_81 = arith.divf %sub3A_76, %div3A_80 : vector<1024x128xf32>
    %get3A_82 = arith.constant 0 : index
    %get3A_83 = arith.constant 1 : index
    %get3A_84 = memref.load %arg3[%get3A_82, %get3A_83] : memref<1x16xf32, #tpu.memory_space<smem>>
    %mul3A_85 = vector.broadcast %get3A_84 : f32 to vector<1024x128xf32>
    %mul3A_86 = arith.mulf %div3A_81, %mul3A_85 : vector<1024x128xf32>
    %get3A_87 = arith.constant 0 : index
    %get3A_88 = arith.constant 1 : index
    %get3A_89 = memref.load %arg4[%get3A_87, %get3A_88] : memref<1x16xf32, #tpu.memory_space<smem>>
    %add3A_90 = vector.broadcast %get3A_89 : f32 to vector<1024x128xf32>
    %add3A_91 = arith.addf %mul3A_86, %add3A_90 : vector<1024x128xf32>
    %max3A_92 = arith.constant 0.000000e+00 : f32
    %max3A_93 = vector.broadcast %max3A_92 : f32 to vector<1024x128xf32>
    %max3A_94 = arith.maximumf %add3A_91, %max3A_93 : vector<1024x128xf32>
    %get3A_95 = arith.constant 0 : index
    %get3A_96 = arith.constant 2 : index
    %get3A_97 = memref.load %arg1[%get3A_95, %get3A_96] : memref<1x16xf32, #tpu.memory_space<smem>>
    %convert_element_type3A_98 = arith.truncf %get3A_97 : f32 to bf16
    %convert_element_type3A_99 = arith.extf %convert_element_type3A_98 : bf16 to f32
    %mul3A_100 = vector.broadcast %convert_element_type3A_99 : f32 to vector<1024x128xf32>
    %mul3A_101 = arith.mulf %convert_element_type3A_4, %mul3A_100 : vector<1024x128xf32>
    %get3A_102 = arith.constant 0 : index
    %get3A_103 = arith.constant 2 : index
    %get3A_104 = memref.load %arg2[%get3A_102, %get3A_103] : memref<1x16xf32, #tpu.memory_space<smem>>
    %add3A_105 = vector.broadcast %get3A_104 : f32 to vector<1024x128xf32>
    %add3A_106 = arith.addf %mul3A_101, %add3A_105 : vector<1024x128xf32>
    %reduce_sum3A_107 = vector.shape_cast %add3A_106 : vector<1024x128xf32> to vector<1x1024x128xf32>
    %reduce_sum3A_108 = arith.constant dense<0.000000e+00> : vector<1xf32>
    %reduce_sum3A_109 = vector.multi_reduction <add>, %reduce_sum3A_107, %reduce_sum3A_108 [1, 2] : vector<1x1024x128xf32> to vector<1xf32>
    %reduce_sum3A_110 = vector.shape_cast %reduce_sum3A_109 : vector<1xf32> to vector<1x1x1xf32>
    %reduce_sum3A_111 = vector.extract %reduce_sum3A_110[0, 0, 0] : f32 from vector<1x1x1xf32>
    %div3A_112 = arith.constant 1.310720e+05 : f32
    %div3A_113 = arith.divf %reduce_sum3A_111, %div3A_112 : f32
    %sub3A_114 = vector.broadcast %div3A_113 : f32 to vector<1024x128xf32>
    %sub3A_115 = arith.subf %add3A_106, %sub3A_114 : vector<1024x128xf32>
    %integer_pow3A_116 = arith.mulf %sub3A_115, %sub3A_115 : vector<1024x128xf32>
    %reduce_sum3A_117 = vector.shape_cast %integer_pow3A_116 : vector<1024x128xf32> to vector<1x1024x128xf32>
    %reduce_sum3A_118 = arith.constant dense<0.000000e+00> : vector<1xf32>
    %reduce_sum3A_119 = vector.multi_reduction <add>, %reduce_sum3A_117, %reduce_sum3A_118 [1, 2] : vector<1x1024x128xf32> to vector<1xf32>
    %reduce_sum3A_120 = vector.shape_cast %reduce_sum3A_119 : vector<1xf32> to vector<1x1x1xf32>
    %reduce_sum3A_121 = vector.extract %reduce_sum3A_120[0, 0, 0] : f32 from vector<1x1x1xf32>
    %div3A_122 = arith.constant 1.310720e+05 : f32
    %div3A_123 = arith.divf %reduce_sum3A_121, %div3A_122 : f32
    %sub3A_124 = vector.broadcast %div3A_113 : f32 to vector<1024x128xf32>
    %sub3A_125 = arith.subf %add3A_106, %sub3A_124 : vector<1024x128xf32>
    %add3A_126 = arith.constant 9.99999974E-6 : f32
    %add3A_127 = arith.addf %div3A_123, %add3A_126 : f32
    %sqrt3A_128 = math.sqrt %add3A_127 : f32
    %div3A_129 = vector.broadcast %sqrt3A_128 : f32 to vector<1024x128xf32>
    %div3A_130 = arith.divf %sub3A_125, %div3A_129 : vector<1024x128xf32>
    %get3A_131 = arith.constant 0 : index
    %get3A_132 = arith.constant 2 : index
    %get3A_133 = memref.load %arg3[%get3A_131, %get3A_132] : memref<1x16xf32, #tpu.memory_space<smem>>
    %mul3A_134 = vector.broadcast %get3A_133 : f32 to vector<1024x128xf32>
    %mul3A_135 = arith.mulf %div3A_130, %mul3A_134 : vector<1024x128xf32>
    %get3A_136 = arith.constant 0 : index
    %get3A_137 = arith.constant 2 : index
    %get3A_138 = memref.load %arg4[%get3A_136, %get3A_137] : memref<1x16xf32, #tpu.memory_space<smem>>
    %add3A_139 = vector.broadcast %get3A_138 : f32 to vector<1024x128xf32>
    %add3A_140 = arith.addf %mul3A_135, %add3A_139 : vector<1024x128xf32>
    %max3A_141 = arith.constant 0.000000e+00 : f32
    %max3A_142 = vector.broadcast %max3A_141 : f32 to vector<1024x128xf32>
    %max3A_143 = arith.maximumf %add3A_140, %max3A_142 : vector<1024x128xf32>
    %get3A_144 = arith.constant 0 : index
    %get3A_145 = arith.constant 3 : index
    %get3A_146 = memref.load %arg1[%get3A_144, %get3A_145] : memref<1x16xf32, #tpu.memory_space<smem>>
    %convert_element_type3A_147 = arith.truncf %get3A_146 : f32 to bf16
    %convert_element_type3A_148 = arith.extf %convert_element_type3A_147 : bf16 to f32
    %mul3A_149 = vector.broadcast %convert_element_type3A_148 : f32 to vector<1024x128xf32>
    %mul3A_150 = arith.mulf %convert_element_type3A_4, %mul3A_149 : vector<1024x128xf32>
    %get3A_151 = arith.constant 0 : index
    %get3A_152 = arith.constant 3 : index
    %get3A_153 = memref.load %arg2[%get3A_151, %get3A_152] : memref<1x16xf32, #tpu.memory_space<smem>>
    %add3A_154 = vector.broadcast %get3A_153 : f32 to vector<1024x128xf32>
    %add3A_155 = arith.addf %mul3A_150, %add3A_154 : vector<1024x128xf32>
    %reduce_sum3A_156 = vector.shape_cast %add3A_155 : vector<1024x128xf32> to vector<1x1024x128xf32>
    %reduce_sum3A_157 = arith.constant dense<0.000000e+00> : vector<1xf32>
    %reduce_sum3A_158 = vector.multi_reduction <add>, %reduce_sum3A_156, %reduce_sum3A_157 [1, 2] : vector<1x1024x128xf32> to vector<1xf32>
    %reduce_sum3A_159 = vector.shape_cast %reduce_sum3A_158 : vector<1xf32> to vector<1x1x1xf32>
    %reduce_sum3A_160 = vector.extract %reduce_sum3A_159[0, 0, 0] : f32 from vector<1x1x1xf32>
    %div3A_161 = arith.constant 1.310720e+05 : f32
    %div3A_162 = arith.divf %reduce_sum3A_160, %div3A_161 : f32
    %sub3A_163 = vector.broadcast %div3A_162 : f32 to vector<1024x128xf32>
    %sub3A_164 = arith.subf %add3A_155, %sub3A_163 : vector<1024x128xf32>
    %integer_pow3A_165 = arith.mulf %sub3A_164, %sub3A_164 : vector<1024x128xf32>
    %reduce_sum3A_166 = vector.shape_cast %integer_pow3A_165 : vector<1024x128xf32> to vector<1x1024x128xf32>
    %reduce_sum3A_167 = arith.constant dense<0.000000e+00> : vector<1xf32>
    %reduce_sum3A_168 = vector.multi_reduction <add>, %reduce_sum3A_166, %reduce_sum3A_167 [1, 2] : vector<1x1024x128xf32> to vector<1xf32>
    %reduce_sum3A_169 = vector.shape_cast %reduce_sum3A_168 : vector<1xf32> to vector<1x1x1xf32>
    %reduce_sum3A_170 = vector.extract %reduce_sum3A_169[0, 0, 0] : f32 from vector<1x1x1xf32>
    %div3A_171 = arith.constant 1.310720e+05 : f32
    %div3A_172 = arith.divf %reduce_sum3A_170, %div3A_171 : f32
    %sub3A_173 = vector.broadcast %div3A_162 : f32 to vector<1024x128xf32>
    %sub3A_174 = arith.subf %add3A_155, %sub3A_173 : vector<1024x128xf32>
    %add3A_175 = arith.constant 9.99999974E-6 : f32
    %add3A_176 = arith.addf %div3A_172, %add3A_175 : f32
    %sqrt3A_177 = math.sqrt %add3A_176 : f32
    %div3A_178 = vector.broadcast %sqrt3A_177 : f32 to vector<1024x128xf32>
    %div3A_179 = arith.divf %sub3A_174, %div3A_178 : vector<1024x128xf32>
    %get3A_180 = arith.constant 0 : index
    %get3A_181 = arith.constant 3 : index
    %get3A_182 = memref.load %arg3[%get3A_180, %get3A_181] : memref<1x16xf32, #tpu.memory_space<smem>>
    %mul3A_183 = vector.broadcast %get3A_182 : f32 to vector<1024x128xf32>
    %mul3A_184 = arith.mulf %div3A_179, %mul3A_183 : vector<1024x128xf32>
    %get3A_185 = arith.constant 0 : index
    %get3A_186 = arith.constant 3 : index
    %get3A_187 = memref.load %arg4[%get3A_185, %get3A_186] : memref<1x16xf32, #tpu.memory_space<smem>>
    %add3A_188 = vector.broadcast %get3A_187 : f32 to vector<1024x128xf32>
    %add3A_189 = arith.addf %mul3A_184, %add3A_188 : vector<1024x128xf32>
    %max3A_190 = arith.constant 0.000000e+00 : f32
    %max3A_191 = vector.broadcast %max3A_190 : f32 to vector<1024x128xf32>
    %max3A_192 = arith.maximumf %add3A_189, %max3A_191 : vector<1024x128xf32>
    %get3A_193 = arith.constant 0 : index
    %get3A_194 = arith.constant 4 : index
    %get3A_195 = memref.load %arg1[%get3A_193, %get3A_194] : memref<1x16xf32, #tpu.memory_space<smem>>
    %convert_element_type3A_196 = arith.truncf %get3A_195 : f32 to bf16
    %convert_element_type3A_197 = arith.extf %convert_element_type3A_196 : bf16 to f32
    %mul3A_198 = vector.broadcast %convert_element_type3A_197 : f32 to vector<1024x128xf32>
    %mul3A_199 = arith.mulf %convert_element_type3A_4, %mul3A_198 : vector<1024x128xf32>
    %get3A_200 = arith.constant 0 : index
    %get3A_201 = arith.constant 4 : index
    %get3A_202 = memref.load %arg2[%get3A_200, %get3A_201] : memref<1x16xf32, #tpu.memory_space<smem>>
    %add3A_203 = vector.broadcast %get3A_202 : f32 to vector<1024x128xf32>
    %add3A_204 = arith.addf %mul3A_199, %add3A_203 : vector<1024x128xf32>
    %reduce_sum3A_205 = vector.shape_cast %add3A_204 : vector<1024x128xf32> to vector<1x1024x128xf32>
    %reduce_sum3A_206 = arith.constant dense<0.000000e+00> : vector<1xf32>
    %reduce_sum3A_207 = vector.multi_reduction <add>, %reduce_sum3A_205, %reduce_sum3A_206 [1, 2] : vector<1x1024x128xf32> to vector<1xf32>
    %reduce_sum3A_208 = vector.shape_cast %reduce_sum3A_207 : vector<1xf32> to vector<1x1x1xf32>
    %reduce_sum3A_209 = vector.extract %reduce_sum3A_208[0, 0, 0] : f32 from vector<1x1x1xf32>
    %div3A_210 = arith.constant 1.310720e+05 : f32
    %div3A_211 = arith.divf %reduce_sum3A_209, %div3A_210 : f32
    %sub3A_212 = vector.broadcast %div3A_211 : f32 to vector<1024x128xf32>
    %sub3A_213 = arith.subf %add3A_204, %sub3A_212 : vector<1024x128xf32>
    %integer_pow3A_214 = arith.mulf %sub3A_213, %sub3A_213 : vector<1024x128xf32>
    %reduce_sum3A_215 = vector.shape_cast %integer_pow3A_214 : vector<1024x128xf32> to vector<1x1024x128xf32>
    %reduce_sum3A_216 = arith.constant dense<0.000000e+00> : vector<1xf32>
    %reduce_sum3A_217 = vector.multi_reduction <add>, %reduce_sum3A_215, %reduce_sum3A_216 [1, 2] : vector<1x1024x128xf32> to vector<1xf32>
    %reduce_sum3A_218 = vector.shape_cast %reduce_sum3A_217 : vector<1xf32> to vector<1x1x1xf32>
    %reduce_sum3A_219 = vector.extract %reduce_sum3A_218[0, 0, 0] : f32 from vector<1x1x1xf32>
    %div3A_220 = arith.constant 1.310720e+05 : f32
    %div3A_221 = arith.divf %reduce_sum3A_219, %div3A_220 : f32
    %sub3A_222 = vector.broadcast %div3A_211 : f32 to vector<1024x128xf32>
    %sub3A_223 = arith.subf %add3A_204, %sub3A_222 : vector<1024x128xf32>
    %add3A_224 = arith.constant 9.99999974E-6 : f32
    %add3A_225 = arith.addf %div3A_221, %add3A_224 : f32
    %sqrt3A_226 = math.sqrt %add3A_225 : f32
    %div3A_227 = vector.broadcast %sqrt3A_226 : f32 to vector<1024x128xf32>
    %div3A_228 = arith.divf %sub3A_223, %div3A_227 : vector<1024x128xf32>
    %get3A_229 = arith.constant 0 : index
    %get3A_230 = arith.constant 4 : index
    %get3A_231 = memref.load %arg3[%get3A_229, %get3A_230] : memref<1x16xf32, #tpu.memory_space<smem>>
    %mul3A_232 = vector.broadcast %get3A_231 : f32 to vector<1024x128xf32>
    %mul3A_233 = arith.mulf %div3A_228, %mul3A_232 : vector<1024x128xf32>
    %get3A_234 = arith.constant 0 : index
    %get3A_235 = arith.constant 4 : index
    %get3A_236 = memref.load %arg4[%get3A_234, %get3A_235] : memref<1x16xf32, #tpu.memory_space<smem>>
    %add3A_237 = vector.broadcast %get3A_236 : f32 to vector<1024x128xf32>
    %add3A_238 = arith.addf %mul3A_233, %add3A_237 : vector<1024x128xf32>
    %max3A_239 = arith.constant 0.000000e+00 : f32
    %max3A_240 = vector.broadcast %max3A_239 : f32 to vector<1024x128xf32>
    %max3A_241 = arith.maximumf %add3A_238, %max3A_240 : vector<1024x128xf32>
    %get3A_242 = arith.constant 0 : index
    %get3A_243 = arith.constant 5 : index
    %get3A_244 = memref.load %arg1[%get3A_242, %get3A_243] : memref<1x16xf32, #tpu.memory_space<smem>>
    %convert_element_type3A_245 = arith.truncf %get3A_244 : f32 to bf16
    %convert_element_type3A_246 = arith.extf %convert_element_type3A_245 : bf16 to f32
    %mul3A_247 = vector.broadcast %convert_element_type3A_246 : f32 to vector<1024x128xf32>
    %mul3A_248 = arith.mulf %convert_element_type3A_4, %mul3A_247 : vector<1024x128xf32>
    %get3A_249 = arith.constant 0 : index
    %get3A_250 = arith.constant 5 : index
    %get3A_251 = memref.load %arg2[%get3A_249, %get3A_250] : memref<1x16xf32, #tpu.memory_space<smem>>
    %add3A_252 = vector.broadcast %get3A_251 : f32 to vector<1024x128xf32>
    %add3A_253 = arith.addf %mul3A_248, %add3A_252 : vector<1024x128xf32>
    %reduce_sum3A_254 = vector.shape_cast %add3A_253 : vector<1024x128xf32> to vector<1x1024x128xf32>
    %reduce_sum3A_255 = arith.constant dense<0.000000e+00> : vector<1xf32>
    %reduce_sum3A_256 = vector.multi_reduction <add>, %reduce_sum3A_254, %reduce_sum3A_255 [1, 2] : vector<1x1024x128xf32> to vector<1xf32>
    %reduce_sum3A_257 = vector.shape_cast %reduce_sum3A_256 : vector<1xf32> to vector<1x1x1xf32>
    %reduce_sum3A_258 = vector.extract %reduce_sum3A_257[0, 0, 0] : f32 from vector<1x1x1xf32>
    %div3A_259 = arith.constant 1.310720e+05 : f32
    %div3A_260 = arith.divf %reduce_sum3A_258, %div3A_259 : f32
    %sub3A_261 = vector.broadcast %div3A_260 : f32 to vector<1024x128xf32>
    %sub3A_262 = arith.subf %add3A_253, %sub3A_261 : vector<1024x128xf32>
    %integer_pow3A_263 = arith.mulf %sub3A_262, %sub3A_262 : vector<1024x128xf32>
    %reduce_sum3A_264 = vector.shape_cast %integer_pow3A_263 : vector<1024x128xf32> to vector<1x1024x128xf32>
    %reduce_sum3A_265 = arith.constant dense<0.000000e+00> : vector<1xf32>
    %reduce_sum3A_266 = vector.multi_reduction <add>, %reduce_sum3A_264, %reduce_sum3A_265 [1, 2] : vector<1x1024x128xf32> to vector<1xf32>
    %reduce_sum3A_267 = vector.shape_cast %reduce_sum3A_266 : vector<1xf32> to vector<1x1x1xf32>
    %reduce_sum3A_268 = vector.extract %reduce_sum3A_267[0, 0, 0] : f32 from vector<1x1x1xf32>
    %div3A_269 = arith.constant 1.310720e+05 : f32
    %div3A_270 = arith.divf %reduce_sum3A_268, %div3A_269 : f32
    %sub3A_271 = vector.broadcast %div3A_260 : f32 to vector<1024x128xf32>
    %sub3A_272 = arith.subf %add3A_253, %sub3A_271 : vector<1024x128xf32>
    %add3A_273 = arith.constant 9.99999974E-6 : f32
    %add3A_274 = arith.addf %div3A_270, %add3A_273 : f32
    %sqrt3A_275 = math.sqrt %add3A_274 : f32
    %div3A_276 = vector.broadcast %sqrt3A_275 : f32 to vector<1024x128xf32>
    %div3A_277 = arith.divf %sub3A_272, %div3A_276 : vector<1024x128xf32>
    %get3A_278 = arith.constant 0 : index
    %get3A_279 = arith.constant 5 : index
    %get3A_280 = memref.load %arg3[%get3A_278, %get3A_279] : memref<1x16xf32, #tpu.memory_space<smem>>
    %mul3A_281 = vector.broadcast %get3A_280 : f32 to vector<1024x128xf32>
    %mul3A_282 = arith.mulf %div3A_277, %mul3A_281 : vector<1024x128xf32>
    %get3A_283 = arith.constant 0 : index
    %get3A_284 = arith.constant 5 : index
    %get3A_285 = memref.load %arg4[%get3A_283, %get3A_284] : memref<1x16xf32, #tpu.memory_space<smem>>
    %add3A_286 = vector.broadcast %get3A_285 : f32 to vector<1024x128xf32>
    %add3A_287 = arith.addf %mul3A_282, %add3A_286 : vector<1024x128xf32>
    %max3A_288 = arith.constant 0.000000e+00 : f32
    %max3A_289 = vector.broadcast %max3A_288 : f32 to vector<1024x128xf32>
    %max3A_290 = arith.maximumf %add3A_287, %max3A_289 : vector<1024x128xf32>
    %get3A_291 = arith.constant 0 : index
    %get3A_292 = arith.constant 6 : index
    %get3A_293 = memref.load %arg1[%get3A_291, %get3A_292] : memref<1x16xf32, #tpu.memory_space<smem>>
    %convert_element_type3A_294 = arith.truncf %get3A_293 : f32 to bf16
    %convert_element_type3A_295 = arith.extf %convert_element_type3A_294 : bf16 to f32
    %mul3A_296 = vector.broadcast %convert_element_type3A_295 : f32 to vector<1024x128xf32>
    %mul3A_297 = arith.mulf %convert_element_type3A_4, %mul3A_296 : vector<1024x128xf32>
    %get3A_298 = arith.constant 0 : index
    %get3A_299 = arith.constant 6 : index
    %get3A_300 = memref.load %arg2[%get3A_298, %get3A_299] : memref<1x16xf32, #tpu.memory_space<smem>>
    %add3A_301 = vector.broadcast %get3A_300 : f32 to vector<1024x128xf32>
    %add3A_302 = arith.addf %mul3A_297, %add3A_301 : vector<1024x128xf32>
    %reduce_sum3A_303 = vector.shape_cast %add3A_302 : vector<1024x128xf32> to vector<1x1024x128xf32>
    %reduce_sum3A_304 = arith.constant dense<0.000000e+00> : vector<1xf32>
    %reduce_sum3A_305 = vector.multi_reduction <add>, %reduce_sum3A_303, %reduce_sum3A_304 [1, 2] : vector<1x1024x128xf32> to vector<1xf32>
    %reduce_sum3A_306 = vector.shape_cast %reduce_sum3A_305 : vector<1xf32> to vector<1x1x1xf32>
    %reduce_sum3A_307 = vector.extract %reduce_sum3A_306[0, 0, 0] : f32 from vector<1x1x1xf32>
    %div3A_308 = arith.constant 1.310720e+05 : f32
    %div3A_309 = arith.divf %reduce_sum3A_307, %div3A_308 : f32
    %sub3A_310 = vector.broadcast %div3A_309 : f32 to vector<1024x128xf32>
    %sub3A_311 = arith.subf %add3A_302, %sub3A_310 : vector<1024x128xf32>
    %integer_pow3A_312 = arith.mulf %sub3A_311, %sub3A_311 : vector<1024x128xf32>
    %reduce_sum3A_313 = vector.shape_cast %integer_pow3A_312 : vector<1024x128xf32> to vector<1x1024x128xf32>
    %reduce_sum3A_314 = arith.constant dense<0.000000e+00> : vector<1xf32>
    %reduce_sum3A_315 = vector.multi_reduction <add>, %reduce_sum3A_313, %reduce_sum3A_314 [1, 2] : vector<1x1024x128xf32> to vector<1xf32>
    %reduce_sum3A_316 = vector.shape_cast %reduce_sum3A_315 : vector<1xf32> to vector<1x1x1xf32>
    %reduce_sum3A_317 = vector.extract %reduce_sum3A_316[0, 0, 0] : f32 from vector<1x1x1xf32>
    %div3A_318 = arith.constant 1.310720e+05 : f32
    %div3A_319 = arith.divf %reduce_sum3A_317, %div3A_318 : f32
    %sub3A_320 = vector.broadcast %div3A_309 : f32 to vector<1024x128xf32>
    %sub3A_321 = arith.subf %add3A_302, %sub3A_320 : vector<1024x128xf32>
    %add3A_322 = arith.constant 9.99999974E-6 : f32
    %add3A_323 = arith.addf %div3A_319, %add3A_322 : f32
    %sqrt3A_324 = math.sqrt %add3A_323 : f32
    %div3A_325 = vector.broadcast %sqrt3A_324 : f32 to vector<1024x128xf32>
    %div3A_326 = arith.divf %sub3A_321, %div3A_325 : vector<1024x128xf32>
    %get3A_327 = arith.constant 0 : index
    %get3A_328 = arith.constant 6 : index
    %get3A_329 = memref.load %arg3[%get3A_327, %get3A_328] : memref<1x16xf32, #tpu.memory_space<smem>>
    %mul3A_330 = vector.broadcast %get3A_329 : f32 to vector<1024x128xf32>
    %mul3A_331 = arith.mulf %div3A_326, %mul3A_330 : vector<1024x128xf32>
    %get3A_332 = arith.constant 0 : index
    %get3A_333 = arith.constant 6 : index
    %get3A_334 = memref.load %arg4[%get3A_332, %get3A_333] : memref<1x16xf32, #tpu.memory_space<smem>>
    %add3A_335 = vector.broadcast %get3A_334 : f32 to vector<1024x128xf32>
    %add3A_336 = arith.addf %mul3A_331, %add3A_335 : vector<1024x128xf32>
    %max3A_337 = arith.constant 0.000000e+00 : f32
    %max3A_338 = vector.broadcast %max3A_337 : f32 to vector<1024x128xf32>
    %max3A_339 = arith.maximumf %add3A_336, %max3A_338 : vector<1024x128xf32>
    %get3A_340 = arith.constant 0 : index
    %get3A_341 = arith.constant 7 : index
    %get3A_342 = memref.load %arg1[%get3A_340, %get3A_341] : memref<1x16xf32, #tpu.memory_space<smem>>
    %convert_element_type3A_343 = arith.truncf %get3A_342 : f32 to bf16
    %convert_element_type3A_344 = arith.extf %convert_element_type3A_343 : bf16 to f32
    %mul3A_345 = vector.broadcast %convert_element_type3A_344 : f32 to vector<1024x128xf32>
    %mul3A_346 = arith.mulf %convert_element_type3A_4, %mul3A_345 : vector<1024x128xf32>
    %get3A_347 = arith.constant 0 : index
    %get3A_348 = arith.constant 7 : index
    %get3A_349 = memref.load %arg2[%get3A_347, %get3A_348] : memref<1x16xf32, #tpu.memory_space<smem>>
    %add3A_350 = vector.broadcast %get3A_349 : f32 to vector<1024x128xf32>
    %add3A_351 = arith.addf %mul3A_346, %add3A_350 : vector<1024x128xf32>
    %reduce_sum3A_352 = vector.shape_cast %add3A_351 : vector<1024x128xf32> to vector<1x1024x128xf32>
    %reduce_sum3A_353 = arith.constant dense<0.000000e+00> : vector<1xf32>
    %reduce_sum3A_354 = vector.multi_reduction <add>, %reduce_sum3A_352, %reduce_sum3A_353 [1, 2] : vector<1x1024x128xf32> to vector<1xf32>
    %reduce_sum3A_355 = vector.shape_cast %reduce_sum3A_354 : vector<1xf32> to vector<1x1x1xf32>
    %reduce_sum3A_356 = vector.extract %reduce_sum3A_355[0, 0, 0] : f32 from vector<1x1x1xf32>
    %div3A_357 = arith.constant 1.310720e+05 : f32
    %div3A_358 = arith.divf %reduce_sum3A_356, %div3A_357 : f32
    %sub3A_359 = vector.broadcast %div3A_358 : f32 to vector<1024x128xf32>
    %sub3A_360 = arith.subf %add3A_351, %sub3A_359 : vector<1024x128xf32>
    %integer_pow3A_361 = arith.mulf %sub3A_360, %sub3A_360 : vector<1024x128xf32>
    %reduce_sum3A_362 = vector.shape_cast %integer_pow3A_361 : vector<1024x128xf32> to vector<1x1024x128xf32>
    %reduce_sum3A_363 = arith.constant dense<0.000000e+00> : vector<1xf32>
    %reduce_sum3A_364 = vector.multi_reduction <add>, %reduce_sum3A_362, %reduce_sum3A_363 [1, 2] : vector<1x1024x128xf32> to vector<1xf32>
    %reduce_sum3A_365 = vector.shape_cast %reduce_sum3A_364 : vector<1xf32> to vector<1x1x1xf32>
    %reduce_sum3A_366 = vector.extract %reduce_sum3A_365[0, 0, 0] : f32 from vector<1x1x1xf32>
    %div3A_367 = arith.constant 1.310720e+05 : f32
    %div3A_368 = arith.divf %reduce_sum3A_366, %div3A_367 : f32
    %sub3A_369 = vector.broadcast %div3A_358 : f32 to vector<1024x128xf32>
    %sub3A_370 = arith.subf %add3A_351, %sub3A_369 : vector<1024x128xf32>
    %add3A_371 = arith.constant 9.99999974E-6 : f32
    %add3A_372 = arith.addf %div3A_368, %add3A_371 : f32
    %sqrt3A_373 = math.sqrt %add3A_372 : f32
    %div3A_374 = vector.broadcast %sqrt3A_373 : f32 to vector<1024x128xf32>
    %div3A_375 = arith.divf %sub3A_370, %div3A_374 : vector<1024x128xf32>
    %get3A_376 = arith.constant 0 : index
    %get3A_377 = arith.constant 7 : index
    %get3A_378 = memref.load %arg3[%get3A_376, %get3A_377] : memref<1x16xf32, #tpu.memory_space<smem>>
    %mul3A_379 = vector.broadcast %get3A_378 : f32 to vector<1024x128xf32>
    %mul3A_380 = arith.mulf %div3A_375, %mul3A_379 : vector<1024x128xf32>
    %get3A_381 = arith.constant 0 : index
    %get3A_382 = arith.constant 7 : index
    %get3A_383 = memref.load %arg4[%get3A_381, %get3A_382] : memref<1x16xf32, #tpu.memory_space<smem>>
    %add3A_384 = vector.broadcast %get3A_383 : f32 to vector<1024x128xf32>
    %add3A_385 = arith.addf %mul3A_380, %add3A_384 : vector<1024x128xf32>
    %max3A_386 = arith.constant 0.000000e+00 : f32
    %max3A_387 = vector.broadcast %max3A_386 : f32 to vector<1024x128xf32>
    %max3A_388 = arith.maximumf %add3A_385, %max3A_387 : vector<1024x128xf32>
    %get3A_389 = arith.constant 0 : index
    %get3A_390 = arith.constant 8 : index
    %get3A_391 = memref.load %arg1[%get3A_389, %get3A_390] : memref<1x16xf32, #tpu.memory_space<smem>>
    %convert_element_type3A_392 = arith.truncf %get3A_391 : f32 to bf16
    %convert_element_type3A_393 = arith.extf %convert_element_type3A_392 : bf16 to f32
    %mul3A_394 = vector.broadcast %convert_element_type3A_393 : f32 to vector<1024x128xf32>
    %mul3A_395 = arith.mulf %convert_element_type3A_4, %mul3A_394 : vector<1024x128xf32>
    %get3A_396 = arith.constant 0 : index
    %get3A_397 = arith.constant 8 : index
    %get3A_398 = memref.load %arg2[%get3A_396, %get3A_397] : memref<1x16xf32, #tpu.memory_space<smem>>
    %add3A_399 = vector.broadcast %get3A_398 : f32 to vector<1024x128xf32>
    %add3A_400 = arith.addf %mul3A_395, %add3A_399 : vector<1024x128xf32>
    %reduce_sum3A_401 = vector.shape_cast %add3A_400 : vector<1024x128xf32> to vector<1x1024x128xf32>
    %reduce_sum3A_402 = arith.constant dense<0.000000e+00> : vector<1xf32>
    %reduce_sum3A_403 = vector.multi_reduction <add>, %reduce_sum3A_401, %reduce_sum3A_402 [1, 2] : vector<1x1024x128xf32> to vector<1xf32>
    %reduce_sum3A_404 = vector.shape_cast %reduce_sum3A_403 : vector<1xf32> to vector<1x1x1xf32>
    %reduce_sum3A_405 = vector.extract %reduce_sum3A_404[0, 0, 0] : f32 from vector<1x1x1xf32>
    %div3A_406 = arith.constant 1.310720e+05 : f32
    %div3A_407 = arith.divf %reduce_sum3A_405, %div3A_406 : f32
    %sub3A_408 = vector.broadcast %div3A_407 : f32 to vector<1024x128xf32>
    %sub3A_409 = arith.subf %add3A_400, %sub3A_408 : vector<1024x128xf32>
    %integer_pow3A_410 = arith.mulf %sub3A_409, %sub3A_409 : vector<1024x128xf32>
    %reduce_sum3A_411 = vector.shape_cast %integer_pow3A_410 : vector<1024x128xf32> to vector<1x1024x128xf32>
    %reduce_sum3A_412 = arith.constant dense<0.000000e+00> : vector<1xf32>
    %reduce_sum3A_413 = vector.multi_reduction <add>, %reduce_sum3A_411, %reduce_sum3A_412 [1, 2] : vector<1x1024x128xf32> to vector<1xf32>
    %reduce_sum3A_414 = vector.shape_cast %reduce_sum3A_413 : vector<1xf32> to vector<1x1x1xf32>
    %reduce_sum3A_415 = vector.extract %reduce_sum3A_414[0, 0, 0] : f32 from vector<1x1x1xf32>
    %div3A_416 = arith.constant 1.310720e+05 : f32
    %div3A_417 = arith.divf %reduce_sum3A_415, %div3A_416 : f32
    %sub3A_418 = vector.broadcast %div3A_407 : f32 to vector<1024x128xf32>
    %sub3A_419 = arith.subf %add3A_400, %sub3A_418 : vector<1024x128xf32>
    %add3A_420 = arith.constant 9.99999974E-6 : f32
    %add3A_421 = arith.addf %div3A_417, %add3A_420 : f32
    %sqrt3A_422 = math.sqrt %add3A_421 : f32
    %div3A_423 = vector.broadcast %sqrt3A_422 : f32 to vector<1024x128xf32>
    %div3A_424 = arith.divf %sub3A_419, %div3A_423 : vector<1024x128xf32>
    %get3A_425 = arith.constant 0 : index
    %get3A_426 = arith.constant 8 : index
    %get3A_427 = memref.load %arg3[%get3A_425, %get3A_426] : memref<1x16xf32, #tpu.memory_space<smem>>
    %mul3A_428 = vector.broadcast %get3A_427 : f32 to vector<1024x128xf32>
    %mul3A_429 = arith.mulf %div3A_424, %mul3A_428 : vector<1024x128xf32>
    %get3A_430 = arith.constant 0 : index
    %get3A_431 = arith.constant 8 : index
    %get3A_432 = memref.load %arg4[%get3A_430, %get3A_431] : memref<1x16xf32, #tpu.memory_space<smem>>
    %add3A_433 = vector.broadcast %get3A_432 : f32 to vector<1024x128xf32>
    %add3A_434 = arith.addf %mul3A_429, %add3A_433 : vector<1024x128xf32>
    %max3A_435 = arith.constant 0.000000e+00 : f32
    %max3A_436 = vector.broadcast %max3A_435 : f32 to vector<1024x128xf32>
    %max3A_437 = arith.maximumf %add3A_434, %max3A_436 : vector<1024x128xf32>
    %get3A_438 = arith.constant 0 : index
    %get3A_439 = arith.constant 9 : index
    %get3A_440 = memref.load %arg1[%get3A_438, %get3A_439] : memref<1x16xf32, #tpu.memory_space<smem>>
    %convert_element_type3A_441 = arith.truncf %get3A_440 : f32 to bf16
    %convert_element_type3A_442 = arith.extf %convert_element_type3A_441 : bf16 to f32
    %mul3A_443 = vector.broadcast %convert_element_type3A_442 : f32 to vector<1024x128xf32>
    %mul3A_444 = arith.mulf %convert_element_type3A_4, %mul3A_443 : vector<1024x128xf32>
    %get3A_445 = arith.constant 0 : index
    %get3A_446 = arith.constant 9 : index
    %get3A_447 = memref.load %arg2[%get3A_445, %get3A_446] : memref<1x16xf32, #tpu.memory_space<smem>>
    %add3A_448 = vector.broadcast %get3A_447 : f32 to vector<1024x128xf32>
    %add3A_449 = arith.addf %mul3A_444, %add3A_448 : vector<1024x128xf32>
    %reduce_sum3A_450 = vector.shape_cast %add3A_449 : vector<1024x128xf32> to vector<1x1024x128xf32>
    %reduce_sum3A_451 = arith.constant dense<0.000000e+00> : vector<1xf32>
    %reduce_sum3A_452 = vector.multi_reduction <add>, %reduce_sum3A_450, %reduce_sum3A_451 [1, 2] : vector<1x1024x128xf32> to vector<1xf32>
    %reduce_sum3A_453 = vector.shape_cast %reduce_sum3A_452 : vector<1xf32> to vector<1x1x1xf32>
    %reduce_sum3A_454 = vector.extract %reduce_sum3A_453[0, 0, 0] : f32 from vector<1x1x1xf32>
    %div3A_455 = arith.constant 1.310720e+05 : f32
    %div3A_456 = arith.divf %reduce_sum3A_454, %div3A_455 : f32
    %sub3A_457 = vector.broadcast %div3A_456 : f32 to vector<1024x128xf32>
    %sub3A_458 = arith.subf %add3A_449, %sub3A_457 : vector<1024x128xf32>
    %integer_pow3A_459 = arith.mulf %sub3A_458, %sub3A_458 : vector<1024x128xf32>
    %reduce_sum3A_460 = vector.shape_cast %integer_pow3A_459 : vector<1024x128xf32> to vector<1x1024x128xf32>
    %reduce_sum3A_461 = arith.constant dense<0.000000e+00> : vector<1xf32>
    %reduce_sum3A_462 = vector.multi_reduction <add>, %reduce_sum3A_460, %reduce_sum3A_461 [1, 2] : vector<1x1024x128xf32> to vector<1xf32>
    %reduce_sum3A_463 = vector.shape_cast %reduce_sum3A_462 : vector<1xf32> to vector<1x1x1xf32>
    %reduce_sum3A_464 = vector.extract %reduce_sum3A_463[0, 0, 0] : f32 from vector<1x1x1xf32>
    %div3A_465 = arith.constant 1.310720e+05 : f32
    %div3A_466 = arith.divf %reduce_sum3A_464, %div3A_465 : f32
    %sub3A_467 = vector.broadcast %div3A_456 : f32 to vector<1024x128xf32>
    %sub3A_468 = arith.subf %add3A_449, %sub3A_467 : vector<1024x128xf32>
    %add3A_469 = arith.constant 9.99999974E-6 : f32
    %add3A_470 = arith.addf %div3A_466, %add3A_469 : f32
    %sqrt3A_471 = math.sqrt %add3A_470 : f32
    %div3A_472 = vector.broadcast %sqrt3A_471 : f32 to vector<1024x128xf32>
    %div3A_473 = arith.divf %sub3A_468, %div3A_472 : vector<1024x128xf32>
    %get3A_474 = arith.constant 0 : index
    %get3A_475 = arith.constant 9 : index
    %get3A_476 = memref.load %arg3[%get3A_474, %get3A_475] : memref<1x16xf32, #tpu.memory_space<smem>>
    %mul3A_477 = vector.broadcast %get3A_476 : f32 to vector<1024x128xf32>
    %mul3A_478 = arith.mulf %div3A_473, %mul3A_477 : vector<1024x128xf32>
    %get3A_479 = arith.constant 0 : index
    %get3A_480 = arith.constant 9 : index
    %get3A_481 = memref.load %arg4[%get3A_479, %get3A_480] : memref<1x16xf32, #tpu.memory_space<smem>>
    %add3A_482 = vector.broadcast %get3A_481 : f32 to vector<1024x128xf32>
    %add3A_483 = arith.addf %mul3A_478, %add3A_482 : vector<1024x128xf32>
    %max3A_484 = arith.constant 0.000000e+00 : f32
    %max3A_485 = vector.broadcast %max3A_484 : f32 to vector<1024x128xf32>
    %max3A_486 = arith.maximumf %add3A_483, %max3A_485 : vector<1024x128xf32>
    %get3A_487 = arith.constant 0 : index
    %get3A_488 = arith.constant 10 : index
    %get3A_489 = memref.load %arg1[%get3A_487, %get3A_488] : memref<1x16xf32, #tpu.memory_space<smem>>
    %convert_element_type3A_490 = arith.truncf %get3A_489 : f32 to bf16
    %convert_element_type3A_491 = arith.extf %convert_element_type3A_490 : bf16 to f32
    %mul3A_492 = vector.broadcast %convert_element_type3A_491 : f32 to vector<1024x128xf32>
    %mul3A_493 = arith.mulf %convert_element_type3A_4, %mul3A_492 : vector<1024x128xf32>
    %get3A_494 = arith.constant 0 : index
    %get3A_495 = arith.constant 10 : index
    %get3A_496 = memref.load %arg2[%get3A_494, %get3A_495] : memref<1x16xf32, #tpu.memory_space<smem>>
    %add3A_497 = vector.broadcast %get3A_496 : f32 to vector<1024x128xf32>
    %add3A_498 = arith.addf %mul3A_493, %add3A_497 : vector<1024x128xf32>
    %reduce_sum3A_499 = vector.shape_cast %add3A_498 : vector<1024x128xf32> to vector<1x1024x128xf32>
    %reduce_sum3A_500 = arith.constant dense<0.000000e+00> : vector<1xf32>
    %reduce_sum3A_501 = vector.multi_reduction <add>, %reduce_sum3A_499, %reduce_sum3A_500 [1, 2] : vector<1x1024x128xf32> to vector<1xf32>
    %reduce_sum3A_502 = vector.shape_cast %reduce_sum3A_501 : vector<1xf32> to vector<1x1x1xf32>
    %reduce_sum3A_503 = vector.extract %reduce_sum3A_502[0, 0, 0] : f32 from vector<1x1x1xf32>
    %div3A_504 = arith.constant 1.310720e+05 : f32
    %div3A_505 = arith.divf %reduce_sum3A_503, %div3A_504 : f32
    %sub3A_506 = vector.broadcast %div3A_505 : f32 to vector<1024x128xf32>
    %sub3A_507 = arith.subf %add3A_498, %sub3A_506 : vector<1024x128xf32>
    %integer_pow3A_508 = arith.mulf %sub3A_507, %sub3A_507 : vector<1024x128xf32>
    %reduce_sum3A_509 = vector.shape_cast %integer_pow3A_508 : vector<1024x128xf32> to vector<1x1024x128xf32>
    %reduce_sum3A_510 = arith.constant dense<0.000000e+00> : vector<1xf32>
    %reduce_sum3A_511 = vector.multi_reduction <add>, %reduce_sum3A_509, %reduce_sum3A_510 [1, 2] : vector<1x1024x128xf32> to vector<1xf32>
    %reduce_sum3A_512 = vector.shape_cast %reduce_sum3A_511 : vector<1xf32> to vector<1x1x1xf32>
    %reduce_sum3A_513 = vector.extract %reduce_sum3A_512[0, 0, 0] : f32 from vector<1x1x1xf32>
    %div3A_514 = arith.constant 1.310720e+05 : f32
    %div3A_515 = arith.divf %reduce_sum3A_513, %div3A_514 : f32
    %sub3A_516 = vector.broadcast %div3A_505 : f32 to vector<1024x128xf32>
    %sub3A_517 = arith.subf %add3A_498, %sub3A_516 : vector<1024x128xf32>
    %add3A_518 = arith.constant 9.99999974E-6 : f32
    %add3A_519 = arith.addf %div3A_515, %add3A_518 : f32
    %sqrt3A_520 = math.sqrt %add3A_519 : f32
    %div3A_521 = vector.broadcast %sqrt3A_520 : f32 to vector<1024x128xf32>
    %div3A_522 = arith.divf %sub3A_517, %div3A_521 : vector<1024x128xf32>
    %get3A_523 = arith.constant 0 : index
    %get3A_524 = arith.constant 10 : index
    %get3A_525 = memref.load %arg3[%get3A_523, %get3A_524] : memref<1x16xf32, #tpu.memory_space<smem>>
    %mul3A_526 = vector.broadcast %get3A_525 : f32 to vector<1024x128xf32>
    %mul3A_527 = arith.mulf %div3A_522, %mul3A_526 : vector<1024x128xf32>
    %get3A_528 = arith.constant 0 : index
    %get3A_529 = arith.constant 10 : index
    %get3A_530 = memref.load %arg4[%get3A_528, %get3A_529] : memref<1x16xf32, #tpu.memory_space<smem>>
    %add3A_531 = vector.broadcast %get3A_530 : f32 to vector<1024x128xf32>
    %add3A_532 = arith.addf %mul3A_527, %add3A_531 : vector<1024x128xf32>
    %max3A_533 = arith.constant 0.000000e+00 : f32
    %max3A_534 = vector.broadcast %max3A_533 : f32 to vector<1024x128xf32>
    %max3A_535 = arith.maximumf %add3A_532, %max3A_534 : vector<1024x128xf32>
    %get3A_536 = arith.constant 0 : index
    %get3A_537 = arith.constant 11 : index
    %get3A_538 = memref.load %arg1[%get3A_536, %get3A_537] : memref<1x16xf32, #tpu.memory_space<smem>>
    %convert_element_type3A_539 = arith.truncf %get3A_538 : f32 to bf16
    %convert_element_type3A_540 = arith.extf %convert_element_type3A_539 : bf16 to f32
    %mul3A_541 = vector.broadcast %convert_element_type3A_540 : f32 to vector<1024x128xf32>
    %mul3A_542 = arith.mulf %convert_element_type3A_4, %mul3A_541 : vector<1024x128xf32>
    %get3A_543 = arith.constant 0 : index
    %get3A_544 = arith.constant 11 : index
    %get3A_545 = memref.load %arg2[%get3A_543, %get3A_544] : memref<1x16xf32, #tpu.memory_space<smem>>
    %add3A_546 = vector.broadcast %get3A_545 : f32 to vector<1024x128xf32>
    %add3A_547 = arith.addf %mul3A_542, %add3A_546 : vector<1024x128xf32>
    %reduce_sum3A_548 = vector.shape_cast %add3A_547 : vector<1024x128xf32> to vector<1x1024x128xf32>
    %reduce_sum3A_549 = arith.constant dense<0.000000e+00> : vector<1xf32>
    %reduce_sum3A_550 = vector.multi_reduction <add>, %reduce_sum3A_548, %reduce_sum3A_549 [1, 2] : vector<1x1024x128xf32> to vector<1xf32>
    %reduce_sum3A_551 = vector.shape_cast %reduce_sum3A_550 : vector<1xf32> to vector<1x1x1xf32>
    %reduce_sum3A_552 = vector.extract %reduce_sum3A_551[0, 0, 0] : f32 from vector<1x1x1xf32>
    %div3A_553 = arith.constant 1.310720e+05 : f32
    %div3A_554 = arith.divf %reduce_sum3A_552, %div3A_553 : f32
    %sub3A_555 = vector.broadcast %div3A_554 : f32 to vector<1024x128xf32>
    %sub3A_556 = arith.subf %add3A_547, %sub3A_555 : vector<1024x128xf32>
    %integer_pow3A_557 = arith.mulf %sub3A_556, %sub3A_556 : vector<1024x128xf32>
    %reduce_sum3A_558 = vector.shape_cast %integer_pow3A_557 : vector<1024x128xf32> to vector<1x1024x128xf32>
    %reduce_sum3A_559 = arith.constant dense<0.000000e+00> : vector<1xf32>
    %reduce_sum3A_560 = vector.multi_reduction <add>, %reduce_sum3A_558, %reduce_sum3A_559 [1, 2] : vector<1x1024x128xf32> to vector<1xf32>
    %reduce_sum3A_561 = vector.shape_cast %reduce_sum3A_560 : vector<1xf32> to vector<1x1x1xf32>
    %reduce_sum3A_562 = vector.extract %reduce_sum3A_561[0, 0, 0] : f32 from vector<1x1x1xf32>
    %div3A_563 = arith.constant 1.310720e+05 : f32
    %div3A_564 = arith.divf %reduce_sum3A_562, %div3A_563 : f32
    %sub3A_565 = vector.broadcast %div3A_554 : f32 to vector<1024x128xf32>
    %sub3A_566 = arith.subf %add3A_547, %sub3A_565 : vector<1024x128xf32>
    %add3A_567 = arith.constant 9.99999974E-6 : f32
    %add3A_568 = arith.addf %div3A_564, %add3A_567 : f32
    %sqrt3A_569 = math.sqrt %add3A_568 : f32
    %div3A_570 = vector.broadcast %sqrt3A_569 : f32 to vector<1024x128xf32>
    %div3A_571 = arith.divf %sub3A_566, %div3A_570 : vector<1024x128xf32>
    %get3A_572 = arith.constant 0 : index
    %get3A_573 = arith.constant 11 : index
    %get3A_574 = memref.load %arg3[%get3A_572, %get3A_573] : memref<1x16xf32, #tpu.memory_space<smem>>
    %mul3A_575 = vector.broadcast %get3A_574 : f32 to vector<1024x128xf32>
    %mul3A_576 = arith.mulf %div3A_571, %mul3A_575 : vector<1024x128xf32>
    %get3A_577 = arith.constant 0 : index
    %get3A_578 = arith.constant 11 : index
    %get3A_579 = memref.load %arg4[%get3A_577, %get3A_578] : memref<1x16xf32, #tpu.memory_space<smem>>
    %add3A_580 = vector.broadcast %get3A_579 : f32 to vector<1024x128xf32>
    %add3A_581 = arith.addf %mul3A_576, %add3A_580 : vector<1024x128xf32>
    %max3A_582 = arith.constant 0.000000e+00 : f32
    %max3A_583 = vector.broadcast %max3A_582 : f32 to vector<1024x128xf32>
    %max3A_584 = arith.maximumf %add3A_581, %max3A_583 : vector<1024x128xf32>
    %get3A_585 = arith.constant 0 : index
    %get3A_586 = arith.constant 12 : index
    %get3A_587 = memref.load %arg1[%get3A_585, %get3A_586] : memref<1x16xf32, #tpu.memory_space<smem>>
    %convert_element_type3A_588 = arith.truncf %get3A_587 : f32 to bf16
    %convert_element_type3A_589 = arith.extf %convert_element_type3A_588 : bf16 to f32
    %mul3A_590 = vector.broadcast %convert_element_type3A_589 : f32 to vector<1024x128xf32>
    %mul3A_591 = arith.mulf %convert_element_type3A_4, %mul3A_590 : vector<1024x128xf32>
    %get3A_592 = arith.constant 0 : index
    %get3A_593 = arith.constant 12 : index
    %get3A_594 = memref.load %arg2[%get3A_592, %get3A_593] : memref<1x16xf32, #tpu.memory_space<smem>>
    %add3A_595 = vector.broadcast %get3A_594 : f32 to vector<1024x128xf32>
    %add3A_596 = arith.addf %mul3A_591, %add3A_595 : vector<1024x128xf32>
    %reduce_sum3A_597 = vector.shape_cast %add3A_596 : vector<1024x128xf32> to vector<1x1024x128xf32>
    %reduce_sum3A_598 = arith.constant dense<0.000000e+00> : vector<1xf32>
    %reduce_sum3A_599 = vector.multi_reduction <add>, %reduce_sum3A_597, %reduce_sum3A_598 [1, 2] : vector<1x1024x128xf32> to vector<1xf32>
    %reduce_sum3A_600 = vector.shape_cast %reduce_sum3A_599 : vector<1xf32> to vector<1x1x1xf32>
    %reduce_sum3A_601 = vector.extract %reduce_sum3A_600[0, 0, 0] : f32 from vector<1x1x1xf32>
    %div3A_602 = arith.constant 1.310720e+05 : f32
    %div3A_603 = arith.divf %reduce_sum3A_601, %div3A_602 : f32
    %sub3A_604 = vector.broadcast %div3A_603 : f32 to vector<1024x128xf32>
    %sub3A_605 = arith.subf %add3A_596, %sub3A_604 : vector<1024x128xf32>
    %integer_pow3A_606 = arith.mulf %sub3A_605, %sub3A_605 : vector<1024x128xf32>
    %reduce_sum3A_607 = vector.shape_cast %integer_pow3A_606 : vector<1024x128xf32> to vector<1x1024x128xf32>
    %reduce_sum3A_608 = arith.constant dense<0.000000e+00> : vector<1xf32>
    %reduce_sum3A_609 = vector.multi_reduction <add>, %reduce_sum3A_607, %reduce_sum3A_608 [1, 2] : vector<1x1024x128xf32> to vector<1xf32>
    %reduce_sum3A_610 = vector.shape_cast %reduce_sum3A_609 : vector<1xf32> to vector<1x1x1xf32>
    %reduce_sum3A_611 = vector.extract %reduce_sum3A_610[0, 0, 0] : f32 from vector<1x1x1xf32>
    %div3A_612 = arith.constant 1.310720e+05 : f32
    %div3A_613 = arith.divf %reduce_sum3A_611, %div3A_612 : f32
    %sub3A_614 = vector.broadcast %div3A_603 : f32 to vector<1024x128xf32>
    %sub3A_615 = arith.subf %add3A_596, %sub3A_614 : vector<1024x128xf32>
    %add3A_616 = arith.constant 9.99999974E-6 : f32
    %add3A_617 = arith.addf %div3A_613, %add3A_616 : f32
    %sqrt3A_618 = math.sqrt %add3A_617 : f32
    %div3A_619 = vector.broadcast %sqrt3A_618 : f32 to vector<1024x128xf32>
    %div3A_620 = arith.divf %sub3A_615, %div3A_619 : vector<1024x128xf32>
    %get3A_621 = arith.constant 0 : index
    %get3A_622 = arith.constant 12 : index
    %get3A_623 = memref.load %arg3[%get3A_621, %get3A_622] : memref<1x16xf32, #tpu.memory_space<smem>>
    %mul3A_624 = vector.broadcast %get3A_623 : f32 to vector<1024x128xf32>
    %mul3A_625 = arith.mulf %div3A_620, %mul3A_624 : vector<1024x128xf32>
    %get3A_626 = arith.constant 0 : index
    %get3A_627 = arith.constant 12 : index
    %get3A_628 = memref.load %arg4[%get3A_626, %get3A_627] : memref<1x16xf32, #tpu.memory_space<smem>>
    %add3A_629 = vector.broadcast %get3A_628 : f32 to vector<1024x128xf32>
    %add3A_630 = arith.addf %mul3A_625, %add3A_629 : vector<1024x128xf32>
    %max3A_631 = arith.constant 0.000000e+00 : f32
    %max3A_632 = vector.broadcast %max3A_631 : f32 to vector<1024x128xf32>
    %max3A_633 = arith.maximumf %add3A_630, %max3A_632 : vector<1024x128xf32>
    %get3A_634 = arith.constant 0 : index
    %get3A_635 = arith.constant 13 : index
    %get3A_636 = memref.load %arg1[%get3A_634, %get3A_635] : memref<1x16xf32, #tpu.memory_space<smem>>
    %convert_element_type3A_637 = arith.truncf %get3A_636 : f32 to bf16
    %convert_element_type3A_638 = arith.extf %convert_element_type3A_637 : bf16 to f32
    %mul3A_639 = vector.broadcast %convert_element_type3A_638 : f32 to vector<1024x128xf32>
    %mul3A_640 = arith.mulf %convert_element_type3A_4, %mul3A_639 : vector<1024x128xf32>
    %get3A_641 = arith.constant 0 : index
    %get3A_642 = arith.constant 13 : index
    %get3A_643 = memref.load %arg2[%get3A_641, %get3A_642] : memref<1x16xf32, #tpu.memory_space<smem>>
    %add3A_644 = vector.broadcast %get3A_643 : f32 to vector<1024x128xf32>
    %add3A_645 = arith.addf %mul3A_640, %add3A_644 : vector<1024x128xf32>
    %reduce_sum3A_646 = vector.shape_cast %add3A_645 : vector<1024x128xf32> to vector<1x1024x128xf32>
    %reduce_sum3A_647 = arith.constant dense<0.000000e+00> : vector<1xf32>
    %reduce_sum3A_648 = vector.multi_reduction <add>, %reduce_sum3A_646, %reduce_sum3A_647 [1, 2] : vector<1x1024x128xf32> to vector<1xf32>
    %reduce_sum3A_649 = vector.shape_cast %reduce_sum3A_648 : vector<1xf32> to vector<1x1x1xf32>
    %reduce_sum3A_650 = vector.extract %reduce_sum3A_649[0, 0, 0] : f32 from vector<1x1x1xf32>
    %div3A_651 = arith.constant 1.310720e+05 : f32
    %div3A_652 = arith.divf %reduce_sum3A_650, %div3A_651 : f32
    %sub3A_653 = vector.broadcast %div3A_652 : f32 to vector<1024x128xf32>
    %sub3A_654 = arith.subf %add3A_645, %sub3A_653 : vector<1024x128xf32>
    %integer_pow3A_655 = arith.mulf %sub3A_654, %sub3A_654 : vector<1024x128xf32>
    %reduce_sum3A_656 = vector.shape_cast %integer_pow3A_655 : vector<1024x128xf32> to vector<1x1024x128xf32>
    %reduce_sum3A_657 = arith.constant dense<0.000000e+00> : vector<1xf32>
    %reduce_sum3A_658 = vector.multi_reduction <add>, %reduce_sum3A_656, %reduce_sum3A_657 [1, 2] : vector<1x1024x128xf32> to vector<1xf32>
    %reduce_sum3A_659 = vector.shape_cast %reduce_sum3A_658 : vector<1xf32> to vector<1x1x1xf32>
    %reduce_sum3A_660 = vector.extract %reduce_sum3A_659[0, 0, 0] : f32 from vector<1x1x1xf32>
    %div3A_661 = arith.constant 1.310720e+05 : f32
    %div3A_662 = arith.divf %reduce_sum3A_660, %div3A_661 : f32
    %sub3A_663 = vector.broadcast %div3A_652 : f32 to vector<1024x128xf32>
    %sub3A_664 = arith.subf %add3A_645, %sub3A_663 : vector<1024x128xf32>
    %add3A_665 = arith.constant 9.99999974E-6 : f32
    %add3A_666 = arith.addf %div3A_662, %add3A_665 : f32
    %sqrt3A_667 = math.sqrt %add3A_666 : f32
    %div3A_668 = vector.broadcast %sqrt3A_667 : f32 to vector<1024x128xf32>
    %div3A_669 = arith.divf %sub3A_664, %div3A_668 : vector<1024x128xf32>
    %get3A_670 = arith.constant 0 : index
    %get3A_671 = arith.constant 13 : index
    %get3A_672 = memref.load %arg3[%get3A_670, %get3A_671] : memref<1x16xf32, #tpu.memory_space<smem>>
    %mul3A_673 = vector.broadcast %get3A_672 : f32 to vector<1024x128xf32>
    %mul3A_674 = arith.mulf %div3A_669, %mul3A_673 : vector<1024x128xf32>
    %get3A_675 = arith.constant 0 : index
    %get3A_676 = arith.constant 13 : index
    %get3A_677 = memref.load %arg4[%get3A_675, %get3A_676] : memref<1x16xf32, #tpu.memory_space<smem>>
    %add3A_678 = vector.broadcast %get3A_677 : f32 to vector<1024x128xf32>
    %add3A_679 = arith.addf %mul3A_674, %add3A_678 : vector<1024x128xf32>
    %max3A_680 = arith.constant 0.000000e+00 : f32
    %max3A_681 = vector.broadcast %max3A_680 : f32 to vector<1024x128xf32>
    %max3A_682 = arith.maximumf %add3A_679, %max3A_681 : vector<1024x128xf32>
    %get3A_683 = arith.constant 0 : index
    %get3A_684 = arith.constant 14 : index
    %get3A_685 = memref.load %arg1[%get3A_683, %get3A_684] : memref<1x16xf32, #tpu.memory_space<smem>>
    %convert_element_type3A_686 = arith.truncf %get3A_685 : f32 to bf16
    %convert_element_type3A_687 = arith.extf %convert_element_type3A_686 : bf16 to f32
    %mul3A_688 = vector.broadcast %convert_element_type3A_687 : f32 to vector<1024x128xf32>
    %mul3A_689 = arith.mulf %convert_element_type3A_4, %mul3A_688 : vector<1024x128xf32>
    %get3A_690 = arith.constant 0 : index
    %get3A_691 = arith.constant 14 : index
    %get3A_692 = memref.load %arg2[%get3A_690, %get3A_691] : memref<1x16xf32, #tpu.memory_space<smem>>
    %add3A_693 = vector.broadcast %get3A_692 : f32 to vector<1024x128xf32>
    %add3A_694 = arith.addf %mul3A_689, %add3A_693 : vector<1024x128xf32>
    %reduce_sum3A_695 = vector.shape_cast %add3A_694 : vector<1024x128xf32> to vector<1x1024x128xf32>
    %reduce_sum3A_696 = arith.constant dense<0.000000e+00> : vector<1xf32>
    %reduce_sum3A_697 = vector.multi_reduction <add>, %reduce_sum3A_695, %reduce_sum3A_696 [1, 2] : vector<1x1024x128xf32> to vector<1xf32>
    %reduce_sum3A_698 = vector.shape_cast %reduce_sum3A_697 : vector<1xf32> to vector<1x1x1xf32>
    %reduce_sum3A_699 = vector.extract %reduce_sum3A_698[0, 0, 0] : f32 from vector<1x1x1xf32>
    %div3A_700 = arith.constant 1.310720e+05 : f32
    %div3A_701 = arith.divf %reduce_sum3A_699, %div3A_700 : f32
    %sub3A_702 = vector.broadcast %div3A_701 : f32 to vector<1024x128xf32>
    %sub3A_703 = arith.subf %add3A_694, %sub3A_702 : vector<1024x128xf32>
    %integer_pow3A_704 = arith.mulf %sub3A_703, %sub3A_703 : vector<1024x128xf32>
    %reduce_sum3A_705 = vector.shape_cast %integer_pow3A_704 : vector<1024x128xf32> to vector<1x1024x128xf32>
    %reduce_sum3A_706 = arith.constant dense<0.000000e+00> : vector<1xf32>
    %reduce_sum3A_707 = vector.multi_reduction <add>, %reduce_sum3A_705, %reduce_sum3A_706 [1, 2] : vector<1x1024x128xf32> to vector<1xf32>
    %reduce_sum3A_708 = vector.shape_cast %reduce_sum3A_707 : vector<1xf32> to vector<1x1x1xf32>
    %reduce_sum3A_709 = vector.extract %reduce_sum3A_708[0, 0, 0] : f32 from vector<1x1x1xf32>
    %div3A_710 = arith.constant 1.310720e+05 : f32
    %div3A_711 = arith.divf %reduce_sum3A_709, %div3A_710 : f32
    %sub3A_712 = vector.broadcast %div3A_701 : f32 to vector<1024x128xf32>
    %sub3A_713 = arith.subf %add3A_694, %sub3A_712 : vector<1024x128xf32>
    %add3A_714 = arith.constant 9.99999974E-6 : f32
    %add3A_715 = arith.addf %div3A_711, %add3A_714 : f32
    %sqrt3A_716 = math.sqrt %add3A_715 : f32
    %div3A_717 = vector.broadcast %sqrt3A_716 : f32 to vector<1024x128xf32>
    %div3A_718 = arith.divf %sub3A_713, %div3A_717 : vector<1024x128xf32>
    %get3A_719 = arith.constant 0 : index
    %get3A_720 = arith.constant 14 : index
    %get3A_721 = memref.load %arg3[%get3A_719, %get3A_720] : memref<1x16xf32, #tpu.memory_space<smem>>
    %mul3A_722 = vector.broadcast %get3A_721 : f32 to vector<1024x128xf32>
    %mul3A_723 = arith.mulf %div3A_718, %mul3A_722 : vector<1024x128xf32>
    %get3A_724 = arith.constant 0 : index
    %get3A_725 = arith.constant 14 : index
    %get3A_726 = memref.load %arg4[%get3A_724, %get3A_725] : memref<1x16xf32, #tpu.memory_space<smem>>
    %add3A_727 = vector.broadcast %get3A_726 : f32 to vector<1024x128xf32>
    %add3A_728 = arith.addf %mul3A_723, %add3A_727 : vector<1024x128xf32>
    %max3A_729 = arith.constant 0.000000e+00 : f32
    %max3A_730 = vector.broadcast %max3A_729 : f32 to vector<1024x128xf32>
    %max3A_731 = arith.maximumf %add3A_728, %max3A_730 : vector<1024x128xf32>
    %get3A_732 = arith.constant 0 : index
    %get3A_733 = arith.constant 15 : index
    %get3A_734 = memref.load %arg1[%get3A_732, %get3A_733] : memref<1x16xf32, #tpu.memory_space<smem>>
    %convert_element_type3A_735 = arith.truncf %get3A_734 : f32 to bf16
    %convert_element_type3A_736 = arith.extf %convert_element_type3A_735 : bf16 to f32
    %mul3A_737 = vector.broadcast %convert_element_type3A_736 : f32 to vector<1024x128xf32>
    %mul3A_738 = arith.mulf %convert_element_type3A_4, %mul3A_737 : vector<1024x128xf32>
    %get3A_739 = arith.constant 0 : index
    %get3A_740 = arith.constant 15 : index
    %get3A_741 = memref.load %arg2[%get3A_739, %get3A_740] : memref<1x16xf32, #tpu.memory_space<smem>>
    %add3A_742 = vector.broadcast %get3A_741 : f32 to vector<1024x128xf32>
    %add3A_743 = arith.addf %mul3A_738, %add3A_742 : vector<1024x128xf32>
    %reduce_sum3A_744 = vector.shape_cast %add3A_743 : vector<1024x128xf32> to vector<1x1024x128xf32>
    %reduce_sum3A_745 = arith.constant dense<0.000000e+00> : vector<1xf32>
    %reduce_sum3A_746 = vector.multi_reduction <add>, %reduce_sum3A_744, %reduce_sum3A_745 [1, 2] : vector<1x1024x128xf32> to vector<1xf32>
    %reduce_sum3A_747 = vector.shape_cast %reduce_sum3A_746 : vector<1xf32> to vector<1x1x1xf32>
    %reduce_sum3A_748 = vector.extract %reduce_sum3A_747[0, 0, 0] : f32 from vector<1x1x1xf32>
    %div3A_749 = arith.constant 1.310720e+05 : f32
    %div3A_750 = arith.divf %reduce_sum3A_748, %div3A_749 : f32
    %sub3A_751 = vector.broadcast %div3A_750 : f32 to vector<1024x128xf32>
    %sub3A_752 = arith.subf %add3A_743, %sub3A_751 : vector<1024x128xf32>
    %integer_pow3A_753 = arith.mulf %sub3A_752, %sub3A_752 : vector<1024x128xf32>
    %reduce_sum3A_754 = vector.shape_cast %integer_pow3A_753 : vector<1024x128xf32> to vector<1x1024x128xf32>
    %reduce_sum3A_755 = arith.constant dense<0.000000e+00> : vector<1xf32>
    %reduce_sum3A_756 = vector.multi_reduction <add>, %reduce_sum3A_754, %reduce_sum3A_755 [1, 2] : vector<1x1024x128xf32> to vector<1xf32>
    %reduce_sum3A_757 = vector.shape_cast %reduce_sum3A_756 : vector<1xf32> to vector<1x1x1xf32>
    %reduce_sum3A_758 = vector.extract %reduce_sum3A_757[0, 0, 0] : f32 from vector<1x1x1xf32>
    %div3A_759 = arith.constant 1.310720e+05 : f32
    %div3A_760 = arith.divf %reduce_sum3A_758, %div3A_759 : f32
    %sub3A_761 = vector.broadcast %div3A_750 : f32 to vector<1024x128xf32>
    %sub3A_762 = arith.subf %add3A_743, %sub3A_761 : vector<1024x128xf32>
    %add3A_763 = arith.constant 9.99999974E-6 : f32
    %add3A_764 = arith.addf %div3A_760, %add3A_763 : f32
    %sqrt3A_765 = math.sqrt %add3A_764 : f32
    %div3A_766 = vector.broadcast %sqrt3A_765 : f32 to vector<1024x128xf32>
    %div3A_767 = arith.divf %sub3A_762, %div3A_766 : vector<1024x128xf32>
    %get3A_768 = arith.constant 0 : index
    %get3A_769 = arith.constant 15 : index
    %get3A_770 = memref.load %arg3[%get3A_768, %get3A_769] : memref<1x16xf32, #tpu.memory_space<smem>>
    %mul3A_771 = vector.broadcast %get3A_770 : f32 to vector<1024x128xf32>
    %mul3A_772 = arith.mulf %div3A_767, %mul3A_771 : vector<1024x128xf32>
    %get3A_773 = arith.constant 0 : index
    %get3A_774 = arith.constant 15 : index
    %get3A_775 = memref.load %arg4[%get3A_773, %get3A_774] : memref<1x16xf32, #tpu.memory_space<smem>>
    %add3A_776 = vector.broadcast %get3A_775 : f32 to vector<1024x128xf32>
    %add3A_777 = arith.addf %mul3A_772, %add3A_776 : vector<1024x128xf32>
    %max3A_778 = arith.constant 0.000000e+00 : f32
    %max3A_779 = vector.broadcast %max3A_778 : f32 to vector<1024x128xf32>
    %max3A_780 = arith.maximumf %add3A_777, %max3A_779 : vector<1024x128xf32>
    %convert_element_type3A_781 = arith.truncf %max3A_45 : vector<1024x128xf32> to vector<1024x128xbf16>
    %convert_element_type3A_782 = arith.extf %convert_element_type3A_781 : vector<1024x128xbf16> to vector<1024x128xf32>
    %convert_element_type3A_783 = arith.truncf %max3A_94 : vector<1024x128xf32> to vector<1024x128xbf16>
    %convert_element_type3A_784 = arith.extf %convert_element_type3A_783 : vector<1024x128xbf16> to vector<1024x128xf32>
    %convert_element_type3A_785 = arith.truncf %max3A_143 : vector<1024x128xf32> to vector<1024x128xbf16>
    %convert_element_type3A_786 = arith.extf %convert_element_type3A_785 : vector<1024x128xbf16> to vector<1024x128xf32>
    %convert_element_type3A_787 = arith.truncf %max3A_192 : vector<1024x128xf32> to vector<1024x128xbf16>
    %convert_element_type3A_788 = arith.extf %convert_element_type3A_787 : vector<1024x128xbf16> to vector<1024x128xf32>
    %convert_element_type3A_789 = arith.truncf %max3A_241 : vector<1024x128xf32> to vector<1024x128xbf16>
    %convert_element_type3A_790 = arith.extf %convert_element_type3A_789 : vector<1024x128xbf16> to vector<1024x128xf32>
    %convert_element_type3A_791 = arith.truncf %max3A_290 : vector<1024x128xf32> to vector<1024x128xbf16>
    %convert_element_type3A_792 = arith.extf %convert_element_type3A_791 : vector<1024x128xbf16> to vector<1024x128xf32>
    %convert_element_type3A_793 = arith.truncf %max3A_339 : vector<1024x128xf32> to vector<1024x128xbf16>
    %convert_element_type3A_794 = arith.extf %convert_element_type3A_793 : vector<1024x128xbf16> to vector<1024x128xf32>
    %convert_element_type3A_795 = arith.truncf %max3A_388 : vector<1024x128xf32> to vector<1024x128xbf16>
    %convert_element_type3A_796 = arith.extf %convert_element_type3A_795 : vector<1024x128xbf16> to vector<1024x128xf32>
    %convert_element_type3A_797 = arith.truncf %max3A_437 : vector<1024x128xf32> to vector<1024x128xbf16>
    %convert_element_type3A_798 = arith.extf %convert_element_type3A_797 : vector<1024x128xbf16> to vector<1024x128xf32>
    %convert_element_type3A_799 = arith.truncf %max3A_486 : vector<1024x128xf32> to vector<1024x128xbf16>
    %convert_element_type3A_800 = arith.extf %convert_element_type3A_799 : vector<1024x128xbf16> to vector<1024x128xf32>
    %convert_element_type3A_801 = arith.truncf %max3A_535 : vector<1024x128xf32> to vector<1024x128xbf16>
    %convert_element_type3A_802 = arith.extf %convert_element_type3A_801 : vector<1024x128xbf16> to vector<1024x128xf32>
    %convert_element_type3A_803 = arith.truncf %max3A_584 : vector<1024x128xf32> to vector<1024x128xbf16>
    %convert_element_type3A_804 = arith.extf %convert_element_type3A_803 : vector<1024x128xbf16> to vector<1024x128xf32>
    %convert_element_type3A_805 = arith.truncf %max3A_633 : vector<1024x128xf32> to vector<1024x128xbf16>
    %convert_element_type3A_806 = arith.extf %convert_element_type3A_805 : vector<1024x128xbf16> to vector<1024x128xf32>
    %convert_element_type3A_807 = arith.truncf %max3A_682 : vector<1024x128xf32> to vector<1024x128xbf16>
    %convert_element_type3A_808 = arith.extf %convert_element_type3A_807 : vector<1024x128xbf16> to vector<1024x128xf32>
    %convert_element_type3A_809 = arith.truncf %max3A_731 : vector<1024x128xf32> to vector<1024x128xbf16>
    %convert_element_type3A_810 = arith.extf %convert_element_type3A_809 : vector<1024x128xbf16> to vector<1024x128xf32>
    %convert_element_type3A_811 = arith.truncf %max3A_780 : vector<1024x128xf32> to vector<1024x128xbf16>
    %convert_element_type3A_812 = arith.extf %convert_element_type3A_811 : vector<1024x128xbf16> to vector<1024x128xf32>
    %get3A_813 = arith.constant 0 : index
    %get3A_814 = arith.constant 0 : index
    %get3A_815 = memref.load %arg5[%get3A_813, %get3A_814] : memref<16x8xf32, #tpu.memory_space<smem>>
    %convert_element_type3A_816 = arith.truncf %get3A_815 : f32 to bf16
    %convert_element_type3A_817 = arith.extf %convert_element_type3A_816 : bf16 to f32
    %mul3A_818 = vector.broadcast %convert_element_type3A_817 : f32 to vector<1024x128xf32>
    %mul3A_819 = arith.mulf %convert_element_type3A_782, %mul3A_818 : vector<1024x128xf32>
    %get3A_820 = arith.constant 1 : index
    %get3A_821 = arith.constant 0 : index
    %get3A_822 = memref.load %arg5[%get3A_820, %get3A_821] : memref<16x8xf32, #tpu.memory_space<smem>>
    %convert_element_type3A_823 = arith.truncf %get3A_822 : f32 to bf16
    %convert_element_type3A_824 = arith.extf %convert_element_type3A_823 : bf16 to f32
    %mul3A_825 = vector.broadcast %convert_element_type3A_824 : f32 to vector<1024x128xf32>
    %mul3A_826 = arith.mulf %convert_element_type3A_784, %mul3A_825 : vector<1024x128xf32>
    %add3A_827 = arith.addf %mul3A_819, %mul3A_826 : vector<1024x128xf32>
    %get3A_828 = arith.constant 2 : index
    %get3A_829 = arith.constant 0 : index
    %get3A_830 = memref.load %arg5[%get3A_828, %get3A_829] : memref<16x8xf32, #tpu.memory_space<smem>>
    %convert_element_type3A_831 = arith.truncf %get3A_830 : f32 to bf16
    %convert_element_type3A_832 = arith.extf %convert_element_type3A_831 : bf16 to f32
    %mul3A_833 = vector.broadcast %convert_element_type3A_832 : f32 to vector<1024x128xf32>
    %mul3A_834 = arith.mulf %convert_element_type3A_786, %mul3A_833 : vector<1024x128xf32>
    %add3A_835 = arith.addf %add3A_827, %mul3A_834 : vector<1024x128xf32>
    %get3A_836 = arith.constant 3 : index
    %get3A_837 = arith.constant 0 : index
    %get3A_838 = memref.load %arg5[%get3A_836, %get3A_837] : memref<16x8xf32, #tpu.memory_space<smem>>
    %convert_element_type3A_839 = arith.truncf %get3A_838 : f32 to bf16
    %convert_element_type3A_840 = arith.extf %convert_element_type3A_839 : bf16 to f32
    %mul3A_841 = vector.broadcast %convert_element_type3A_840 : f32 to vector<1024x128xf32>
    %mul3A_842 = arith.mulf %convert_element_type3A_788, %mul3A_841 : vector<1024x128xf32>
    %add3A_843 = arith.addf %add3A_835, %mul3A_842 : vector<1024x128xf32>
    %get3A_844 = arith.constant 4 : index
    %get3A_845 = arith.constant 0 : index
    %get3A_846 = memref.load %arg5[%get3A_844, %get3A_845] : memref<16x8xf32, #tpu.memory_space<smem>>
    %convert_element_type3A_847 = arith.truncf %get3A_846 : f32 to bf16
    %convert_element_type3A_848 = arith.extf %convert_element_type3A_847 : bf16 to f32
    %mul3A_849 = vector.broadcast %convert_element_type3A_848 : f32 to vector<1024x128xf32>
    %mul3A_850 = arith.mulf %convert_element_type3A_790, %mul3A_849 : vector<1024x128xf32>
    %add3A_851 = arith.addf %add3A_843, %mul3A_850 : vector<1024x128xf32>
    %get3A_852 = arith.constant 5 : index
    %get3A_853 = arith.constant 0 : index
    %get3A_854 = memref.load %arg5[%get3A_852, %get3A_853] : memref<16x8xf32, #tpu.memory_space<smem>>
    %convert_element_type3A_855 = arith.truncf %get3A_854 : f32 to bf16
    %convert_element_type3A_856 = arith.extf %convert_element_type3A_855 : bf16 to f32
    %mul3A_857 = vector.broadcast %convert_element_type3A_856 : f32 to vector<1024x128xf32>
    %mul3A_858 = arith.mulf %convert_element_type3A_792, %mul3A_857 : vector<1024x128xf32>
    %add3A_859 = arith.addf %add3A_851, %mul3A_858 : vector<1024x128xf32>
    %get3A_860 = arith.constant 6 : index
    %get3A_861 = arith.constant 0 : index
    %get3A_862 = memref.load %arg5[%get3A_860, %get3A_861] : memref<16x8xf32, #tpu.memory_space<smem>>
    %convert_element_type3A_863 = arith.truncf %get3A_862 : f32 to bf16
    %convert_element_type3A_864 = arith.extf %convert_element_type3A_863 : bf16 to f32
    %mul3A_865 = vector.broadcast %convert_element_type3A_864 : f32 to vector<1024x128xf32>
    %mul3A_866 = arith.mulf %convert_element_type3A_794, %mul3A_865 : vector<1024x128xf32>
    %add3A_867 = arith.addf %add3A_859, %mul3A_866 : vector<1024x128xf32>
    %get3A_868 = arith.constant 7 : index
    %get3A_869 = arith.constant 0 : index
    %get3A_870 = memref.load %arg5[%get3A_868, %get3A_869] : memref<16x8xf32, #tpu.memory_space<smem>>
    %convert_element_type3A_871 = arith.truncf %get3A_870 : f32 to bf16
    %convert_element_type3A_872 = arith.extf %convert_element_type3A_871 : bf16 to f32
    %mul3A_873 = vector.broadcast %convert_element_type3A_872 : f32 to vector<1024x128xf32>
    %mul3A_874 = arith.mulf %convert_element_type3A_796, %mul3A_873 : vector<1024x128xf32>
    %add3A_875 = arith.addf %add3A_867, %mul3A_874 : vector<1024x128xf32>
    %get3A_876 = arith.constant 8 : index
    %get3A_877 = arith.constant 0 : index
    %get3A_878 = memref.load %arg5[%get3A_876, %get3A_877] : memref<16x8xf32, #tpu.memory_space<smem>>
    %convert_element_type3A_879 = arith.truncf %get3A_878 : f32 to bf16
    %convert_element_type3A_880 = arith.extf %convert_element_type3A_879 : bf16 to f32
    %mul3A_881 = vector.broadcast %convert_element_type3A_880 : f32 to vector<1024x128xf32>
    %mul3A_882 = arith.mulf %convert_element_type3A_798, %mul3A_881 : vector<1024x128xf32>
    %add3A_883 = arith.addf %add3A_875, %mul3A_882 : vector<1024x128xf32>
    %get3A_884 = arith.constant 9 : index
    %get3A_885 = arith.constant 0 : index
    %get3A_886 = memref.load %arg5[%get3A_884, %get3A_885] : memref<16x8xf32, #tpu.memory_space<smem>>
    %convert_element_type3A_887 = arith.truncf %get3A_886 : f32 to bf16
    %convert_element_type3A_888 = arith.extf %convert_element_type3A_887 : bf16 to f32
    %mul3A_889 = vector.broadcast %convert_element_type3A_888 : f32 to vector<1024x128xf32>
    %mul3A_890 = arith.mulf %convert_element_type3A_800, %mul3A_889 : vector<1024x128xf32>
    %add3A_891 = arith.addf %add3A_883, %mul3A_890 : vector<1024x128xf32>
    %get3A_892 = arith.constant 10 : index
    %get3A_893 = arith.constant 0 : index
    %get3A_894 = memref.load %arg5[%get3A_892, %get3A_893] : memref<16x8xf32, #tpu.memory_space<smem>>
    %convert_element_type3A_895 = arith.truncf %get3A_894 : f32 to bf16
    %convert_element_type3A_896 = arith.extf %convert_element_type3A_895 : bf16 to f32
    %mul3A_897 = vector.broadcast %convert_element_type3A_896 : f32 to vector<1024x128xf32>
    %mul3A_898 = arith.mulf %convert_element_type3A_802, %mul3A_897 : vector<1024x128xf32>
    %add3A_899 = arith.addf %add3A_891, %mul3A_898 : vector<1024x128xf32>
    %get3A_900 = arith.constant 11 : index
    %get3A_901 = arith.constant 0 : index
    %get3A_902 = memref.load %arg5[%get3A_900, %get3A_901] : memref<16x8xf32, #tpu.memory_space<smem>>
    %convert_element_type3A_903 = arith.truncf %get3A_902 : f32 to bf16
    %convert_element_type3A_904 = arith.extf %convert_element_type3A_903 : bf16 to f32
    %mul3A_905 = vector.broadcast %convert_element_type3A_904 : f32 to vector<1024x128xf32>
    %mul3A_906 = arith.mulf %convert_element_type3A_804, %mul3A_905 : vector<1024x128xf32>
    %add3A_907 = arith.addf %add3A_899, %mul3A_906 : vector<1024x128xf32>
    %get3A_908 = arith.constant 12 : index
    %get3A_909 = arith.constant 0 : index
    %get3A_910 = memref.load %arg5[%get3A_908, %get3A_909] : memref<16x8xf32, #tpu.memory_space<smem>>
    %convert_element_type3A_911 = arith.truncf %get3A_910 : f32 to bf16
    %convert_element_type3A_912 = arith.extf %convert_element_type3A_911 : bf16 to f32
    %mul3A_913 = vector.broadcast %convert_element_type3A_912 : f32 to vector<1024x128xf32>
    %mul3A_914 = arith.mulf %convert_element_type3A_806, %mul3A_913 : vector<1024x128xf32>
    %add3A_915 = arith.addf %add3A_907, %mul3A_914 : vector<1024x128xf32>
    %get3A_916 = arith.constant 13 : index
    %get3A_917 = arith.constant 0 : index
    %get3A_918 = memref.load %arg5[%get3A_916, %get3A_917] : memref<16x8xf32, #tpu.memory_space<smem>>
    %convert_element_type3A_919 = arith.truncf %get3A_918 : f32 to bf16
    %convert_element_type3A_920 = arith.extf %convert_element_type3A_919 : bf16 to f32
    %mul3A_921 = vector.broadcast %convert_element_type3A_920 : f32 to vector<1024x128xf32>
    %mul3A_922 = arith.mulf %convert_element_type3A_808, %mul3A_921 : vector<1024x128xf32>
    %add3A_923 = arith.addf %add3A_915, %mul3A_922 : vector<1024x128xf32>
    %get3A_924 = arith.constant 14 : index
    %get3A_925 = arith.constant 0 : index
    %get3A_926 = memref.load %arg5[%get3A_924, %get3A_925] : memref<16x8xf32, #tpu.memory_space<smem>>
    %convert_element_type3A_927 = arith.truncf %get3A_926 : f32 to bf16
    %convert_element_type3A_928 = arith.extf %convert_element_type3A_927 : bf16 to f32
    %mul3A_929 = vector.broadcast %convert_element_type3A_928 : f32 to vector<1024x128xf32>
    %mul3A_930 = arith.mulf %convert_element_type3A_810, %mul3A_929 : vector<1024x128xf32>
    %add3A_931 = arith.addf %add3A_923, %mul3A_930 : vector<1024x128xf32>
    %get3A_932 = arith.constant 15 : index
    %get3A_933 = arith.constant 0 : index
    %get3A_934 = memref.load %arg5[%get3A_932, %get3A_933] : memref<16x8xf32, #tpu.memory_space<smem>>
    %convert_element_type3A_935 = arith.truncf %get3A_934 : f32 to bf16
    %convert_element_type3A_936 = arith.extf %convert_element_type3A_935 : bf16 to f32
    %mul3A_937 = vector.broadcast %convert_element_type3A_936 : f32 to vector<1024x128xf32>
    %mul3A_938 = arith.mulf %convert_element_type3A_812, %mul3A_937 : vector<1024x128xf32>
    %add3A_939 = arith.addf %add3A_931, %mul3A_938 : vector<1024x128xf32>
    %get3A_940 = arith.constant 0 : index
    %get3A_941 = arith.constant 0 : index
    %get3A_942 = memref.load %arg6[%get3A_940, %get3A_941] : memref<1x8xf32, #tpu.memory_space<smem>>
    %add3A_943 = vector.broadcast %get3A_942 : f32 to vector<1024x128xf32>
    %add3A_944 = arith.addf %add3A_939, %add3A_943 : vector<1024x128xf32>
    %reduce_sum3A_945 = vector.shape_cast %add3A_944 : vector<1024x128xf32> to vector<1x1024x128xf32>
    %reduce_sum3A_946 = arith.constant dense<0.000000e+00> : vector<1xf32>
    %reduce_sum3A_947 = vector.multi_reduction <add>, %reduce_sum3A_945, %reduce_sum3A_946 [1, 2] : vector<1x1024x128xf32> to vector<1xf32>
    %reduce_sum3A_948 = vector.shape_cast %reduce_sum3A_947 : vector<1xf32> to vector<1x1x1xf32>
    %reduce_sum3A_949 = vector.extract %reduce_sum3A_948[0, 0, 0] : f32 from vector<1x1x1xf32>
    %div3A_950 = arith.constant 1.310720e+05 : f32
    %div3A_951 = arith.divf %reduce_sum3A_949, %div3A_950 : f32
    %sub3A_952 = vector.broadcast %div3A_951 : f32 to vector<1024x128xf32>
    %sub3A_953 = arith.subf %add3A_944, %sub3A_952 : vector<1024x128xf32>
    %integer_pow3A_954 = arith.mulf %sub3A_953, %sub3A_953 : vector<1024x128xf32>
    %reduce_sum3A_955 = vector.shape_cast %integer_pow3A_954 : vector<1024x128xf32> to vector<1x1024x128xf32>
    %reduce_sum3A_956 = arith.constant dense<0.000000e+00> : vector<1xf32>
    %reduce_sum3A_957 = vector.multi_reduction <add>, %reduce_sum3A_955, %reduce_sum3A_956 [1, 2] : vector<1x1024x128xf32> to vector<1xf32>
    %reduce_sum3A_958 = vector.shape_cast %reduce_sum3A_957 : vector<1xf32> to vector<1x1x1xf32>
    %reduce_sum3A_959 = vector.extract %reduce_sum3A_958[0, 0, 0] : f32 from vector<1x1x1xf32>
    %div3A_960 = arith.constant 1.310720e+05 : f32
    %div3A_961 = arith.divf %reduce_sum3A_959, %div3A_960 : f32
    %sub3A_962 = vector.broadcast %div3A_951 : f32 to vector<1024x128xf32>
    %sub3A_963 = arith.subf %add3A_944, %sub3A_962 : vector<1024x128xf32>
    %add3A_964 = arith.constant 9.99999974E-6 : f32
    %add3A_965 = arith.addf %div3A_961, %add3A_964 : f32
    %sqrt3A_966 = math.sqrt %add3A_965 : f32
    %div3A_967 = vector.broadcast %sqrt3A_966 : f32 to vector<1024x128xf32>
    %div3A_968 = arith.divf %sub3A_963, %div3A_967 : vector<1024x128xf32>
    %get3A_969 = arith.constant 0 : index
    %get3A_970 = arith.constant 0 : index
    %get3A_971 = memref.load %arg7[%get3A_969, %get3A_970] : memref<1x8xf32, #tpu.memory_space<smem>>
    %mul3A_972 = vector.broadcast %get3A_971 : f32 to vector<1024x128xf32>
    %mul3A_973 = arith.mulf %div3A_968, %mul3A_972 : vector<1024x128xf32>
    %get3A_974 = arith.constant 0 : index
    %get3A_975 = arith.constant 0 : index
    %get3A_976 = memref.load %arg8[%get3A_974, %get3A_975] : memref<1x8xf32, #tpu.memory_space<smem>>
    %add3A_977 = vector.broadcast %get3A_976 : f32 to vector<1024x128xf32>
    %add3A_978 = arith.addf %mul3A_973, %add3A_977 : vector<1024x128xf32>
    %max3A_979 = arith.constant 0.000000e+00 : f32
    %max3A_980 = vector.broadcast %max3A_979 : f32 to vector<1024x128xf32>
    %max3A_981 = arith.maximumf %add3A_978, %max3A_980 : vector<1024x128xf32>
    %get3A_982 = arith.constant 0 : index
    %get3A_983 = arith.constant 1 : index
    %get3A_984 = memref.load %arg5[%get3A_982, %get3A_983] : memref<16x8xf32, #tpu.memory_space<smem>>
    %convert_element_type3A_985 = arith.truncf %get3A_984 : f32 to bf16
    %convert_element_type3A_986 = arith.extf %convert_element_type3A_985 : bf16 to f32
    %mul3A_987 = vector.broadcast %convert_element_type3A_986 : f32 to vector<1024x128xf32>
    %mul3A_988 = arith.mulf %convert_element_type3A_782, %mul3A_987 : vector<1024x128xf32>
    %get3A_989 = arith.constant 1 : index
    %get3A_990 = arith.constant 1 : index
    %get3A_991 = memref.load %arg5[%get3A_989, %get3A_990] : memref<16x8xf32, #tpu.memory_space<smem>>
    %convert_element_type3A_992 = arith.truncf %get3A_991 : f32 to bf16
    %convert_element_type3A_993 = arith.extf %convert_element_type3A_992 : bf16 to f32
    %mul3A_994 = vector.broadcast %convert_element_type3A_993 : f32 to vector<1024x128xf32>
    %mul3A_995 = arith.mulf %convert_element_type3A_784, %mul3A_994 : vector<1024x128xf32>
    %add3A_996 = arith.addf %mul3A_988, %mul3A_995 : vector<1024x128xf32>
    %get3A_997 = arith.constant 2 : index
    %get3A_998 = arith.constant 1 : index
    %get3A_999 = memref.load %arg5[%get3A_997, %get3A_998] : memref<16x8xf32, #tpu.memory_space<smem>>
    %convert_element_type3A_1000 = arith.truncf %get3A_999 : f32 to bf16
    %convert_element_type3A_1001 = arith.extf %convert_element_type3A_1000 : bf16 to f32
    %mul3A_1002 = vector.broadcast %convert_element_type3A_1001 : f32 to vector<1024x128xf32>
    %mul3A_1003 = arith.mulf %convert_element_type3A_786, %mul3A_1002 : vector<1024x128xf32>
    %add3A_1004 = arith.addf %add3A_996, %mul3A_1003 : vector<1024x128xf32>
    %get3A_1005 = arith.constant 3 : index
    %get3A_1006 = arith.constant 1 : index
    %get3A_1007 = memref.load %arg5[%get3A_1005, %get3A_1006] : memref<16x8xf32, #tpu.memory_space<smem>>
    %convert_element_type3A_1008 = arith.truncf %get3A_1007 : f32 to bf16
    %convert_element_type3A_1009 = arith.extf %convert_element_type3A_1008 : bf16 to f32
    %mul3A_1010 = vector.broadcast %convert_element_type3A_1009 : f32 to vector<1024x128xf32>
    %mul3A_1011 = arith.mulf %convert_element_type3A_788, %mul3A_1010 : vector<1024x128xf32>
    %add3A_1012 = arith.addf %add3A_1004, %mul3A_1011 : vector<1024x128xf32>
    %get3A_1013 = arith.constant 4 : index
    %get3A_1014 = arith.constant 1 : index
    %get3A_1015 = memref.load %arg5[%get3A_1013, %get3A_1014] : memref<16x8xf32, #tpu.memory_space<smem>>
    %convert_element_type3A_1016 = arith.truncf %get3A_1015 : f32 to bf16
    %convert_element_type3A_1017 = arith.extf %convert_element_type3A_1016 : bf16 to f32
    %mul3A_1018 = vector.broadcast %convert_element_type3A_1017 : f32 to vector<1024x128xf32>
    %mul3A_1019 = arith.mulf %convert_element_type3A_790, %mul3A_1018 : vector<1024x128xf32>
    %add3A_1020 = arith.addf %add3A_1012, %mul3A_1019 : vector<1024x128xf32>
    %get3A_1021 = arith.constant 5 : index
    %get3A_1022 = arith.constant 1 : index
    %get3A_1023 = memref.load %arg5[%get3A_1021, %get3A_1022] : memref<16x8xf32, #tpu.memory_space<smem>>
    %convert_element_type3A_1024 = arith.truncf %get3A_1023 : f32 to bf16
    %convert_element_type3A_1025 = arith.extf %convert_element_type3A_1024 : bf16 to f32
    %mul3A_1026 = vector.broadcast %convert_element_type3A_1025 : f32 to vector<1024x128xf32>
    %mul3A_1027 = arith.mulf %convert_element_type3A_792, %mul3A_1026 : vector<1024x128xf32>
    %add3A_1028 = arith.addf %add3A_1020, %mul3A_1027 : vector<1024x128xf32>
    %get3A_1029 = arith.constant 6 : index
    %get3A_1030 = arith.constant 1 : index
    %get3A_1031 = memref.load %arg5[%get3A_1029, %get3A_1030] : memref<16x8xf32, #tpu.memory_space<smem>>
    %convert_element_type3A_1032 = arith.truncf %get3A_1031 : f32 to bf16
    %convert_element_type3A_1033 = arith.extf %convert_element_type3A_1032 : bf16 to f32
    %mul3A_1034 = vector.broadcast %convert_element_type3A_1033 : f32 to vector<1024x128xf32>
    %mul3A_1035 = arith.mulf %convert_element_type3A_794, %mul3A_1034 : vector<1024x128xf32>
    %add3A_1036 = arith.addf %add3A_1028, %mul3A_1035 : vector<1024x128xf32>
    %get3A_1037 = arith.constant 7 : index
    %get3A_1038 = arith.constant 1 : index
    %get3A_1039 = memref.load %arg5[%get3A_1037, %get3A_1038] : memref<16x8xf32, #tpu.memory_space<smem>>
    %convert_element_type3A_1040 = arith.truncf %get3A_1039 : f32 to bf16
    %convert_element_type3A_1041 = arith.extf %convert_element_type3A_1040 : bf16 to f32
    %mul3A_1042 = vector.broadcast %convert_element_type3A_1041 : f32 to vector<1024x128xf32>
    %mul3A_1043 = arith.mulf %convert_element_type3A_796, %mul3A_1042 : vector<1024x128xf32>
    %add3A_1044 = arith.addf %add3A_1036, %mul3A_1043 : vector<1024x128xf32>
    %get3A_1045 = arith.constant 8 : index
    %get3A_1046 = arith.constant 1 : index
    %get3A_1047 = memref.load %arg5[%get3A_1045, %get3A_1046] : memref<16x8xf32, #tpu.memory_space<smem>>
    %convert_element_type3A_1048 = arith.truncf %get3A_1047 : f32 to bf16
    %convert_element_type3A_1049 = arith.extf %convert_element_type3A_1048 : bf16 to f32
    %mul3A_1050 = vector.broadcast %convert_element_type3A_1049 : f32 to vector<1024x128xf32>
    %mul3A_1051 = arith.mulf %convert_element_type3A_798, %mul3A_1050 : vector<1024x128xf32>
    %add3A_1052 = arith.addf %add3A_1044, %mul3A_1051 : vector<1024x128xf32>
    %get3A_1053 = arith.constant 9 : index
    %get3A_1054 = arith.constant 1 : index
    %get3A_1055 = memref.load %arg5[%get3A_1053, %get3A_1054] : memref<16x8xf32, #tpu.memory_space<smem>>
    %convert_element_type3A_1056 = arith.truncf %get3A_1055 : f32 to bf16
    %convert_element_type3A_1057 = arith.extf %convert_element_type3A_1056 : bf16 to f32
    %mul3A_1058 = vector.broadcast %convert_element_type3A_1057 : f32 to vector<1024x128xf32>
    %mul3A_1059 = arith.mulf %convert_element_type3A_800, %mul3A_1058 : vector<1024x128xf32>
    %add3A_1060 = arith.addf %add3A_1052, %mul3A_1059 : vector<1024x128xf32>
    %get3A_1061 = arith.constant 10 : index
    %get3A_1062 = arith.constant 1 : index
    %get3A_1063 = memref.load %arg5[%get3A_1061, %get3A_1062] : memref<16x8xf32, #tpu.memory_space<smem>>
    %convert_element_type3A_1064 = arith.truncf %get3A_1063 : f32 to bf16
    %convert_element_type3A_1065 = arith.extf %convert_element_type3A_1064 : bf16 to f32
    %mul3A_1066 = vector.broadcast %convert_element_type3A_1065 : f32 to vector<1024x128xf32>
    %mul3A_1067 = arith.mulf %convert_element_type3A_802, %mul3A_1066 : vector<1024x128xf32>
    %add3A_1068 = arith.addf %add3A_1060, %mul3A_1067 : vector<1024x128xf32>
    %get3A_1069 = arith.constant 11 : index
    %get3A_1070 = arith.constant 1 : index
    %get3A_1071 = memref.load %arg5[%get3A_1069, %get3A_1070] : memref<16x8xf32, #tpu.memory_space<smem>>
    %convert_element_type3A_1072 = arith.truncf %get3A_1071 : f32 to bf16
    %convert_element_type3A_1073 = arith.extf %convert_element_type3A_1072 : bf16 to f32
    %mul3A_1074 = vector.broadcast %convert_element_type3A_1073 : f32 to vector<1024x128xf32>
    %mul3A_1075 = arith.mulf %convert_element_type3A_804, %mul3A_1074 : vector<1024x128xf32>
    %add3A_1076 = arith.addf %add3A_1068, %mul3A_1075 : vector<1024x128xf32>
    %get3A_1077 = arith.constant 12 : index
    %get3A_1078 = arith.constant 1 : index
    %get3A_1079 = memref.load %arg5[%get3A_1077, %get3A_1078] : memref<16x8xf32, #tpu.memory_space<smem>>
    %convert_element_type3A_1080 = arith.truncf %get3A_1079 : f32 to bf16
    %convert_element_type3A_1081 = arith.extf %convert_element_type3A_1080 : bf16 to f32
    %mul3A_1082 = vector.broadcast %convert_element_type3A_1081 : f32 to vector<1024x128xf32>
    %mul3A_1083 = arith.mulf %convert_element_type3A_806, %mul3A_1082 : vector<1024x128xf32>
    %add3A_1084 = arith.addf %add3A_1076, %mul3A_1083 : vector<1024x128xf32>
    %get3A_1085 = arith.constant 13 : index
    %get3A_1086 = arith.constant 1 : index
    %get3A_1087 = memref.load %arg5[%get3A_1085, %get3A_1086] : memref<16x8xf32, #tpu.memory_space<smem>>
    %convert_element_type3A_1088 = arith.truncf %get3A_1087 : f32 to bf16
    %convert_element_type3A_1089 = arith.extf %convert_element_type3A_1088 : bf16 to f32
    %mul3A_1090 = vector.broadcast %convert_element_type3A_1089 : f32 to vector<1024x128xf32>
    %mul3A_1091 = arith.mulf %convert_element_type3A_808, %mul3A_1090 : vector<1024x128xf32>
    %add3A_1092 = arith.addf %add3A_1084, %mul3A_1091 : vector<1024x128xf32>
    %get3A_1093 = arith.constant 14 : index
    %get3A_1094 = arith.constant 1 : index
    %get3A_1095 = memref.load %arg5[%get3A_1093, %get3A_1094] : memref<16x8xf32, #tpu.memory_space<smem>>
    %convert_element_type3A_1096 = arith.truncf %get3A_1095 : f32 to bf16
    %convert_element_type3A_1097 = arith.extf %convert_element_type3A_1096 : bf16 to f32
    %mul3A_1098 = vector.broadcast %convert_element_type3A_1097 : f32 to vector<1024x128xf32>
    %mul3A_1099 = arith.mulf %convert_element_type3A_810, %mul3A_1098 : vector<1024x128xf32>
    %add3A_1100 = arith.addf %add3A_1092, %mul3A_1099 : vector<1024x128xf32>
    %get3A_1101 = arith.constant 15 : index
    %get3A_1102 = arith.constant 1 : index
    %get3A_1103 = memref.load %arg5[%get3A_1101, %get3A_1102] : memref<16x8xf32, #tpu.memory_space<smem>>
    %convert_element_type3A_1104 = arith.truncf %get3A_1103 : f32 to bf16
    %convert_element_type3A_1105 = arith.extf %convert_element_type3A_1104 : bf16 to f32
    %mul3A_1106 = vector.broadcast %convert_element_type3A_1105 : f32 to vector<1024x128xf32>
    %mul3A_1107 = arith.mulf %convert_element_type3A_812, %mul3A_1106 : vector<1024x128xf32>
    %add3A_1108 = arith.addf %add3A_1100, %mul3A_1107 : vector<1024x128xf32>
    %get3A_1109 = arith.constant 0 : index
    %get3A_1110 = arith.constant 1 : index
    %get3A_1111 = memref.load %arg6[%get3A_1109, %get3A_1110] : memref<1x8xf32, #tpu.memory_space<smem>>
    %add3A_1112 = vector.broadcast %get3A_1111 : f32 to vector<1024x128xf32>
    %add3A_1113 = arith.addf %add3A_1108, %add3A_1112 : vector<1024x128xf32>
    %reduce_sum3A_1114 = vector.shape_cast %add3A_1113 : vector<1024x128xf32> to vector<1x1024x128xf32>
    %reduce_sum3A_1115 = arith.constant dense<0.000000e+00> : vector<1xf32>
    %reduce_sum3A_1116 = vector.multi_reduction <add>, %reduce_sum3A_1114, %reduce_sum3A_1115 [1, 2] : vector<1x1024x128xf32> to vector<1xf32>
    %reduce_sum3A_1117 = vector.shape_cast %reduce_sum3A_1116 : vector<1xf32> to vector<1x1x1xf32>
    %reduce_sum3A_1118 = vector.extract %reduce_sum3A_1117[0, 0, 0] : f32 from vector<1x1x1xf32>
    %div3A_1119 = arith.constant 1.310720e+05 : f32
    %div3A_1120 = arith.divf %reduce_sum3A_1118, %div3A_1119 : f32
    %sub3A_1121 = vector.broadcast %div3A_1120 : f32 to vector<1024x128xf32>
    %sub3A_1122 = arith.subf %add3A_1113, %sub3A_1121 : vector<1024x128xf32>
    %integer_pow3A_1123 = arith.mulf %sub3A_1122, %sub3A_1122 : vector<1024x128xf32>
    %reduce_sum3A_1124 = vector.shape_cast %integer_pow3A_1123 : vector<1024x128xf32> to vector<1x1024x128xf32>
    %reduce_sum3A_1125 = arith.constant dense<0.000000e+00> : vector<1xf32>
    %reduce_sum3A_1126 = vector.multi_reduction <add>, %reduce_sum3A_1124, %reduce_sum3A_1125 [1, 2] : vector<1x1024x128xf32> to vector<1xf32>
    %reduce_sum3A_1127 = vector.shape_cast %reduce_sum3A_1126 : vector<1xf32> to vector<1x1x1xf32>
    %reduce_sum3A_1128 = vector.extract %reduce_sum3A_1127[0, 0, 0] : f32 from vector<1x1x1xf32>
    %div3A_1129 = arith.constant 1.310720e+05 : f32
    %div3A_1130 = arith.divf %reduce_sum3A_1128, %div3A_1129 : f32
    %sub3A_1131 = vector.broadcast %div3A_1120 : f32 to vector<1024x128xf32>
    %sub3A_1132 = arith.subf %add3A_1113, %sub3A_1131 : vector<1024x128xf32>
    %add3A_1133 = arith.constant 9.99999974E-6 : f32
    %add3A_1134 = arith.addf %div3A_1130, %add3A_1133 : f32
    %sqrt3A_1135 = math.sqrt %add3A_1134 : f32
    %div3A_1136 = vector.broadcast %sqrt3A_1135 : f32 to vector<1024x128xf32>
    %div3A_1137 = arith.divf %sub3A_1132, %div3A_1136 : vector<1024x128xf32>
    %get3A_1138 = arith.constant 0 : index
    %get3A_1139 = arith.constant 1 : index
    %get3A_1140 = memref.load %arg7[%get3A_1138, %get3A_1139] : memref<1x8xf32, #tpu.memory_space<smem>>
    %mul3A_1141 = vector.broadcast %get3A_1140 : f32 to vector<1024x128xf32>
    %mul3A_1142 = arith.mulf %div3A_1137, %mul3A_1141 : vector<1024x128xf32>
    %get3A_1143 = arith.constant 0 : index
    %get3A_1144 = arith.constant 1 : index
    %get3A_1145 = memref.load %arg8[%get3A_1143, %get3A_1144] : memref<1x8xf32, #tpu.memory_space<smem>>
    %add3A_1146 = vector.broadcast %get3A_1145 : f32 to vector<1024x128xf32>
    %add3A_1147 = arith.addf %mul3A_1142, %add3A_1146 : vector<1024x128xf32>
    %max3A_1148 = arith.constant 0.000000e+00 : f32
    %max3A_1149 = vector.broadcast %max3A_1148 : f32 to vector<1024x128xf32>
    %max3A_1150 = arith.maximumf %add3A_1147, %max3A_1149 : vector<1024x128xf32>
    %get3A_1151 = arith.constant 0 : index
    %get3A_1152 = arith.constant 2 : index
    %get3A_1153 = memref.load %arg5[%get3A_1151, %get3A_1152] : memref<16x8xf32, #tpu.memory_space<smem>>
    %convert_element_type3A_1154 = arith.truncf %get3A_1153 : f32 to bf16
    %convert_element_type3A_1155 = arith.extf %convert_element_type3A_1154 : bf16 to f32
    %mul3A_1156 = vector.broadcast %convert_element_type3A_1155 : f32 to vector<1024x128xf32>
    %mul3A_1157 = arith.mulf %convert_element_type3A_782, %mul3A_1156 : vector<1024x128xf32>
    %get3A_1158 = arith.constant 1 : index
    %get3A_1159 = arith.constant 2 : index
    %get3A_1160 = memref.load %arg5[%get3A_1158, %get3A_1159] : memref<16x8xf32, #tpu.memory_space<smem>>
    %convert_element_type3A_1161 = arith.truncf %get3A_1160 : f32 to bf16
    %convert_element_type3A_1162 = arith.extf %convert_element_type3A_1161 : bf16 to f32
    %mul3A_1163 = vector.broadcast %convert_element_type3A_1162 : f32 to vector<1024x128xf32>
    %mul3A_1164 = arith.mulf %convert_element_type3A_784, %mul3A_1163 : vector<1024x128xf32>
    %add3A_1165 = arith.addf %mul3A_1157, %mul3A_1164 : vector<1024x128xf32>
    %get3A_1166 = arith.constant 2 : index
    %get3A_1167 = arith.constant 2 : index
    %get3A_1168 = memref.load %arg5[%get3A_1166, %get3A_1167] : memref<16x8xf32, #tpu.memory_space<smem>>
    %convert_element_type3A_1169 = arith.truncf %get3A_1168 : f32 to bf16
    %convert_element_type3A_1170 = arith.extf %convert_element_type3A_1169 : bf16 to f32
    %mul3A_1171 = vector.broadcast %convert_element_type3A_1170 : f32 to vector<1024x128xf32>
    %mul3A_1172 = arith.mulf %convert_element_type3A_786, %mul3A_1171 : vector<1024x128xf32>
    %add3A_1173 = arith.addf %add3A_1165, %mul3A_1172 : vector<1024x128xf32>
    %get3A_1174 = arith.constant 3 : index
    %get3A_1175 = arith.constant 2 : index
    %get3A_1176 = memref.load %arg5[%get3A_1174, %get3A_1175] : memref<16x8xf32, #tpu.memory_space<smem>>
    %convert_element_type3A_1177 = arith.truncf %get3A_1176 : f32 to bf16
    %convert_element_type3A_1178 = arith.extf %convert_element_type3A_1177 : bf16 to f32
    %mul3A_1179 = vector.broadcast %convert_element_type3A_1178 : f32 to vector<1024x128xf32>
    %mul3A_1180 = arith.mulf %convert_element_type3A_788, %mul3A_1179 : vector<1024x128xf32>
    %add3A_1181 = arith.addf %add3A_1173, %mul3A_1180 : vector<1024x128xf32>
    %get3A_1182 = arith.constant 4 : index
    %get3A_1183 = arith.constant 2 : index
    %get3A_1184 = memref.load %arg5[%get3A_1182, %get3A_1183] : memref<16x8xf32, #tpu.memory_space<smem>>
    %convert_element_type3A_1185 = arith.truncf %get3A_1184 : f32 to bf16
    %convert_element_type3A_1186 = arith.extf %convert_element_type3A_1185 : bf16 to f32
    %mul3A_1187 = vector.broadcast %convert_element_type3A_1186 : f32 to vector<1024x128xf32>
    %mul3A_1188 = arith.mulf %convert_element_type3A_790, %mul3A_1187 : vector<1024x128xf32>
    %add3A_1189 = arith.addf %add3A_1181, %mul3A_1188 : vector<1024x128xf32>
    %get3A_1190 = arith.constant 5 : index
    %get3A_1191 = arith.constant 2 : index
    %get3A_1192 = memref.load %arg5[%get3A_1190, %get3A_1191] : memref<16x8xf32, #tpu.memory_space<smem>>
    %convert_element_type3A_1193 = arith.truncf %get3A_1192 : f32 to bf16
    %convert_element_type3A_1194 = arith.extf %convert_element_type3A_1193 : bf16 to f32
    %mul3A_1195 = vector.broadcast %convert_element_type3A_1194 : f32 to vector<1024x128xf32>
    %mul3A_1196 = arith.mulf %convert_element_type3A_792, %mul3A_1195 : vector<1024x128xf32>
    %add3A_1197 = arith.addf %add3A_1189, %mul3A_1196 : vector<1024x128xf32>
    %get3A_1198 = arith.constant 6 : index
    %get3A_1199 = arith.constant 2 : index
    %get3A_1200 = memref.load %arg5[%get3A_1198, %get3A_1199] : memref<16x8xf32, #tpu.memory_space<smem>>
    %convert_element_type3A_1201 = arith.truncf %get3A_1200 : f32 to bf16
    %convert_element_type3A_1202 = arith.extf %convert_element_type3A_1201 : bf16 to f32
    %mul3A_1203 = vector.broadcast %convert_element_type3A_1202 : f32 to vector<1024x128xf32>
    %mul3A_1204 = arith.mulf %convert_element_type3A_794, %mul3A_1203 : vector<1024x128xf32>
    %add3A_1205 = arith.addf %add3A_1197, %mul3A_1204 : vector<1024x128xf32>
    %get3A_1206 = arith.constant 7 : index
    %get3A_1207 = arith.constant 2 : index
    %get3A_1208 = memref.load %arg5[%get3A_1206, %get3A_1207] : memref<16x8xf32, #tpu.memory_space<smem>>
    %convert_element_type3A_1209 = arith.truncf %get3A_1208 : f32 to bf16
    %convert_element_type3A_1210 = arith.extf %convert_element_type3A_1209 : bf16 to f32
    %mul3A_1211 = vector.broadcast %convert_element_type3A_1210 : f32 to vector<1024x128xf32>
    %mul3A_1212 = arith.mulf %convert_element_type3A_796, %mul3A_1211 : vector<1024x128xf32>
    %add3A_1213 = arith.addf %add3A_1205, %mul3A_1212 : vector<1024x128xf32>
    %get3A_1214 = arith.constant 8 : index
    %get3A_1215 = arith.constant 2 : index
    %get3A_1216 = memref.load %arg5[%get3A_1214, %get3A_1215] : memref<16x8xf32, #tpu.memory_space<smem>>
    %convert_element_type3A_1217 = arith.truncf %get3A_1216 : f32 to bf16
    %convert_element_type3A_1218 = arith.extf %convert_element_type3A_1217 : bf16 to f32
    %mul3A_1219 = vector.broadcast %convert_element_type3A_1218 : f32 to vector<1024x128xf32>
    %mul3A_1220 = arith.mulf %convert_element_type3A_798, %mul3A_1219 : vector<1024x128xf32>
    %add3A_1221 = arith.addf %add3A_1213, %mul3A_1220 : vector<1024x128xf32>
    %get3A_1222 = arith.constant 9 : index
    %get3A_1223 = arith.constant 2 : index
    %get3A_1224 = memref.load %arg5[%get3A_1222, %get3A_1223] : memref<16x8xf32, #tpu.memory_space<smem>>
    %convert_element_type3A_1225 = arith.truncf %get3A_1224 : f32 to bf16
    %convert_element_type3A_1226 = arith.extf %convert_element_type3A_1225 : bf16 to f32
    %mul3A_1227 = vector.broadcast %convert_element_type3A_1226 : f32 to vector<1024x128xf32>
    %mul3A_1228 = arith.mulf %convert_element_type3A_800, %mul3A_1227 : vector<1024x128xf32>
    %add3A_1229 = arith.addf %add3A_1221, %mul3A_1228 : vector<1024x128xf32>
    %get3A_1230 = arith.constant 10 : index
    %get3A_1231 = arith.constant 2 : index
    %get3A_1232 = memref.load %arg5[%get3A_1230, %get3A_1231] : memref<16x8xf32, #tpu.memory_space<smem>>
    %convert_element_type3A_1233 = arith.truncf %get3A_1232 : f32 to bf16
    %convert_element_type3A_1234 = arith.extf %convert_element_type3A_1233 : bf16 to f32
    %mul3A_1235 = vector.broadcast %convert_element_type3A_1234 : f32 to vector<1024x128xf32>
    %mul3A_1236 = arith.mulf %convert_element_type3A_802, %mul3A_1235 : vector<1024x128xf32>
    %add3A_1237 = arith.addf %add3A_1229, %mul3A_1236 : vector<1024x128xf32>
    %get3A_1238 = arith.constant 11 : index
    %get3A_1239 = arith.constant 2 : index
    %get3A_1240 = memref.load %arg5[%get3A_1238, %get3A_1239] : memref<16x8xf32, #tpu.memory_space<smem>>
    %convert_element_type3A_1241 = arith.truncf %get3A_1240 : f32 to bf16
    %convert_element_type3A_1242 = arith.extf %convert_element_type3A_1241 : bf16 to f32
    %mul3A_1243 = vector.broadcast %convert_element_type3A_1242 : f32 to vector<1024x128xf32>
    %mul3A_1244 = arith.mulf %convert_element_type3A_804, %mul3A_1243 : vector<1024x128xf32>
    %add3A_1245 = arith.addf %add3A_1237, %mul3A_1244 : vector<1024x128xf32>
    %get3A_1246 = arith.constant 12 : index
    %get3A_1247 = arith.constant 2 : index
    %get3A_1248 = memref.load %arg5[%get3A_1246, %get3A_1247] : memref<16x8xf32, #tpu.memory_space<smem>>
    %convert_element_type3A_1249 = arith.truncf %get3A_1248 : f32 to bf16
    %convert_element_type3A_1250 = arith.extf %convert_element_type3A_1249 : bf16 to f32
    %mul3A_1251 = vector.broadcast %convert_element_type3A_1250 : f32 to vector<1024x128xf32>
    %mul3A_1252 = arith.mulf %convert_element_type3A_806, %mul3A_1251 : vector<1024x128xf32>
    %add3A_1253 = arith.addf %add3A_1245, %mul3A_1252 : vector<1024x128xf32>
    %get3A_1254 = arith.constant 13 : index
    %get3A_1255 = arith.constant 2 : index
    %get3A_1256 = memref.load %arg5[%get3A_1254, %get3A_1255] : memref<16x8xf32, #tpu.memory_space<smem>>
    %convert_element_type3A_1257 = arith.truncf %get3A_1256 : f32 to bf16
    %convert_element_type3A_1258 = arith.extf %convert_element_type3A_1257 : bf16 to f32
    %mul3A_1259 = vector.broadcast %convert_element_type3A_1258 : f32 to vector<1024x128xf32>
    %mul3A_1260 = arith.mulf %convert_element_type3A_808, %mul3A_1259 : vector<1024x128xf32>
    %add3A_1261 = arith.addf %add3A_1253, %mul3A_1260 : vector<1024x128xf32>
    %get3A_1262 = arith.constant 14 : index
    %get3A_1263 = arith.constant 2 : index
    %get3A_1264 = memref.load %arg5[%get3A_1262, %get3A_1263] : memref<16x8xf32, #tpu.memory_space<smem>>
    %convert_element_type3A_1265 = arith.truncf %get3A_1264 : f32 to bf16
    %convert_element_type3A_1266 = arith.extf %convert_element_type3A_1265 : bf16 to f32
    %mul3A_1267 = vector.broadcast %convert_element_type3A_1266 : f32 to vector<1024x128xf32>
    %mul3A_1268 = arith.mulf %convert_element_type3A_810, %mul3A_1267 : vector<1024x128xf32>
    %add3A_1269 = arith.addf %add3A_1261, %mul3A_1268 : vector<1024x128xf32>
    %get3A_1270 = arith.constant 15 : index
    %get3A_1271 = arith.constant 2 : index
    %get3A_1272 = memref.load %arg5[%get3A_1270, %get3A_1271] : memref<16x8xf32, #tpu.memory_space<smem>>
    %convert_element_type3A_1273 = arith.truncf %get3A_1272 : f32 to bf16
    %convert_element_type3A_1274 = arith.extf %convert_element_type3A_1273 : bf16 to f32
    %mul3A_1275 = vector.broadcast %convert_element_type3A_1274 : f32 to vector<1024x128xf32>
    %mul3A_1276 = arith.mulf %convert_element_type3A_812, %mul3A_1275 : vector<1024x128xf32>
    %add3A_1277 = arith.addf %add3A_1269, %mul3A_1276 : vector<1024x128xf32>
    %get3A_1278 = arith.constant 0 : index
    %get3A_1279 = arith.constant 2 : index
    %get3A_1280 = memref.load %arg6[%get3A_1278, %get3A_1279] : memref<1x8xf32, #tpu.memory_space<smem>>
    %add3A_1281 = vector.broadcast %get3A_1280 : f32 to vector<1024x128xf32>
    %add3A_1282 = arith.addf %add3A_1277, %add3A_1281 : vector<1024x128xf32>
    %reduce_sum3A_1283 = vector.shape_cast %add3A_1282 : vector<1024x128xf32> to vector<1x1024x128xf32>
    %reduce_sum3A_1284 = arith.constant dense<0.000000e+00> : vector<1xf32>
    %reduce_sum3A_1285 = vector.multi_reduction <add>, %reduce_sum3A_1283, %reduce_sum3A_1284 [1, 2] : vector<1x1024x128xf32> to vector<1xf32>
    %reduce_sum3A_1286 = vector.shape_cast %reduce_sum3A_1285 : vector<1xf32> to vector<1x1x1xf32>
    %reduce_sum3A_1287 = vector.extract %reduce_sum3A_1286[0, 0, 0] : f32 from vector<1x1x1xf32>
    %div3A_1288 = arith.constant 1.310720e+05 : f32
    %div3A_1289 = arith.divf %reduce_sum3A_1287, %div3A_1288 : f32
    %sub3A_1290 = vector.broadcast %div3A_1289 : f32 to vector<1024x128xf32>
    %sub3A_1291 = arith.subf %add3A_1282, %sub3A_1290 : vector<1024x128xf32>
    %integer_pow3A_1292 = arith.mulf %sub3A_1291, %sub3A_1291 : vector<1024x128xf32>
    %reduce_sum3A_1293 = vector.shape_cast %integer_pow3A_1292 : vector<1024x128xf32> to vector<1x1024x128xf32>
    %reduce_sum3A_1294 = arith.constant dense<0.000000e+00> : vector<1xf32>
    %reduce_sum3A_1295 = vector.multi_reduction <add>, %reduce_sum3A_1293, %reduce_sum3A_1294 [1, 2] : vector<1x1024x128xf32> to vector<1xf32>
    %reduce_sum3A_1296 = vector.shape_cast %reduce_sum3A_1295 : vector<1xf32> to vector<1x1x1xf32>
    %reduce_sum3A_1297 = vector.extract %reduce_sum3A_1296[0, 0, 0] : f32 from vector<1x1x1xf32>
    %div3A_1298 = arith.constant 1.310720e+05 : f32
    %div3A_1299 = arith.divf %reduce_sum3A_1297, %div3A_1298 : f32
    %sub3A_1300 = vector.broadcast %div3A_1289 : f32 to vector<1024x128xf32>
    %sub3A_1301 = arith.subf %add3A_1282, %sub3A_1300 : vector<1024x128xf32>
    %add3A_1302 = arith.constant 9.99999974E-6 : f32
    %add3A_1303 = arith.addf %div3A_1299, %add3A_1302 : f32
    %sqrt3A_1304 = math.sqrt %add3A_1303 : f32
    %div3A_1305 = vector.broadcast %sqrt3A_1304 : f32 to vector<1024x128xf32>
    %div3A_1306 = arith.divf %sub3A_1301, %div3A_1305 : vector<1024x128xf32>
    %get3A_1307 = arith.constant 0 : index
    %get3A_1308 = arith.constant 2 : index
    %get3A_1309 = memref.load %arg7[%get3A_1307, %get3A_1308] : memref<1x8xf32, #tpu.memory_space<smem>>
    %mul3A_1310 = vector.broadcast %get3A_1309 : f32 to vector<1024x128xf32>
    %mul3A_1311 = arith.mulf %div3A_1306, %mul3A_1310 : vector<1024x128xf32>
    %get3A_1312 = arith.constant 0 : index
    %get3A_1313 = arith.constant 2 : index
    %get3A_1314 = memref.load %arg8[%get3A_1312, %get3A_1313] : memref<1x8xf32, #tpu.memory_space<smem>>
    %add3A_1315 = vector.broadcast %get3A_1314 : f32 to vector<1024x128xf32>
    %add3A_1316 = arith.addf %mul3A_1311, %add3A_1315 : vector<1024x128xf32>
    %max3A_1317 = arith.constant 0.000000e+00 : f32
    %max3A_1318 = vector.broadcast %max3A_1317 : f32 to vector<1024x128xf32>
    %max3A_1319 = arith.maximumf %add3A_1316, %max3A_1318 : vector<1024x128xf32>
    %get3A_1320 = arith.constant 0 : index
    %get3A_1321 = arith.constant 3 : index
    %get3A_1322 = memref.load %arg5[%get3A_1320, %get3A_1321] : memref<16x8xf32, #tpu.memory_space<smem>>
    %convert_element_type3A_1323 = arith.truncf %get3A_1322 : f32 to bf16
    %convert_element_type3A_1324 = arith.extf %convert_element_type3A_1323 : bf16 to f32
    %mul3A_1325 = vector.broadcast %convert_element_type3A_1324 : f32 to vector<1024x128xf32>
    %mul3A_1326 = arith.mulf %convert_element_type3A_782, %mul3A_1325 : vector<1024x128xf32>
    %get3A_1327 = arith.constant 1 : index
    %get3A_1328 = arith.constant 3 : index
    %get3A_1329 = memref.load %arg5[%get3A_1327, %get3A_1328] : memref<16x8xf32, #tpu.memory_space<smem>>
    %convert_element_type3A_1330 = arith.truncf %get3A_1329 : f32 to bf16
    %convert_element_type3A_1331 = arith.extf %convert_element_type3A_1330 : bf16 to f32
    %mul3A_1332 = vector.broadcast %convert_element_type3A_1331 : f32 to vector<1024x128xf32>
    %mul3A_1333 = arith.mulf %convert_element_type3A_784, %mul3A_1332 : vector<1024x128xf32>
    %add3A_1334 = arith.addf %mul3A_1326, %mul3A_1333 : vector<1024x128xf32>
    %get3A_1335 = arith.constant 2 : index
    %get3A_1336 = arith.constant 3 : index
    %get3A_1337 = memref.load %arg5[%get3A_1335, %get3A_1336] : memref<16x8xf32, #tpu.memory_space<smem>>
    %convert_element_type3A_1338 = arith.truncf %get3A_1337 : f32 to bf16
    %convert_element_type3A_1339 = arith.extf %convert_element_type3A_1338 : bf16 to f32
    %mul3A_1340 = vector.broadcast %convert_element_type3A_1339 : f32 to vector<1024x128xf32>
    %mul3A_1341 = arith.mulf %convert_element_type3A_786, %mul3A_1340 : vector<1024x128xf32>
    %add3A_1342 = arith.addf %add3A_1334, %mul3A_1341 : vector<1024x128xf32>
    %get3A_1343 = arith.constant 3 : index
    %get3A_1344 = arith.constant 3 : index
    %get3A_1345 = memref.load %arg5[%get3A_1343, %get3A_1344] : memref<16x8xf32, #tpu.memory_space<smem>>
    %convert_element_type3A_1346 = arith.truncf %get3A_1345 : f32 to bf16
    %convert_element_type3A_1347 = arith.extf %convert_element_type3A_1346 : bf16 to f32
    %mul3A_1348 = vector.broadcast %convert_element_type3A_1347 : f32 to vector<1024x128xf32>
    %mul3A_1349 = arith.mulf %convert_element_type3A_788, %mul3A_1348 : vector<1024x128xf32>
    %add3A_1350 = arith.addf %add3A_1342, %mul3A_1349 : vector<1024x128xf32>
    %get3A_1351 = arith.constant 4 : index
    %get3A_1352 = arith.constant 3 : index
    %get3A_1353 = memref.load %arg5[%get3A_1351, %get3A_1352] : memref<16x8xf32, #tpu.memory_space<smem>>
    %convert_element_type3A_1354 = arith.truncf %get3A_1353 : f32 to bf16
    %convert_element_type3A_1355 = arith.extf %convert_element_type3A_1354 : bf16 to f32
    %mul3A_1356 = vector.broadcast %convert_element_type3A_1355 : f32 to vector<1024x128xf32>
    %mul3A_1357 = arith.mulf %convert_element_type3A_790, %mul3A_1356 : vector<1024x128xf32>
    %add3A_1358 = arith.addf %add3A_1350, %mul3A_1357 : vector<1024x128xf32>
    %get3A_1359 = arith.constant 5 : index
    %get3A_1360 = arith.constant 3 : index
    %get3A_1361 = memref.load %arg5[%get3A_1359, %get3A_1360] : memref<16x8xf32, #tpu.memory_space<smem>>
    %convert_element_type3A_1362 = arith.truncf %get3A_1361 : f32 to bf16
    %convert_element_type3A_1363 = arith.extf %convert_element_type3A_1362 : bf16 to f32
    %mul3A_1364 = vector.broadcast %convert_element_type3A_1363 : f32 to vector<1024x128xf32>
    %mul3A_1365 = arith.mulf %convert_element_type3A_792, %mul3A_1364 : vector<1024x128xf32>
    %add3A_1366 = arith.addf %add3A_1358, %mul3A_1365 : vector<1024x128xf32>
    %get3A_1367 = arith.constant 6 : index
    %get3A_1368 = arith.constant 3 : index
    %get3A_1369 = memref.load %arg5[%get3A_1367, %get3A_1368] : memref<16x8xf32, #tpu.memory_space<smem>>
    %convert_element_type3A_1370 = arith.truncf %get3A_1369 : f32 to bf16
    %convert_element_type3A_1371 = arith.extf %convert_element_type3A_1370 : bf16 to f32
    %mul3A_1372 = vector.broadcast %convert_element_type3A_1371 : f32 to vector<1024x128xf32>
    %mul3A_1373 = arith.mulf %convert_element_type3A_794, %mul3A_1372 : vector<1024x128xf32>
    %add3A_1374 = arith.addf %add3A_1366, %mul3A_1373 : vector<1024x128xf32>
    %get3A_1375 = arith.constant 7 : index
    %get3A_1376 = arith.constant 3 : index
    %get3A_1377 = memref.load %arg5[%get3A_1375, %get3A_1376] : memref<16x8xf32, #tpu.memory_space<smem>>
    %convert_element_type3A_1378 = arith.truncf %get3A_1377 : f32 to bf16
    %convert_element_type3A_1379 = arith.extf %convert_element_type3A_1378 : bf16 to f32
    %mul3A_1380 = vector.broadcast %convert_element_type3A_1379 : f32 to vector<1024x128xf32>
    %mul3A_1381 = arith.mulf %convert_element_type3A_796, %mul3A_1380 : vector<1024x128xf32>
    %add3A_1382 = arith.addf %add3A_1374, %mul3A_1381 : vector<1024x128xf32>
    %get3A_1383 = arith.constant 8 : index
    %get3A_1384 = arith.constant 3 : index
    %get3A_1385 = memref.load %arg5[%get3A_1383, %get3A_1384] : memref<16x8xf32, #tpu.memory_space<smem>>
    %convert_element_type3A_1386 = arith.truncf %get3A_1385 : f32 to bf16
    %convert_element_type3A_1387 = arith.extf %convert_element_type3A_1386 : bf16 to f32
    %mul3A_1388 = vector.broadcast %convert_element_type3A_1387 : f32 to vector<1024x128xf32>
    %mul3A_1389 = arith.mulf %convert_element_type3A_798, %mul3A_1388 : vector<1024x128xf32>
    %add3A_1390 = arith.addf %add3A_1382, %mul3A_1389 : vector<1024x128xf32>
    %get3A_1391 = arith.constant 9 : index
    %get3A_1392 = arith.constant 3 : index
    %get3A_1393 = memref.load %arg5[%get3A_1391, %get3A_1392] : memref<16x8xf32, #tpu.memory_space<smem>>
    %convert_element_type3A_1394 = arith.truncf %get3A_1393 : f32 to bf16
    %convert_element_type3A_1395 = arith.extf %convert_element_type3A_1394 : bf16 to f32
    %mul3A_1396 = vector.broadcast %convert_element_type3A_1395 : f32 to vector<1024x128xf32>
    %mul3A_1397 = arith.mulf %convert_element_type3A_800, %mul3A_1396 : vector<1024x128xf32>
    %add3A_1398 = arith.addf %add3A_1390, %mul3A_1397 : vector<1024x128xf32>
    %get3A_1399 = arith.constant 10 : index
    %get3A_1400 = arith.constant 3 : index
    %get3A_1401 = memref.load %arg5[%get3A_1399, %get3A_1400] : memref<16x8xf32, #tpu.memory_space<smem>>
    %convert_element_type3A_1402 = arith.truncf %get3A_1401 : f32 to bf16
    %convert_element_type3A_1403 = arith.extf %convert_element_type3A_1402 : bf16 to f32
    %mul3A_1404 = vector.broadcast %convert_element_type3A_1403 : f32 to vector<1024x128xf32>
    %mul3A_1405 = arith.mulf %convert_element_type3A_802, %mul3A_1404 : vector<1024x128xf32>
    %add3A_1406 = arith.addf %add3A_1398, %mul3A_1405 : vector<1024x128xf32>
    %get3A_1407 = arith.constant 11 : index
    %get3A_1408 = arith.constant 3 : index
    %get3A_1409 = memref.load %arg5[%get3A_1407, %get3A_1408] : memref<16x8xf32, #tpu.memory_space<smem>>
    %convert_element_type3A_1410 = arith.truncf %get3A_1409 : f32 to bf16
    %convert_element_type3A_1411 = arith.extf %convert_element_type3A_1410 : bf16 to f32
    %mul3A_1412 = vector.broadcast %convert_element_type3A_1411 : f32 to vector<1024x128xf32>
    %mul3A_1413 = arith.mulf %convert_element_type3A_804, %mul3A_1412 : vector<1024x128xf32>
    %add3A_1414 = arith.addf %add3A_1406, %mul3A_1413 : vector<1024x128xf32>
    %get3A_1415 = arith.constant 12 : index
    %get3A_1416 = arith.constant 3 : index
    %get3A_1417 = memref.load %arg5[%get3A_1415, %get3A_1416] : memref<16x8xf32, #tpu.memory_space<smem>>
    %convert_element_type3A_1418 = arith.truncf %get3A_1417 : f32 to bf16
    %convert_element_type3A_1419 = arith.extf %convert_element_type3A_1418 : bf16 to f32
    %mul3A_1420 = vector.broadcast %convert_element_type3A_1419 : f32 to vector<1024x128xf32>
    %mul3A_1421 = arith.mulf %convert_element_type3A_806, %mul3A_1420 : vector<1024x128xf32>
    %add3A_1422 = arith.addf %add3A_1414, %mul3A_1421 : vector<1024x128xf32>
    %get3A_1423 = arith.constant 13 : index
    %get3A_1424 = arith.constant 3 : index
    %get3A_1425 = memref.load %arg5[%get3A_1423, %get3A_1424] : memref<16x8xf32, #tpu.memory_space<smem>>
    %convert_element_type3A_1426 = arith.truncf %get3A_1425 : f32 to bf16
    %convert_element_type3A_1427 = arith.extf %convert_element_type3A_1426 : bf16 to f32
    %mul3A_1428 = vector.broadcast %convert_element_type3A_1427 : f32 to vector<1024x128xf32>
    %mul3A_1429 = arith.mulf %convert_element_type3A_808, %mul3A_1428 : vector<1024x128xf32>
    %add3A_1430 = arith.addf %add3A_1422, %mul3A_1429 : vector<1024x128xf32>
    %get3A_1431 = arith.constant 14 : index
    %get3A_1432 = arith.constant 3 : index
    %get3A_1433 = memref.load %arg5[%get3A_1431, %get3A_1432] : memref<16x8xf32, #tpu.memory_space<smem>>
    %convert_element_type3A_1434 = arith.truncf %get3A_1433 : f32 to bf16
    %convert_element_type3A_1435 = arith.extf %convert_element_type3A_1434 : bf16 to f32
    %mul3A_1436 = vector.broadcast %convert_element_type3A_1435 : f32 to vector<1024x128xf32>
    %mul3A_1437 = arith.mulf %convert_element_type3A_810, %mul3A_1436 : vector<1024x128xf32>
    %add3A_1438 = arith.addf %add3A_1430, %mul3A_1437 : vector<1024x128xf32>
    %get3A_1439 = arith.constant 15 : index
    %get3A_1440 = arith.constant 3 : index
    %get3A_1441 = memref.load %arg5[%get3A_1439, %get3A_1440] : memref<16x8xf32, #tpu.memory_space<smem>>
    %convert_element_type3A_1442 = arith.truncf %get3A_1441 : f32 to bf16
    %convert_element_type3A_1443 = arith.extf %convert_element_type3A_1442 : bf16 to f32
    %mul3A_1444 = vector.broadcast %convert_element_type3A_1443 : f32 to vector<1024x128xf32>
    %mul3A_1445 = arith.mulf %convert_element_type3A_812, %mul3A_1444 : vector<1024x128xf32>
    %add3A_1446 = arith.addf %add3A_1438, %mul3A_1445 : vector<1024x128xf32>
    %get3A_1447 = arith.constant 0 : index
    %get3A_1448 = arith.constant 3 : index
    %get3A_1449 = memref.load %arg6[%get3A_1447, %get3A_1448] : memref<1x8xf32, #tpu.memory_space<smem>>
    %add3A_1450 = vector.broadcast %get3A_1449 : f32 to vector<1024x128xf32>
    %add3A_1451 = arith.addf %add3A_1446, %add3A_1450 : vector<1024x128xf32>
    %reduce_sum3A_1452 = vector.shape_cast %add3A_1451 : vector<1024x128xf32> to vector<1x1024x128xf32>
    %reduce_sum3A_1453 = arith.constant dense<0.000000e+00> : vector<1xf32>
    %reduce_sum3A_1454 = vector.multi_reduction <add>, %reduce_sum3A_1452, %reduce_sum3A_1453 [1, 2] : vector<1x1024x128xf32> to vector<1xf32>
    %reduce_sum3A_1455 = vector.shape_cast %reduce_sum3A_1454 : vector<1xf32> to vector<1x1x1xf32>
    %reduce_sum3A_1456 = vector.extract %reduce_sum3A_1455[0, 0, 0] : f32 from vector<1x1x1xf32>
    %div3A_1457 = arith.constant 1.310720e+05 : f32
    %div3A_1458 = arith.divf %reduce_sum3A_1456, %div3A_1457 : f32
    %sub3A_1459 = vector.broadcast %div3A_1458 : f32 to vector<1024x128xf32>
    %sub3A_1460 = arith.subf %add3A_1451, %sub3A_1459 : vector<1024x128xf32>
    %integer_pow3A_1461 = arith.mulf %sub3A_1460, %sub3A_1460 : vector<1024x128xf32>
    %reduce_sum3A_1462 = vector.shape_cast %integer_pow3A_1461 : vector<1024x128xf32> to vector<1x1024x128xf32>
    %reduce_sum3A_1463 = arith.constant dense<0.000000e+00> : vector<1xf32>
    %reduce_sum3A_1464 = vector.multi_reduction <add>, %reduce_sum3A_1462, %reduce_sum3A_1463 [1, 2] : vector<1x1024x128xf32> to vector<1xf32>
    %reduce_sum3A_1465 = vector.shape_cast %reduce_sum3A_1464 : vector<1xf32> to vector<1x1x1xf32>
    %reduce_sum3A_1466 = vector.extract %reduce_sum3A_1465[0, 0, 0] : f32 from vector<1x1x1xf32>
    %div3A_1467 = arith.constant 1.310720e+05 : f32
    %div3A_1468 = arith.divf %reduce_sum3A_1466, %div3A_1467 : f32
    %sub3A_1469 = vector.broadcast %div3A_1458 : f32 to vector<1024x128xf32>
    %sub3A_1470 = arith.subf %add3A_1451, %sub3A_1469 : vector<1024x128xf32>
    %add3A_1471 = arith.constant 9.99999974E-6 : f32
    %add3A_1472 = arith.addf %div3A_1468, %add3A_1471 : f32
    %sqrt3A_1473 = math.sqrt %add3A_1472 : f32
    %div3A_1474 = vector.broadcast %sqrt3A_1473 : f32 to vector<1024x128xf32>
    %div3A_1475 = arith.divf %sub3A_1470, %div3A_1474 : vector<1024x128xf32>
    %get3A_1476 = arith.constant 0 : index
    %get3A_1477 = arith.constant 3 : index
    %get3A_1478 = memref.load %arg7[%get3A_1476, %get3A_1477] : memref<1x8xf32, #tpu.memory_space<smem>>
    %mul3A_1479 = vector.broadcast %get3A_1478 : f32 to vector<1024x128xf32>
    %mul3A_1480 = arith.mulf %div3A_1475, %mul3A_1479 : vector<1024x128xf32>
    %get3A_1481 = arith.constant 0 : index
    %get3A_1482 = arith.constant 3 : index
    %get3A_1483 = memref.load %arg8[%get3A_1481, %get3A_1482] : memref<1x8xf32, #tpu.memory_space<smem>>
    %add3A_1484 = vector.broadcast %get3A_1483 : f32 to vector<1024x128xf32>
    %add3A_1485 = arith.addf %mul3A_1480, %add3A_1484 : vector<1024x128xf32>
    %max3A_1486 = arith.constant 0.000000e+00 : f32
    %max3A_1487 = vector.broadcast %max3A_1486 : f32 to vector<1024x128xf32>
    %max3A_1488 = arith.maximumf %add3A_1485, %max3A_1487 : vector<1024x128xf32>
    %get3A_1489 = arith.constant 0 : index
    %get3A_1490 = arith.constant 4 : index
    %get3A_1491 = memref.load %arg5[%get3A_1489, %get3A_1490] : memref<16x8xf32, #tpu.memory_space<smem>>
    %convert_element_type3A_1492 = arith.truncf %get3A_1491 : f32 to bf16
    %convert_element_type3A_1493 = arith.extf %convert_element_type3A_1492 : bf16 to f32
    %mul3A_1494 = vector.broadcast %convert_element_type3A_1493 : f32 to vector<1024x128xf32>
    %mul3A_1495 = arith.mulf %convert_element_type3A_782, %mul3A_1494 : vector<1024x128xf32>
    %get3A_1496 = arith.constant 1 : index
    %get3A_1497 = arith.constant 4 : index
    %get3A_1498 = memref.load %arg5[%get3A_1496, %get3A_1497] : memref<16x8xf32, #tpu.memory_space<smem>>
    %convert_element_type3A_1499 = arith.truncf %get3A_1498 : f32 to bf16
    %convert_element_type3A_1500 = arith.extf %convert_element_type3A_1499 : bf16 to f32
    %mul3A_1501 = vector.broadcast %convert_element_type3A_1500 : f32 to vector<1024x128xf32>
    %mul3A_1502 = arith.mulf %convert_element_type3A_784, %mul3A_1501 : vector<1024x128xf32>
    %add3A_1503 = arith.addf %mul3A_1495, %mul3A_1502 : vector<1024x128xf32>
    %get3A_1504 = arith.constant 2 : index
    %get3A_1505 = arith.constant 4 : index
    %get3A_1506 = memref.load %arg5[%get3A_1504, %get3A_1505] : memref<16x8xf32, #tpu.memory_space<smem>>
    %convert_element_type3A_1507 = arith.truncf %get3A_1506 : f32 to bf16
    %convert_element_type3A_1508 = arith.extf %convert_element_type3A_1507 : bf16 to f32
    %mul3A_1509 = vector.broadcast %convert_element_type3A_1508 : f32 to vector<1024x128xf32>
    %mul3A_1510 = arith.mulf %convert_element_type3A_786, %mul3A_1509 : vector<1024x128xf32>
    %add3A_1511 = arith.addf %add3A_1503, %mul3A_1510 : vector<1024x128xf32>
    %get3A_1512 = arith.constant 3 : index
    %get3A_1513 = arith.constant 4 : index
    %get3A_1514 = memref.load %arg5[%get3A_1512, %get3A_1513] : memref<16x8xf32, #tpu.memory_space<smem>>
    %convert_element_type3A_1515 = arith.truncf %get3A_1514 : f32 to bf16
    %convert_element_type3A_1516 = arith.extf %convert_element_type3A_1515 : bf16 to f32
    %mul3A_1517 = vector.broadcast %convert_element_type3A_1516 : f32 to vector<1024x128xf32>
    %mul3A_1518 = arith.mulf %convert_element_type3A_788, %mul3A_1517 : vector<1024x128xf32>
    %add3A_1519 = arith.addf %add3A_1511, %mul3A_1518 : vector<1024x128xf32>
    %get3A_1520 = arith.constant 4 : index
    %get3A_1521 = arith.constant 4 : index
    %get3A_1522 = memref.load %arg5[%get3A_1520, %get3A_1521] : memref<16x8xf32, #tpu.memory_space<smem>>
    %convert_element_type3A_1523 = arith.truncf %get3A_1522 : f32 to bf16
    %convert_element_type3A_1524 = arith.extf %convert_element_type3A_1523 : bf16 to f32
    %mul3A_1525 = vector.broadcast %convert_element_type3A_1524 : f32 to vector<1024x128xf32>
    %mul3A_1526 = arith.mulf %convert_element_type3A_790, %mul3A_1525 : vector<1024x128xf32>
    %add3A_1527 = arith.addf %add3A_1519, %mul3A_1526 : vector<1024x128xf32>
    %get3A_1528 = arith.constant 5 : index
    %get3A_1529 = arith.constant 4 : index
    %get3A_1530 = memref.load %arg5[%get3A_1528, %get3A_1529] : memref<16x8xf32, #tpu.memory_space<smem>>
    %convert_element_type3A_1531 = arith.truncf %get3A_1530 : f32 to bf16
    %convert_element_type3A_1532 = arith.extf %convert_element_type3A_1531 : bf16 to f32
    %mul3A_1533 = vector.broadcast %convert_element_type3A_1532 : f32 to vector<1024x128xf32>
    %mul3A_1534 = arith.mulf %convert_element_type3A_792, %mul3A_1533 : vector<1024x128xf32>
    %add3A_1535 = arith.addf %add3A_1527, %mul3A_1534 : vector<1024x128xf32>
    %get3A_1536 = arith.constant 6 : index
    %get3A_1537 = arith.constant 4 : index
    %get3A_1538 = memref.load %arg5[%get3A_1536, %get3A_1537] : memref<16x8xf32, #tpu.memory_space<smem>>
    %convert_element_type3A_1539 = arith.truncf %get3A_1538 : f32 to bf16
    %convert_element_type3A_1540 = arith.extf %convert_element_type3A_1539 : bf16 to f32
    %mul3A_1541 = vector.broadcast %convert_element_type3A_1540 : f32 to vector<1024x128xf32>
    %mul3A_1542 = arith.mulf %convert_element_type3A_794, %mul3A_1541 : vector<1024x128xf32>
    %add3A_1543 = arith.addf %add3A_1535, %mul3A_1542 : vector<1024x128xf32>
    %get3A_1544 = arith.constant 7 : index
    %get3A_1545 = arith.constant 4 : index
    %get3A_1546 = memref.load %arg5[%get3A_1544, %get3A_1545] : memref<16x8xf32, #tpu.memory_space<smem>>
    %convert_element_type3A_1547 = arith.truncf %get3A_1546 : f32 to bf16
    %convert_element_type3A_1548 = arith.extf %convert_element_type3A_1547 : bf16 to f32
    %mul3A_1549 = vector.broadcast %convert_element_type3A_1548 : f32 to vector<1024x128xf32>
    %mul3A_1550 = arith.mulf %convert_element_type3A_796, %mul3A_1549 : vector<1024x128xf32>
    %add3A_1551 = arith.addf %add3A_1543, %mul3A_1550 : vector<1024x128xf32>
    %get3A_1552 = arith.constant 8 : index
    %get3A_1553 = arith.constant 4 : index
    %get3A_1554 = memref.load %arg5[%get3A_1552, %get3A_1553] : memref<16x8xf32, #tpu.memory_space<smem>>
    %convert_element_type3A_1555 = arith.truncf %get3A_1554 : f32 to bf16
    %convert_element_type3A_1556 = arith.extf %convert_element_type3A_1555 : bf16 to f32
    %mul3A_1557 = vector.broadcast %convert_element_type3A_1556 : f32 to vector<1024x128xf32>
    %mul3A_1558 = arith.mulf %convert_element_type3A_798, %mul3A_1557 : vector<1024x128xf32>
    %add3A_1559 = arith.addf %add3A_1551, %mul3A_1558 : vector<1024x128xf32>
    %get3A_1560 = arith.constant 9 : index
    %get3A_1561 = arith.constant 4 : index
    %get3A_1562 = memref.load %arg5[%get3A_1560, %get3A_1561] : memref<16x8xf32, #tpu.memory_space<smem>>
    %convert_element_type3A_1563 = arith.truncf %get3A_1562 : f32 to bf16
    %convert_element_type3A_1564 = arith.extf %convert_element_type3A_1563 : bf16 to f32
    %mul3A_1565 = vector.broadcast %convert_element_type3A_1564 : f32 to vector<1024x128xf32>
    %mul3A_1566 = arith.mulf %convert_element_type3A_800, %mul3A_1565 : vector<1024x128xf32>
    %add3A_1567 = arith.addf %add3A_1559, %mul3A_1566 : vector<1024x128xf32>
    %get3A_1568 = arith.constant 10 : index
    %get3A_1569 = arith.constant 4 : index
    %get3A_1570 = memref.load %arg5[%get3A_1568, %get3A_1569] : memref<16x8xf32, #tpu.memory_space<smem>>
    %convert_element_type3A_1571 = arith.truncf %get3A_1570 : f32 to bf16
    %convert_element_type3A_1572 = arith.extf %convert_element_type3A_1571 : bf16 to f32
    %mul3A_1573 = vector.broadcast %convert_element_type3A_1572 : f32 to vector<1024x128xf32>
    %mul3A_1574 = arith.mulf %convert_element_type3A_802, %mul3A_1573 : vector<1024x128xf32>
    %add3A_1575 = arith.addf %add3A_1567, %mul3A_1574 : vector<1024x128xf32>
    %get3A_1576 = arith.constant 11 : index
    %get3A_1577 = arith.constant 4 : index
    %get3A_1578 = memref.load %arg5[%get3A_1576, %get3A_1577] : memref<16x8xf32, #tpu.memory_space<smem>>
    %convert_element_type3A_1579 = arith.truncf %get3A_1578 : f32 to bf16
    %convert_element_type3A_1580 = arith.extf %convert_element_type3A_1579 : bf16 to f32
    %mul3A_1581 = vector.broadcast %convert_element_type3A_1580 : f32 to vector<1024x128xf32>
    %mul3A_1582 = arith.mulf %convert_element_type3A_804, %mul3A_1581 : vector<1024x128xf32>
    %add3A_1583 = arith.addf %add3A_1575, %mul3A_1582 : vector<1024x128xf32>
    %get3A_1584 = arith.constant 12 : index
    %get3A_1585 = arith.constant 4 : index
    %get3A_1586 = memref.load %arg5[%get3A_1584, %get3A_1585] : memref<16x8xf32, #tpu.memory_space<smem>>
    %convert_element_type3A_1587 = arith.truncf %get3A_1586 : f32 to bf16
    %convert_element_type3A_1588 = arith.extf %convert_element_type3A_1587 : bf16 to f32
    %mul3A_1589 = vector.broadcast %convert_element_type3A_1588 : f32 to vector<1024x128xf32>
    %mul3A_1590 = arith.mulf %convert_element_type3A_806, %mul3A_1589 : vector<1024x128xf32>
    %add3A_1591 = arith.addf %add3A_1583, %mul3A_1590 : vector<1024x128xf32>
    %get3A_1592 = arith.constant 13 : index
    %get3A_1593 = arith.constant 4 : index
    %get3A_1594 = memref.load %arg5[%get3A_1592, %get3A_1593] : memref<16x8xf32, #tpu.memory_space<smem>>
    %convert_element_type3A_1595 = arith.truncf %get3A_1594 : f32 to bf16
    %convert_element_type3A_1596 = arith.extf %convert_element_type3A_1595 : bf16 to f32
    %mul3A_1597 = vector.broadcast %convert_element_type3A_1596 : f32 to vector<1024x128xf32>
    %mul3A_1598 = arith.mulf %convert_element_type3A_808, %mul3A_1597 : vector<1024x128xf32>
    %add3A_1599 = arith.addf %add3A_1591, %mul3A_1598 : vector<1024x128xf32>
    %get3A_1600 = arith.constant 14 : index
    %get3A_1601 = arith.constant 4 : index
    %get3A_1602 = memref.load %arg5[%get3A_1600, %get3A_1601] : memref<16x8xf32, #tpu.memory_space<smem>>
    %convert_element_type3A_1603 = arith.truncf %get3A_1602 : f32 to bf16
    %convert_element_type3A_1604 = arith.extf %convert_element_type3A_1603 : bf16 to f32
    %mul3A_1605 = vector.broadcast %convert_element_type3A_1604 : f32 to vector<1024x128xf32>
    %mul3A_1606 = arith.mulf %convert_element_type3A_810, %mul3A_1605 : vector<1024x128xf32>
    %add3A_1607 = arith.addf %add3A_1599, %mul3A_1606 : vector<1024x128xf32>
    %get3A_1608 = arith.constant 15 : index
    %get3A_1609 = arith.constant 4 : index
    %get3A_1610 = memref.load %arg5[%get3A_1608, %get3A_1609] : memref<16x8xf32, #tpu.memory_space<smem>>
    %convert_element_type3A_1611 = arith.truncf %get3A_1610 : f32 to bf16
    %convert_element_type3A_1612 = arith.extf %convert_element_type3A_1611 : bf16 to f32
    %mul3A_1613 = vector.broadcast %convert_element_type3A_1612 : f32 to vector<1024x128xf32>
    %mul3A_1614 = arith.mulf %convert_element_type3A_812, %mul3A_1613 : vector<1024x128xf32>
    %add3A_1615 = arith.addf %add3A_1607, %mul3A_1614 : vector<1024x128xf32>
    %get3A_1616 = arith.constant 0 : index
    %get3A_1617 = arith.constant 4 : index
    %get3A_1618 = memref.load %arg6[%get3A_1616, %get3A_1617] : memref<1x8xf32, #tpu.memory_space<smem>>
    %add3A_1619 = vector.broadcast %get3A_1618 : f32 to vector<1024x128xf32>
    %add3A_1620 = arith.addf %add3A_1615, %add3A_1619 : vector<1024x128xf32>
    %reduce_sum3A_1621 = vector.shape_cast %add3A_1620 : vector<1024x128xf32> to vector<1x1024x128xf32>
    %reduce_sum3A_1622 = arith.constant dense<0.000000e+00> : vector<1xf32>
    %reduce_sum3A_1623 = vector.multi_reduction <add>, %reduce_sum3A_1621, %reduce_sum3A_1622 [1, 2] : vector<1x1024x128xf32> to vector<1xf32>
    %reduce_sum3A_1624 = vector.shape_cast %reduce_sum3A_1623 : vector<1xf32> to vector<1x1x1xf32>
    %reduce_sum3A_1625 = vector.extract %reduce_sum3A_1624[0, 0, 0] : f32 from vector<1x1x1xf32>
    %div3A_1626 = arith.constant 1.310720e+05 : f32
    %div3A_1627 = arith.divf %reduce_sum3A_1625, %div3A_1626 : f32
    %sub3A_1628 = vector.broadcast %div3A_1627 : f32 to vector<1024x128xf32>
    %sub3A_1629 = arith.subf %add3A_1620, %sub3A_1628 : vector<1024x128xf32>
    %integer_pow3A_1630 = arith.mulf %sub3A_1629, %sub3A_1629 : vector<1024x128xf32>
    %reduce_sum3A_1631 = vector.shape_cast %integer_pow3A_1630 : vector<1024x128xf32> to vector<1x1024x128xf32>
    %reduce_sum3A_1632 = arith.constant dense<0.000000e+00> : vector<1xf32>
    %reduce_sum3A_1633 = vector.multi_reduction <add>, %reduce_sum3A_1631, %reduce_sum3A_1632 [1, 2] : vector<1x1024x128xf32> to vector<1xf32>
    %reduce_sum3A_1634 = vector.shape_cast %reduce_sum3A_1633 : vector<1xf32> to vector<1x1x1xf32>
    %reduce_sum3A_1635 = vector.extract %reduce_sum3A_1634[0, 0, 0] : f32 from vector<1x1x1xf32>
    %div3A_1636 = arith.constant 1.310720e+05 : f32
    %div3A_1637 = arith.divf %reduce_sum3A_1635, %div3A_1636 : f32
    %sub3A_1638 = vector.broadcast %div3A_1627 : f32 to vector<1024x128xf32>
    %sub3A_1639 = arith.subf %add3A_1620, %sub3A_1638 : vector<1024x128xf32>
    %add3A_1640 = arith.constant 9.99999974E-6 : f32
    %add3A_1641 = arith.addf %div3A_1637, %add3A_1640 : f32
    %sqrt3A_1642 = math.sqrt %add3A_1641 : f32
    %div3A_1643 = vector.broadcast %sqrt3A_1642 : f32 to vector<1024x128xf32>
    %div3A_1644 = arith.divf %sub3A_1639, %div3A_1643 : vector<1024x128xf32>
    %get3A_1645 = arith.constant 0 : index
    %get3A_1646 = arith.constant 4 : index
    %get3A_1647 = memref.load %arg7[%get3A_1645, %get3A_1646] : memref<1x8xf32, #tpu.memory_space<smem>>
    %mul3A_1648 = vector.broadcast %get3A_1647 : f32 to vector<1024x128xf32>
    %mul3A_1649 = arith.mulf %div3A_1644, %mul3A_1648 : vector<1024x128xf32>
    %get3A_1650 = arith.constant 0 : index
    %get3A_1651 = arith.constant 4 : index
    %get3A_1652 = memref.load %arg8[%get3A_1650, %get3A_1651] : memref<1x8xf32, #tpu.memory_space<smem>>
    %add3A_1653 = vector.broadcast %get3A_1652 : f32 to vector<1024x128xf32>
    %add3A_1654 = arith.addf %mul3A_1649, %add3A_1653 : vector<1024x128xf32>
    %max3A_1655 = arith.constant 0.000000e+00 : f32
    %max3A_1656 = vector.broadcast %max3A_1655 : f32 to vector<1024x128xf32>
    %max3A_1657 = arith.maximumf %add3A_1654, %max3A_1656 : vector<1024x128xf32>
    %get3A_1658 = arith.constant 0 : index
    %get3A_1659 = arith.constant 5 : index
    %get3A_1660 = memref.load %arg5[%get3A_1658, %get3A_1659] : memref<16x8xf32, #tpu.memory_space<smem>>
    %convert_element_type3A_1661 = arith.truncf %get3A_1660 : f32 to bf16
    %convert_element_type3A_1662 = arith.extf %convert_element_type3A_1661 : bf16 to f32
    %mul3A_1663 = vector.broadcast %convert_element_type3A_1662 : f32 to vector<1024x128xf32>
    %mul3A_1664 = arith.mulf %convert_element_type3A_782, %mul3A_1663 : vector<1024x128xf32>
    %get3A_1665 = arith.constant 1 : index
    %get3A_1666 = arith.constant 5 : index
    %get3A_1667 = memref.load %arg5[%get3A_1665, %get3A_1666] : memref<16x8xf32, #tpu.memory_space<smem>>
    %convert_element_type3A_1668 = arith.truncf %get3A_1667 : f32 to bf16
    %convert_element_type3A_1669 = arith.extf %convert_element_type3A_1668 : bf16 to f32
    %mul3A_1670 = vector.broadcast %convert_element_type3A_1669 : f32 to vector<1024x128xf32>
    %mul3A_1671 = arith.mulf %convert_element_type3A_784, %mul3A_1670 : vector<1024x128xf32>
    %add3A_1672 = arith.addf %mul3A_1664, %mul3A_1671 : vector<1024x128xf32>
    %get3A_1673 = arith.constant 2 : index
    %get3A_1674 = arith.constant 5 : index
    %get3A_1675 = memref.load %arg5[%get3A_1673, %get3A_1674] : memref<16x8xf32, #tpu.memory_space<smem>>
    %convert_element_type3A_1676 = arith.truncf %get3A_1675 : f32 to bf16
    %convert_element_type3A_1677 = arith.extf %convert_element_type3A_1676 : bf16 to f32
    %mul3A_1678 = vector.broadcast %convert_element_type3A_1677 : f32 to vector<1024x128xf32>
    %mul3A_1679 = arith.mulf %convert_element_type3A_786, %mul3A_1678 : vector<1024x128xf32>
    %add3A_1680 = arith.addf %add3A_1672, %mul3A_1679 : vector<1024x128xf32>
    %get3A_1681 = arith.constant 3 : index
    %get3A_1682 = arith.constant 5 : index
    %get3A_1683 = memref.load %arg5[%get3A_1681, %get3A_1682] : memref<16x8xf32, #tpu.memory_space<smem>>
    %convert_element_type3A_1684 = arith.truncf %get3A_1683 : f32 to bf16
    %convert_element_type3A_1685 = arith.extf %convert_element_type3A_1684 : bf16 to f32
    %mul3A_1686 = vector.broadcast %convert_element_type3A_1685 : f32 to vector<1024x128xf32>
    %mul3A_1687 = arith.mulf %convert_element_type3A_788, %mul3A_1686 : vector<1024x128xf32>
    %add3A_1688 = arith.addf %add3A_1680, %mul3A_1687 : vector<1024x128xf32>
    %get3A_1689 = arith.constant 4 : index
    %get3A_1690 = arith.constant 5 : index
    %get3A_1691 = memref.load %arg5[%get3A_1689, %get3A_1690] : memref<16x8xf32, #tpu.memory_space<smem>>
    %convert_element_type3A_1692 = arith.truncf %get3A_1691 : f32 to bf16
    %convert_element_type3A_1693 = arith.extf %convert_element_type3A_1692 : bf16 to f32
    %mul3A_1694 = vector.broadcast %convert_element_type3A_1693 : f32 to vector<1024x128xf32>
    %mul3A_1695 = arith.mulf %convert_element_type3A_790, %mul3A_1694 : vector<1024x128xf32>
    %add3A_1696 = arith.addf %add3A_1688, %mul3A_1695 : vector<1024x128xf32>
    %get3A_1697 = arith.constant 5 : index
    %get3A_1698 = arith.constant 5 : index
    %get3A_1699 = memref.load %arg5[%get3A_1697, %get3A_1698] : memref<16x8xf32, #tpu.memory_space<smem>>
    %convert_element_type3A_1700 = arith.truncf %get3A_1699 : f32 to bf16
    %convert_element_type3A_1701 = arith.extf %convert_element_type3A_1700 : bf16 to f32
    %mul3A_1702 = vector.broadcast %convert_element_type3A_1701 : f32 to vector<1024x128xf32>
    %mul3A_1703 = arith.mulf %convert_element_type3A_792, %mul3A_1702 : vector<1024x128xf32>
    %add3A_1704 = arith.addf %add3A_1696, %mul3A_1703 : vector<1024x128xf32>
    %get3A_1705 = arith.constant 6 : index
    %get3A_1706 = arith.constant 5 : index
    %get3A_1707 = memref.load %arg5[%get3A_1705, %get3A_1706] : memref<16x8xf32, #tpu.memory_space<smem>>
    %convert_element_type3A_1708 = arith.truncf %get3A_1707 : f32 to bf16
    %convert_element_type3A_1709 = arith.extf %convert_element_type3A_1708 : bf16 to f32
    %mul3A_1710 = vector.broadcast %convert_element_type3A_1709 : f32 to vector<1024x128xf32>
    %mul3A_1711 = arith.mulf %convert_element_type3A_794, %mul3A_1710 : vector<1024x128xf32>
    %add3A_1712 = arith.addf %add3A_1704, %mul3A_1711 : vector<1024x128xf32>
    %get3A_1713 = arith.constant 7 : index
    %get3A_1714 = arith.constant 5 : index
    %get3A_1715 = memref.load %arg5[%get3A_1713, %get3A_1714] : memref<16x8xf32, #tpu.memory_space<smem>>
    %convert_element_type3A_1716 = arith.truncf %get3A_1715 : f32 to bf16
    %convert_element_type3A_1717 = arith.extf %convert_element_type3A_1716 : bf16 to f32
    %mul3A_1718 = vector.broadcast %convert_element_type3A_1717 : f32 to vector<1024x128xf32>
    %mul3A_1719 = arith.mulf %convert_element_type3A_796, %mul3A_1718 : vector<1024x128xf32>
    %add3A_1720 = arith.addf %add3A_1712, %mul3A_1719 : vector<1024x128xf32>
    %get3A_1721 = arith.constant 8 : index
    %get3A_1722 = arith.constant 5 : index
    %get3A_1723 = memref.load %arg5[%get3A_1721, %get3A_1722] : memref<16x8xf32, #tpu.memory_space<smem>>
    %convert_element_type3A_1724 = arith.truncf %get3A_1723 : f32 to bf16
    %convert_element_type3A_1725 = arith.extf %convert_element_type3A_1724 : bf16 to f32
    %mul3A_1726 = vector.broadcast %convert_element_type3A_1725 : f32 to vector<1024x128xf32>
    %mul3A_1727 = arith.mulf %convert_element_type3A_798, %mul3A_1726 : vector<1024x128xf32>
    %add3A_1728 = arith.addf %add3A_1720, %mul3A_1727 : vector<1024x128xf32>
    %get3A_1729 = arith.constant 9 : index
    %get3A_1730 = arith.constant 5 : index
    %get3A_1731 = memref.load %arg5[%get3A_1729, %get3A_1730] : memref<16x8xf32, #tpu.memory_space<smem>>
    %convert_element_type3A_1732 = arith.truncf %get3A_1731 : f32 to bf16
    %convert_element_type3A_1733 = arith.extf %convert_element_type3A_1732 : bf16 to f32
    %mul3A_1734 = vector.broadcast %convert_element_type3A_1733 : f32 to vector<1024x128xf32>
    %mul3A_1735 = arith.mulf %convert_element_type3A_800, %mul3A_1734 : vector<1024x128xf32>
    %add3A_1736 = arith.addf %add3A_1728, %mul3A_1735 : vector<1024x128xf32>
    %get3A_1737 = arith.constant 10 : index
    %get3A_1738 = arith.constant 5 : index
    %get3A_1739 = memref.load %arg5[%get3A_1737, %get3A_1738] : memref<16x8xf32, #tpu.memory_space<smem>>
    %convert_element_type3A_1740 = arith.truncf %get3A_1739 : f32 to bf16
    %convert_element_type3A_1741 = arith.extf %convert_element_type3A_1740 : bf16 to f32
    %mul3A_1742 = vector.broadcast %convert_element_type3A_1741 : f32 to vector<1024x128xf32>
    %mul3A_1743 = arith.mulf %convert_element_type3A_802, %mul3A_1742 : vector<1024x128xf32>
    %add3A_1744 = arith.addf %add3A_1736, %mul3A_1743 : vector<1024x128xf32>
    %get3A_1745 = arith.constant 11 : index
    %get3A_1746 = arith.constant 5 : index
    %get3A_1747 = memref.load %arg5[%get3A_1745, %get3A_1746] : memref<16x8xf32, #tpu.memory_space<smem>>
    %convert_element_type3A_1748 = arith.truncf %get3A_1747 : f32 to bf16
    %convert_element_type3A_1749 = arith.extf %convert_element_type3A_1748 : bf16 to f32
    %mul3A_1750 = vector.broadcast %convert_element_type3A_1749 : f32 to vector<1024x128xf32>
    %mul3A_1751 = arith.mulf %convert_element_type3A_804, %mul3A_1750 : vector<1024x128xf32>
    %add3A_1752 = arith.addf %add3A_1744, %mul3A_1751 : vector<1024x128xf32>
    %get3A_1753 = arith.constant 12 : index
    %get3A_1754 = arith.constant 5 : index
    %get3A_1755 = memref.load %arg5[%get3A_1753, %get3A_1754] : memref<16x8xf32, #tpu.memory_space<smem>>
    %convert_element_type3A_1756 = arith.truncf %get3A_1755 : f32 to bf16
    %convert_element_type3A_1757 = arith.extf %convert_element_type3A_1756 : bf16 to f32
    %mul3A_1758 = vector.broadcast %convert_element_type3A_1757 : f32 to vector<1024x128xf32>
    %mul3A_1759 = arith.mulf %convert_element_type3A_806, %mul3A_1758 : vector<1024x128xf32>
    %add3A_1760 = arith.addf %add3A_1752, %mul3A_1759 : vector<1024x128xf32>
    %get3A_1761 = arith.constant 13 : index
    %get3A_1762 = arith.constant 5 : index
    %get3A_1763 = memref.load %arg5[%get3A_1761, %get3A_1762] : memref<16x8xf32, #tpu.memory_space<smem>>
    %convert_element_type3A_1764 = arith.truncf %get3A_1763 : f32 to bf16
    %convert_element_type3A_1765 = arith.extf %convert_element_type3A_1764 : bf16 to f32
    %mul3A_1766 = vector.broadcast %convert_element_type3A_1765 : f32 to vector<1024x128xf32>
    %mul3A_1767 = arith.mulf %convert_element_type3A_808, %mul3A_1766 : vector<1024x128xf32>
    %add3A_1768 = arith.addf %add3A_1760, %mul3A_1767 : vector<1024x128xf32>
    %get3A_1769 = arith.constant 14 : index
    %get3A_1770 = arith.constant 5 : index
    %get3A_1771 = memref.load %arg5[%get3A_1769, %get3A_1770] : memref<16x8xf32, #tpu.memory_space<smem>>
    %convert_element_type3A_1772 = arith.truncf %get3A_1771 : f32 to bf16
    %convert_element_type3A_1773 = arith.extf %convert_element_type3A_1772 : bf16 to f32
    %mul3A_1774 = vector.broadcast %convert_element_type3A_1773 : f32 to vector<1024x128xf32>
    %mul3A_1775 = arith.mulf %convert_element_type3A_810, %mul3A_1774 : vector<1024x128xf32>
    %add3A_1776 = arith.addf %add3A_1768, %mul3A_1775 : vector<1024x128xf32>
    %get3A_1777 = arith.constant 15 : index
    %get3A_1778 = arith.constant 5 : index
    %get3A_1779 = memref.load %arg5[%get3A_1777, %get3A_1778] : memref<16x8xf32, #tpu.memory_space<smem>>
    %convert_element_type3A_1780 = arith.truncf %get3A_1779 : f32 to bf16
    %convert_element_type3A_1781 = arith.extf %convert_element_type3A_1780 : bf16 to f32
    %mul3A_1782 = vector.broadcast %convert_element_type3A_1781 : f32 to vector<1024x128xf32>
    %mul3A_1783 = arith.mulf %convert_element_type3A_812, %mul3A_1782 : vector<1024x128xf32>
    %add3A_1784 = arith.addf %add3A_1776, %mul3A_1783 : vector<1024x128xf32>
    %get3A_1785 = arith.constant 0 : index
    %get3A_1786 = arith.constant 5 : index
    %get3A_1787 = memref.load %arg6[%get3A_1785, %get3A_1786] : memref<1x8xf32, #tpu.memory_space<smem>>
    %add3A_1788 = vector.broadcast %get3A_1787 : f32 to vector<1024x128xf32>
    %add3A_1789 = arith.addf %add3A_1784, %add3A_1788 : vector<1024x128xf32>
    %reduce_sum3A_1790 = vector.shape_cast %add3A_1789 : vector<1024x128xf32> to vector<1x1024x128xf32>
    %reduce_sum3A_1791 = arith.constant dense<0.000000e+00> : vector<1xf32>
    %reduce_sum3A_1792 = vector.multi_reduction <add>, %reduce_sum3A_1790, %reduce_sum3A_1791 [1, 2] : vector<1x1024x128xf32> to vector<1xf32>
    %reduce_sum3A_1793 = vector.shape_cast %reduce_sum3A_1792 : vector<1xf32> to vector<1x1x1xf32>
    %reduce_sum3A_1794 = vector.extract %reduce_sum3A_1793[0, 0, 0] : f32 from vector<1x1x1xf32>
    %div3A_1795 = arith.constant 1.310720e+05 : f32
    %div3A_1796 = arith.divf %reduce_sum3A_1794, %div3A_1795 : f32
    %sub3A_1797 = vector.broadcast %div3A_1796 : f32 to vector<1024x128xf32>
    %sub3A_1798 = arith.subf %add3A_1789, %sub3A_1797 : vector<1024x128xf32>
    %integer_pow3A_1799 = arith.mulf %sub3A_1798, %sub3A_1798 : vector<1024x128xf32>
    %reduce_sum3A_1800 = vector.shape_cast %integer_pow3A_1799 : vector<1024x128xf32> to vector<1x1024x128xf32>
    %reduce_sum3A_1801 = arith.constant dense<0.000000e+00> : vector<1xf32>
    %reduce_sum3A_1802 = vector.multi_reduction <add>, %reduce_sum3A_1800, %reduce_sum3A_1801 [1, 2] : vector<1x1024x128xf32> to vector<1xf32>
    %reduce_sum3A_1803 = vector.shape_cast %reduce_sum3A_1802 : vector<1xf32> to vector<1x1x1xf32>
    %reduce_sum3A_1804 = vector.extract %reduce_sum3A_1803[0, 0, 0] : f32 from vector<1x1x1xf32>
    %div3A_1805 = arith.constant 1.310720e+05 : f32
    %div3A_1806 = arith.divf %reduce_sum3A_1804, %div3A_1805 : f32
    %sub3A_1807 = vector.broadcast %div3A_1796 : f32 to vector<1024x128xf32>
    %sub3A_1808 = arith.subf %add3A_1789, %sub3A_1807 : vector<1024x128xf32>
    %add3A_1809 = arith.constant 9.99999974E-6 : f32
    %add3A_1810 = arith.addf %div3A_1806, %add3A_1809 : f32
    %sqrt3A_1811 = math.sqrt %add3A_1810 : f32
    %div3A_1812 = vector.broadcast %sqrt3A_1811 : f32 to vector<1024x128xf32>
    %div3A_1813 = arith.divf %sub3A_1808, %div3A_1812 : vector<1024x128xf32>
    %get3A_1814 = arith.constant 0 : index
    %get3A_1815 = arith.constant 5 : index
    %get3A_1816 = memref.load %arg7[%get3A_1814, %get3A_1815] : memref<1x8xf32, #tpu.memory_space<smem>>
    %mul3A_1817 = vector.broadcast %get3A_1816 : f32 to vector<1024x128xf32>
    %mul3A_1818 = arith.mulf %div3A_1813, %mul3A_1817 : vector<1024x128xf32>
    %get3A_1819 = arith.constant 0 : index
    %get3A_1820 = arith.constant 5 : index
    %get3A_1821 = memref.load %arg8[%get3A_1819, %get3A_1820] : memref<1x8xf32, #tpu.memory_space<smem>>
    %add3A_1822 = vector.broadcast %get3A_1821 : f32 to vector<1024x128xf32>
    %add3A_1823 = arith.addf %mul3A_1818, %add3A_1822 : vector<1024x128xf32>
    %max3A_1824 = arith.constant 0.000000e+00 : f32
    %max3A_1825 = vector.broadcast %max3A_1824 : f32 to vector<1024x128xf32>
    %max3A_1826 = arith.maximumf %add3A_1823, %max3A_1825 : vector<1024x128xf32>
    %get3A_1827 = arith.constant 0 : index
    %get3A_1828 = arith.constant 6 : index
    %get3A_1829 = memref.load %arg5[%get3A_1827, %get3A_1828] : memref<16x8xf32, #tpu.memory_space<smem>>
    %convert_element_type3A_1830 = arith.truncf %get3A_1829 : f32 to bf16
    %convert_element_type3A_1831 = arith.extf %convert_element_type3A_1830 : bf16 to f32
    %mul3A_1832 = vector.broadcast %convert_element_type3A_1831 : f32 to vector<1024x128xf32>
    %mul3A_1833 = arith.mulf %convert_element_type3A_782, %mul3A_1832 : vector<1024x128xf32>
    %get3A_1834 = arith.constant 1 : index
    %get3A_1835 = arith.constant 6 : index
    %get3A_1836 = memref.load %arg5[%get3A_1834, %get3A_1835] : memref<16x8xf32, #tpu.memory_space<smem>>
    %convert_element_type3A_1837 = arith.truncf %get3A_1836 : f32 to bf16
    %convert_element_type3A_1838 = arith.extf %convert_element_type3A_1837 : bf16 to f32
    %mul3A_1839 = vector.broadcast %convert_element_type3A_1838 : f32 to vector<1024x128xf32>
    %mul3A_1840 = arith.mulf %convert_element_type3A_784, %mul3A_1839 : vector<1024x128xf32>
    %add3A_1841 = arith.addf %mul3A_1833, %mul3A_1840 : vector<1024x128xf32>
    %get3A_1842 = arith.constant 2 : index
    %get3A_1843 = arith.constant 6 : index
    %get3A_1844 = memref.load %arg5[%get3A_1842, %get3A_1843] : memref<16x8xf32, #tpu.memory_space<smem>>
    %convert_element_type3A_1845 = arith.truncf %get3A_1844 : f32 to bf16
    %convert_element_type3A_1846 = arith.extf %convert_element_type3A_1845 : bf16 to f32
    %mul3A_1847 = vector.broadcast %convert_element_type3A_1846 : f32 to vector<1024x128xf32>
    %mul3A_1848 = arith.mulf %convert_element_type3A_786, %mul3A_1847 : vector<1024x128xf32>
    %add3A_1849 = arith.addf %add3A_1841, %mul3A_1848 : vector<1024x128xf32>
    %get3A_1850 = arith.constant 3 : index
    %get3A_1851 = arith.constant 6 : index
    %get3A_1852 = memref.load %arg5[%get3A_1850, %get3A_1851] : memref<16x8xf32, #tpu.memory_space<smem>>
    %convert_element_type3A_1853 = arith.truncf %get3A_1852 : f32 to bf16
    %convert_element_type3A_1854 = arith.extf %convert_element_type3A_1853 : bf16 to f32
    %mul3A_1855 = vector.broadcast %convert_element_type3A_1854 : f32 to vector<1024x128xf32>
    %mul3A_1856 = arith.mulf %convert_element_type3A_788, %mul3A_1855 : vector<1024x128xf32>
    %add3A_1857 = arith.addf %add3A_1849, %mul3A_1856 : vector<1024x128xf32>
    %get3A_1858 = arith.constant 4 : index
    %get3A_1859 = arith.constant 6 : index
    %get3A_1860 = memref.load %arg5[%get3A_1858, %get3A_1859] : memref<16x8xf32, #tpu.memory_space<smem>>
    %convert_element_type3A_1861 = arith.truncf %get3A_1860 : f32 to bf16
    %convert_element_type3A_1862 = arith.extf %convert_element_type3A_1861 : bf16 to f32
    %mul3A_1863 = vector.broadcast %convert_element_type3A_1862 : f32 to vector<1024x128xf32>
    %mul3A_1864 = arith.mulf %convert_element_type3A_790, %mul3A_1863 : vector<1024x128xf32>
    %add3A_1865 = arith.addf %add3A_1857, %mul3A_1864 : vector<1024x128xf32>
    %get3A_1866 = arith.constant 5 : index
    %get3A_1867 = arith.constant 6 : index
    %get3A_1868 = memref.load %arg5[%get3A_1866, %get3A_1867] : memref<16x8xf32, #tpu.memory_space<smem>>
    %convert_element_type3A_1869 = arith.truncf %get3A_1868 : f32 to bf16
    %convert_element_type3A_1870 = arith.extf %convert_element_type3A_1869 : bf16 to f32
    %mul3A_1871 = vector.broadcast %convert_element_type3A_1870 : f32 to vector<1024x128xf32>
    %mul3A_1872 = arith.mulf %convert_element_type3A_792, %mul3A_1871 : vector<1024x128xf32>
    %add3A_1873 = arith.addf %add3A_1865, %mul3A_1872 : vector<1024x128xf32>
    %get3A_1874 = arith.constant 6 : index
    %get3A_1875 = arith.constant 6 : index
    %get3A_1876 = memref.load %arg5[%get3A_1874, %get3A_1875] : memref<16x8xf32, #tpu.memory_space<smem>>
    %convert_element_type3A_1877 = arith.truncf %get3A_1876 : f32 to bf16
    %convert_element_type3A_1878 = arith.extf %convert_element_type3A_1877 : bf16 to f32
    %mul3A_1879 = vector.broadcast %convert_element_type3A_1878 : f32 to vector<1024x128xf32>
    %mul3A_1880 = arith.mulf %convert_element_type3A_794, %mul3A_1879 : vector<1024x128xf32>
    %add3A_1881 = arith.addf %add3A_1873, %mul3A_1880 : vector<1024x128xf32>
    %get3A_1882 = arith.constant 7 : index
    %get3A_1883 = arith.constant 6 : index
    %get3A_1884 = memref.load %arg5[%get3A_1882, %get3A_1883] : memref<16x8xf32, #tpu.memory_space<smem>>
    %convert_element_type3A_1885 = arith.truncf %get3A_1884 : f32 to bf16
    %convert_element_type3A_1886 = arith.extf %convert_element_type3A_1885 : bf16 to f32
    %mul3A_1887 = vector.broadcast %convert_element_type3A_1886 : f32 to vector<1024x128xf32>
    %mul3A_1888 = arith.mulf %convert_element_type3A_796, %mul3A_1887 : vector<1024x128xf32>
    %add3A_1889 = arith.addf %add3A_1881, %mul3A_1888 : vector<1024x128xf32>
    %get3A_1890 = arith.constant 8 : index
    %get3A_1891 = arith.constant 6 : index
    %get3A_1892 = memref.load %arg5[%get3A_1890, %get3A_1891] : memref<16x8xf32, #tpu.memory_space<smem>>
    %convert_element_type3A_1893 = arith.truncf %get3A_1892 : f32 to bf16
    %convert_element_type3A_1894 = arith.extf %convert_element_type3A_1893 : bf16 to f32
    %mul3A_1895 = vector.broadcast %convert_element_type3A_1894 : f32 to vector<1024x128xf32>
    %mul3A_1896 = arith.mulf %convert_element_type3A_798, %mul3A_1895 : vector<1024x128xf32>
    %add3A_1897 = arith.addf %add3A_1889, %mul3A_1896 : vector<1024x128xf32>
    %get3A_1898 = arith.constant 9 : index
    %get3A_1899 = arith.constant 6 : index
    %get3A_1900 = memref.load %arg5[%get3A_1898, %get3A_1899] : memref<16x8xf32, #tpu.memory_space<smem>>
    %convert_element_type3A_1901 = arith.truncf %get3A_1900 : f32 to bf16
    %convert_element_type3A_1902 = arith.extf %convert_element_type3A_1901 : bf16 to f32
    %mul3A_1903 = vector.broadcast %convert_element_type3A_1902 : f32 to vector<1024x128xf32>
    %mul3A_1904 = arith.mulf %convert_element_type3A_800, %mul3A_1903 : vector<1024x128xf32>
    %add3A_1905 = arith.addf %add3A_1897, %mul3A_1904 : vector<1024x128xf32>
    %get3A_1906 = arith.constant 10 : index
    %get3A_1907 = arith.constant 6 : index
    %get3A_1908 = memref.load %arg5[%get3A_1906, %get3A_1907] : memref<16x8xf32, #tpu.memory_space<smem>>
    %convert_element_type3A_1909 = arith.truncf %get3A_1908 : f32 to bf16
    %convert_element_type3A_1910 = arith.extf %convert_element_type3A_1909 : bf16 to f32
    %mul3A_1911 = vector.broadcast %convert_element_type3A_1910 : f32 to vector<1024x128xf32>
    %mul3A_1912 = arith.mulf %convert_element_type3A_802, %mul3A_1911 : vector<1024x128xf32>
    %add3A_1913 = arith.addf %add3A_1905, %mul3A_1912 : vector<1024x128xf32>
    %get3A_1914 = arith.constant 11 : index
    %get3A_1915 = arith.constant 6 : index
    %get3A_1916 = memref.load %arg5[%get3A_1914, %get3A_1915] : memref<16x8xf32, #tpu.memory_space<smem>>
    %convert_element_type3A_1917 = arith.truncf %get3A_1916 : f32 to bf16
    %convert_element_type3A_1918 = arith.extf %convert_element_type3A_1917 : bf16 to f32
    %mul3A_1919 = vector.broadcast %convert_element_type3A_1918 : f32 to vector<1024x128xf32>
    %mul3A_1920 = arith.mulf %convert_element_type3A_804, %mul3A_1919 : vector<1024x128xf32>
    %add3A_1921 = arith.addf %add3A_1913, %mul3A_1920 : vector<1024x128xf32>
    %get3A_1922 = arith.constant 12 : index
    %get3A_1923 = arith.constant 6 : index
    %get3A_1924 = memref.load %arg5[%get3A_1922, %get3A_1923] : memref<16x8xf32, #tpu.memory_space<smem>>
    %convert_element_type3A_1925 = arith.truncf %get3A_1924 : f32 to bf16
    %convert_element_type3A_1926 = arith.extf %convert_element_type3A_1925 : bf16 to f32
    %mul3A_1927 = vector.broadcast %convert_element_type3A_1926 : f32 to vector<1024x128xf32>
    %mul3A_1928 = arith.mulf %convert_element_type3A_806, %mul3A_1927 : vector<1024x128xf32>
    %add3A_1929 = arith.addf %add3A_1921, %mul3A_1928 : vector<1024x128xf32>
    %get3A_1930 = arith.constant 13 : index
    %get3A_1931 = arith.constant 6 : index
    %get3A_1932 = memref.load %arg5[%get3A_1930, %get3A_1931] : memref<16x8xf32, #tpu.memory_space<smem>>
    %convert_element_type3A_1933 = arith.truncf %get3A_1932 : f32 to bf16
    %convert_element_type3A_1934 = arith.extf %convert_element_type3A_1933 : bf16 to f32
    %mul3A_1935 = vector.broadcast %convert_element_type3A_1934 : f32 to vector<1024x128xf32>
    %mul3A_1936 = arith.mulf %convert_element_type3A_808, %mul3A_1935 : vector<1024x128xf32>
    %add3A_1937 = arith.addf %add3A_1929, %mul3A_1936 : vector<1024x128xf32>
    %get3A_1938 = arith.constant 14 : index
    %get3A_1939 = arith.constant 6 : index
    %get3A_1940 = memref.load %arg5[%get3A_1938, %get3A_1939] : memref<16x8xf32, #tpu.memory_space<smem>>
    %convert_element_type3A_1941 = arith.truncf %get3A_1940 : f32 to bf16
    %convert_element_type3A_1942 = arith.extf %convert_element_type3A_1941 : bf16 to f32
    %mul3A_1943 = vector.broadcast %convert_element_type3A_1942 : f32 to vector<1024x128xf32>
    %mul3A_1944 = arith.mulf %convert_element_type3A_810, %mul3A_1943 : vector<1024x128xf32>
    %add3A_1945 = arith.addf %add3A_1937, %mul3A_1944 : vector<1024x128xf32>
    %get3A_1946 = arith.constant 15 : index
    %get3A_1947 = arith.constant 6 : index
    %get3A_1948 = memref.load %arg5[%get3A_1946, %get3A_1947] : memref<16x8xf32, #tpu.memory_space<smem>>
    %convert_element_type3A_1949 = arith.truncf %get3A_1948 : f32 to bf16
    %convert_element_type3A_1950 = arith.extf %convert_element_type3A_1949 : bf16 to f32
    %mul3A_1951 = vector.broadcast %convert_element_type3A_1950 : f32 to vector<1024x128xf32>
    %mul3A_1952 = arith.mulf %convert_element_type3A_812, %mul3A_1951 : vector<1024x128xf32>
    %add3A_1953 = arith.addf %add3A_1945, %mul3A_1952 : vector<1024x128xf32>
    %get3A_1954 = arith.constant 0 : index
    %get3A_1955 = arith.constant 6 : index
    %get3A_1956 = memref.load %arg6[%get3A_1954, %get3A_1955] : memref<1x8xf32, #tpu.memory_space<smem>>
    %add3A_1957 = vector.broadcast %get3A_1956 : f32 to vector<1024x128xf32>
    %add3A_1958 = arith.addf %add3A_1953, %add3A_1957 : vector<1024x128xf32>
    %reduce_sum3A_1959 = vector.shape_cast %add3A_1958 : vector<1024x128xf32> to vector<1x1024x128xf32>
    %reduce_sum3A_1960 = arith.constant dense<0.000000e+00> : vector<1xf32>
    %reduce_sum3A_1961 = vector.multi_reduction <add>, %reduce_sum3A_1959, %reduce_sum3A_1960 [1, 2] : vector<1x1024x128xf32> to vector<1xf32>
    %reduce_sum3A_1962 = vector.shape_cast %reduce_sum3A_1961 : vector<1xf32> to vector<1x1x1xf32>
    %reduce_sum3A_1963 = vector.extract %reduce_sum3A_1962[0, 0, 0] : f32 from vector<1x1x1xf32>
    %div3A_1964 = arith.constant 1.310720e+05 : f32
    %div3A_1965 = arith.divf %reduce_sum3A_1963, %div3A_1964 : f32
    %sub3A_1966 = vector.broadcast %div3A_1965 : f32 to vector<1024x128xf32>
    %sub3A_1967 = arith.subf %add3A_1958, %sub3A_1966 : vector<1024x128xf32>
    %integer_pow3A_1968 = arith.mulf %sub3A_1967, %sub3A_1967 : vector<1024x128xf32>
    %reduce_sum3A_1969 = vector.shape_cast %integer_pow3A_1968 : vector<1024x128xf32> to vector<1x1024x128xf32>
    %reduce_sum3A_1970 = arith.constant dense<0.000000e+00> : vector<1xf32>
    %reduce_sum3A_1971 = vector.multi_reduction <add>, %reduce_sum3A_1969, %reduce_sum3A_1970 [1, 2] : vector<1x1024x128xf32> to vector<1xf32>
    %reduce_sum3A_1972 = vector.shape_cast %reduce_sum3A_1971 : vector<1xf32> to vector<1x1x1xf32>
    %reduce_sum3A_1973 = vector.extract %reduce_sum3A_1972[0, 0, 0] : f32 from vector<1x1x1xf32>
    %div3A_1974 = arith.constant 1.310720e+05 : f32
    %div3A_1975 = arith.divf %reduce_sum3A_1973, %div3A_1974 : f32
    %sub3A_1976 = vector.broadcast %div3A_1965 : f32 to vector<1024x128xf32>
    %sub3A_1977 = arith.subf %add3A_1958, %sub3A_1976 : vector<1024x128xf32>
    %add3A_1978 = arith.constant 9.99999974E-6 : f32
    %add3A_1979 = arith.addf %div3A_1975, %add3A_1978 : f32
    %sqrt3A_1980 = math.sqrt %add3A_1979 : f32
    %div3A_1981 = vector.broadcast %sqrt3A_1980 : f32 to vector<1024x128xf32>
    %div3A_1982 = arith.divf %sub3A_1977, %div3A_1981 : vector<1024x128xf32>
    %get3A_1983 = arith.constant 0 : index
    %get3A_1984 = arith.constant 6 : index
    %get3A_1985 = memref.load %arg7[%get3A_1983, %get3A_1984] : memref<1x8xf32, #tpu.memory_space<smem>>
    %mul3A_1986 = vector.broadcast %get3A_1985 : f32 to vector<1024x128xf32>
    %mul3A_1987 = arith.mulf %div3A_1982, %mul3A_1986 : vector<1024x128xf32>
    %get3A_1988 = arith.constant 0 : index
    %get3A_1989 = arith.constant 6 : index
    %get3A_1990 = memref.load %arg8[%get3A_1988, %get3A_1989] : memref<1x8xf32, #tpu.memory_space<smem>>
    %add3A_1991 = vector.broadcast %get3A_1990 : f32 to vector<1024x128xf32>
    %add3A_1992 = arith.addf %mul3A_1987, %add3A_1991 : vector<1024x128xf32>
    %max3A_1993 = arith.constant 0.000000e+00 : f32
    %max3A_1994 = vector.broadcast %max3A_1993 : f32 to vector<1024x128xf32>
    %max3A_1995 = arith.maximumf %add3A_1992, %max3A_1994 : vector<1024x128xf32>
    %get3A_1996 = arith.constant 0 : index
    %get3A_1997 = arith.constant 7 : index
    %get3A_1998 = memref.load %arg5[%get3A_1996, %get3A_1997] : memref<16x8xf32, #tpu.memory_space<smem>>
    %convert_element_type3A_1999 = arith.truncf %get3A_1998 : f32 to bf16
    %convert_element_type3A_2000 = arith.extf %convert_element_type3A_1999 : bf16 to f32
    %mul3A_2001 = vector.broadcast %convert_element_type3A_2000 : f32 to vector<1024x128xf32>
    %mul3A_2002 = arith.mulf %convert_element_type3A_782, %mul3A_2001 : vector<1024x128xf32>
    %get3A_2003 = arith.constant 1 : index
    %get3A_2004 = arith.constant 7 : index
    %get3A_2005 = memref.load %arg5[%get3A_2003, %get3A_2004] : memref<16x8xf32, #tpu.memory_space<smem>>
    %convert_element_type3A_2006 = arith.truncf %get3A_2005 : f32 to bf16
    %convert_element_type3A_2007 = arith.extf %convert_element_type3A_2006 : bf16 to f32
    %mul3A_2008 = vector.broadcast %convert_element_type3A_2007 : f32 to vector<1024x128xf32>
    %mul3A_2009 = arith.mulf %convert_element_type3A_784, %mul3A_2008 : vector<1024x128xf32>
    %add3A_2010 = arith.addf %mul3A_2002, %mul3A_2009 : vector<1024x128xf32>
    %get3A_2011 = arith.constant 2 : index
    %get3A_2012 = arith.constant 7 : index
    %get3A_2013 = memref.load %arg5[%get3A_2011, %get3A_2012] : memref<16x8xf32, #tpu.memory_space<smem>>
    %convert_element_type3A_2014 = arith.truncf %get3A_2013 : f32 to bf16
    %convert_element_type3A_2015 = arith.extf %convert_element_type3A_2014 : bf16 to f32
    %mul3A_2016 = vector.broadcast %convert_element_type3A_2015 : f32 to vector<1024x128xf32>
    %mul3A_2017 = arith.mulf %convert_element_type3A_786, %mul3A_2016 : vector<1024x128xf32>
    %add3A_2018 = arith.addf %add3A_2010, %mul3A_2017 : vector<1024x128xf32>
    %get3A_2019 = arith.constant 3 : index
    %get3A_2020 = arith.constant 7 : index
    %get3A_2021 = memref.load %arg5[%get3A_2019, %get3A_2020] : memref<16x8xf32, #tpu.memory_space<smem>>
    %convert_element_type3A_2022 = arith.truncf %get3A_2021 : f32 to bf16
    %convert_element_type3A_2023 = arith.extf %convert_element_type3A_2022 : bf16 to f32
    %mul3A_2024 = vector.broadcast %convert_element_type3A_2023 : f32 to vector<1024x128xf32>
    %mul3A_2025 = arith.mulf %convert_element_type3A_788, %mul3A_2024 : vector<1024x128xf32>
    %add3A_2026 = arith.addf %add3A_2018, %mul3A_2025 : vector<1024x128xf32>
    %get3A_2027 = arith.constant 4 : index
    %get3A_2028 = arith.constant 7 : index
    %get3A_2029 = memref.load %arg5[%get3A_2027, %get3A_2028] : memref<16x8xf32, #tpu.memory_space<smem>>
    %convert_element_type3A_2030 = arith.truncf %get3A_2029 : f32 to bf16
    %convert_element_type3A_2031 = arith.extf %convert_element_type3A_2030 : bf16 to f32
    %mul3A_2032 = vector.broadcast %convert_element_type3A_2031 : f32 to vector<1024x128xf32>
    %mul3A_2033 = arith.mulf %convert_element_type3A_790, %mul3A_2032 : vector<1024x128xf32>
    %add3A_2034 = arith.addf %add3A_2026, %mul3A_2033 : vector<1024x128xf32>
    %get3A_2035 = arith.constant 5 : index
    %get3A_2036 = arith.constant 7 : index
    %get3A_2037 = memref.load %arg5[%get3A_2035, %get3A_2036] : memref<16x8xf32, #tpu.memory_space<smem>>
    %convert_element_type3A_2038 = arith.truncf %get3A_2037 : f32 to bf16
    %convert_element_type3A_2039 = arith.extf %convert_element_type3A_2038 : bf16 to f32
    %mul3A_2040 = vector.broadcast %convert_element_type3A_2039 : f32 to vector<1024x128xf32>
    %mul3A_2041 = arith.mulf %convert_element_type3A_792, %mul3A_2040 : vector<1024x128xf32>
    %add3A_2042 = arith.addf %add3A_2034, %mul3A_2041 : vector<1024x128xf32>
    %get3A_2043 = arith.constant 6 : index
    %get3A_2044 = arith.constant 7 : index
    %get3A_2045 = memref.load %arg5[%get3A_2043, %get3A_2044] : memref<16x8xf32, #tpu.memory_space<smem>>
    %convert_element_type3A_2046 = arith.truncf %get3A_2045 : f32 to bf16
    %convert_element_type3A_2047 = arith.extf %convert_element_type3A_2046 : bf16 to f32
    %mul3A_2048 = vector.broadcast %convert_element_type3A_2047 : f32 to vector<1024x128xf32>
    %mul3A_2049 = arith.mulf %convert_element_type3A_794, %mul3A_2048 : vector<1024x128xf32>
    %add3A_2050 = arith.addf %add3A_2042, %mul3A_2049 : vector<1024x128xf32>
    %get3A_2051 = arith.constant 7 : index
    %get3A_2052 = arith.constant 7 : index
    %get3A_2053 = memref.load %arg5[%get3A_2051, %get3A_2052] : memref<16x8xf32, #tpu.memory_space<smem>>
    %convert_element_type3A_2054 = arith.truncf %get3A_2053 : f32 to bf16
    %convert_element_type3A_2055 = arith.extf %convert_element_type3A_2054 : bf16 to f32
    %mul3A_2056 = vector.broadcast %convert_element_type3A_2055 : f32 to vector<1024x128xf32>
    %mul3A_2057 = arith.mulf %convert_element_type3A_796, %mul3A_2056 : vector<1024x128xf32>
    %add3A_2058 = arith.addf %add3A_2050, %mul3A_2057 : vector<1024x128xf32>
    %get3A_2059 = arith.constant 8 : index
    %get3A_2060 = arith.constant 7 : index
    %get3A_2061 = memref.load %arg5[%get3A_2059, %get3A_2060] : memref<16x8xf32, #tpu.memory_space<smem>>
    %convert_element_type3A_2062 = arith.truncf %get3A_2061 : f32 to bf16
    %convert_element_type3A_2063 = arith.extf %convert_element_type3A_2062 : bf16 to f32
    %mul3A_2064 = vector.broadcast %convert_element_type3A_2063 : f32 to vector<1024x128xf32>
    %mul3A_2065 = arith.mulf %convert_element_type3A_798, %mul3A_2064 : vector<1024x128xf32>
    %add3A_2066 = arith.addf %add3A_2058, %mul3A_2065 : vector<1024x128xf32>
    %get3A_2067 = arith.constant 9 : index
    %get3A_2068 = arith.constant 7 : index
    %get3A_2069 = memref.load %arg5[%get3A_2067, %get3A_2068] : memref<16x8xf32, #tpu.memory_space<smem>>
    %convert_element_type3A_2070 = arith.truncf %get3A_2069 : f32 to bf16
    %convert_element_type3A_2071 = arith.extf %convert_element_type3A_2070 : bf16 to f32
    %mul3A_2072 = vector.broadcast %convert_element_type3A_2071 : f32 to vector<1024x128xf32>
    %mul3A_2073 = arith.mulf %convert_element_type3A_800, %mul3A_2072 : vector<1024x128xf32>
    %add3A_2074 = arith.addf %add3A_2066, %mul3A_2073 : vector<1024x128xf32>
    %get3A_2075 = arith.constant 10 : index
    %get3A_2076 = arith.constant 7 : index
    %get3A_2077 = memref.load %arg5[%get3A_2075, %get3A_2076] : memref<16x8xf32, #tpu.memory_space<smem>>
    %convert_element_type3A_2078 = arith.truncf %get3A_2077 : f32 to bf16
    %convert_element_type3A_2079 = arith.extf %convert_element_type3A_2078 : bf16 to f32
    %mul3A_2080 = vector.broadcast %convert_element_type3A_2079 : f32 to vector<1024x128xf32>
    %mul3A_2081 = arith.mulf %convert_element_type3A_802, %mul3A_2080 : vector<1024x128xf32>
    %add3A_2082 = arith.addf %add3A_2074, %mul3A_2081 : vector<1024x128xf32>
    %get3A_2083 = arith.constant 11 : index
    %get3A_2084 = arith.constant 7 : index
    %get3A_2085 = memref.load %arg5[%get3A_2083, %get3A_2084] : memref<16x8xf32, #tpu.memory_space<smem>>
    %convert_element_type3A_2086 = arith.truncf %get3A_2085 : f32 to bf16
    %convert_element_type3A_2087 = arith.extf %convert_element_type3A_2086 : bf16 to f32
    %mul3A_2088 = vector.broadcast %convert_element_type3A_2087 : f32 to vector<1024x128xf32>
    %mul3A_2089 = arith.mulf %convert_element_type3A_804, %mul3A_2088 : vector<1024x128xf32>
    %add3A_2090 = arith.addf %add3A_2082, %mul3A_2089 : vector<1024x128xf32>
    %get3A_2091 = arith.constant 12 : index
    %get3A_2092 = arith.constant 7 : index
    %get3A_2093 = memref.load %arg5[%get3A_2091, %get3A_2092] : memref<16x8xf32, #tpu.memory_space<smem>>
    %convert_element_type3A_2094 = arith.truncf %get3A_2093 : f32 to bf16
    %convert_element_type3A_2095 = arith.extf %convert_element_type3A_2094 : bf16 to f32
    %mul3A_2096 = vector.broadcast %convert_element_type3A_2095 : f32 to vector<1024x128xf32>
    %mul3A_2097 = arith.mulf %convert_element_type3A_806, %mul3A_2096 : vector<1024x128xf32>
    %add3A_2098 = arith.addf %add3A_2090, %mul3A_2097 : vector<1024x128xf32>
    %get3A_2099 = arith.constant 13 : index
    %get3A_2100 = arith.constant 7 : index
    %get3A_2101 = memref.load %arg5[%get3A_2099, %get3A_2100] : memref<16x8xf32, #tpu.memory_space<smem>>
    %convert_element_type3A_2102 = arith.truncf %get3A_2101 : f32 to bf16
    %convert_element_type3A_2103 = arith.extf %convert_element_type3A_2102 : bf16 to f32
    %mul3A_2104 = vector.broadcast %convert_element_type3A_2103 : f32 to vector<1024x128xf32>
    %mul3A_2105 = arith.mulf %convert_element_type3A_808, %mul3A_2104 : vector<1024x128xf32>
    %add3A_2106 = arith.addf %add3A_2098, %mul3A_2105 : vector<1024x128xf32>
    %get3A_2107 = arith.constant 14 : index
    %get3A_2108 = arith.constant 7 : index
    %get3A_2109 = memref.load %arg5[%get3A_2107, %get3A_2108] : memref<16x8xf32, #tpu.memory_space<smem>>
    %convert_element_type3A_2110 = arith.truncf %get3A_2109 : f32 to bf16
    %convert_element_type3A_2111 = arith.extf %convert_element_type3A_2110 : bf16 to f32
    %mul3A_2112 = vector.broadcast %convert_element_type3A_2111 : f32 to vector<1024x128xf32>
    %mul3A_2113 = arith.mulf %convert_element_type3A_810, %mul3A_2112 : vector<1024x128xf32>
    %add3A_2114 = arith.addf %add3A_2106, %mul3A_2113 : vector<1024x128xf32>
    %get3A_2115 = arith.constant 15 : index
    %get3A_2116 = arith.constant 7 : index
    %get3A_2117 = memref.load %arg5[%get3A_2115, %get3A_2116] : memref<16x8xf32, #tpu.memory_space<smem>>
    %convert_element_type3A_2118 = arith.truncf %get3A_2117 : f32 to bf16
    %convert_element_type3A_2119 = arith.extf %convert_element_type3A_2118 : bf16 to f32
    %mul3A_2120 = vector.broadcast %convert_element_type3A_2119 : f32 to vector<1024x128xf32>
    %mul3A_2121 = arith.mulf %convert_element_type3A_812, %mul3A_2120 : vector<1024x128xf32>
    %add3A_2122 = arith.addf %add3A_2114, %mul3A_2121 : vector<1024x128xf32>
    %get3A_2123 = arith.constant 0 : index
    %get3A_2124 = arith.constant 7 : index
    %get3A_2125 = memref.load %arg6[%get3A_2123, %get3A_2124] : memref<1x8xf32, #tpu.memory_space<smem>>
    %add3A_2126 = vector.broadcast %get3A_2125 : f32 to vector<1024x128xf32>
    %add3A_2127 = arith.addf %add3A_2122, %add3A_2126 : vector<1024x128xf32>
    %reduce_sum3A_2128 = vector.shape_cast %add3A_2127 : vector<1024x128xf32> to vector<1x1024x128xf32>
    %reduce_sum3A_2129 = arith.constant dense<0.000000e+00> : vector<1xf32>
    %reduce_sum3A_2130 = vector.multi_reduction <add>, %reduce_sum3A_2128, %reduce_sum3A_2129 [1, 2] : vector<1x1024x128xf32> to vector<1xf32>
    %reduce_sum3A_2131 = vector.shape_cast %reduce_sum3A_2130 : vector<1xf32> to vector<1x1x1xf32>
    %reduce_sum3A_2132 = vector.extract %reduce_sum3A_2131[0, 0, 0] : f32 from vector<1x1x1xf32>
    %div3A_2133 = arith.constant 1.310720e+05 : f32
    %div3A_2134 = arith.divf %reduce_sum3A_2132, %div3A_2133 : f32
    %sub3A_2135 = vector.broadcast %div3A_2134 : f32 to vector<1024x128xf32>
    %sub3A_2136 = arith.subf %add3A_2127, %sub3A_2135 : vector<1024x128xf32>
    %integer_pow3A_2137 = arith.mulf %sub3A_2136, %sub3A_2136 : vector<1024x128xf32>
    %reduce_sum3A_2138 = vector.shape_cast %integer_pow3A_2137 : vector<1024x128xf32> to vector<1x1024x128xf32>
    %reduce_sum3A_2139 = arith.constant dense<0.000000e+00> : vector<1xf32>
    %reduce_sum3A_2140 = vector.multi_reduction <add>, %reduce_sum3A_2138, %reduce_sum3A_2139 [1, 2] : vector<1x1024x128xf32> to vector<1xf32>
    %reduce_sum3A_2141 = vector.shape_cast %reduce_sum3A_2140 : vector<1xf32> to vector<1x1x1xf32>
    %reduce_sum3A_2142 = vector.extract %reduce_sum3A_2141[0, 0, 0] : f32 from vector<1x1x1xf32>
    %div3A_2143 = arith.constant 1.310720e+05 : f32
    %div3A_2144 = arith.divf %reduce_sum3A_2142, %div3A_2143 : f32
    %sub3A_2145 = vector.broadcast %div3A_2134 : f32 to vector<1024x128xf32>
    %sub3A_2146 = arith.subf %add3A_2127, %sub3A_2145 : vector<1024x128xf32>
    %add3A_2147 = arith.constant 9.99999974E-6 : f32
    %add3A_2148 = arith.addf %div3A_2144, %add3A_2147 : f32
    %sqrt3A_2149 = math.sqrt %add3A_2148 : f32
    %div3A_2150 = vector.broadcast %sqrt3A_2149 : f32 to vector<1024x128xf32>
    %div3A_2151 = arith.divf %sub3A_2146, %div3A_2150 : vector<1024x128xf32>
    %get3A_2152 = arith.constant 0 : index
    %get3A_2153 = arith.constant 7 : index
    %get3A_2154 = memref.load %arg7[%get3A_2152, %get3A_2153] : memref<1x8xf32, #tpu.memory_space<smem>>
    %mul3A_2155 = vector.broadcast %get3A_2154 : f32 to vector<1024x128xf32>
    %mul3A_2156 = arith.mulf %div3A_2151, %mul3A_2155 : vector<1024x128xf32>
    %get3A_2157 = arith.constant 0 : index
    %get3A_2158 = arith.constant 7 : index
    %get3A_2159 = memref.load %arg8[%get3A_2157, %get3A_2158] : memref<1x8xf32, #tpu.memory_space<smem>>
    %add3A_2160 = vector.broadcast %get3A_2159 : f32 to vector<1024x128xf32>
    %add3A_2161 = arith.addf %mul3A_2156, %add3A_2160 : vector<1024x128xf32>
    %max3A_2162 = arith.constant 0.000000e+00 : f32
    %max3A_2163 = vector.broadcast %max3A_2162 : f32 to vector<1024x128xf32>
    %max3A_2164 = arith.maximumf %add3A_2161, %max3A_2163 : vector<1024x128xf32>
    %convert_element_type3A_2165 = arith.truncf %max3A_981 : vector<1024x128xf32> to vector<1024x128xbf16>
    %convert_element_type3A_2166 = arith.extf %convert_element_type3A_2165 : vector<1024x128xbf16> to vector<1024x128xf32>
    %convert_element_type3A_2167 = arith.truncf %max3A_1150 : vector<1024x128xf32> to vector<1024x128xbf16>
    %convert_element_type3A_2168 = arith.extf %convert_element_type3A_2167 : vector<1024x128xbf16> to vector<1024x128xf32>
    %convert_element_type3A_2169 = arith.truncf %max3A_1319 : vector<1024x128xf32> to vector<1024x128xbf16>
    %convert_element_type3A_2170 = arith.extf %convert_element_type3A_2169 : vector<1024x128xbf16> to vector<1024x128xf32>
    %convert_element_type3A_2171 = arith.truncf %max3A_1488 : vector<1024x128xf32> to vector<1024x128xbf16>
    %convert_element_type3A_2172 = arith.extf %convert_element_type3A_2171 : vector<1024x128xbf16> to vector<1024x128xf32>
    %convert_element_type3A_2173 = arith.truncf %max3A_1657 : vector<1024x128xf32> to vector<1024x128xbf16>
    %convert_element_type3A_2174 = arith.extf %convert_element_type3A_2173 : vector<1024x128xbf16> to vector<1024x128xf32>
    %convert_element_type3A_2175 = arith.truncf %max3A_1826 : vector<1024x128xf32> to vector<1024x128xbf16>
    %convert_element_type3A_2176 = arith.extf %convert_element_type3A_2175 : vector<1024x128xbf16> to vector<1024x128xf32>
    %convert_element_type3A_2177 = arith.truncf %max3A_1995 : vector<1024x128xf32> to vector<1024x128xbf16>
    %convert_element_type3A_2178 = arith.extf %convert_element_type3A_2177 : vector<1024x128xbf16> to vector<1024x128xf32>
    %convert_element_type3A_2179 = arith.truncf %max3A_2164 : vector<1024x128xf32> to vector<1024x128xbf16>
    %convert_element_type3A_2180 = arith.extf %convert_element_type3A_2179 : vector<1024x128xbf16> to vector<1024x128xf32>
    %get3A_2181 = arith.constant 0 : index
    %get3A_2182 = arith.constant 0 : index
    %get3A_2183 = memref.load %arg9[%get3A_2181, %get3A_2182] : memref<8x1xf32, #tpu.memory_space<smem>>
    %convert_element_type3A_2184 = arith.truncf %get3A_2183 : f32 to bf16
    %convert_element_type3A_2185 = arith.extf %convert_element_type3A_2184 : bf16 to f32
    %mul3A_2186 = vector.broadcast %convert_element_type3A_2185 : f32 to vector<1024x128xf32>
    %mul3A_2187 = arith.mulf %convert_element_type3A_2166, %mul3A_2186 : vector<1024x128xf32>
    %get3A_2188 = arith.constant 1 : index
    %get3A_2189 = arith.constant 0 : index
    %get3A_2190 = memref.load %arg9[%get3A_2188, %get3A_2189] : memref<8x1xf32, #tpu.memory_space<smem>>
    %convert_element_type3A_2191 = arith.truncf %get3A_2190 : f32 to bf16
    %convert_element_type3A_2192 = arith.extf %convert_element_type3A_2191 : bf16 to f32
    %mul3A_2193 = vector.broadcast %convert_element_type3A_2192 : f32 to vector<1024x128xf32>
    %mul3A_2194 = arith.mulf %convert_element_type3A_2168, %mul3A_2193 : vector<1024x128xf32>
    %add3A_2195 = arith.addf %mul3A_2187, %mul3A_2194 : vector<1024x128xf32>
    %get3A_2196 = arith.constant 2 : index
    %get3A_2197 = arith.constant 0 : index
    %get3A_2198 = memref.load %arg9[%get3A_2196, %get3A_2197] : memref<8x1xf32, #tpu.memory_space<smem>>
    %convert_element_type3A_2199 = arith.truncf %get3A_2198 : f32 to bf16
    %convert_element_type3A_2200 = arith.extf %convert_element_type3A_2199 : bf16 to f32
    %mul3A_2201 = vector.broadcast %convert_element_type3A_2200 : f32 to vector<1024x128xf32>
    %mul3A_2202 = arith.mulf %convert_element_type3A_2170, %mul3A_2201 : vector<1024x128xf32>
    %add3A_2203 = arith.addf %add3A_2195, %mul3A_2202 : vector<1024x128xf32>
    %get3A_2204 = arith.constant 3 : index
    %get3A_2205 = arith.constant 0 : index
    %get3A_2206 = memref.load %arg9[%get3A_2204, %get3A_2205] : memref<8x1xf32, #tpu.memory_space<smem>>
    %convert_element_type3A_2207 = arith.truncf %get3A_2206 : f32 to bf16
    %convert_element_type3A_2208 = arith.extf %convert_element_type3A_2207 : bf16 to f32
    %mul3A_2209 = vector.broadcast %convert_element_type3A_2208 : f32 to vector<1024x128xf32>
    %mul3A_2210 = arith.mulf %convert_element_type3A_2172, %mul3A_2209 : vector<1024x128xf32>
    %add3A_2211 = arith.addf %add3A_2203, %mul3A_2210 : vector<1024x128xf32>
    %get3A_2212 = arith.constant 4 : index
    %get3A_2213 = arith.constant 0 : index
    %get3A_2214 = memref.load %arg9[%get3A_2212, %get3A_2213] : memref<8x1xf32, #tpu.memory_space<smem>>
    %convert_element_type3A_2215 = arith.truncf %get3A_2214 : f32 to bf16
    %convert_element_type3A_2216 = arith.extf %convert_element_type3A_2215 : bf16 to f32
    %mul3A_2217 = vector.broadcast %convert_element_type3A_2216 : f32 to vector<1024x128xf32>
    %mul3A_2218 = arith.mulf %convert_element_type3A_2174, %mul3A_2217 : vector<1024x128xf32>
    %add3A_2219 = arith.addf %add3A_2211, %mul3A_2218 : vector<1024x128xf32>
    %get3A_2220 = arith.constant 5 : index
    %get3A_2221 = arith.constant 0 : index
    %get3A_2222 = memref.load %arg9[%get3A_2220, %get3A_2221] : memref<8x1xf32, #tpu.memory_space<smem>>
    %convert_element_type3A_2223 = arith.truncf %get3A_2222 : f32 to bf16
    %convert_element_type3A_2224 = arith.extf %convert_element_type3A_2223 : bf16 to f32
    %mul3A_2225 = vector.broadcast %convert_element_type3A_2224 : f32 to vector<1024x128xf32>
    %mul3A_2226 = arith.mulf %convert_element_type3A_2176, %mul3A_2225 : vector<1024x128xf32>
    %add3A_2227 = arith.addf %add3A_2219, %mul3A_2226 : vector<1024x128xf32>
    %get3A_2228 = arith.constant 6 : index
    %get3A_2229 = arith.constant 0 : index
    %get3A_2230 = memref.load %arg9[%get3A_2228, %get3A_2229] : memref<8x1xf32, #tpu.memory_space<smem>>
    %convert_element_type3A_2231 = arith.truncf %get3A_2230 : f32 to bf16
    %convert_element_type3A_2232 = arith.extf %convert_element_type3A_2231 : bf16 to f32
    %mul3A_2233 = vector.broadcast %convert_element_type3A_2232 : f32 to vector<1024x128xf32>
    %mul3A_2234 = arith.mulf %convert_element_type3A_2178, %mul3A_2233 : vector<1024x128xf32>
    %add3A_2235 = arith.addf %add3A_2227, %mul3A_2234 : vector<1024x128xf32>
    %get3A_2236 = arith.constant 7 : index
    %get3A_2237 = arith.constant 0 : index
    %get3A_2238 = memref.load %arg9[%get3A_2236, %get3A_2237] : memref<8x1xf32, #tpu.memory_space<smem>>
    %convert_element_type3A_2239 = arith.truncf %get3A_2238 : f32 to bf16
    %convert_element_type3A_2240 = arith.extf %convert_element_type3A_2239 : bf16 to f32
    %mul3A_2241 = vector.broadcast %convert_element_type3A_2240 : f32 to vector<1024x128xf32>
    %mul3A_2242 = arith.mulf %convert_element_type3A_2180, %mul3A_2241 : vector<1024x128xf32>
    %add3A_2243 = arith.addf %add3A_2235, %mul3A_2242 : vector<1024x128xf32>
    %get3A_2244 = arith.constant 0 : index
    %get3A_2245 = arith.constant 0 : index
    %get3A_2246 = memref.load %arg10[%get3A_2244, %get3A_2245] : memref<1x1xf32, #tpu.memory_space<smem>>
    %add3A_2247 = vector.broadcast %get3A_2246 : f32 to vector<1024x128xf32>
    %add3A_2248 = arith.addf %add3A_2243, %add3A_2247 : vector<1024x128xf32>
    %reduce_sum3A_2249 = vector.shape_cast %add3A_2248 : vector<1024x128xf32> to vector<1x1024x128xf32>
    %reduce_sum3A_2250 = arith.constant dense<0.000000e+00> : vector<1xf32>
    %reduce_sum3A_2251 = vector.multi_reduction <add>, %reduce_sum3A_2249, %reduce_sum3A_2250 [1, 2] : vector<1x1024x128xf32> to vector<1xf32>
    %reduce_sum3A_2252 = vector.shape_cast %reduce_sum3A_2251 : vector<1xf32> to vector<1x1x1xf32>
    %reduce_sum3A_2253 = vector.extract %reduce_sum3A_2252[0, 0, 0] : f32 from vector<1x1x1xf32>
    %div3A_2254 = arith.constant 1.310720e+05 : f32
    %div3A_2255 = arith.divf %reduce_sum3A_2253, %div3A_2254 : f32
    %sub3A_2256 = vector.broadcast %div3A_2255 : f32 to vector<1024x128xf32>
    %sub3A_2257 = arith.subf %add3A_2248, %sub3A_2256 : vector<1024x128xf32>
    %integer_pow3A_2258 = arith.mulf %sub3A_2257, %sub3A_2257 : vector<1024x128xf32>
    %reduce_sum3A_2259 = vector.shape_cast %integer_pow3A_2258 : vector<1024x128xf32> to vector<1x1024x128xf32>
    %reduce_sum3A_2260 = arith.constant dense<0.000000e+00> : vector<1xf32>
    %reduce_sum3A_2261 = vector.multi_reduction <add>, %reduce_sum3A_2259, %reduce_sum3A_2260 [1, 2] : vector<1x1024x128xf32> to vector<1xf32>
    %reduce_sum3A_2262 = vector.shape_cast %reduce_sum3A_2261 : vector<1xf32> to vector<1x1x1xf32>
    %reduce_sum3A_2263 = vector.extract %reduce_sum3A_2262[0, 0, 0] : f32 from vector<1x1x1xf32>
    %div3A_2264 = arith.constant 1.310720e+05 : f32
    %div3A_2265 = arith.divf %reduce_sum3A_2263, %div3A_2264 : f32
    %sub3A_2266 = vector.broadcast %div3A_2255 : f32 to vector<1024x128xf32>
    %sub3A_2267 = arith.subf %add3A_2248, %sub3A_2266 : vector<1024x128xf32>
    %add3A_2268 = arith.constant 9.99999974E-6 : f32
    %add3A_2269 = arith.addf %div3A_2265, %add3A_2268 : f32
    %sqrt3A_2270 = math.sqrt %add3A_2269 : f32
    %div3A_2271 = vector.broadcast %sqrt3A_2270 : f32 to vector<1024x128xf32>
    %div3A_2272 = arith.divf %sub3A_2267, %div3A_2271 : vector<1024x128xf32>
    %get3A_2273 = arith.constant 0 : index
    %get3A_2274 = arith.constant 0 : index
    %get3A_2275 = memref.load %arg11[%get3A_2273, %get3A_2274] : memref<1x1xf32, #tpu.memory_space<smem>>
    %mul3A_2276 = vector.broadcast %get3A_2275 : f32 to vector<1024x128xf32>
    %mul3A_2277 = arith.mulf %div3A_2272, %mul3A_2276 : vector<1024x128xf32>
    %get3A_2278 = arith.constant 0 : index
    %get3A_2279 = arith.constant 0 : index
    %get3A_2280 = memref.load %arg12[%get3A_2278, %get3A_2279] : memref<1x1xf32, #tpu.memory_space<smem>>
    %add3A_2281 = vector.broadcast %get3A_2280 : f32 to vector<1024x128xf32>
    %add3A_2282 = arith.addf %mul3A_2277, %add3A_2281 : vector<1024x128xf32>
    %logistic3A = arith.negf %add3A_2282 : vector<1024x128xf32>
    %logistic3A_2283 = math.exp %logistic3A : vector<1024x128xf32>
    %logistic3A_2284 = arith.constant 1.000000e+00 : f32
    %logistic3A_2285 = vector.broadcast %logistic3A_2284 : f32 to vector<1024x128xf32>
    %logistic3A_2286 = arith.addf %logistic3A_2285, %logistic3A_2283 : vector<1024x128xf32>
    %logistic3A_2287 = arith.divf %logistic3A_2285, %logistic3A_2286 : vector<1024x128xf32>
    %swap3A = arith.constant 0 : index
    %swap3A_2288 = arith.constant 0 : index
    %swap3A_2289 = arith.constant 0 : index
    %swap3A_2290 = vector.load %arg13[%swap3A, %swap3A_2288, %swap3A_2289] : memref<1x1024x128xf32, #tpu.memory_space<vmem>>, vector<1x1024x128xf32>
    %swap3A_2291 = vector.shape_cast %swap3A_2290 : vector<1x1024x128xf32> to vector<1024x128xf32>
    %swap3A_2292 = vector.shape_cast %logistic3A_2287 : vector<1024x128xf32> to vector<1x1024x128xf32>
    tpu.vector_store %arg13[%swap3A, %swap3A_2288, %swap3A_2289], %swap3A_2292 {strides = array<i32>} : memref<1x1024x128xf32, #tpu.memory_space<vmem>>, vector<1x1024x128xf32>,
    return
  }
}

module attributes {stable_mosaic.version = 14 : i64} {
  func.func @_layer0_body(%arg0: i32, %arg1: memref<4096x3xf32, #tpu.memory_space<vmem>>, %arg2: memref<4096x64xf32, #tpu.memory_space<vmem>>, %arg3: memref<3x64xf32, #tpu.memory_space<vmem>>, %arg4: memref<64x64xf32, #tpu.memory_space<vmem>>, %arg5: memref<1x64xf32, #tpu.memory_space<vmem>>, %arg6: memref<4096x64xf32, #tpu.memory_space<vmem>>, %arg7: memref<1x64xf32, #tpu.memory_space<vmem>>, %arg8: memref<1x64xf32, #tpu.memory_space<vmem>>) attributes {dimension_semantics = [#tpu.dimension_semantics<arbitrary>], iteration_bounds = array<i64: 32>, scalar_prefetch = 0 : i64, scratch_operands = 0 : i64, tpu.core_type = #tpu.core_type<tc>, window_params = [{transform_indices = @transform_0, window_bounds = array<i64: 4096, 3>}, {transform_indices = @transform_1, window_bounds = array<i64: 4096, 64>}, {pipeline_mode = #tpu.pipeline_mode<synchronous>, transform_indices = @transform_2, window_bounds = array<i64: 3, 64>}, {pipeline_mode = #tpu.pipeline_mode<synchronous>, transform_indices = @transform_3, window_bounds = array<i64: 64, 64>}, {pipeline_mode = #tpu.pipeline_mode<synchronous>, transform_indices = @transform_4, window_bounds = array<i64: 1, 64>}, {transform_indices = @transform_5, window_bounds = array<i64: 4096, 64>}, {pipeline_mode = #tpu.pipeline_mode<synchronous>, transform_indices = @transform_6, window_bounds = array<i64: 1, 64>}, {pipeline_mode = #tpu.pipeline_mode<synchronous>, transform_indices = @transform_7, window_bounds = array<i64: 1, 64>}]} {
    %get3A = arith.constant 0 : index
    %get3A_0 = arith.constant 0 : index
    %get3A_1 = vector.load %arg1[%get3A, %get3A_0] : memref<4096x3xf32, #tpu.memory_space<vmem>>, vector<4096x3xf32>
    %get3A_2 = arith.constant 0 : index
    %get3A_3 = arith.constant 0 : index
    %get3A_4 = vector.load %arg3[%get3A_2, %get3A_3] : memref<3x64xf32, #tpu.memory_space<vmem>>, vector<3x64xf32>
    %dot_general3A = arith.constant dense<0.000000e+00> : vector<4096x64xf32>
    %dot_general3A_5 = tpu.matmul %get3A_1, %get3A_4, %dot_general3A {dimension_numbers = #tpu.dot_dimension_numbers<[1], [0], [0], [1], [0, 0, 1, 1], [], []>, transpose_lhs_hint = false} : vector<4096x3xf32>, vector<3x64xf32>, vector<4096x64xf32> -> vector<4096x64xf32>
    %get3A_6 = arith.constant 0 : index
    %get3A_7 = arith.constant 0 : index
    %get3A_8 = vector.load %arg2[%get3A_6, %get3A_7] : memref<4096x64xf32, #tpu.memory_space<vmem>>, vector<4096x64xf32>
    %get3A_9 = arith.constant 0 : index
    %get3A_10 = arith.constant 0 : index
    %get3A_11 = vector.load %arg4[%get3A_9, %get3A_10] : memref<64x64xf32, #tpu.memory_space<vmem>>, vector<64x64xf32>
    %dot_general3A_12 = arith.constant dense<0.000000e+00> : vector<4096x64xf32>
    %dot_general3A_13 = tpu.matmul %get3A_8, %get3A_11, %dot_general3A_12 {dimension_numbers = #tpu.dot_dimension_numbers<[1], [0], [0], [1], [0, 0, 1, 1], [], []>, transpose_lhs_hint = false} : vector<4096x64xf32>, vector<64x64xf32>, vector<4096x64xf32> -> vector<4096x64xf32>
    %add3A = arith.addf %dot_general3A_5, %dot_general3A_13 : vector<4096x64xf32>
    %get3A_14 = arith.constant 0 : index
    %get3A_15 = arith.constant 0 : index
    %get3A_16 = vector.load %arg5[%get3A_14, %get3A_15] : memref<1x64xf32, #tpu.memory_space<vmem>>, vector<1x64xf32>
    %add3A_17 = vector.broadcast %get3A_16 : vector<1x64xf32> to vector<4096x64xf32>
    %add3A_18 = arith.addf %add3A, %add3A_17 : vector<4096x64xf32>
    %swap3A = arith.constant 0 : index
    %swap3A_19 = arith.constant 0 : index
    %swap3A_20 = vector.load %arg6[%swap3A, %swap3A_19] : memref<4096x64xf32, #tpu.memory_space<vmem>>, vector<4096x64xf32>
    tpu.vector_store %arg6[%swap3A, %swap3A_19], %add3A_18 {strides = array<i32>} : memref<4096x64xf32, #tpu.memory_space<vmem>>, vector<4096x64xf32>,
    %eq3A = arith.constant 0 : i32
    %eq3A_21 = arith.cmpi eq, %arg0, %eq3A : i32
    %convert_element_type3A = arith.extui %eq3A_21 : i1 to i32
    %cond3A = arith.constant 0 : i32
    %cond3A_22 = arith.cmpi ne, %convert_element_type3A, %cond3A : i32
    scf.if %cond3A_22 {
      %broadcast_in_dim3A_41 = arith.constant 0.000000e+00 : f32
      %broadcast_in_dim3A_42 = vector.broadcast %broadcast_in_dim3A_41 : f32 to vector<1x64xf32>
      %swap3A_43 = arith.constant 0 : index
      %swap3A_44 = arith.constant 0 : index
      %swap3A_45 = vector.load %arg7[%swap3A_43, %swap3A_44] : memref<1x64xf32, #tpu.memory_space<vmem>>, vector<1x64xf32>
      tpu.vector_store %arg7[%swap3A_43, %swap3A_44], %broadcast_in_dim3A_42 {strides = array<i32>} : memref<1x64xf32, #tpu.memory_space<vmem>>, vector<1x64xf32>,
      %broadcast_in_dim3A_46 = arith.constant 0.000000e+00 : f32
      %broadcast_in_dim3A_47 = vector.broadcast %broadcast_in_dim3A_46 : f32 to vector<1x64xf32>
      %swap3A_48 = arith.constant 0 : index
      %swap3A_49 = arith.constant 0 : index
      %swap3A_50 = vector.load %arg8[%swap3A_48, %swap3A_49] : memref<1x64xf32, #tpu.memory_space<vmem>>, vector<1x64xf32>
      tpu.vector_store %arg8[%swap3A_48, %swap3A_49], %broadcast_in_dim3A_47 {strides = array<i32>} : memref<1x64xf32, #tpu.memory_space<vmem>>, vector<1x64xf32>,
    } else {
    }
    %get3A_23 = arith.constant 0 : index
    %get3A_24 = arith.constant 0 : index
    %get3A_25 = vector.load %arg7[%get3A_23, %get3A_24] : memref<1x64xf32, #tpu.memory_space<vmem>>, vector<1x64xf32>
    %reduce_sum3A = arith.constant dense<0.000000e+00> : vector<64xf32>
    %reduce_sum3A_26 = vector.multi_reduction <add>, %add3A_18, %reduce_sum3A [0] : vector<4096x64xf32> to vector<64xf32>
    %broadcast_in_dim3A = vector.shape_cast %reduce_sum3A_26 : vector<64xf32> to vector<1x64xf32>
    %add3A_27 = arith.addf %get3A_25, %broadcast_in_dim3A : vector<1x64xf32>
    %swap3A_28 = arith.constant 0 : index
    %swap3A_29 = arith.constant 0 : index
    %swap3A_30 = vector.load %arg7[%swap3A_28, %swap3A_29] : memref<1x64xf32, #tpu.memory_space<vmem>>, vector<1x64xf32>
    tpu.vector_store %arg7[%swap3A_28, %swap3A_29], %add3A_27 {strides = array<i32>} : memref<1x64xf32, #tpu.memory_space<vmem>>, vector<1x64xf32>,
    %get3A_31 = arith.constant 0 : index
    %get3A_32 = arith.constant 0 : index
    %get3A_33 = vector.load %arg8[%get3A_31, %get3A_32] : memref<1x64xf32, #tpu.memory_space<vmem>>, vector<1x64xf32>
    %mul3A = arith.mulf %add3A_18, %add3A_18 : vector<4096x64xf32>
    %reduce_sum3A_34 = arith.constant dense<0.000000e+00> : vector<64xf32>
    %reduce_sum3A_35 = vector.multi_reduction <add>, %mul3A, %reduce_sum3A_34 [0] : vector<4096x64xf32> to vector<64xf32>
    %broadcast_in_dim3A_36 = vector.shape_cast %reduce_sum3A_35 : vector<64xf32> to vector<1x64xf32>
    %add3A_37 = arith.addf %get3A_33, %broadcast_in_dim3A_36 : vector<1x64xf32>
    %swap3A_38 = arith.constant 0 : index
    %swap3A_39 = arith.constant 0 : index
    %swap3A_40 = vector.load %arg8[%swap3A_38, %swap3A_39] : memref<1x64xf32, #tpu.memory_space<vmem>>, vector<1x64xf32>
    tpu.vector_store %arg8[%swap3A_38, %swap3A_39], %add3A_37 {strides = array<i32>} : memref<1x64xf32, #tpu.memory_space<vmem>>, vector<1x64xf32>,
    return
  }
  func.func @transform_0(%arg0: i32) -> (i32, i32) {
    %c0_i32 = arith.constant 0 : i32
    %c0_i32_0 = arith.constant 0 : i32
    return %arg0, %c0_i32 : i32, i32
  }
  func.func @transform_1(%arg0: i32) -> (i32, i32) {
    %c0_i32 = arith.constant 0 : i32
    %c0_i32_0 = arith.constant 0 : i32
    return %arg0, %c0_i32 : i32, i32
  }
  func.func @transform_2(%arg0: i32) -> (i32, i32) {
    %c0_i32 = arith.constant 0 : i32
    %c0_i32_0 = arith.constant 0 : i32
    %c0_i32_1 = arith.constant 0 : i32
    return %c0_i32, %c0_i32_0 : i32, i32
  }
  func.func @transform_3(%arg0: i32) -> (i32, i32) {
    %c0_i32 = arith.constant 0 : i32
    %c0_i32_0 = arith.constant 0 : i32
    %c0_i32_1 = arith.constant 0 : i32
    return %c0_i32, %c0_i32_0 : i32, i32
  }
  func.func @transform_4(%arg0: i32) -> (i32, i32) {
    %c0_i32 = arith.constant 0 : i32
    %c0_i32_0 = arith.constant 0 : i32
    %c0_i32_1 = arith.constant 0 : i32
    return %c0_i32, %c0_i32_0 : i32, i32
  }
  func.func @transform_5(%arg0: i32) -> (i32, i32) {
    %c0_i32 = arith.constant 0 : i32
    %c0_i32_0 = arith.constant 0 : i32
    return %arg0, %c0_i32 : i32, i32
  }
  func.func @transform_6(%arg0: i32) -> (i32, i32) {
    %c0_i32 = arith.constant 0 : i32
    %c0_i32_0 = arith.constant 0 : i32
    %c0_i32_1 = arith.constant 0 : i32
    return %c0_i32, %c0_i32_0 : i32, i32
  }
  func.func @transform_7(%arg0: i32) -> (i32, i32) {
    %c0_i32 = arith.constant 0 : i32
    %c0_i32_0 = arith.constant 0 : i32
    %c0_i32_1 = arith.constant 0 : i32
    return %c0_i32, %c0_i32_0 : i32, i32
  }
}

module attributes {stable_mosaic.version = 14 : i64} {
  func.func @_layer_body(%arg0: i32, %arg1: memref<4096x64xf32, #tpu.memory_space<vmem>>, %arg2: memref<1x64xf32, #tpu.memory_space<vmem>>, %arg3: memref<1x64xf32, #tpu.memory_space<vmem>>, %arg4: memref<64x128xf32, #tpu.memory_space<vmem>>, %arg5: memref<1x128xf32, #tpu.memory_space<vmem>>, %arg6: memref<4096x128xf32, #tpu.memory_space<vmem>>, %arg7: memref<1x128xf32, #tpu.memory_space<vmem>>, %arg8: memref<1x128xf32, #tpu.memory_space<vmem>>) attributes {dimension_semantics = [#tpu.dimension_semantics<arbitrary>], iteration_bounds = array<i64: 32>, scalar_prefetch = 0 : i64, scratch_operands = 0 : i64, tpu.core_type = #tpu.core_type<tc>, window_params = [{transform_indices = @transform_0, window_bounds = array<i64: 4096, 64>}, {pipeline_mode = #tpu.pipeline_mode<synchronous>, transform_indices = @transform_1, window_bounds = array<i64: 1, 64>}, {pipeline_mode = #tpu.pipeline_mode<synchronous>, transform_indices = @transform_2, window_bounds = array<i64: 1, 64>}, {pipeline_mode = #tpu.pipeline_mode<synchronous>, transform_indices = @transform_3, window_bounds = array<i64: 64, 128>}, {pipeline_mode = #tpu.pipeline_mode<synchronous>, transform_indices = @transform_4, window_bounds = array<i64: 1, 128>}, {transform_indices = @transform_5, window_bounds = array<i64: 4096, 128>}, {pipeline_mode = #tpu.pipeline_mode<synchronous>, transform_indices = @transform_6, window_bounds = array<i64: 1, 128>}, {pipeline_mode = #tpu.pipeline_mode<synchronous>, transform_indices = @transform_7, window_bounds = array<i64: 1, 128>}]} {
    %get3A = arith.constant 0 : index
    %get3A_0 = arith.constant 0 : index
    %get3A_1 = vector.load %arg1[%get3A, %get3A_0] : memref<4096x64xf32, #tpu.memory_space<vmem>>, vector<4096x64xf32>
    %get3A_2 = arith.constant 0 : index
    %get3A_3 = arith.constant 0 : index
    %get3A_4 = vector.load %arg2[%get3A_2, %get3A_3] : memref<1x64xf32, #tpu.memory_space<vmem>>, vector<1x64xf32>
    %mul3A = vector.broadcast %get3A_4 : vector<1x64xf32> to vector<4096x64xf32>
    %mul3A_5 = arith.mulf %get3A_1, %mul3A : vector<4096x64xf32>
    %get3A_6 = arith.constant 0 : index
    %get3A_7 = arith.constant 0 : index
    %get3A_8 = vector.load %arg3[%get3A_6, %get3A_7] : memref<1x64xf32, #tpu.memory_space<vmem>>, vector<1x64xf32>
    %add3A = vector.broadcast %get3A_8 : vector<1x64xf32> to vector<4096x64xf32>
    %add3A_9 = arith.addf %mul3A_5, %add3A : vector<4096x64xf32>
    %max3A = arith.constant 0.000000e+00 : f32
    %max3A_10 = vector.broadcast %max3A : f32 to vector<4096x64xf32>
    %max3A_11 = arith.maximumf %add3A_9, %max3A_10 : vector<4096x64xf32>
    %get3A_12 = arith.constant 0 : index
    %get3A_13 = arith.constant 0 : index
    %get3A_14 = vector.load %arg4[%get3A_12, %get3A_13] : memref<64x128xf32, #tpu.memory_space<vmem>>, vector<64x128xf32>
    %dot_general3A = arith.constant dense<0.000000e+00> : vector<4096x128xf32>
    %dot_general3A_15 = tpu.matmul %max3A_11, %get3A_14, %dot_general3A {dimension_numbers = #tpu.dot_dimension_numbers<[1], [0], [0], [1], [0, 0, 1, 1], [], []>, transpose_lhs_hint = false} : vector<4096x64xf32>, vector<64x128xf32>, vector<4096x128xf32> -> vector<4096x128xf32>
    %get3A_16 = arith.constant 0 : index
    %get3A_17 = arith.constant 0 : index
    %get3A_18 = vector.load %arg5[%get3A_16, %get3A_17] : memref<1x128xf32, #tpu.memory_space<vmem>>, vector<1x128xf32>
    %add3A_19 = vector.broadcast %get3A_18 : vector<1x128xf32> to vector<4096x128xf32>
    %add3A_20 = arith.addf %dot_general3A_15, %add3A_19 : vector<4096x128xf32>
    %swap3A = arith.constant 0 : index
    %swap3A_21 = arith.constant 0 : index
    %swap3A_22 = vector.load %arg6[%swap3A, %swap3A_21] : memref<4096x128xf32, #tpu.memory_space<vmem>>, vector<4096x128xf32>
    tpu.vector_store %arg6[%swap3A, %swap3A_21], %add3A_20 {strides = array<i32>} : memref<4096x128xf32, #tpu.memory_space<vmem>>, vector<4096x128xf32>,
    %eq3A = arith.constant 0 : i32
    %eq3A_23 = arith.cmpi eq, %arg0, %eq3A : i32
    %convert_element_type3A = arith.extui %eq3A_23 : i1 to i32
    %cond3A = arith.constant 0 : i32
    %cond3A_24 = arith.cmpi ne, %convert_element_type3A, %cond3A : i32
    scf.if %cond3A_24 {
      %broadcast_in_dim3A_44 = arith.constant 0.000000e+00 : f32
      %broadcast_in_dim3A_45 = vector.broadcast %broadcast_in_dim3A_44 : f32 to vector<1x128xf32>
      %swap3A_46 = arith.constant 0 : index
      %swap3A_47 = arith.constant 0 : index
      %swap3A_48 = vector.load %arg7[%swap3A_46, %swap3A_47] : memref<1x128xf32, #tpu.memory_space<vmem>>, vector<1x128xf32>
      tpu.vector_store %arg7[%swap3A_46, %swap3A_47], %broadcast_in_dim3A_45 {strides = array<i32>} : memref<1x128xf32, #tpu.memory_space<vmem>>, vector<1x128xf32>,
      %broadcast_in_dim3A_49 = arith.constant 0.000000e+00 : f32
      %broadcast_in_dim3A_50 = vector.broadcast %broadcast_in_dim3A_49 : f32 to vector<1x128xf32>
      %swap3A_51 = arith.constant 0 : index
      %swap3A_52 = arith.constant 0 : index
      %swap3A_53 = vector.load %arg8[%swap3A_51, %swap3A_52] : memref<1x128xf32, #tpu.memory_space<vmem>>, vector<1x128xf32>
      tpu.vector_store %arg8[%swap3A_51, %swap3A_52], %broadcast_in_dim3A_50 {strides = array<i32>} : memref<1x128xf32, #tpu.memory_space<vmem>>, vector<1x128xf32>,
    } else {
    }
    %get3A_25 = arith.constant 0 : index
    %get3A_26 = arith.constant 0 : index
    %get3A_27 = vector.load %arg7[%get3A_25, %get3A_26] : memref<1x128xf32, #tpu.memory_space<vmem>>, vector<1x128xf32>
    %reduce_sum3A = arith.constant dense<0.000000e+00> : vector<128xf32>
    %reduce_sum3A_28 = vector.multi_reduction <add>, %add3A_20, %reduce_sum3A [0] : vector<4096x128xf32> to vector<128xf32>
    %broadcast_in_dim3A = vector.shape_cast %reduce_sum3A_28 : vector<128xf32> to vector<1x128xf32>
    %add3A_29 = arith.addf %get3A_27, %broadcast_in_dim3A : vector<1x128xf32>
    %swap3A_30 = arith.constant 0 : index
    %swap3A_31 = arith.constant 0 : index
    %swap3A_32 = vector.load %arg7[%swap3A_30, %swap3A_31] : memref<1x128xf32, #tpu.memory_space<vmem>>, vector<1x128xf32>
    tpu.vector_store %arg7[%swap3A_30, %swap3A_31], %add3A_29 {strides = array<i32>} : memref<1x128xf32, #tpu.memory_space<vmem>>, vector<1x128xf32>,
    %get3A_33 = arith.constant 0 : index
    %get3A_34 = arith.constant 0 : index
    %get3A_35 = vector.load %arg8[%get3A_33, %get3A_34] : memref<1x128xf32, #tpu.memory_space<vmem>>, vector<1x128xf32>
    %mul3A_36 = arith.mulf %add3A_20, %add3A_20 : vector<4096x128xf32>
    %reduce_sum3A_37 = arith.constant dense<0.000000e+00> : vector<128xf32>
    %reduce_sum3A_38 = vector.multi_reduction <add>, %mul3A_36, %reduce_sum3A_37 [0] : vector<4096x128xf32> to vector<128xf32>
    %broadcast_in_dim3A_39 = vector.shape_cast %reduce_sum3A_38 : vector<128xf32> to vector<1x128xf32>
    %add3A_40 = arith.addf %get3A_35, %broadcast_in_dim3A_39 : vector<1x128xf32>
    %swap3A_41 = arith.constant 0 : index
    %swap3A_42 = arith.constant 0 : index
    %swap3A_43 = vector.load %arg8[%swap3A_41, %swap3A_42] : memref<1x128xf32, #tpu.memory_space<vmem>>, vector<1x128xf32>
    tpu.vector_store %arg8[%swap3A_41, %swap3A_42], %add3A_40 {strides = array<i32>} : memref<1x128xf32, #tpu.memory_space<vmem>>, vector<1x128xf32>,
    return
  }
  func.func @transform_0(%arg0: i32) -> (i32, i32) {
    %c0_i32 = arith.constant 0 : i32
    %c0_i32_0 = arith.constant 0 : i32
    return %arg0, %c0_i32 : i32, i32
  }
  func.func @transform_1(%arg0: i32) -> (i32, i32) {
    %c0_i32 = arith.constant 0 : i32
    %c0_i32_0 = arith.constant 0 : i32
    %c0_i32_1 = arith.constant 0 : i32
    return %c0_i32, %c0_i32_0 : i32, i32
  }
  func.func @transform_2(%arg0: i32) -> (i32, i32) {
    %c0_i32 = arith.constant 0 : i32
    %c0_i32_0 = arith.constant 0 : i32
    %c0_i32_1 = arith.constant 0 : i32
    return %c0_i32, %c0_i32_0 : i32, i32
  }
  func.func @transform_3(%arg0: i32) -> (i32, i32) {
    %c0_i32 = arith.constant 0 : i32
    %c0_i32_0 = arith.constant 0 : i32
    %c0_i32_1 = arith.constant 0 : i32
    return %c0_i32, %c0_i32_0 : i32, i32
  }
  func.func @transform_4(%arg0: i32) -> (i32, i32) {
    %c0_i32 = arith.constant 0 : i32
    %c0_i32_0 = arith.constant 0 : i32
    %c0_i32_1 = arith.constant 0 : i32
    return %c0_i32, %c0_i32_0 : i32, i32
  }
  func.func @transform_5(%arg0: i32) -> (i32, i32) {
    %c0_i32 = arith.constant 0 : i32
    %c0_i32_0 = arith.constant 0 : i32
    return %arg0, %c0_i32 : i32, i32
  }
  func.func @transform_6(%arg0: i32) -> (i32, i32) {
    %c0_i32 = arith.constant 0 : i32
    %c0_i32_0 = arith.constant 0 : i32
    %c0_i32_1 = arith.constant 0 : i32
    return %c0_i32, %c0_i32_0 : i32, i32
  }
  func.func @transform_7(%arg0: i32) -> (i32, i32) {
    %c0_i32 = arith.constant 0 : i32
    %c0_i32_0 = arith.constant 0 : i32
    %c0_i32_1 = arith.constant 0 : i32
    return %c0_i32, %c0_i32_0 : i32, i32
  }
}

module attributes {stable_mosaic.version = 14 : i64} {
  func.func @_p2_body(%arg0: i32, %arg1: memref<4096x128xf32, #tpu.memory_space<vmem>>, %arg2: memref<1x128xf32, #tpu.memory_space<vmem>>, %arg3: memref<1x128xf32, #tpu.memory_space<vmem>>, %arg4: memref<4096x1xf32, #tpu.memory_space<vmem>>, %arg5: memref<4096x16xf32, #tpu.memory_space<vmem>>, %arg6: memref<16x128x128xf32, #tpu.memory_space<vmem>>, %arg7: memref<1x128xf32, #tpu.memory_space<vmem>>, %arg8: memref<128x128xf32, #tpu.memory_space<vmem>>, %arg9: memref<1x128xf32, #tpu.memory_space<vmem>>, %arg10: memref<1x128xf32, #tpu.memory_space<vmem>>) attributes {dimension_semantics = [#tpu.dimension_semantics<arbitrary>], iteration_bounds = array<i64: 32>, scalar_prefetch = 0 : i64, scratch_operands = 0 : i64, tpu.core_type = #tpu.core_type<tc>, window_params = [{transform_indices = @transform_0, window_bounds = array<i64: 4096, 128>}, {pipeline_mode = #tpu.pipeline_mode<synchronous>, transform_indices = @transform_1, window_bounds = array<i64: 1, 128>}, {pipeline_mode = #tpu.pipeline_mode<synchronous>, transform_indices = @transform_2, window_bounds = array<i64: 1, 128>}, {transform_indices = @transform_3, window_bounds = array<i64: 4096, 1>}, {transform_indices = @transform_4, window_bounds = array<i64: 4096, 16>}, {pipeline_mode = #tpu.pipeline_mode<synchronous>, transform_indices = @transform_5, window_bounds = array<i64: 16, 128, 128>}, {pipeline_mode = #tpu.pipeline_mode<synchronous>, transform_indices = @transform_6, window_bounds = array<i64: 1, 128>}, {transform_indices = @transform_7, window_bounds = array<i64: 128, 128>}, {pipeline_mode = #tpu.pipeline_mode<synchronous>, transform_indices = @transform_8, window_bounds = array<i64: 1, 128>}, {pipeline_mode = #tpu.pipeline_mode<synchronous>, transform_indices = @transform_9, window_bounds = array<i64: 1, 128>}]} {
    %get3A = arith.constant 0 : index
    %get3A_0 = arith.constant 0 : index
    %get3A_1 = vector.load %arg1[%get3A, %get3A_0] : memref<4096x128xf32, #tpu.memory_space<vmem>>, vector<4096x128xf32>
    %get3A_2 = arith.constant 0 : index
    %get3A_3 = arith.constant 0 : index
    %get3A_4 = vector.load %arg2[%get3A_2, %get3A_3] : memref<1x128xf32, #tpu.memory_space<vmem>>, vector<1x128xf32>
    %mul3A = vector.broadcast %get3A_4 : vector<1x128xf32> to vector<4096x128xf32>
    %mul3A_5 = arith.mulf %get3A_1, %mul3A : vector<4096x128xf32>
    %get3A_6 = arith.constant 0 : index
    %get3A_7 = arith.constant 0 : index
    %get3A_8 = vector.load %arg3[%get3A_6, %get3A_7] : memref<1x128xf32, #tpu.memory_space<vmem>>, vector<1x128xf32>
    %add3A = vector.broadcast %get3A_8 : vector<1x128xf32> to vector<4096x128xf32>
    %add3A_9 = arith.addf %mul3A_5, %add3A : vector<4096x128xf32>
    %max3A = arith.constant 0.000000e+00 : f32
    %max3A_10 = vector.broadcast %max3A : f32 to vector<4096x128xf32>
    %max3A_11 = arith.maximumf %add3A_9, %max3A_10 : vector<4096x128xf32>
    %get3A_12 = arith.constant 0 : index
    %get3A_13 = arith.constant 0 : index
    %get3A_14 = vector.load %arg4[%get3A_12, %get3A_13] : memref<4096x1xf32, #tpu.memory_space<vmem>>, vector<4096x1xf32>
    %mul3A_15 = vector.broadcast %get3A_14 : vector<4096x1xf32> to vector<4096x128xf32>
    %mul3A_16 = arith.mulf %max3A_11, %mul3A_15 : vector<4096x128xf32>
    %convert_element_type3A = arith.truncf %mul3A_16 : vector<4096x128xf32> to vector<4096x128xbf16>
    %convert_element_type3A_17 = arith.extf %convert_element_type3A : vector<4096x128xbf16> to vector<4096x128xf32>
    %get3A_18 = arith.constant 0 : index
    %get3A_19 = arith.constant 0 : index
    %get3A_20 = vector.load %arg5[%get3A_18, %get3A_19] : memref<4096x16xf32, #tpu.memory_space<vmem>>, vector<4096x16xf32>
    %convert_element_type3A_21 = arith.truncf %get3A_20 : vector<4096x16xf32> to vector<4096x16xbf16>
    %convert_element_type3A_22 = arith.extf %convert_element_type3A_21 : vector<4096x16xbf16> to vector<4096x16xf32>
    %broadcast_in_dim3A = arith.constant 0.000000e+00 : f32
    %broadcast_in_dim3A_23 = vector.broadcast %broadcast_in_dim3A : f32 to vector<128x128xf32>
    %slice3A = vector.extract_strided_slice %convert_element_type3A_22 {offsets = [0, 0], sizes = [4096, 1], strides = [1, 1]} : vector<4096x16xf32> to vector<4096x1xf32>
    %mul3A_24 = vector.broadcast %slice3A : vector<4096x1xf32> to vector<4096x128xf32>
    %mul3A_25 = arith.mulf %convert_element_type3A_17, %mul3A_24 : vector<4096x128xf32>
    %reshape3A = vector.shape_cast %mul3A_25 : vector<4096x128xf32> to vector<128x32x128xf32>
    %reduce_sum3A = arith.constant dense<0.000000e+00> : vector<128x128xf32>
    %reduce_sum3A_26 = vector.multi_reduction <add>, %reshape3A, %reduce_sum3A [1] : vector<128x32x128xf32> to vector<128x128xf32>
    %get3A_27 = arith.constant 0 : index
    %get3A_28 = arith.constant 0 : index
    %get3A_29 = arith.constant 0 : index
    %get3A_30 = vector.load %arg6[%get3A_27, %get3A_28, %get3A_29] : memref<16x128x128xf32, #tpu.memory_space<vmem>>, vector<1x128x128xf32>
    %get3A_31 = vector.shape_cast %get3A_30 : vector<1x128x128xf32> to vector<128x128xf32>
    %dot_general3A = arith.constant dense<0.000000e+00> : vector<128x128xf32>
    %dot_general3A_32 = tpu.matmul %reduce_sum3A_26, %get3A_31, %dot_general3A {dimension_numbers = #tpu.dot_dimension_numbers<[1], [0], [0], [1], [0, 0, 1, 1], [], []>, transpose_lhs_hint = false} : vector<128x128xf32>, vector<128x128xf32>, vector<128x128xf32> -> vector<128x128xf32>
    %add3A_33 = arith.addf %broadcast_in_dim3A_23, %dot_general3A_32 : vector<128x128xf32>
    %slice3A_34 = vector.extract_strided_slice %convert_element_type3A_22 {offsets = [0, 1], sizes = [4096, 1], strides = [1, 1]} : vector<4096x16xf32> to vector<4096x1xf32>
    %mul3A_35 = vector.broadcast %slice3A_34 : vector<4096x1xf32> to vector<4096x128xf32>
    %mul3A_36 = arith.mulf %convert_element_type3A_17, %mul3A_35 : vector<4096x128xf32>
    %reshape3A_37 = vector.shape_cast %mul3A_36 : vector<4096x128xf32> to vector<128x32x128xf32>
    %reduce_sum3A_38 = arith.constant dense<0.000000e+00> : vector<128x128xf32>
    %reduce_sum3A_39 = vector.multi_reduction <add>, %reshape3A_37, %reduce_sum3A_38 [1] : vector<128x32x128xf32> to vector<128x128xf32>
    %get3A_40 = arith.constant 1 : index
    %get3A_41 = arith.constant 0 : index
    %get3A_42 = arith.constant 0 : index
    %get3A_43 = vector.load %arg6[%get3A_40, %get3A_41, %get3A_42] : memref<16x128x128xf32, #tpu.memory_space<vmem>>, vector<1x128x128xf32>
    %get3A_44 = vector.shape_cast %get3A_43 : vector<1x128x128xf32> to vector<128x128xf32>
    %dot_general3A_45 = arith.constant dense<0.000000e+00> : vector<128x128xf32>
    %dot_general3A_46 = tpu.matmul %reduce_sum3A_39, %get3A_44, %dot_general3A_45 {dimension_numbers = #tpu.dot_dimension_numbers<[1], [0], [0], [1], [0, 0, 1, 1], [], []>, transpose_lhs_hint = false} : vector<128x128xf32>, vector<128x128xf32>, vector<128x128xf32> -> vector<128x128xf32>
    %add3A_47 = arith.addf %add3A_33, %dot_general3A_46 : vector<128x128xf32>
    %slice3A_48 = vector.extract_strided_slice %convert_element_type3A_22 {offsets = [0, 2], sizes = [4096, 1], strides = [1, 1]} : vector<4096x16xf32> to vector<4096x1xf32>
    %mul3A_49 = vector.broadcast %slice3A_48 : vector<4096x1xf32> to vector<4096x128xf32>
    %mul3A_50 = arith.mulf %convert_element_type3A_17, %mul3A_49 : vector<4096x128xf32>
    %reshape3A_51 = vector.shape_cast %mul3A_50 : vector<4096x128xf32> to vector<128x32x128xf32>
    %reduce_sum3A_52 = arith.constant dense<0.000000e+00> : vector<128x128xf32>
    %reduce_sum3A_53 = vector.multi_reduction <add>, %reshape3A_51, %reduce_sum3A_52 [1] : vector<128x32x128xf32> to vector<128x128xf32>
    %get3A_54 = arith.constant 2 : index
    %get3A_55 = arith.constant 0 : index
    %get3A_56 = arith.constant 0 : index
    %get3A_57 = vector.load %arg6[%get3A_54, %get3A_55, %get3A_56] : memref<16x128x128xf32, #tpu.memory_space<vmem>>, vector<1x128x128xf32>
    %get3A_58 = vector.shape_cast %get3A_57 : vector<1x128x128xf32> to vector<128x128xf32>
    %dot_general3A_59 = arith.constant dense<0.000000e+00> : vector<128x128xf32>
    %dot_general3A_60 = tpu.matmul %reduce_sum3A_53, %get3A_58, %dot_general3A_59 {dimension_numbers = #tpu.dot_dimension_numbers<[1], [0], [0], [1], [0, 0, 1, 1], [], []>, transpose_lhs_hint = false} : vector<128x128xf32>, vector<128x128xf32>, vector<128x128xf32> -> vector<128x128xf32>
    %add3A_61 = arith.addf %add3A_47, %dot_general3A_60 : vector<128x128xf32>
    %slice3A_62 = vector.extract_strided_slice %convert_element_type3A_22 {offsets = [0, 3], sizes = [4096, 1], strides = [1, 1]} : vector<4096x16xf32> to vector<4096x1xf32>
    %mul3A_63 = vector.broadcast %slice3A_62 : vector<4096x1xf32> to vector<4096x128xf32>
    %mul3A_64 = arith.mulf %convert_element_type3A_17, %mul3A_63 : vector<4096x128xf32>
    %reshape3A_65 = vector.shape_cast %mul3A_64 : vector<4096x128xf32> to vector<128x32x128xf32>
    %reduce_sum3A_66 = arith.constant dense<0.000000e+00> : vector<128x128xf32>
    %reduce_sum3A_67 = vector.multi_reduction <add>, %reshape3A_65, %reduce_sum3A_66 [1] : vector<128x32x128xf32> to vector<128x128xf32>
    %get3A_68 = arith.constant 3 : index
    %get3A_69 = arith.constant 0 : index
    %get3A_70 = arith.constant 0 : index
    %get3A_71 = vector.load %arg6[%get3A_68, %get3A_69, %get3A_70] : memref<16x128x128xf32, #tpu.memory_space<vmem>>, vector<1x128x128xf32>
    %get3A_72 = vector.shape_cast %get3A_71 : vector<1x128x128xf32> to vector<128x128xf32>
    %dot_general3A_73 = arith.constant dense<0.000000e+00> : vector<128x128xf32>
    %dot_general3A_74 = tpu.matmul %reduce_sum3A_67, %get3A_72, %dot_general3A_73 {dimension_numbers = #tpu.dot_dimension_numbers<[1], [0], [0], [1], [0, 0, 1, 1], [], []>, transpose_lhs_hint = false} : vector<128x128xf32>, vector<128x128xf32>, vector<128x128xf32> -> vector<128x128xf32>
    %add3A_75 = arith.addf %add3A_61, %dot_general3A_74 : vector<128x128xf32>
    %slice3A_76 = vector.extract_strided_slice %convert_element_type3A_22 {offsets = [0, 4], sizes = [4096, 1], strides = [1, 1]} : vector<4096x16xf32> to vector<4096x1xf32>
    %mul3A_77 = vector.broadcast %slice3A_76 : vector<4096x1xf32> to vector<4096x128xf32>
    %mul3A_78 = arith.mulf %convert_element_type3A_17, %mul3A_77 : vector<4096x128xf32>
    %reshape3A_79 = vector.shape_cast %mul3A_78 : vector<4096x128xf32> to vector<128x32x128xf32>
    %reduce_sum3A_80 = arith.constant dense<0.000000e+00> : vector<128x128xf32>
    %reduce_sum3A_81 = vector.multi_reduction <add>, %reshape3A_79, %reduce_sum3A_80 [1] : vector<128x32x128xf32> to vector<128x128xf32>
    %get3A_82 = arith.constant 4 : index
    %get3A_83 = arith.constant 0 : index
    %get3A_84 = arith.constant 0 : index
    %get3A_85 = vector.load %arg6[%get3A_82, %get3A_83, %get3A_84] : memref<16x128x128xf32, #tpu.memory_space<vmem>>, vector<1x128x128xf32>
    %get3A_86 = vector.shape_cast %get3A_85 : vector<1x128x128xf32> to vector<128x128xf32>
    %dot_general3A_87 = arith.constant dense<0.000000e+00> : vector<128x128xf32>
    %dot_general3A_88 = tpu.matmul %reduce_sum3A_81, %get3A_86, %dot_general3A_87 {dimension_numbers = #tpu.dot_dimension_numbers<[1], [0], [0], [1], [0, 0, 1, 1], [], []>, transpose_lhs_hint = false} : vector<128x128xf32>, vector<128x128xf32>, vector<128x128xf32> -> vector<128x128xf32>
    %add3A_89 = arith.addf %add3A_75, %dot_general3A_88 : vector<128x128xf32>
    %slice3A_90 = vector.extract_strided_slice %convert_element_type3A_22 {offsets = [0, 5], sizes = [4096, 1], strides = [1, 1]} : vector<4096x16xf32> to vector<4096x1xf32>
    %mul3A_91 = vector.broadcast %slice3A_90 : vector<4096x1xf32> to vector<4096x128xf32>
    %mul3A_92 = arith.mulf %convert_element_type3A_17, %mul3A_91 : vector<4096x128xf32>
    %reshape3A_93 = vector.shape_cast %mul3A_92 : vector<4096x128xf32> to vector<128x32x128xf32>
    %reduce_sum3A_94 = arith.constant dense<0.000000e+00> : vector<128x128xf32>
    %reduce_sum3A_95 = vector.multi_reduction <add>, %reshape3A_93, %reduce_sum3A_94 [1] : vector<128x32x128xf32> to vector<128x128xf32>
    %get3A_96 = arith.constant 5 : index
    %get3A_97 = arith.constant 0 : index
    %get3A_98 = arith.constant 0 : index
    %get3A_99 = vector.load %arg6[%get3A_96, %get3A_97, %get3A_98] : memref<16x128x128xf32, #tpu.memory_space<vmem>>, vector<1x128x128xf32>
    %get3A_100 = vector.shape_cast %get3A_99 : vector<1x128x128xf32> to vector<128x128xf32>
    %dot_general3A_101 = arith.constant dense<0.000000e+00> : vector<128x128xf32>
    %dot_general3A_102 = tpu.matmul %reduce_sum3A_95, %get3A_100, %dot_general3A_101 {dimension_numbers = #tpu.dot_dimension_numbers<[1], [0], [0], [1], [0, 0, 1, 1], [], []>, transpose_lhs_hint = false} : vector<128x128xf32>, vector<128x128xf32>, vector<128x128xf32> -> vector<128x128xf32>
    %add3A_103 = arith.addf %add3A_89, %dot_general3A_102 : vector<128x128xf32>
    %slice3A_104 = vector.extract_strided_slice %convert_element_type3A_22 {offsets = [0, 6], sizes = [4096, 1], strides = [1, 1]} : vector<4096x16xf32> to vector<4096x1xf32>
    %mul3A_105 = vector.broadcast %slice3A_104 : vector<4096x1xf32> to vector<4096x128xf32>
    %mul3A_106 = arith.mulf %convert_element_type3A_17, %mul3A_105 : vector<4096x128xf32>
    %reshape3A_107 = vector.shape_cast %mul3A_106 : vector<4096x128xf32> to vector<128x32x128xf32>
    %reduce_sum3A_108 = arith.constant dense<0.000000e+00> : vector<128x128xf32>
    %reduce_sum3A_109 = vector.multi_reduction <add>, %reshape3A_107, %reduce_sum3A_108 [1] : vector<128x32x128xf32> to vector<128x128xf32>
    %get3A_110 = arith.constant 6 : index
    %get3A_111 = arith.constant 0 : index
    %get3A_112 = arith.constant 0 : index
    %get3A_113 = vector.load %arg6[%get3A_110, %get3A_111, %get3A_112] : memref<16x128x128xf32, #tpu.memory_space<vmem>>, vector<1x128x128xf32>
    %get3A_114 = vector.shape_cast %get3A_113 : vector<1x128x128xf32> to vector<128x128xf32>
    %dot_general3A_115 = arith.constant dense<0.000000e+00> : vector<128x128xf32>
    %dot_general3A_116 = tpu.matmul %reduce_sum3A_109, %get3A_114, %dot_general3A_115 {dimension_numbers = #tpu.dot_dimension_numbers<[1], [0], [0], [1], [0, 0, 1, 1], [], []>, transpose_lhs_hint = false} : vector<128x128xf32>, vector<128x128xf32>, vector<128x128xf32> -> vector<128x128xf32>
    %add3A_117 = arith.addf %add3A_103, %dot_general3A_116 : vector<128x128xf32>
    %slice3A_118 = vector.extract_strided_slice %convert_element_type3A_22 {offsets = [0, 7], sizes = [4096, 1], strides = [1, 1]} : vector<4096x16xf32> to vector<4096x1xf32>
    %mul3A_119 = vector.broadcast %slice3A_118 : vector<4096x1xf32> to vector<4096x128xf32>
    %mul3A_120 = arith.mulf %convert_element_type3A_17, %mul3A_119 : vector<4096x128xf32>
    %reshape3A_121 = vector.shape_cast %mul3A_120 : vector<4096x128xf32> to vector<128x32x128xf32>
    %reduce_sum3A_122 = arith.constant dense<0.000000e+00> : vector<128x128xf32>
    %reduce_sum3A_123 = vector.multi_reduction <add>, %reshape3A_121, %reduce_sum3A_122 [1] : vector<128x32x128xf32> to vector<128x128xf32>
    %get3A_124 = arith.constant 7 : index
    %get3A_125 = arith.constant 0 : index
    %get3A_126 = arith.constant 0 : index
    %get3A_127 = vector.load %arg6[%get3A_124, %get3A_125, %get3A_126] : memref<16x128x128xf32, #tpu.memory_space<vmem>>, vector<1x128x128xf32>
    %get3A_128 = vector.shape_cast %get3A_127 : vector<1x128x128xf32> to vector<128x128xf32>
    %dot_general3A_129 = arith.constant dense<0.000000e+00> : vector<128x128xf32>
    %dot_general3A_130 = tpu.matmul %reduce_sum3A_123, %get3A_128, %dot_general3A_129 {dimension_numbers = #tpu.dot_dimension_numbers<[1], [0], [0], [1], [0, 0, 1, 1], [], []>, transpose_lhs_hint = false} : vector<128x128xf32>, vector<128x128xf32>, vector<128x128xf32> -> vector<128x128xf32>
    %add3A_131 = arith.addf %add3A_117, %dot_general3A_130 : vector<128x128xf32>
    %slice3A_132 = vector.extract_strided_slice %convert_element_type3A_22 {offsets = [0, 8], sizes = [4096, 1], strides = [1, 1]} : vector<4096x16xf32> to vector<4096x1xf32>
    %mul3A_133 = vector.broadcast %slice3A_132 : vector<4096x1xf32> to vector<4096x128xf32>
    %mul3A_134 = arith.mulf %convert_element_type3A_17, %mul3A_133 : vector<4096x128xf32>
    %reshape3A_135 = vector.shape_cast %mul3A_134 : vector<4096x128xf32> to vector<128x32x128xf32>
    %reduce_sum3A_136 = arith.constant dense<0.000000e+00> : vector<128x128xf32>
    %reduce_sum3A_137 = vector.multi_reduction <add>, %reshape3A_135, %reduce_sum3A_136 [1] : vector<128x32x128xf32> to vector<128x128xf32>
    %get3A_138 = arith.constant 8 : index
    %get3A_139 = arith.constant 0 : index
    %get3A_140 = arith.constant 0 : index
    %get3A_141 = vector.load %arg6[%get3A_138, %get3A_139, %get3A_140] : memref<16x128x128xf32, #tpu.memory_space<vmem>>, vector<1x128x128xf32>
    %get3A_142 = vector.shape_cast %get3A_141 : vector<1x128x128xf32> to vector<128x128xf32>
    %dot_general3A_143 = arith.constant dense<0.000000e+00> : vector<128x128xf32>
    %dot_general3A_144 = tpu.matmul %reduce_sum3A_137, %get3A_142, %dot_general3A_143 {dimension_numbers = #tpu.dot_dimension_numbers<[1], [0], [0], [1], [0, 0, 1, 1], [], []>, transpose_lhs_hint = false} : vector<128x128xf32>, vector<128x128xf32>, vector<128x128xf32> -> vector<128x128xf32>
    %add3A_145 = arith.addf %add3A_131, %dot_general3A_144 : vector<128x128xf32>
    %slice3A_146 = vector.extract_strided_slice %convert_element_type3A_22 {offsets = [0, 9], sizes = [4096, 1], strides = [1, 1]} : vector<4096x16xf32> to vector<4096x1xf32>
    %mul3A_147 = vector.broadcast %slice3A_146 : vector<4096x1xf32> to vector<4096x128xf32>
    %mul3A_148 = arith.mulf %convert_element_type3A_17, %mul3A_147 : vector<4096x128xf32>
    %reshape3A_149 = vector.shape_cast %mul3A_148 : vector<4096x128xf32> to vector<128x32x128xf32>
    %reduce_sum3A_150 = arith.constant dense<0.000000e+00> : vector<128x128xf32>
    %reduce_sum3A_151 = vector.multi_reduction <add>, %reshape3A_149, %reduce_sum3A_150 [1] : vector<128x32x128xf32> to vector<128x128xf32>
    %get3A_152 = arith.constant 9 : index
    %get3A_153 = arith.constant 0 : index
    %get3A_154 = arith.constant 0 : index
    %get3A_155 = vector.load %arg6[%get3A_152, %get3A_153, %get3A_154] : memref<16x128x128xf32, #tpu.memory_space<vmem>>, vector<1x128x128xf32>
    %get3A_156 = vector.shape_cast %get3A_155 : vector<1x128x128xf32> to vector<128x128xf32>
    %dot_general3A_157 = arith.constant dense<0.000000e+00> : vector<128x128xf32>
    %dot_general3A_158 = tpu.matmul %reduce_sum3A_151, %get3A_156, %dot_general3A_157 {dimension_numbers = #tpu.dot_dimension_numbers<[1], [0], [0], [1], [0, 0, 1, 1], [], []>, transpose_lhs_hint = false} : vector<128x128xf32>, vector<128x128xf32>, vector<128x128xf32> -> vector<128x128xf32>
    %add3A_159 = arith.addf %add3A_145, %dot_general3A_158 : vector<128x128xf32>
    %slice3A_160 = vector.extract_strided_slice %convert_element_type3A_22 {offsets = [0, 10], sizes = [4096, 1], strides = [1, 1]} : vector<4096x16xf32> to vector<4096x1xf32>
    %mul3A_161 = vector.broadcast %slice3A_160 : vector<4096x1xf32> to vector<4096x128xf32>
    %mul3A_162 = arith.mulf %convert_element_type3A_17, %mul3A_161 : vector<4096x128xf32>
    %reshape3A_163 = vector.shape_cast %mul3A_162 : vector<4096x128xf32> to vector<128x32x128xf32>
    %reduce_sum3A_164 = arith.constant dense<0.000000e+00> : vector<128x128xf32>
    %reduce_sum3A_165 = vector.multi_reduction <add>, %reshape3A_163, %reduce_sum3A_164 [1] : vector<128x32x128xf32> to vector<128x128xf32>
    %get3A_166 = arith.constant 10 : index
    %get3A_167 = arith.constant 0 : index
    %get3A_168 = arith.constant 0 : index
    %get3A_169 = vector.load %arg6[%get3A_166, %get3A_167, %get3A_168] : memref<16x128x128xf32, #tpu.memory_space<vmem>>, vector<1x128x128xf32>
    %get3A_170 = vector.shape_cast %get3A_169 : vector<1x128x128xf32> to vector<128x128xf32>
    %dot_general3A_171 = arith.constant dense<0.000000e+00> : vector<128x128xf32>
    %dot_general3A_172 = tpu.matmul %reduce_sum3A_165, %get3A_170, %dot_general3A_171 {dimension_numbers = #tpu.dot_dimension_numbers<[1], [0], [0], [1], [0, 0, 1, 1], [], []>, transpose_lhs_hint = false} : vector<128x128xf32>, vector<128x128xf32>, vector<128x128xf32> -> vector<128x128xf32>
    %add3A_173 = arith.addf %add3A_159, %dot_general3A_172 : vector<128x128xf32>
    %slice3A_174 = vector.extract_strided_slice %convert_element_type3A_22 {offsets = [0, 11], sizes = [4096, 1], strides = [1, 1]} : vector<4096x16xf32> to vector<4096x1xf32>
    %mul3A_175 = vector.broadcast %slice3A_174 : vector<4096x1xf32> to vector<4096x128xf32>
    %mul3A_176 = arith.mulf %convert_element_type3A_17, %mul3A_175 : vector<4096x128xf32>
    %reshape3A_177 = vector.shape_cast %mul3A_176 : vector<4096x128xf32> to vector<128x32x128xf32>
    %reduce_sum3A_178 = arith.constant dense<0.000000e+00> : vector<128x128xf32>
    %reduce_sum3A_179 = vector.multi_reduction <add>, %reshape3A_177, %reduce_sum3A_178 [1] : vector<128x32x128xf32> to vector<128x128xf32>
    %get3A_180 = arith.constant 11 : index
    %get3A_181 = arith.constant 0 : index
    %get3A_182 = arith.constant 0 : index
    %get3A_183 = vector.load %arg6[%get3A_180, %get3A_181, %get3A_182] : memref<16x128x128xf32, #tpu.memory_space<vmem>>, vector<1x128x128xf32>
    %get3A_184 = vector.shape_cast %get3A_183 : vector<1x128x128xf32> to vector<128x128xf32>
    %dot_general3A_185 = arith.constant dense<0.000000e+00> : vector<128x128xf32>
    %dot_general3A_186 = tpu.matmul %reduce_sum3A_179, %get3A_184, %dot_general3A_185 {dimension_numbers = #tpu.dot_dimension_numbers<[1], [0], [0], [1], [0, 0, 1, 1], [], []>, transpose_lhs_hint = false} : vector<128x128xf32>, vector<128x128xf32>, vector<128x128xf32> -> vector<128x128xf32>
    %add3A_187 = arith.addf %add3A_173, %dot_general3A_186 : vector<128x128xf32>
    %slice3A_188 = vector.extract_strided_slice %convert_element_type3A_22 {offsets = [0, 12], sizes = [4096, 1], strides = [1, 1]} : vector<4096x16xf32> to vector<4096x1xf32>
    %mul3A_189 = vector.broadcast %slice3A_188 : vector<4096x1xf32> to vector<4096x128xf32>
    %mul3A_190 = arith.mulf %convert_element_type3A_17, %mul3A_189 : vector<4096x128xf32>
    %reshape3A_191 = vector.shape_cast %mul3A_190 : vector<4096x128xf32> to vector<128x32x128xf32>
    %reduce_sum3A_192 = arith.constant dense<0.000000e+00> : vector<128x128xf32>
    %reduce_sum3A_193 = vector.multi_reduction <add>, %reshape3A_191, %reduce_sum3A_192 [1] : vector<128x32x128xf32> to vector<128x128xf32>
    %get3A_194 = arith.constant 12 : index
    %get3A_195 = arith.constant 0 : index
    %get3A_196 = arith.constant 0 : index
    %get3A_197 = vector.load %arg6[%get3A_194, %get3A_195, %get3A_196] : memref<16x128x128xf32, #tpu.memory_space<vmem>>, vector<1x128x128xf32>
    %get3A_198 = vector.shape_cast %get3A_197 : vector<1x128x128xf32> to vector<128x128xf32>
    %dot_general3A_199 = arith.constant dense<0.000000e+00> : vector<128x128xf32>
    %dot_general3A_200 = tpu.matmul %reduce_sum3A_193, %get3A_198, %dot_general3A_199 {dimension_numbers = #tpu.dot_dimension_numbers<[1], [0], [0], [1], [0, 0, 1, 1], [], []>, transpose_lhs_hint = false} : vector<128x128xf32>, vector<128x128xf32>, vector<128x128xf32> -> vector<128x128xf32>
    %add3A_201 = arith.addf %add3A_187, %dot_general3A_200 : vector<128x128xf32>
    %slice3A_202 = vector.extract_strided_slice %convert_element_type3A_22 {offsets = [0, 13], sizes = [4096, 1], strides = [1, 1]} : vector<4096x16xf32> to vector<4096x1xf32>
    %mul3A_203 = vector.broadcast %slice3A_202 : vector<4096x1xf32> to vector<4096x128xf32>
    %mul3A_204 = arith.mulf %convert_element_type3A_17, %mul3A_203 : vector<4096x128xf32>
    %reshape3A_205 = vector.shape_cast %mul3A_204 : vector<4096x128xf32> to vector<128x32x128xf32>
    %reduce_sum3A_206 = arith.constant dense<0.000000e+00> : vector<128x128xf32>
    %reduce_sum3A_207 = vector.multi_reduction <add>, %reshape3A_205, %reduce_sum3A_206 [1] : vector<128x32x128xf32> to vector<128x128xf32>
    %get3A_208 = arith.constant 13 : index
    %get3A_209 = arith.constant 0 : index
    %get3A_210 = arith.constant 0 : index
    %get3A_211 = vector.load %arg6[%get3A_208, %get3A_209, %get3A_210] : memref<16x128x128xf32, #tpu.memory_space<vmem>>, vector<1x128x128xf32>
    %get3A_212 = vector.shape_cast %get3A_211 : vector<1x128x128xf32> to vector<128x128xf32>
    %dot_general3A_213 = arith.constant dense<0.000000e+00> : vector<128x128xf32>
    %dot_general3A_214 = tpu.matmul %reduce_sum3A_207, %get3A_212, %dot_general3A_213 {dimension_numbers = #tpu.dot_dimension_numbers<[1], [0], [0], [1], [0, 0, 1, 1], [], []>, transpose_lhs_hint = false} : vector<128x128xf32>, vector<128x128xf32>, vector<128x128xf32> -> vector<128x128xf32>
    %add3A_215 = arith.addf %add3A_201, %dot_general3A_214 : vector<128x128xf32>
    %slice3A_216 = vector.extract_strided_slice %convert_element_type3A_22 {offsets = [0, 14], sizes = [4096, 1], strides = [1, 1]} : vector<4096x16xf32> to vector<4096x1xf32>
    %mul3A_217 = vector.broadcast %slice3A_216 : vector<4096x1xf32> to vector<4096x128xf32>
    %mul3A_218 = arith.mulf %convert_element_type3A_17, %mul3A_217 : vector<4096x128xf32>
    %reshape3A_219 = vector.shape_cast %mul3A_218 : vector<4096x128xf32> to vector<128x32x128xf32>
    %reduce_sum3A_220 = arith.constant dense<0.000000e+00> : vector<128x128xf32>
    %reduce_sum3A_221 = vector.multi_reduction <add>, %reshape3A_219, %reduce_sum3A_220 [1] : vector<128x32x128xf32> to vector<128x128xf32>
    %get3A_222 = arith.constant 14 : index
    %get3A_223 = arith.constant 0 : index
    %get3A_224 = arith.constant 0 : index
    %get3A_225 = vector.load %arg6[%get3A_222, %get3A_223, %get3A_224] : memref<16x128x128xf32, #tpu.memory_space<vmem>>, vector<1x128x128xf32>
    %get3A_226 = vector.shape_cast %get3A_225 : vector<1x128x128xf32> to vector<128x128xf32>
    %dot_general3A_227 = arith.constant dense<0.000000e+00> : vector<128x128xf32>
    %dot_general3A_228 = tpu.matmul %reduce_sum3A_221, %get3A_226, %dot_general3A_227 {dimension_numbers = #tpu.dot_dimension_numbers<[1], [0], [0], [1], [0, 0, 1, 1], [], []>, transpose_lhs_hint = false} : vector<128x128xf32>, vector<128x128xf32>, vector<128x128xf32> -> vector<128x128xf32>
    %add3A_229 = arith.addf %add3A_215, %dot_general3A_228 : vector<128x128xf32>
    %slice3A_230 = vector.extract_strided_slice %convert_element_type3A_22 {offsets = [0, 15], sizes = [4096, 1], strides = [1, 1]} : vector<4096x16xf32> to vector<4096x1xf32>
    %mul3A_231 = vector.broadcast %slice3A_230 : vector<4096x1xf32> to vector<4096x128xf32>
    %mul3A_232 = arith.mulf %convert_element_type3A_17, %mul3A_231 : vector<4096x128xf32>
    %reshape3A_233 = vector.shape_cast %mul3A_232 : vector<4096x128xf32> to vector<128x32x128xf32>
    %reduce_sum3A_234 = arith.constant dense<0.000000e+00> : vector<128x128xf32>
    %reduce_sum3A_235 = vector.multi_reduction <add>, %reshape3A_233, %reduce_sum3A_234 [1] : vector<128x32x128xf32> to vector<128x128xf32>
    %get3A_236 = arith.constant 15 : index
    %get3A_237 = arith.constant 0 : index
    %get3A_238 = arith.constant 0 : index
    %get3A_239 = vector.load %arg6[%get3A_236, %get3A_237, %get3A_238] : memref<16x128x128xf32, #tpu.memory_space<vmem>>, vector<1x128x128xf32>
    %get3A_240 = vector.shape_cast %get3A_239 : vector<1x128x128xf32> to vector<128x128xf32>
    %dot_general3A_241 = arith.constant dense<0.000000e+00> : vector<128x128xf32>
    %dot_general3A_242 = tpu.matmul %reduce_sum3A_235, %get3A_240, %dot_general3A_241 {dimension_numbers = #tpu.dot_dimension_numbers<[1], [0], [0], [1], [0, 0, 1, 1], [], []>, transpose_lhs_hint = false} : vector<128x128xf32>, vector<128x128xf32>, vector<128x128xf32> -> vector<128x128xf32>
    %add3A_243 = arith.addf %add3A_229, %dot_general3A_242 : vector<128x128xf32>
    %get3A_244 = arith.constant 0 : index
    %get3A_245 = arith.constant 0 : index
    %get3A_246 = vector.load %arg7[%get3A_244, %get3A_245] : memref<1x128xf32, #tpu.memory_space<vmem>>, vector<1x128xf32>
    %add3A_247 = vector.broadcast %get3A_246 : vector<1x128xf32> to vector<128x128xf32>
    %add3A_248 = arith.addf %add3A_243, %add3A_247 : vector<128x128xf32>
    %swap3A = arith.constant 0 : index
    %swap3A_249 = arith.constant 0 : index
    %swap3A_250 = vector.load %arg8[%swap3A, %swap3A_249] : memref<128x128xf32, #tpu.memory_space<vmem>>, vector<128x128xf32>
    tpu.vector_store %arg8[%swap3A, %swap3A_249], %add3A_248 {strides = array<i32>} : memref<128x128xf32, #tpu.memory_space<vmem>>, vector<128x128xf32>,
    %eq3A = arith.constant 0 : i32
    %eq3A_251 = arith.cmpi eq, %arg0, %eq3A : i32
    %convert_element_type3A_252 = arith.extui %eq3A_251 : i1 to i32
    %cond3A = arith.constant 0 : i32
    %cond3A_253 = arith.cmpi ne, %convert_element_type3A_252, %cond3A : i32
    scf.if %cond3A_253 {
      %broadcast_in_dim3A_275 = arith.constant 0.000000e+00 : f32
      %broadcast_in_dim3A_276 = vector.broadcast %broadcast_in_dim3A_275 : f32 to vector<1x128xf32>
      %swap3A_277 = arith.constant 0 : index
      %swap3A_278 = arith.constant 0 : index
      %swap3A_279 = vector.load %arg9[%swap3A_277, %swap3A_278] : memref<1x128xf32, #tpu.memory_space<vmem>>, vector<1x128xf32>
      tpu.vector_store %arg9[%swap3A_277, %swap3A_278], %broadcast_in_dim3A_276 {strides = array<i32>} : memref<1x128xf32, #tpu.memory_space<vmem>>, vector<1x128xf32>,
      %broadcast_in_dim3A_280 = arith.constant 0.000000e+00 : f32
      %broadcast_in_dim3A_281 = vector.broadcast %broadcast_in_dim3A_280 : f32 to vector<1x128xf32>
      %swap3A_282 = arith.constant 0 : index
      %swap3A_283 = arith.constant 0 : index
      %swap3A_284 = vector.load %arg10[%swap3A_282, %swap3A_283] : memref<1x128xf32, #tpu.memory_space<vmem>>, vector<1x128xf32>
      tpu.vector_store %arg10[%swap3A_282, %swap3A_283], %broadcast_in_dim3A_281 {strides = array<i32>} : memref<1x128xf32, #tpu.memory_space<vmem>>, vector<1x128xf32>,
    } else {
    }
    %get3A_254 = arith.constant 0 : index
    %get3A_255 = arith.constant 0 : index
    %get3A_256 = vector.load %arg9[%get3A_254, %get3A_255] : memref<1x128xf32, #tpu.memory_space<vmem>>, vector<1x128xf32>
    %reduce_sum3A_257 = arith.constant dense<0.000000e+00> : vector<128xf32>
    %reduce_sum3A_258 = vector.multi_reduction <add>, %add3A_248, %reduce_sum3A_257 [0] : vector<128x128xf32> to vector<128xf32>
    %broadcast_in_dim3A_259 = vector.shape_cast %reduce_sum3A_258 : vector<128xf32> to vector<1x128xf32>
    %add3A_260 = arith.addf %get3A_256, %broadcast_in_dim3A_259 : vector<1x128xf32>
    %swap3A_261 = arith.constant 0 : index
    %swap3A_262 = arith.constant 0 : index
    %swap3A_263 = vector.load %arg9[%swap3A_261, %swap3A_262] : memref<1x128xf32, #tpu.memory_space<vmem>>, vector<1x128xf32>
    tpu.vector_store %arg9[%swap3A_261, %swap3A_262], %add3A_260 {strides = array<i32>} : memref<1x128xf32, #tpu.memory_space<vmem>>, vector<1x128xf32>,
    %get3A_264 = arith.constant 0 : index
    %get3A_265 = arith.constant 0 : index
    %get3A_266 = vector.load %arg10[%get3A_264, %get3A_265] : memref<1x128xf32, #tpu.memory_space<vmem>>, vector<1x128xf32>
    %mul3A_267 = arith.mulf %add3A_248, %add3A_248 : vector<128x128xf32>
    %reduce_sum3A_268 = arith.constant dense<0.000000e+00> : vector<128xf32>
    %reduce_sum3A_269 = vector.multi_reduction <add>, %mul3A_267, %reduce_sum3A_268 [0] : vector<128x128xf32> to vector<128xf32>
    %broadcast_in_dim3A_270 = vector.shape_cast %reduce_sum3A_269 : vector<128xf32> to vector<1x128xf32>
    %add3A_271 = arith.addf %get3A_266, %broadcast_in_dim3A_270 : vector<1x128xf32>
    %swap3A_272 = arith.constant 0 : index
    %swap3A_273 = arith.constant 0 : index
    %swap3A_274 = vector.load %arg10[%swap3A_272, %swap3A_273] : memref<1x128xf32, #tpu.memory_space<vmem>>, vector<1x128xf32>
    tpu.vector_store %arg10[%swap3A_272, %swap3A_273], %add3A_271 {strides = array<i32>} : memref<1x128xf32, #tpu.memory_space<vmem>>, vector<1x128xf32>,
    return
  }
  func.func @transform_0(%arg0: i32) -> (i32, i32) {
    %c0_i32 = arith.constant 0 : i32
    %c0_i32_0 = arith.constant 0 : i32
    return %arg0, %c0_i32 : i32, i32
  }
  func.func @transform_1(%arg0: i32) -> (i32, i32) {
    %c0_i32 = arith.constant 0 : i32
    %c0_i32_0 = arith.constant 0 : i32
    %c0_i32_1 = arith.constant 0 : i32
    return %c0_i32, %c0_i32_0 : i32, i32
  }
  func.func @transform_2(%arg0: i32) -> (i32, i32) {
    %c0_i32 = arith.constant 0 : i32
    %c0_i32_0 = arith.constant 0 : i32
    %c0_i32_1 = arith.constant 0 : i32
    return %c0_i32, %c0_i32_0 : i32, i32
  }
  func.func @transform_3(%arg0: i32) -> (i32, i32) {
    %c0_i32 = arith.constant 0 : i32
    %c0_i32_0 = arith.constant 0 : i32
    return %arg0, %c0_i32 : i32, i32
  }
  func.func @transform_4(%arg0: i32) -> (i32, i32) {
    %c0_i32 = arith.constant 0 : i32
    %c0_i32_0 = arith.constant 0 : i32
    return %arg0, %c0_i32 : i32, i32
  }
  func.func @transform_5(%arg0: i32) -> (i32, i32, i32) {
    %c0_i32 = arith.constant 0 : i32
    %c0_i32_0 = arith.constant 0 : i32
    %c0_i32_1 = arith.constant 0 : i32
    %c0_i32_2 = arith.constant 0 : i32
    return %c0_i32, %c0_i32_0, %c0_i32_1 : i32, i32, i32
  }
  func.func @transform_6(%arg0: i32) -> (i32, i32) {
    %c0_i32 = arith.constant 0 : i32
    %c0_i32_0 = arith.constant 0 : i32
    %c0_i32_1 = arith.constant 0 : i32
    return %c0_i32, %c0_i32_0 : i32, i32
  }
  func.func @transform_7(%arg0: i32) -> (i32, i32) {
    %c0_i32 = arith.constant 0 : i32
    %c0_i32_0 = arith.constant 0 : i32
    return %arg0, %c0_i32 : i32, i32
  }
  func.func @transform_8(%arg0: i32) -> (i32, i32) {
    %c0_i32 = arith.constant 0 : i32
    %c0_i32_0 = arith.constant 0 : i32
    %c0_i32_1 = arith.constant 0 : i32
    return %c0_i32, %c0_i32_0 : i32, i32
  }
  func.func @transform_9(%arg0: i32) -> (i32, i32) {
    %c0_i32 = arith.constant 0 : i32
    %c0_i32_0 = arith.constant 0 : i32
    %c0_i32_1 = arith.constant 0 : i32
    return %c0_i32, %c0_i32_0 : i32, i32
  }
}

module attributes {stable_mosaic.version = 14 : i64} {
  func.func @_p3_body(%arg0: memref<4096x128xf32, #tpu.memory_space<vmem>>, %arg1: memref<1x128xf32, #tpu.memory_space<vmem>>, %arg2: memref<1x128xf32, #tpu.memory_space<vmem>>, %arg3: memref<4096x128xf32, #tpu.memory_space<vmem>>) attributes {dimension_semantics = [], scalar_prefetch = 0 : i64, scratch_operands = 0 : i64, tpu.core_type = #tpu.core_type<tc>} {
    %get3A = arith.constant 0 : index
    %get3A_0 = arith.constant 0 : index
    %get3A_1 = vector.load %arg0[%get3A, %get3A_0] : memref<4096x128xf32, #tpu.memory_space<vmem>>, vector<4096x128xf32>
    %get3A_2 = arith.constant 0 : index
    %get3A_3 = arith.constant 0 : index
    %get3A_4 = vector.load %arg1[%get3A_2, %get3A_3] : memref<1x128xf32, #tpu.memory_space<vmem>>, vector<1x128xf32>
    %mul3A = vector.broadcast %get3A_4 : vector<1x128xf32> to vector<4096x128xf32>
    %mul3A_5 = arith.mulf %get3A_1, %mul3A : vector<4096x128xf32>
    %get3A_6 = arith.constant 0 : index
    %get3A_7 = arith.constant 0 : index
    %get3A_8 = vector.load %arg2[%get3A_6, %get3A_7] : memref<1x128xf32, #tpu.memory_space<vmem>>, vector<1x128xf32>
    %add3A = vector.broadcast %get3A_8 : vector<1x128xf32> to vector<4096x128xf32>
    %add3A_9 = arith.addf %mul3A_5, %add3A : vector<4096x128xf32>
    %max3A = arith.constant 0.000000e+00 : f32
    %max3A_10 = vector.broadcast %max3A : f32 to vector<4096x128xf32>
    %max3A_11 = arith.maximumf %add3A_9, %max3A_10 : vector<4096x128xf32>
    %swap3A = arith.constant 0 : index
    %swap3A_12 = arith.constant 0 : index
    %swap3A_13 = vector.load %arg3[%swap3A, %swap3A_12] : memref<4096x128xf32, #tpu.memory_space<vmem>>, vector<4096x128xf32>
    tpu.vector_store %arg3[%swap3A, %swap3A_12], %max3A_11 {strides = array<i32>} : memref<4096x128xf32, #tpu.memory_space<vmem>>, vector<4096x128xf32>,
    return
  }
}

</mosaic_0001>

<sc_bundles>
// kernel: kernel.10.cloned.1.call-start
scs
__scs_entry_jumppad:
0x0: {  	(pc) =	sbr.rel $0x88, $3  }
0x1: {  	(tag) =	ssettag $0x0;
	lr =	simm.s32 $0x1  }
0x2: {  	[smem:$0x3F7B] =	sst lr;
	_ =	strace $0xD0000000  }
0x3: {  	_ = 	snop  }
0x4: {  	_ = 	snop  }
0x5: {  	_ = 	snop  }
0x6: {  	_ = 	snop  }
0x7: {  	_ = 	snop  }
__scs_overlays_trampoline_lowered:
0x8: {  	[smem:$0x3F8A] =	sst s0  }
0x9: {  	[smem:$0x3F8B] =	sst s1  }
0xa: {  	[smem:$0x3F8C] =	sst s2  }
0xb: {  	[smem:$0x3F8D] =	sst s3  }
0xc: {  	[smem:$0x3F8E] =	sst s4  }
0xd: {  	[smem:$0x3F8F] =	sst s5  }
0xe: {  	[smem:$0x3F90] =	sst s6  }
0xf: {  	[smem:$0x3F91] =	sst s7  }
0x10: {  	[smem:$0x3F92] =	sst s8  }
0x11: {  	[smem:$0x3F93] =	sst s9;
	s0 =	simm.s32 @!p0 $0x0  }
0x12: {  	s1 =	sld [smem:$0x3F79];
	s0 =	simm.s32 @p0 $0x1  }
0x13: {  	[smem:$0x3F94] =	sst s0;
	s0 =	simm.s32 @!p1 $0x0  }
0x14: {  	s2 =	sld [smem:$0x3F78];
	s0 =	simm.s32 @p1 $0x1  }
0x15: {  	[smem:$0x3F95] =	sst s0;
	s0 =	simm.s32 @!p2 $0x0  }
0x16: {  	s3 =	sld [smem:$0x3FDB];
	s0 =	simm.s32 @p2 $0x1  }
0x17: {  	s4 =	simm.s32 $0x1BF5;
	[smem:$0x3F97] =	sst s0  }
0x18: {  	s0 =	sld [smem:$0x3F7A];
	_ =	swait.ge [sflag:s4], $0x0  }
0x19: {  	s7 =	sld [smem:$0x3F7B]  }
0x1a: {  	s8 =	sadd.s32 $0xFFFFE003, lr  }
0x1b: {  	s9 =	sadd.s32 $0xFFFFFEF7, lr;
	s5 =	simm.s32 $0xFFFFFFFF;
	p2 =	slt.u32 s8, $0xFFFFF086  }
0x1c: {  	p1 =	slt.u32 s9, $0xF7A;
	s5 =	simm.s32 @!p2 $0x0  }
0x1d: {  	s5 =	simm.s32 @p1 $0x1;
	p0 =	seq.s32 s7, s2  }
0x1e: {  	s7 =	smul.u32 @!p0 $0xF7A, s2;
	p2 =	seq.s32 @!p0 s5, $0x0  }
0x1f: {  	s9 =	smul.u32 $0xF7A, s1;
	s8 =	simm.s32 @!p0 $0x1BF5;
	p2 =	por !p2, p0  }
0x20: {  	[sflag:s8] =	ssyncset.s32 @!p0 $0xFFFFF086;
	s6 =	sadd.s32 @!p0 s3, s7;
	s7 =	simm.s32 @!p0 $0x108  }
0x21: {  	s3 =	sadd.s32 s3, s9;
	s6 =	sadd.s32 @!p0 $0x88, s6;
	s7 =	simm.s32 @p2 $0x1082  }
0x22: {  	[simem:s7], [sflag:s8] =	dma.local @!p0 [hbm:s6], $0xF7A  }
0x23: {  	s9 =	sor.u32 $0xD0000000, s2;
	s6 =	simm.s32 $0x108;
	_ =	swait.ge @!p0 [sflag:s8], $0x0  }
0x24: {  	s3 =	sadd.s32 $0x88, s3;
	s6 =	simm.s32 @!p1 $0x1082;
	[sflag:s4] =	ssyncset.s32 $0xFFFFF086  }
0x25: {  	[simem:s6], [sflag:s4] =	dma.local [hbm:s3], $0xF7A  }
0x26: {  	[smem:$0x3F7B] =	sst s1;
	(tag) =	ssettag s2;
	_ =	strace s9  }
0x27: {  	s1 =	sld [smem:$0x3F8B]  }
0x28: {  	s2 =	sld [smem:$0x3F8C]  }
0x29: {  	s4 =	sld [smem:$0x3F8E]  }
0x2a: {  	p0 =	seq.s32 s5, $0x0;
	s5 =	sld [smem:$0x3F8F]  }
0x2b: {  	s6 =	sld [smem:$0x3F90]  }
0x2c: {  	s7 =	sld [smem:$0x3F91]  }
0x2d: {  	s3 =	simm.s32 $0x108;
	s8 =	sld [smem:$0x3F92]  }
0x2e: {  	s3 =	simm.s32 @!p0 $0x1082;
	s9 =	sld [smem:$0x3F93]  }
0x2f: {  	lr =	sadd.s32 s0, s3;
	s0 =	sld [smem:$0x3F8A]  }
0x30: {  	s3 =	sld [smem:$0x3F8D]  }
0x31: {  	[smem:$0x3F96] =	sst s10  }
0x32: {  	s10 =	sld [smem:$0x3F94];
	_ =	sdelay $0x3  }
0x33: {  	p0 =	seq.s32 s10, $0x1;
	s10 =	sld [smem:$0x3F96];
	_ =	sdelay $0x3  }
0x34: {  	[smem:$0x3F96] =	sst s10  }
0x35: {  	s10 =	sld [smem:$0x3F95];
	_ =	sdelay $0x3  }
0x36: {  	p1 =	seq.s32 s10, $0x1;
	s10 =	sld [smem:$0x3F96];
	_ =	sdelay $0x3  }
0x37: {  	[smem:$0x3F96] =	sst s10  }
0x38: {  	s10 =	sld [smem:$0x3F97]  }
0x39: {  	_ = 	snop;
	(pc) =	sbr.ind lr, $3  }
0x3a: {  	_ = 	snop  }
0x3b: {  	_ = 	snop  }
0x3c: {  	p2 =	seq.s32 s10, $0x1;
	s10 =	sld [smem:$0x3F96]  }
0x3d: {  	_ =	shalt  }
0x3e: {  	_ =	shalt  }
0x3f: {  	_ =	shalt  }
0x40: {  	_ =	shalt  }
0x41: {  	_ =	shalt  }
0x42: {  	_ =	shalt  }
0x43: {  	_ =	shalt  }
0x44: {  	_ =	shalt  }
0x45: {  	_ =	shalt  }
0x46: {  	_ =	shalt  }
0x47: {  	_ =	shalt  }
0x48: {  	_ =	shalt  }
0x49: {  	_ =	shalt  }
0x4a: {  	_ =	shalt  }
0x4b: {  	_ =	shalt  }
0x4c: {  	_ =	shalt  }
0x4d: {  	_ =	shalt  }
0x4e: {  	_ =	shalt  }
0x4f: {  	_ =	shalt  }
0x50: {  	_ =	shalt  }
0x51: {  	_ =	shalt  }
0x52: {  	_ =	shalt  }
0x53: {  	_ =	shalt  }
0x54: {  	_ =	shalt  }
0x55: {  	_ =	shalt  }
0x56: {  	_ =	shalt  }
0x57: {  	_ =	shalt  }
0x58: {  	_ =	shalt  }
0x59: {  	_ =	shalt  }
0x5a: {  	_ =	shalt  }
0x5b: {  	_ =	shalt  }
0x5c: {  	_ =	shalt  }
0x5d: {  	_ =	shalt  }
0x5e: {  	_ =	shalt  }
0x5f: {  	_ =	shalt  }
0x60: {  	_ =	shalt  }
0x61: {  	_ =	shalt  }
0x62: {  	_ =	shalt  }
0x63: {  	_ =	shalt  }
0x64: {  	_ =	shalt  }
0x65: {  	_ =	shalt  }
0x66: {  	_ =	shalt  }
0x67: {  	_ =	shalt  }
0x68: {  	_ =	shalt  }
0x69: {  	_ =	shalt  }
0x6a: {  	_ =	shalt  }
0x6b: {  	_ =	shalt  }
0x6c: {  	_ =	shalt  }
0x6d: {  	_ =	shalt  }
0x6e: {  	_ =	shalt  }
0x6f: {  	_ =	shalt  }
0x70: {  	_ =	shalt  }
0x71: {  	_ =	shalt  }
0x72: {  	_ =	shalt  }
0x73: {  	_ =	shalt  }
0x74: {  	_ =	shalt  }
0x75: {  	_ =	shalt  }
0x76: {  	_ =	shalt  }
0x77: {  	_ =	shalt  }
0x78: {  	_ =	shalt  }
0x79: {  	_ =	shalt  }
0x7a: {  	_ =	shalt  }
0x7b: {  	_ =	shalt  }
0x7c: {  	_ =	shalt  }
0x7d: {  	_ =	shalt  }
0x7e: {  	_ =	shalt  }
0x7f: {  	_ =	shalt  }
0x80: {  	_ =	shalt  }
0x81: {  	_ =	shalt  }
0x82: {  	_ =	shalt  }
0x83: {  	_ =	shalt  }
0x84: {  	_ =	shalt  }
0x85: {  	_ =	shalt  }
0x86: {  	_ =	shalt  }
0x87: {  	_ =	shalt  }
.Lfunc_end0:
.L_simem_size_0:
called_computation_lowered:
.L_overlay_start_0:
0x88: {  	s2 =	sld [smem:$0x3FD9]  }
0x89: {  	s3 =	sld [smem:$0x3FFE];
	_ =	sdelay $0x1  }
0x8a: {  	s1 =	srdreg.scid  }
0x8b: {  	s0 =	sand.u32 $0x1, s1  }
0x8c: {  	s14 =	sshll.u32 s0, $0xA;
	s2 =	sadd.s32 s3, s2  }
0x8d: {  	s2 =	sadd.s32 s2, s14  }
0x8e: {  	[smem:$0x3FA2] =	sst s2  }
0x8f: {  	_ = 	snop  }
0x90: {  	s2 =	sld [smem:$0x3FD0];
	_ =	sdelay $0x2  }
0x91: {  	s15 =	simm.s32 $0xA;
	s4 =	simm.s32 $0x10  }
0x92: {  	[smem:s4], [sflag:s15] =	dma.local [hbm:s2], $0x1  }
0x93: {  	_ =	swait.eq [sflag:s15], $0x1  }
0x94: {  	[sflag:s15] =	ssyncset.done $0x0  }
0x95: {  	[sflag:s15] =	ssyncadd.s32 $0xFFFFFFFF  }
0x96: {  	s16 =	sld [smem:$0x11];
	(tm) =	ssettm $0x1  }
0x97: {  	s17 =	sld [smem:$0x3FFB];
	_ =	sdelay $0x3  }
0x98: {  	_ =	strace s17  }
0x99: {  	s3 =	sld [smem:$0x3FFC];
	_ =	sdelay $0x3  }
0x9a: {  	_ =	strace s3  }
0x9b: {  	s3 =	sld [smem:$0x3FFD];
	_ =	sdelay $0x3  }
0x9c: {  	_ =	strace s3  }
0x9d: {  	_ =	strace $0x8FFFFFFF  }
0x9e: {  	s18 =	sld [smem:$0x3FDB];
	_ =	sdelay $0x1  }
0x9f: {  	s19 =	simm.s32 $_scs_section_size  }
0xa0: {  	s5 =	simm.s32 $_size__tile_overlayer_lowered;
	s6 =	simm.s32 $_tile_overlayer_lowered  }
0xa1: {  	s22 =	simm.s32 $0x1BFF;
	s21 =	sshll.u32 s6, $0x1;
	s3 =	sadd.s32 s19, s18  }
0xa2: {  	s7 =	simm.s32 $0x0;
	s20 =	sshll.u32 s5, $0x1;
	s5 =	sadd.s32 s21, s3  }
0xa3: {  	[timem:s7], [sflag:s22] =	dma.local [hbm:s5], s20  }
0xa4: {  	_ =	swait.ge [sflag:s22], s20  }
0xa5: {  	s4 =	ssub.s32 $0x0, s20;
	[sflag:s22] =	ssyncset.done $0x0  }
0xa6: {  	[sflag:s22] =	ssyncadd.s32 s4;
	_ =	sdelay $0x1  }
0xa7: {  	s23 =	simm.s32 $0x1B8B  }
0xa8: {  	_ =	swait.ge [sflag:s23], $0x1  }
0xa9: {  	[sflag:s23] =	ssyncset.done $0x0  }
0xaa: {  	s25 =	simm.s32 $0x1B8E;
	s24 =	sld [smem:$0x3FFE];
	[sflag:s23] =	ssyncadd.s32 $0xFFFFFFFF  }
0xab: {  	s26 =	simm.s32 $execute0_lowered;
	[smem:$0x3FD2] =	sst s25  }
0xac: {  	s5 =	sshll.u32 s26, $0x1;
	_ =	strace $0x80000046;
	[dreg:$0x1] =	wrdreg $0xFFFFFFFF  }
0xad: {  	s28 =	simm.s32 $_size_execute0_lowered;
	s3 =	sadd.s32 s3, s5;
	[dreg:$0x0] =	wrdreg $0x0  }
0xae: {  	s5 =	sshll.u32 s28, $0x1;
	[dreg:$0x2] =	wrdreg s3  }
0xaf: {  	[dreg:$0x3] =	wrdreg s5  }
0xb0: {  	[dreg:$0x4] =	wrdreg $0xC0  }
0xb1: {  	_ =	task [dreg:s7], $0x5FFFF  }
0xb2: {  	[dreg:$0x1] =	wrdreg $0xFFFFFFFF  }
0xb3: {  	[dreg:$0x0] =	wrdreg $0x60  }
0xb4: {  	[dreg:$0x2] =	wrdreg s24  }
0xb5: {  	[dreg:$0x3] =	wrdreg s16  }
0xb6: {  	[dreg:$0x4] =	wrdreg $0x9  }
0xb7: {  	_ =	task.clear_ibuf [dreg:s7], $0x5FFFF;
	_ =	strace $0x90000046  }
0xb8: {  	s29 =	simm.s32 $0x9;
	_ =	strace $0x80000048  }
0xb9: {  	_ =	swait.ge [sflag:s29], $0x1  }
0xba: {  	[sflag:s29] =	ssyncadd.s32 $0xFFFFFFFF  }
0xbb: {  	_ =	strace $0x90000048  }
0xbc: {  	_ =	sfence  }
0xbd: {  	s30 =	sld [smem:$0x0];
	_ =	sdelay $0x2  }
0xbe: {  	s31 =	sshll.u32 s1, $0xD;
	s1 =	sshrl.u32 s1, $0x2  }
0xbf: {  	s3 =	sand.u32 $0x4000, s31;
	s1 =	sadd.s32 s1, s30  }
0xc0: {  	s0 =	sor.u32 s3, s0;
	s1 =	sshll.u32 s1, $0x11  }
0xc1: {  	s0 =	sor.u32 s1, s0  }
0xc2: {  	s0 =	sadd.s32 $0x8F2B, s0  }
0xc3: {  	[sflag:s0] =	ssyncadd.remote.s32 $0x1  }
0xc4: {  	_ =	sfence.sel $0xFFFF  }
0xc5: {  	[dreg:$0x0] =	wrdreg $0xFFFFFFFF;
	(pc) =	sbr.abs _section_cstart, $3  }
0xc6: {  	[dreg:$0x1] =	wrdreg $0xFFFFFFFF  }
0xc7: {  	_ =	task.clear_ibuf [dreg:s7], $0x2FFFF;
	_ =	strace $0x9FFFFFFF  }
0xc8: {  	(tm) =	ssettm $0x7FFFFFFF  }
0xc9: {  	_ =	shalt  }
tec
execute0_lowered:
.L_overlay_start_1:
0x0: {  	(tag) =	ssettag $0x1  }
0x1: {  	s4 =	rddreg [dreg:$0x0]  }
0x2: {  	s5 =	rddreg [dreg:$0x1]  }
0x3: {  	s0 =	rddreg [dreg:$0x2];
	s2 =	simm.s32 $0x0  }
0x4: {  	s1 =	stileid.u32;
	s3 =	srdreg.scid;
	s11 =	simm.s32 $0x0  }
0x5: {  	[smem:$0x7FF] =	sst s2;
	s6 =	sshll.u32 s1, $0x10;
	s7 =	sand.u32 $0x1, s3  }
0x6: {  	s3 =	sadd.s32 $0x5800, s4;
	s9 =	sshll.u32 s1, $0xA;
	_ =	strace $0x80000047  }
0x7: {  	s6 =	sadd.s32 s6, s4;
	s30 =	ssub.s32 $0x2, s7;
	s10 =	sshll.u32 s7, $0x9  }
0x8: {  	s7 =	sshll.u32 s7, $0xF;
	s8 =	sshrl.u32 s30, $0x1;
	s31 =	sor.u32 s10, s9  }
0x9: {  	s6 =	sadd.s32 s7, s6;
	s7 =	simm.s32 $0x2;
	s9 =	simm.s32 $0x1000  }
0xa: {  	s10 =	simm.s32 $0x1;
	s8 =	ssub.s32 s30, s8;
	s4 =	sadd.s32 s5, s31  }
0xb: {  	s6 =	sadd.s32 $0x25800, s6;
	s5 =	smax.u32 s8, $0x1;
	s8 =	simm.s32 $0x80  }
.LBB2_1:
0xc: {  	[tilespmem:s2], [sflag:$0x2] =	stream.linear.gather [hbm4b:s4+s2], $0x1000, $0x38;
	[tilespmem:$0x3000] =	vst v63  }
0xd: {  	_ =	swait.ge [sflag:s7], $0x1000  }
0xe: {  	[sflag:s7] =	ssyncset.done $0x0  }
0xf: {  	s12 =	simm.s32 $0x0;
	[sflag:s7] =	ssyncadd.s32 $0xFFFFF000  }
0x10: {  	[tilespmem:s9], [sflag:$0x1] =	stream.indirect.gather [hbm4b:s3+s8], $0x40, s12, s8, $0xb8;
	[tilespmem:$0x3000] =	vst v63  }
0x11: {  	_ =	swait.ge [sflag:s10], $0x2000  }
0x12: {  	[sflag:s10] =	ssyncset.done $0x0  }
0x13: {  	[sflag:s10] =	ssyncadd.s32 $0xFFFFE000  }
0x14: {  	[hbm4b:s6+s2] =	stream.linear.scatter [tilespmem:s9], [sflag:$0x2], $0x2000, $0x38;
	[tilespmem:$0x3000] =	vst v63  }
0x15: {  	s13 =	simm.s32 $0x200;
	_ =	swait.ge [sflag:s7], $0x2000  }
0x16: {  	s14 =	simm.s32 $0x400;
	s12 =	sadd.s32 $0x400, s6;
	[sflag:s7] =	ssyncset.done $0x0  }
.LBB2_2:
0x17: {  	s15 =	sshra.s32 s13, $0x2  }
0x18: {  	[sflag:s7] =	ssyncadd.s32 $0xFFFFE000;
	s13 =	smov.u32 s14;
	s16 =	sadd.s32 $0x200, s14  }
0x19: {  	[tilespmem:s9], [sflag:$0x1] =	stream.indirect.gather [hbm4b:s3+s8], $0x40, s15, s8, $0xb8;
	[tilespmem:$0x3000] =	vst v63  }
0x1a: {  	p0 =	sne.s32 s14, $0x3E00;
	_ =	swait.ge [sflag:s10], $0x2000  }
.Ltmp0:
0x1b: {  	[sflag:s10] =	ssyncset.done $0x0;
	(pc) =	sbr.rel @p0 .LBB2_2-.Ltmp0, $4  }
0x1c: {  	[sflag:s10] =	ssyncadd.s32 $0xFFFFE000  }
0x1d: {  	[hbm4b:s12+s2] =	stream.linear.scatter [tilespmem:s9], [sflag:$0x2], $0x2000, $0x38;
	[tilespmem:$0x3000] =	vst v63  }
0x1e: {  	_ =	swait.ge [sflag:s7], $0x2000  }
0x1f: {  	s14 =	smov.u32 s16;
	s12 =	sadd.s32 $0x400, s12;
	[sflag:s7] =	ssyncset.done $0x0  }
0x20: {  	s13 =	sshra.s32 s13, $0x2;
	[sflag:s7] =	ssyncadd.s32 $0xFFFFE000  }
0x21: {  	[tilespmem:s9], [sflag:$0x1] =	stream.indirect.gather [hbm4b:s3+s8], $0x40, s13, s8, $0xb8;
	[tilespmem:$0x3000] =	vst v63  }
0x22: {  	s11 =	sadd.s32 $0x1, s11;
	_ =	swait.ge [sflag:s10], $0x2000  }
0x23: {  	p0 =	sne.s32 s11, s5;
	[sflag:s10] =	ssyncset.done $0x0  }
.Ltmp1:
0x24: {  	[sflag:s10] =	ssyncadd.s32 $0xFFFFE000;
	(pc) =	sbr.rel @p0 .LBB2_1-.Ltmp1, $4  }
0x25: {  	[hbm4b:s12+s2] =	stream.linear.scatter [tilespmem:s9], [sflag:$0x2], $0x2000, $0x38;
	[tilespmem:$0x3000] =	vst v63  }
0x26: {  	_ =	swait.ge [sflag:s7], $0x2000  }
0x27: {  	[sflag:s7] =	ssyncset.done $0x0  }
0x28: {  	[sflag:s7] =	ssyncadd.s32 $0xFFFFE000  }
0x29: {  	_ =	sfence.sel $0x180000  }
0x2a: {  	[bflag:$0x0] =	sbarrier.arrive $0xFFFF  }
0x2b: {  	p0 =	sne.s32 s1, $0x0;
	_ =	strace $0x90000047  }
0x2c: {  	s0 =	sadd.s32 @!p0 $0x100000, s0;
	[bflag:$0x2] =	sbarrier.arrive $0xFFFF  }
0x2d: {  	[sflag:s0] =	ssyncadd.tile.s32 @!p0 $0x1;
	_ =	shalt  }
.Lfunc_end2:
_tile_overlayer_lowered:
.L_overlay_start_2:
0x2e: {  	(tag) =	ssettag $0x2  }
0x2f: {  	s0 =	rddreg [dreg:$0x0];
	s2 =	stileid.u32  }
0x30: {  	s1 =	rddreg [dreg:$0x1];
	p0 =	sne.s32 s2, $0x0  }
0x31: {  	s3 =	rddreg [dreg:$0x2];
	[bflag:$0x3] =	sbarrier.arrive $0xFFFF;
	s2 =	simm.s32 @!p0 $0x1C02  }
0x32: {  	[timem:s3], [sflag:s2] =	dma.local @!p0 [hbm:s0], s1  }
0x33: {  	s0 =	simm.s32 @!p0 $0x2  }
0x34: {  	_ =	swait.ge @!p0 [sflag:s0], s1  }
0x35: {  	s1 =	ssub.s32 @!p0 $0x0, s1;
	[sflag:s0] =	ssyncset.done @!p0 $0x0  }
0x36: {  	[sflag:s0] =	ssyncadd.s32 @!p0 s1  }
0x37: {  	[bflag:$0x3] =	sbarrier.arrive $0xFFFF  }
0x38: {  	_ =	shalt  }

</sc_bundles>
